<compile_context>
chip_gen: v7x
topology: tpu7x:2x2x1
jax: 0.10.2.dev20260603
libtpu: 0.0.44.dev20260713+nightly
codegen_flags: <defaults>
</compile_context>

<pallas_src>
import functools

import jax
import jax.numpy as jnp
from jax import lax
from jax.experimental import pallas as pl
from jax.experimental.pallas import tpu as pltpu
from jax.experimental.pallas import tpu_sc as plsc

VOCAB = 100000
EMBED = 128
BATCH = 16384
HIST = 200

NUM_WORKERS = 32
ROWS_PER_WORKER = BATCH // NUM_WORKERS
HALF = HIST // 2


G = 64
NSLAB = ROWS_PER_WORKER // G
KPAD = 104


def _sc_gather_pool(table, ids_pad):
  mesh = plsc.VectorSubcoreMesh(core_axis_name="c", subcore_axis_name="s")

  @functools.partial(
      pl.kernel,
      out_type=jax.ShapeDtypeStruct((BATCH, EMBED), jnp.bfloat16),
      mesh=mesh,
      compiler_params=pltpu.CompilerParams(use_tc_tiling_on_sc=False),
      scratch_types=[
          pltpu.VMEM((2 * G, KPAD), jnp.int32),
          pltpu.VMEM((2 * G, KPAD), jnp.int32),
          pltpu.VMEM((2 * G, KPAD), jnp.int32),
          pltpu.VMEM((KPAD, EMBED), jnp.bfloat16),
          pltpu.VMEM((KPAD, EMBED), jnp.bfloat16),
          pltpu.VMEM((KPAD, EMBED), jnp.bfloat16),
          pltpu.VMEM((KPAD, EMBED), jnp.bfloat16),
          pltpu.VMEM((ROWS_PER_WORKER, EMBED), jnp.bfloat16),
          pltpu.SemaphoreType.DMA,
          pltpu.SemaphoreType.DMA,
          pltpu.SemaphoreType.DMA,
      ],
  )
  def k(table_hbm, ids_hbm, out_hbm, idx0, idx1, idx2, buf_a0, buf_a1,
        buf_b0, buf_b1, stage, sem_a, sem_b, sem_i):
    idxs = (idx0, idx1, idx2)
    wid = lax.axis_index("s") * 2 + lax.axis_index("c")
    base = wid * ROWS_PER_WORKER

    def slab_src(kk):
      return ids_hbm.at[pl.ds((base + kk * G) * 2, 2 * G)]

    def start(idx_v, j, buf0, buf1, sem):
      pltpu.async_copy(table_hbm.at[idx_v.at[2 * j]], buf0, sem)
      pltpu.async_copy(table_hbm.at[idx_v.at[2 * j + 1]], buf1, sem)

    def wait_slot(buf0, buf1, sem):
      pltpu.make_async_copy(table_hbm.at[pl.ds(0, KPAD)], buf0, sem).wait()
      pltpu.make_async_copy(table_hbm.at[pl.ds(0, KPAD)], buf1, sem).wait()

    def reduce_store(rel, buf0, buf1):
      def body0(r, accs):
        return tuple(accs[q] + buf0[r, pl.ds(q * 32, 32)] for q in range(4))

      def body1(r, accs):
        return tuple(accs[q] + buf1[r, pl.ds(q * 32, 32)] for q in range(4))

      accs = tuple(jnp.zeros((32,), jnp.bfloat16) for _ in range(4))
      accs = lax.fori_loop(0, HALF, body0, accs)
      accs = lax.fori_loop(0, HALF, body1, accs)
      for q in range(4):
        stage[rel, pl.ds(q * 32, 32)] = accs[q]

    pltpu.sync_copy(slab_src(0), idx0)
    pltpu.sync_copy(slab_src(1), idx1)
    start(idx0, 0, buf_a0, buf_a1, sem_a)

    for kk in range(NSLAB):
      idx_cur = idxs[kk % 3]
      idx_next = idxs[(kk + 1) % 3]
      if 1 <= kk <= NSLAB - 2:
        pltpu.make_async_copy(slab_src(0), idx_next, sem_i).wait()
      if kk <= NSLAB - 3:
        pltpu.async_copy(slab_src(kk + 2), idxs[(kk + 2) % 3], sem_i)

      @pl.loop(0, G // 2)
      def _(i, kk=kk, idx_cur=idx_cur, idx_next=idx_next):
        rel0 = kk * G + 2 * i
        start(idx_cur, 2 * i + 1, buf_b0, buf_b1, sem_b)
        wait_slot(buf_a0, buf_a1, sem_a)
        reduce_store(rel0, buf_a0, buf_a1)

        @pl.when(i < G // 2 - 1)
        def _():
          start(idx_cur, 2 * i + 2, buf_a0, buf_a1, sem_a)

        if kk < NSLAB - 1:
          @pl.when(i == G // 2 - 1)
          def _():
            start(idx_next, 0, buf_a0, buf_a1, sem_a)

        wait_slot(buf_b0, buf_b1, sem_b)
        reduce_store(rel0 + 1, buf_b0, buf_b1)

    pltpu.sync_copy(stage, out_hbm.at[pl.ds(base, ROWS_PER_WORKER)])

  return k(table, ids_pad)


def _erf(x):
  ax = jnp.abs(x)
  t = 1.0 / (1.0 + 0.3275911 * ax)
  poly = t * (0.254829592 + t * (-0.284496736 + t * (1.421413741 + t * (
      -1.453152027 + t * 1.061405429))))
  y = 1.0 - poly * jnp.exp(-ax * ax)
  return jnp.sign(x) * y


def _gelu_exact(x):
  return 0.5 * x * (1.0 + _erf(x * 0.7071067811865476))


def _tc_mlp(pooled, age, age_w1, age_b1, age_w2, age_b2, fin_w1, fin_b1,
            fin_w2r, fin_b2):
  tile = 2048
  grid = BATCH // tile

  def body(pooled_ref, age_ref, w1_ref, b1_ref, w2_ref, b2_ref, fw1_ref,
           fb1_ref, fw2_ref, fb2_ref, out_ref):
    hob = pooled_ref[...].astype(jnp.float32) * (1.0 / HIST)
    a_pre = age_ref[...] * w1_ref[...] + b1_ref[...]
    a = _gelu_exact(a_pre)
    age_e = jnp.dot(a, w2_ref[...], preferred_element_type=jnp.float32) + b2_ref[...]
    comb = jnp.concatenate([hob, age_e], axis=1)
    h_pre = jnp.dot(comb, fw1_ref[...], preferred_element_type=jnp.float32) + fb1_ref[...]
    h = _gelu_exact(h_pre)
    out_ref[...] = (
        jnp.sum(h * fw2_ref[...], axis=1, keepdims=True) + fb2_ref[...]
    )

  full = lambda shape: pl.BlockSpec(shape, lambda i: (0, 0))
  return pl.pallas_call(
      body,
      grid=(grid,),
      in_specs=[
          pl.BlockSpec((tile, EMBED), lambda i: (i, 0)),
          pl.BlockSpec((tile, 1), lambda i: (i, 0)),
          full((1, 16)),
          full((1, 16)),
          full((16, EMBED)),
          full((1, EMBED)),
          full((2 * EMBED, 64)),
          full((1, 64)),
          full((1, 64)),
          full((1, 1)),
      ],
      out_specs=pl.BlockSpec((tile, 1), lambda i: (i, 0)),
      out_shape=jax.ShapeDtypeStruct((BATCH, 1), jnp.float32),
  )(pooled, age, age_w1, age_b1, age_w2, age_b2, fin_w1, fin_b1, fin_w2r,
    fin_b2)


def kernel(hobbies_ids, age_tensor, emb_table, age_w1, age_b1, age_w2, age_b2,
           fin_w1, fin_b1, fin_w2, fin_b2):
  ids2 = hobbies_ids.astype(jnp.int32).reshape(2 * BATCH, HALF)
  ids_pad = jnp.pad(ids2, ((0, 0), (0, KPAD - HALF)), mode='edge')
  pooled = _sc_gather_pool(emb_table.astype(jnp.bfloat16), ids_pad)
  return _tc_mlp(
      pooled,
      age_tensor,
      age_w1,
      age_b1.reshape(1, 16),
      age_w2,
      age_b2.reshape(1, EMBED),
      fin_w1,
      fin_b1.reshape(1, 64),
      fin_w2.reshape(1, 64),
      fin_b2.reshape(1, 1),
  )

# --- scband reference (transcript-rebuilt; emitter-appended) ---
"""Pipeline reference for scband-matching-model-68624987455520 (READ-ONLY COPY).

The authoritative reference and input builder live on the scoring server;
editing this copy changes nothing except your own understanding.
"""

import jax, jax.numpy as jnp
import numpy as np

VOCAB = 100000
EMBED = 128
BATCH = 16384
HIST = 200


def setup_inputs(seed: int = 0) -> dict:
    key = jax.random.key(seed)
    ks = jax.random.split(key, 12)
    hobbies_ids = jax.random.randint(ks[0], (BATCH, HIST), 0, VOCAB, dtype=jnp.int64 if jax.config.jax_enable_x64 else jnp.int32)
    age_tensor = jax.random.uniform(ks[1], (BATCH, 1), dtype=jnp.float32)
    emb_table = jax.random.normal(ks[2], (VOCAB, EMBED), dtype=jnp.float32) * 0.02
    age_w1 = jax.random.normal(ks[3], (1, 16), dtype=jnp.float32) * 0.5
    age_b1 = jax.random.normal(ks[4], (16,), dtype=jnp.float32) * 0.02
    age_w2 = jax.random.normal(ks[5], (16, EMBED), dtype=jnp.float32) * (1.0 / np.sqrt(16))
    age_b2 = jax.random.normal(ks[6], (EMBED,), dtype=jnp.float32) * 0.02
    fin_w1 = jax.random.normal(ks[7], (EMBED * 2, 64), dtype=jnp.float32) * (1.0 / np.sqrt(EMBED * 2))
    fin_b1 = jax.random.normal(ks[8], (64,), dtype=jnp.float32) * 0.02
    fin_w2 = jax.random.normal(ks[9], (64, 1), dtype=jnp.float32) * (1.0 / np.sqrt(64))
    fin_b2 = jax.random.normal(ks[10], (1,), dtype=jnp.float32) * 0.02
    return {
        "hobbies_ids": hobbies_ids,
        "age_tensor": age_tensor,
        "emb_table": emb_table,
        "age_w1": age_w1, "age_b1": age_b1,
        "age_w2": age_w2, "age_b2": age_b2,
        "fin_w1": fin_w1, "fin_b1": fin_b1,
        "fin_w2": fin_w2, "fin_b2": fin_b2,
    }


def reference(hobbies_ids, age_tensor, emb_table, age_w1, age_b1, age_w2, age_b2, fin_w1, fin_b1, fin_w2, fin_b2):
    # embedding lookup + mean over hist dim
    hobby_embed = jnp.take(emb_table, hobbies_ids, axis=0).mean(axis=1)
    # age MLP (GELU exact, matching torch nn.GELU default)
    a = jax.nn.gelu(age_tensor @ age_w1 + age_b1, approximate=False)
    age_embed = a @ age_w2 + age_b2
    combined = jnp.concatenate([hobby_embed, age_embed], axis=1)
    h = jax.nn.gelu(combined @ fin_w1 + fin_b1, approximate=False)
    score = h @ fin_w2 + fin_b2
    return score

if __name__ == "__main__":
    import jax
    _d = setup_inputs()
    print(jax.jit(kernel)(*tuple(_d.values())))

</pallas_src>

<mosaic_0001>
#map = affine_map<(d0, d1) -> (0, 0)>
module attributes {stable_mosaic.version = 14 : i64} {
  func.func @k(%arg0: i32, %arg1: i32, %arg2: memref<100000x128xbf16, #tpu.memory_space<hbm>>, %arg3: memref<32768x104xi32, #tpu.memory_space<hbm>>, %arg4: memref<16384x128xbf16, #tpu.memory_space<hbm>>, %arg5: memref<128x104xi32, #tpu.memory_space<vmem>>, %arg6: memref<128x104xi32, #tpu.memory_space<vmem>>, %arg7: memref<128x104xi32, #tpu.memory_space<vmem>>, %arg8: memref<104x128xbf16, #tpu.memory_space<vmem>>, %arg9: memref<104x128xbf16, #tpu.memory_space<vmem>>, %arg10: memref<104x128xbf16, #tpu.memory_space<vmem>>, %arg11: memref<104x128xbf16, #tpu.memory_space<vmem>>, %arg12: memref<512x128xbf16, #tpu.memory_space<vmem>>, %arg13: memref<!tpu.dma_semaphore, #tpu.memory_space<semaphore_mem>>, %arg14: memref<!tpu.dma_semaphore, #tpu.memory_space<semaphore_mem>>, %arg15: memref<!tpu.dma_semaphore, #tpu.memory_space<semaphore_mem>>) attributes {dimension_semantics = [#tpu.dimension_semantics<core_parallel>, #tpu.dimension_semantics<subcore_parallel>], iteration_bounds = array<i64: 2, 16>, scalar_prefetch = 0 : i64, scratch_operands = 11 : i64, tpu.core_type = #tpu.core_type<sc_vector_subcore>, window_params = [{transform_indices = #map}, {transform_indices = #map}, {transform_indices = #map}]} {
    %mul3A = arith.constant 2 : i32
    %mul3A_0 = arith.muli %arg1, %mul3A : i32
    %add3A = arith.addi %mul3A_0, %arg0 : i32
    %mul3A_1 = arith.constant 512 : i32
    %mul3A_2 = arith.muli %add3A, %mul3A_1 : i32
    %add3A_3 = arith.constant 0 : i32
    %add3A_4 = arith.addi %mul3A_2, %add3A_3 : i32
    %mul3A_5 = arith.constant 2 : i32
    %mul3A_6 = arith.muli %add3A_4, %mul3A_5 : i32
    "tpu.region"() ({
      %run_scoped3A = tpu.sem_alloc : memref<!tpu.dma_semaphore, #tpu.memory_space<semaphore_mem>>
      %dma_start3A_158 = arith.constant 0 : i32
      %dma_start3A_159 = tpu.memref_slice %arg3[%mul3A_6, %dma_start3A_158] : memref<32768x104xi32, #tpu.memory_space<hbm>> -> memref<128x104xi32, #tpu.memory_space<hbm>>
      %dma_start3A_160 = arith.constant 0 : i32
      %dma_start3A_161 = tpu.memref_slice %arg3[%mul3A_6, %dma_start3A_160] : memref<32768x104xi32, #tpu.memory_space<hbm>> -> memref<128x104xi32, #tpu.memory_space<hbm>>
      tpu.enqueue_dma source(%dma_start3A_161 : memref<128x104xi32, #tpu.memory_space<hbm>>) target(%arg5 : memref<128x104xi32, #tpu.memory_space<vmem>>) target_semaphore(%run_scoped3A : memref<!tpu.dma_semaphore, #tpu.memory_space<semaphore_mem>>)
      %dma_wait3A_162 = arith.constant 0 : i32
      %dma_wait3A_163 = tpu.memref_slice %arg3[%mul3A_6, %dma_wait3A_162] : memref<32768x104xi32, #tpu.memory_space<hbm>> -> memref<128x104xi32, #tpu.memory_space<hbm>>
      %dma_wait3A_164 = arith.constant 0 : i32
      %dma_wait3A_165 = tpu.memref_slice %arg3[%mul3A_6, %dma_wait3A_164] : memref<32768x104xi32, #tpu.memory_space<hbm>> -> memref<128x104xi32, #tpu.memory_space<hbm>>
      tpu.wait_dma2 semaphore(%run_scoped3A : memref<!tpu.dma_semaphore, #tpu.memory_space<semaphore_mem>>) src(%dma_wait3A_165 : memref<128x104xi32, #tpu.memory_space<hbm>>) dst(%arg5 : memref<128x104xi32, #tpu.memory_space<vmem>>)
      tpu.yield
    }) : () -> ()
    %add3A_7 = arith.constant 64 : i32
    %add3A_8 = arith.addi %mul3A_2, %add3A_7 : i32
    %mul3A_9 = arith.constant 2 : i32
    %mul3A_10 = arith.muli %add3A_8, %mul3A_9 : i32
    "tpu.region"() ({
      %run_scoped3A = tpu.sem_alloc : memref<!tpu.dma_semaphore, #tpu.memory_space<semaphore_mem>>
      %dma_start3A_158 = arith.constant 0 : i32
      %dma_start3A_159 = tpu.memref_slice %arg3[%mul3A_10, %dma_start3A_158] : memref<32768x104xi32, #tpu.memory_space<hbm>> -> memref<128x104xi32, #tpu.memory_space<hbm>>
      %dma_start3A_160 = arith.constant 0 : i32
      %dma_start3A_161 = tpu.memref_slice %arg3[%mul3A_10, %dma_start3A_160] : memref<32768x104xi32, #tpu.memory_space<hbm>> -> memref<128x104xi32, #tpu.memory_space<hbm>>
      tpu.enqueue_dma source(%dma_start3A_161 : memref<128x104xi32, #tpu.memory_space<hbm>>) target(%arg6 : memref<128x104xi32, #tpu.memory_space<vmem>>) target_semaphore(%run_scoped3A : memref<!tpu.dma_semaphore, #tpu.memory_space<semaphore_mem>>)
      %dma_wait3A_162 = arith.constant 0 : i32
      %dma_wait3A_163 = tpu.memref_slice %arg3[%mul3A_10, %dma_wait3A_162] : memref<32768x104xi32, #tpu.memory_space<hbm>> -> memref<128x104xi32, #tpu.memory_space<hbm>>
      %dma_wait3A_164 = arith.constant 0 : i32
      %dma_wait3A_165 = tpu.memref_slice %arg3[%mul3A_10, %dma_wait3A_164] : memref<32768x104xi32, #tpu.memory_space<hbm>> -> memref<128x104xi32, #tpu.memory_space<hbm>>
      tpu.wait_dma2 semaphore(%run_scoped3A : memref<!tpu.dma_semaphore, #tpu.memory_space<semaphore_mem>>) src(%dma_wait3A_165 : memref<128x104xi32, #tpu.memory_space<hbm>>) dst(%arg6 : memref<128x104xi32, #tpu.memory_space<vmem>>)
      tpu.yield
    }) : () -> ()
    %dma_start3A = arith.constant 0 : i32
    %dma_start3A_11 = arith.constant 0 : i32
    %dma_start3A_12 = tpu.memref_slice %arg5[%dma_start3A, %dma_start3A_11] : memref<128x104xi32, #tpu.memory_space<vmem>> -> memref<1x104xi32, #tpu.memory_space<vmem>>
    %dma_start3A_13 = tpu.memref_squeeze %dma_start3A_12 : memref<1x104xi32, #tpu.memory_space<vmem>> -> memref<104xi32, #tpu.memory_space<vmem>>
    %dma_start3A_14 = arith.constant 0 : i32
    %dma_start3A_15 = arith.constant 0 : i32
    %dma_start3A_16 = tpu.memref_slice %arg2[%dma_start3A_14, %dma_start3A_15] : memref<100000x128xbf16, #tpu.memory_space<hbm>> -> memref<100000x128xbf16, #tpu.memory_space<hbm>>
    tpu.enqueue_indirect_dma source(%dma_start3A_16 : memref<100000x128xbf16, #tpu.memory_space<hbm>>) target(%arg8 : memref<104x128xbf16, #tpu.memory_space<vmem>>) offsets(%dma_start3A_13 : memref<104xi32, #tpu.memory_space<vmem>>) semaphore(%arg13 : memref<!tpu.dma_semaphore, #tpu.memory_space<semaphore_mem>>)
    %dma_start3A_17 = arith.constant 1 : i32
    %dma_start3A_18 = arith.constant 0 : i32
    %dma_start3A_19 = tpu.memref_slice %arg5[%dma_start3A_17, %dma_start3A_18] : memref<128x104xi32, #tpu.memory_space<vmem>> -> memref<1x104xi32, #tpu.memory_space<vmem>>
    %dma_start3A_20 = tpu.memref_squeeze %dma_start3A_19 : memref<1x104xi32, #tpu.memory_space<vmem>> -> memref<104xi32, #tpu.memory_space<vmem>>
    %dma_start3A_21 = arith.constant 0 : i32
    %dma_start3A_22 = arith.constant 0 : i32
    %dma_start3A_23 = tpu.memref_slice %arg2[%dma_start3A_21, %dma_start3A_22] : memref<100000x128xbf16, #tpu.memory_space<hbm>> -> memref<100000x128xbf16, #tpu.memory_space<hbm>>
    tpu.enqueue_indirect_dma source(%dma_start3A_23 : memref<100000x128xbf16, #tpu.memory_space<hbm>>) target(%arg9 : memref<104x128xbf16, #tpu.memory_space<vmem>>) offsets(%dma_start3A_20 : memref<104xi32, #tpu.memory_space<vmem>>) semaphore(%arg13 : memref<!tpu.dma_semaphore, #tpu.memory_space<semaphore_mem>>)
    %add3A_24 = arith.constant 128 : i32
    %add3A_25 = arith.addi %mul3A_2, %add3A_24 : i32
    %mul3A_26 = arith.constant 2 : i32
    %mul3A_27 = arith.muli %add3A_25, %mul3A_26 : i32
    %dma_start3A_28 = arith.constant 0 : i32
    %dma_start3A_29 = tpu.memref_slice %arg3[%mul3A_27, %dma_start3A_28] : memref<32768x104xi32, #tpu.memory_space<hbm>> -> memref<128x104xi32, #tpu.memory_space<hbm>>
    %dma_start3A_30 = arith.constant 0 : i32
    %dma_start3A_31 = tpu.memref_slice %arg3[%mul3A_27, %dma_start3A_30] : memref<32768x104xi32, #tpu.memory_space<hbm>> -> memref<128x104xi32, #tpu.memory_space<hbm>>
    tpu.enqueue_dma source(%dma_start3A_31 : memref<128x104xi32, #tpu.memory_space<hbm>>) target(%arg7 : memref<128x104xi32, #tpu.memory_space<vmem>>) target_semaphore(%arg15 : memref<!tpu.dma_semaphore, #tpu.memory_space<semaphore_mem>>)
    %scan3A = arith.constant 0 : i32
    %scan3A_32 = arith.constant 32 : i32
    %scan3A_33 = arith.addi %scan3A, %scan3A_32 : i32
    %scan3A_34 = arith.constant 1 : i32
    scf.for %scan3A_158 = %scan3A to %scan3A_33 step %scan3A_34  : i32 {
      %mul3A_159 = arith.constant 1 : i32
      %mul3A_160 = arith.muli %scan3A_158, %mul3A_159 : i32
      %add3A_161 = arith.constant 0 : i32
      %add3A_162 = arith.addi %add3A_161, %mul3A_160 : i32
      %mul3A_163 = arith.constant 2 : i32
      %mul3A_164 = arith.muli %mul3A_163, %add3A_162 : i32
      %add3A_165 = arith.constant 0 : i32
      %add3A_166 = arith.addi %add3A_165, %mul3A_164 : i32
      %mul3A_167 = arith.constant 2 : i32
      %mul3A_168 = arith.muli %mul3A_167, %add3A_162 : i32
      %add3A_169 = arith.constant 1 : i32
      %add3A_170 = arith.addi %mul3A_168, %add3A_169 : i32
      %mul3A_171 = arith.constant 2 : i32
      %mul3A_172 = arith.muli %mul3A_171, %add3A_170 : i32
      %dma_start3A_173 = arith.constant 0 : i32
      %dma_start3A_174 = tpu.memref_slice %arg5[%mul3A_172, %dma_start3A_173] : memref<128x104xi32, #tpu.memory_space<vmem>> -> memref<1x104xi32, #tpu.memory_space<vmem>>
      %dma_start3A_175 = tpu.memref_squeeze %dma_start3A_174 : memref<1x104xi32, #tpu.memory_space<vmem>> -> memref<104xi32, #tpu.memory_space<vmem>>
      %dma_start3A_176 = arith.constant 0 : i32
      %dma_start3A_177 = arith.constant 0 : i32
      %dma_start3A_178 = tpu.memref_slice %arg2[%dma_start3A_176, %dma_start3A_177] : memref<100000x128xbf16, #tpu.memory_space<hbm>> -> memref<100000x128xbf16, #tpu.memory_space<hbm>>
      tpu.enqueue_indirect_dma source(%dma_start3A_178 : memref<100000x128xbf16, #tpu.memory_space<hbm>>) target(%arg10 : memref<104x128xbf16, #tpu.memory_space<vmem>>) offsets(%dma_start3A_175 : memref<104xi32, #tpu.memory_space<vmem>>) semaphore(%arg14 : memref<!tpu.dma_semaphore, #tpu.memory_space<semaphore_mem>>)
      %mul3A_179 = arith.constant 2 : i32
      %mul3A_180 = arith.muli %mul3A_179, %add3A_170 : i32
      %add3A_181 = arith.constant 1 : i32
      %add3A_182 = arith.addi %mul3A_180, %add3A_181 : i32
      %dma_start3A_183 = arith.constant 0 : i32
      %dma_start3A_184 = tpu.memref_slice %arg5[%add3A_182, %dma_start3A_183] : memref<128x104xi32, #tpu.memory_space<vmem>> -> memref<1x104xi32, #tpu.memory_space<vmem>>
      %dma_start3A_185 = tpu.memref_squeeze %dma_start3A_184 : memref<1x104xi32, #tpu.memory_space<vmem>> -> memref<104xi32, #tpu.memory_space<vmem>>
      %dma_start3A_186 = arith.constant 0 : i32
      %dma_start3A_187 = arith.constant 0 : i32
      %dma_start3A_188 = tpu.memref_slice %arg2[%dma_start3A_186, %dma_start3A_187] : memref<100000x128xbf16, #tpu.memory_space<hbm>> -> memref<100000x128xbf16, #tpu.memory_space<hbm>>
      tpu.enqueue_indirect_dma source(%dma_start3A_188 : memref<100000x128xbf16, #tpu.memory_space<hbm>>) target(%arg11 : memref<104x128xbf16, #tpu.memory_space<vmem>>) offsets(%dma_start3A_185 : memref<104xi32, #tpu.memory_space<vmem>>) semaphore(%arg14 : memref<!tpu.dma_semaphore, #tpu.memory_space<semaphore_mem>>)
      %dma_wait3A_189 = arith.constant 0 : i32
      %dma_wait3A_190 = arith.constant 0 : i32
      %dma_wait3A_191 = tpu.memref_slice %arg2[%dma_wait3A_189, %dma_wait3A_190] : memref<100000x128xbf16, #tpu.memory_space<hbm>> -> memref<104x128xbf16, #tpu.memory_space<hbm>>
      %dma_wait3A_192 = arith.constant 0 : i32
      %dma_wait3A_193 = arith.constant 0 : i32
      %dma_wait3A_194 = tpu.memref_slice %arg2[%dma_wait3A_192, %dma_wait3A_193] : memref<100000x128xbf16, #tpu.memory_space<hbm>> -> memref<104x128xbf16, #tpu.memory_space<hbm>>
      tpu.wait_dma2 semaphore(%arg13 : memref<!tpu.dma_semaphore, #tpu.memory_space<semaphore_mem>>) src(%dma_wait3A_194 : memref<104x128xbf16, #tpu.memory_space<hbm>>) dst(%arg8 : memref<104x128xbf16, #tpu.memory_space<vmem>>)
      %dma_wait3A_195 = arith.constant 0 : i32
      %dma_wait3A_196 = arith.constant 0 : i32
      %dma_wait3A_197 = tpu.memref_slice %arg2[%dma_wait3A_195, %dma_wait3A_196] : memref<100000x128xbf16, #tpu.memory_space<hbm>> -> memref<104x128xbf16, #tpu.memory_space<hbm>>
      %dma_wait3A_198 = arith.constant 0 : i32
      %dma_wait3A_199 = arith.constant 0 : i32
      %dma_wait3A_200 = tpu.memref_slice %arg2[%dma_wait3A_198, %dma_wait3A_199] : memref<100000x128xbf16, #tpu.memory_space<hbm>> -> memref<104x128xbf16, #tpu.memory_space<hbm>>
      tpu.wait_dma2 semaphore(%arg13 : memref<!tpu.dma_semaphore, #tpu.memory_space<semaphore_mem>>) src(%dma_wait3A_200 : memref<104x128xbf16, #tpu.memory_space<hbm>>) dst(%arg9 : memref<104x128xbf16, #tpu.memory_space<vmem>>)
      %broadcast_in_dim3A = arith.constant 0.000000e+00 : bf16
      %broadcast_in_dim3A_201 = vector.broadcast %broadcast_in_dim3A : bf16 to vector<32xbf16>
      %broadcast_in_dim3A_202 = arith.constant 0.000000e+00 : bf16
      %broadcast_in_dim3A_203 = vector.broadcast %broadcast_in_dim3A_202 : bf16 to vector<32xbf16>
      %broadcast_in_dim3A_204 = arith.constant 0.000000e+00 : bf16
      %broadcast_in_dim3A_205 = vector.broadcast %broadcast_in_dim3A_204 : bf16 to vector<32xbf16>
      %broadcast_in_dim3A_206 = arith.constant 0.000000e+00 : bf16
      %broadcast_in_dim3A_207 = vector.broadcast %broadcast_in_dim3A_206 : bf16 to vector<32xbf16>
      %scan3A_208 = arith.constant 0 : i32
      %scan3A_209 = arith.constant 100 : i32
      %scan3A_210 = arith.addi %scan3A_208, %scan3A_209 : i32
      %scan3A_211 = arith.constant 1 : i32
      %scan3A_212:4 = scf.for %scan3A_299 = %scan3A_208 to %scan3A_210 step %scan3A_211 iter_args(%scan3A_300 = %broadcast_in_dim3A_201, %scan3A_301 = %broadcast_in_dim3A_203, %scan3A_302 = %broadcast_in_dim3A_205, %scan3A_303 = %broadcast_in_dim3A_207) -> (vector<32xbf16>, vector<32xbf16>, vector<32xbf16>, vector<32xbf16>)  : i32 {
        %get3A = arith.index_cast %scan3A_299 : i32 to index
        %get3A_304 = arith.constant 0 : index
        %get3A_305 = tpu.vector_load %arg8[%get3A, %get3A_304] {strides = array<i32>} : memref<104x128xbf16, #tpu.memory_space<vmem>>, vector<1x32xbf16>,
        %get3A_306 = vector.shape_cast %get3A_305 : vector<1x32xbf16> to vector<32xbf16>
        %add3A_307 = arith.addf %scan3A_300, %get3A_306 : vector<32xbf16>
        %get3A_308 = arith.index_cast %scan3A_299 : i32 to index
        %get3A_309 = arith.constant 32 : index
        %get3A_310 = tpu.vector_load %arg8[%get3A_308, %get3A_309] {strides = array<i32>} : memref<104x128xbf16, #tpu.memory_space<vmem>>, vector<1x32xbf16>,
        %get3A_311 = vector.shape_cast %get3A_310 : vector<1x32xbf16> to vector<32xbf16>
        %add3A_312 = arith.addf %scan3A_301, %get3A_311 : vector<32xbf16>
        %get3A_313 = arith.index_cast %scan3A_299 : i32 to index
        %get3A_314 = arith.constant 64 : index
        %get3A_315 = tpu.vector_load %arg8[%get3A_313, %get3A_314] {strides = array<i32>} : memref<104x128xbf16, #tpu.memory_space<vmem>>, vector<1x32xbf16>,
        %get3A_316 = vector.shape_cast %get3A_315 : vector<1x32xbf16> to vector<32xbf16>
        %add3A_317 = arith.addf %scan3A_302, %get3A_316 : vector<32xbf16>
        %get3A_318 = arith.index_cast %scan3A_299 : i32 to index
        %get3A_319 = arith.constant 96 : index
        %get3A_320 = tpu.vector_load %arg8[%get3A_318, %get3A_319] {strides = array<i32>} : memref<104x128xbf16, #tpu.memory_space<vmem>>, vector<1x32xbf16>,
        %get3A_321 = vector.shape_cast %get3A_320 : vector<1x32xbf16> to vector<32xbf16>
        %add3A_322 = arith.addf %scan3A_303, %get3A_321 : vector<32xbf16>
        scf.yield %add3A_307, %add3A_312, %add3A_317, %add3A_322 : vector<32xbf16>, vector<32xbf16>, vector<32xbf16>, vector<32xbf16>
      }
      %scan3A_213 = arith.constant 100 : i32
      %scan3A_214 = arith.constant 0 : i32
      %scan3A_215 = arith.constant 100 : i32
      %scan3A_216 = arith.addi %scan3A_214, %scan3A_215 : i32
      %scan3A_217 = arith.constant 1 : i32
      %scan3A_218:4 = scf.for %scan3A_299 = %scan3A_214 to %scan3A_216 step %scan3A_217 iter_args(%scan3A_300 = %scan3A_212#0, %scan3A_301 = %scan3A_212#1, %scan3A_302 = %scan3A_212#2, %scan3A_303 = %scan3A_212#3) -> (vector<32xbf16>, vector<32xbf16>, vector<32xbf16>, vector<32xbf16>)  : i32 {
        %get3A = arith.index_cast %scan3A_299 : i32 to index
        %get3A_304 = arith.constant 0 : index
        %get3A_305 = tpu.vector_load %arg9[%get3A, %get3A_304] {strides = array<i32>} : memref<104x128xbf16, #tpu.memory_space<vmem>>, vector<1x32xbf16>,
        %get3A_306 = vector.shape_cast %get3A_305 : vector<1x32xbf16> to vector<32xbf16>
        %add3A_307 = arith.addf %scan3A_300, %get3A_306 : vector<32xbf16>
        %get3A_308 = arith.index_cast %scan3A_299 : i32 to index
        %get3A_309 = arith.constant 32 : index
        %get3A_310 = tpu.vector_load %arg9[%get3A_308, %get3A_309] {strides = array<i32>} : memref<104x128xbf16, #tpu.memory_space<vmem>>, vector<1x32xbf16>,
        %get3A_311 = vector.shape_cast %get3A_310 : vector<1x32xbf16> to vector<32xbf16>
        %add3A_312 = arith.addf %scan3A_301, %get3A_311 : vector<32xbf16>
        %get3A_313 = arith.index_cast %scan3A_299 : i32 to index
        %get3A_314 = arith.constant 64 : index
        %get3A_315 = tpu.vector_load %arg9[%get3A_313, %get3A_314] {strides = array<i32>} : memref<104x128xbf16, #tpu.memory_space<vmem>>, vector<1x32xbf16>,
        %get3A_316 = vector.shape_cast %get3A_315 : vector<1x32xbf16> to vector<32xbf16>
        %add3A_317 = arith.addf %scan3A_302, %get3A_316 : vector<32xbf16>
        %get3A_318 = arith.index_cast %scan3A_299 : i32 to index
        %get3A_319 = arith.constant 96 : index
        %get3A_320 = tpu.vector_load %arg9[%get3A_318, %get3A_319] {strides = array<i32>} : memref<104x128xbf16, #tpu.memory_space<vmem>>, vector<1x32xbf16>,
        %get3A_321 = vector.shape_cast %get3A_320 : vector<1x32xbf16> to vector<32xbf16>
        %add3A_322 = arith.addf %scan3A_303, %get3A_321 : vector<32xbf16>
        scf.yield %add3A_307, %add3A_312, %add3A_317, %add3A_322 : vector<32xbf16>, vector<32xbf16>, vector<32xbf16>, vector<32xbf16>
      }
      %scan3A_219 = arith.constant 100 : i32
      %swap3A = arith.index_cast %add3A_166 : i32 to index
      %swap3A_220 = arith.constant 0 : index
      %swap3A_221 = tpu.vector_load %arg12[%swap3A, %swap3A_220] {strides = array<i32>} : memref<512x128xbf16, #tpu.memory_space<vmem>>, vector<1x32xbf16>,
      %swap3A_222 = vector.shape_cast %swap3A_221 : vector<1x32xbf16> to vector<32xbf16>
      %swap3A_223 = vector.shape_cast %scan3A_218#0 : vector<32xbf16> to vector<1x32xbf16>
      tpu.vector_store %arg12[%swap3A, %swap3A_220], %swap3A_223 {strides = array<i32>} : memref<512x128xbf16, #tpu.memory_space<vmem>>, vector<1x32xbf16>,
      %swap3A_224 = arith.index_cast %add3A_166 : i32 to index
      %swap3A_225 = arith.constant 32 : index
      %swap3A_226 = tpu.vector_load %arg12[%swap3A_224, %swap3A_225] {strides = array<i32>} : memref<512x128xbf16, #tpu.memory_space<vmem>>, vector<1x32xbf16>,
      %swap3A_227 = vector.shape_cast %swap3A_226 : vector<1x32xbf16> to vector<32xbf16>
      %swap3A_228 = vector.shape_cast %scan3A_218#1 : vector<32xbf16> to vector<1x32xbf16>
      tpu.vector_store %arg12[%swap3A_224, %swap3A_225], %swap3A_228 {strides = array<i32>} : memref<512x128xbf16, #tpu.memory_space<vmem>>, vector<1x32xbf16>,
      %swap3A_229 = arith.index_cast %add3A_166 : i32 to index
      %swap3A_230 = arith.constant 64 : index
      %swap3A_231 = tpu.vector_load %arg12[%swap3A_229, %swap3A_230] {strides = array<i32>} : memref<512x128xbf16, #tpu.memory_space<vmem>>, vector<1x32xbf16>,
      %swap3A_232 = vector.shape_cast %swap3A_231 : vector<1x32xbf16> to vector<32xbf16>
      %swap3A_233 = vector.shape_cast %scan3A_218#2 : vector<32xbf16> to vector<1x32xbf16>
      tpu.vector_store %arg12[%swap3A_229, %swap3A_230], %swap3A_233 {strides = array<i32>} : memref<512x128xbf16, #tpu.memory_space<vmem>>, vector<1x32xbf16>,
      %swap3A_234 = arith.index_cast %add3A_166 : i32 to index
      %swap3A_235 = arith.constant 96 : index
      %swap3A_236 = tpu.vector_load %arg12[%swap3A_234, %swap3A_235] {strides = array<i32>} : memref<512x128xbf16, #tpu.memory_space<vmem>>, vector<1x32xbf16>,
      %swap3A_237 = vector.shape_cast %swap3A_236 : vector<1x32xbf16> to vector<32xbf16>
      %swap3A_238 = vector.shape_cast %scan3A_218#3 : vector<32xbf16> to vector<1x32xbf16>
      tpu.vector_store %arg12[%swap3A_234, %swap3A_235], %swap3A_238 {strides = array<i32>} : memref<512x128xbf16, #tpu.memory_space<vmem>>, vector<1x32xbf16>,
      %lt3A = arith.constant 31 : i32
      %lt3A_239 = arith.cmpi slt, %add3A_162, %lt3A : i32
      %convert_element_type3A = arith.extui %lt3A_239 : i1 to i32
      %cond3A = arith.constant 0 : i32
      %cond3A_240 = arith.cmpi ne, %convert_element_type3A, %cond3A : i32
      scf.if %cond3A_240 {
        %mul3A_299 = arith.constant 2 : i32
        %mul3A_300 = arith.muli %mul3A_299, %add3A_162 : i32
        %add3A_301 = arith.constant 2 : i32
        %add3A_302 = arith.addi %mul3A_300, %add3A_301 : i32
        %mul3A_303 = arith.constant 2 : i32
        %mul3A_304 = arith.muli %mul3A_303, %add3A_302 : i32
        %dma_start3A_305 = arith.constant 0 : i32
        %dma_start3A_306 = tpu.memref_slice %arg5[%mul3A_304, %dma_start3A_305] : memref<128x104xi32, #tpu.memory_space<vmem>> -> memref<1x104xi32, #tpu.memory_space<vmem>>
        %dma_start3A_307 = tpu.memref_squeeze %dma_start3A_306 : memref<1x104xi32, #tpu.memory_space<vmem>> -> memref<104xi32, #tpu.memory_space<vmem>>
        %dma_start3A_308 = arith.constant 0 : i32
        %dma_start3A_309 = arith.constant 0 : i32
        %dma_start3A_310 = tpu.memref_slice %arg2[%dma_start3A_308, %dma_start3A_309] : memref<100000x128xbf16, #tpu.memory_space<hbm>> -> memref<100000x128xbf16, #tpu.memory_space<hbm>>
        tpu.enqueue_indirect_dma source(%dma_start3A_310 : memref<100000x128xbf16, #tpu.memory_space<hbm>>) target(%arg8 : memref<104x128xbf16, #tpu.memory_space<vmem>>) offsets(%dma_start3A_307 : memref<104xi32, #tpu.memory_space<vmem>>) semaphore(%arg13 : memref<!tpu.dma_semaphore, #tpu.memory_space<semaphore_mem>>)
        %mul3A_311 = arith.constant 2 : i32
        %mul3A_312 = arith.muli %mul3A_311, %add3A_302 : i32
        %add3A_313 = arith.constant 1 : i32
        %add3A_314 = arith.addi %mul3A_312, %add3A_313 : i32
        %dma_start3A_315 = arith.constant 0 : i32
        %dma_start3A_316 = tpu.memref_slice %arg5[%add3A_314, %dma_start3A_315] : memref<128x104xi32, #tpu.memory_space<vmem>> -> memref<1x104xi32, #tpu.memory_space<vmem>>
        %dma_start3A_317 = tpu.memref_squeeze %dma_start3A_316 : memref<1x104xi32, #tpu.memory_space<vmem>> -> memref<104xi32, #tpu.memory_space<vmem>>
        %dma_start3A_318 = arith.constant 0 : i32
        %dma_start3A_319 = arith.constant 0 : i32
        %dma_start3A_320 = tpu.memref_slice %arg2[%dma_start3A_318, %dma_start3A_319] : memref<100000x128xbf16, #tpu.memory_space<hbm>> -> memref<100000x128xbf16, #tpu.memory_space<hbm>>
        tpu.enqueue_indirect_dma source(%dma_start3A_320 : memref<100000x128xbf16, #tpu.memory_space<hbm>>) target(%arg9 : memref<104x128xbf16, #tpu.memory_space<vmem>>) offsets(%dma_start3A_317 : memref<104xi32, #tpu.memory_space<vmem>>) semaphore(%arg13 : memref<!tpu.dma_semaphore, #tpu.memory_space<semaphore_mem>>)
      } else {
      }
      %eq3A = arith.constant 31 : i32
      %eq3A_241 = arith.cmpi eq, %add3A_162, %eq3A : i32
      %convert_element_type3A_242 = arith.extui %eq3A_241 : i1 to i32
      %cond3A_243 = arith.constant 0 : i32
      %cond3A_244 = arith.cmpi ne, %convert_element_type3A_242, %cond3A_243 : i32
      scf.if %cond3A_244 {
        %dma_start3A_299 = arith.constant 0 : i32
        %dma_start3A_300 = arith.constant 0 : i32
        %dma_start3A_301 = tpu.memref_slice %arg6[%dma_start3A_299, %dma_start3A_300] : memref<128x104xi32, #tpu.memory_space<vmem>> -> memref<1x104xi32, #tpu.memory_space<vmem>>
        %dma_start3A_302 = tpu.memref_squeeze %dma_start3A_301 : memref<1x104xi32, #tpu.memory_space<vmem>> -> memref<104xi32, #tpu.memory_space<vmem>>
        %dma_start3A_303 = arith.constant 0 : i32
        %dma_start3A_304 = arith.constant 0 : i32
        %dma_start3A_305 = tpu.memref_slice %arg2[%dma_start3A_303, %dma_start3A_304] : memref<100000x128xbf16, #tpu.memory_space<hbm>> -> memref<100000x128xbf16, #tpu.memory_space<hbm>>
        tpu.enqueue_indirect_dma source(%dma_start3A_305 : memref<100000x128xbf16, #tpu.memory_space<hbm>>) target(%arg8 : memref<104x128xbf16, #tpu.memory_space<vmem>>) offsets(%dma_start3A_302 : memref<104xi32, #tpu.memory_space<vmem>>) semaphore(%arg13 : memref<!tpu.dma_semaphore, #tpu.memory_space<semaphore_mem>>)
        %dma_start3A_306 = arith.constant 1 : i32
        %dma_start3A_307 = arith.constant 0 : i32
        %dma_start3A_308 = tpu.memref_slice %arg6[%dma_start3A_306, %dma_start3A_307] : memref<128x104xi32, #tpu.memory_space<vmem>> -> memref<1x104xi32, #tpu.memory_space<vmem>>
        %dma_start3A_309 = tpu.memref_squeeze %dma_start3A_308 : memref<1x104xi32, #tpu.memory_space<vmem>> -> memref<104xi32, #tpu.memory_space<vmem>>
        %dma_start3A_310 = arith.constant 0 : i32
        %dma_start3A_311 = arith.constant 0 : i32
        %dma_start3A_312 = tpu.memref_slice %arg2[%dma_start3A_310, %dma_start3A_311] : memref<100000x128xbf16, #tpu.memory_space<hbm>> -> memref<100000x128xbf16, #tpu.memory_space<hbm>>
        tpu.enqueue_indirect_dma source(%dma_start3A_312 : memref<100000x128xbf16, #tpu.memory_space<hbm>>) target(%arg9 : memref<104x128xbf16, #tpu.memory_space<vmem>>) offsets(%dma_start3A_309 : memref<104xi32, #tpu.memory_space<vmem>>) semaphore(%arg13 : memref<!tpu.dma_semaphore, #tpu.memory_space<semaphore_mem>>)
      } else {
      }
      %dma_wait3A_245 = arith.constant 0 : i32
      %dma_wait3A_246 = arith.constant 0 : i32
      %dma_wait3A_247 = tpu.memref_slice %arg2[%dma_wait3A_245, %dma_wait3A_246] : memref<100000x128xbf16, #tpu.memory_space<hbm>> -> memref<104x128xbf16, #tpu.memory_space<hbm>>
      %dma_wait3A_248 = arith.constant 0 : i32
      %dma_wait3A_249 = arith.constant 0 : i32
      %dma_wait3A_250 = tpu.memref_slice %arg2[%dma_wait3A_248, %dma_wait3A_249] : memref<100000x128xbf16, #tpu.memory_space<hbm>> -> memref<104x128xbf16, #tpu.memory_space<hbm>>
      tpu.wait_dma2 semaphore(%arg14 : memref<!tpu.dma_semaphore, #tpu.memory_space<semaphore_mem>>) src(%dma_wait3A_250 : memref<104x128xbf16, #tpu.memory_space<hbm>>) dst(%arg10 : memref<104x128xbf16, #tpu.memory_space<vmem>>)
      %dma_wait3A_251 = arith.constant 0 : i32
      %dma_wait3A_252 = arith.constant 0 : i32
      %dma_wait3A_253 = tpu.memref_slice %arg2[%dma_wait3A_251, %dma_wait3A_252] : memref<100000x128xbf16, #tpu.memory_space<hbm>> -> memref<104x128xbf16, #tpu.memory_space<hbm>>
      %dma_wait3A_254 = arith.constant 0 : i32
      %dma_wait3A_255 = arith.constant 0 : i32
      %dma_wait3A_256 = tpu.memref_slice %arg2[%dma_wait3A_254, %dma_wait3A_255] : memref<100000x128xbf16, #tpu.memory_space<hbm>> -> memref<104x128xbf16, #tpu.memory_space<hbm>>
      tpu.wait_dma2 semaphore(%arg14 : memref<!tpu.dma_semaphore, #tpu.memory_space<semaphore_mem>>) src(%dma_wait3A_256 : memref<104x128xbf16, #tpu.memory_space<hbm>>) dst(%arg11 : memref<104x128xbf16, #tpu.memory_space<vmem>>)
      %add3A_257 = arith.constant 1 : i32
      %add3A_258 = arith.addi %add3A_166, %add3A_257 : i32
      %broadcast_in_dim3A_259 = arith.constant 0.000000e+00 : bf16
      %broadcast_in_dim3A_260 = vector.broadcast %broadcast_in_dim3A_259 : bf16 to vector<32xbf16>
      %broadcast_in_dim3A_261 = arith.constant 0.000000e+00 : bf16
      %broadcast_in_dim3A_262 = vector.broadcast %broadcast_in_dim3A_261 : bf16 to vector<32xbf16>
      %broadcast_in_dim3A_263 = arith.constant 0.000000e+00 : bf16
      %broadcast_in_dim3A_264 = vector.broadcast %broadcast_in_dim3A_263 : bf16 to vector<32xbf16>
      %broadcast_in_dim3A_265 = arith.constant 0.000000e+00 : bf16
      %broadcast_in_dim3A_266 = vector.broadcast %broadcast_in_dim3A_265 : bf16 to vector<32xbf16>
      %scan3A_267 = arith.constant 0 : i32
      %scan3A_268 = arith.constant 100 : i32
      %scan3A_269 = arith.addi %scan3A_267, %scan3A_268 : i32
      %scan3A_270 = arith.constant 1 : i32
      %scan3A_271:4 = scf.for %scan3A_299 = %scan3A_267 to %scan3A_269 step %scan3A_270 iter_args(%scan3A_300 = %broadcast_in_dim3A_260, %scan3A_301 = %broadcast_in_dim3A_262, %scan3A_302 = %broadcast_in_dim3A_264, %scan3A_303 = %broadcast_in_dim3A_266) -> (vector<32xbf16>, vector<32xbf16>, vector<32xbf16>, vector<32xbf16>)  : i32 {
        %get3A = arith.index_cast %scan3A_299 : i32 to index
        %get3A_304 = arith.constant 0 : index
        %get3A_305 = tpu.vector_load %arg10[%get3A, %get3A_304] {strides = array<i32>} : memref<104x128xbf16, #tpu.memory_space<vmem>>, vector<1x32xbf16>,
        %get3A_306 = vector.shape_cast %get3A_305 : vector<1x32xbf16> to vector<32xbf16>
        %add3A_307 = arith.addf %scan3A_300, %get3A_306 : vector<32xbf16>
        %get3A_308 = arith.index_cast %scan3A_299 : i32 to index
        %get3A_309 = arith.constant 32 : index
        %get3A_310 = tpu.vector_load %arg10[%get3A_308, %get3A_309] {strides = array<i32>} : memref<104x128xbf16, #tpu.memory_space<vmem>>, vector<1x32xbf16>,
        %get3A_311 = vector.shape_cast %get3A_310 : vector<1x32xbf16> to vector<32xbf16>
        %add3A_312 = arith.addf %scan3A_301, %get3A_311 : vector<32xbf16>
        %get3A_313 = arith.index_cast %scan3A_299 : i32 to index
        %get3A_314 = arith.constant 64 : index
        %get3A_315 = tpu.vector_load %arg10[%get3A_313, %get3A_314] {strides = array<i32>} : memref<104x128xbf16, #tpu.memory_space<vmem>>, vector<1x32xbf16>,
        %get3A_316 = vector.shape_cast %get3A_315 : vector<1x32xbf16> to vector<32xbf16>
        %add3A_317 = arith.addf %scan3A_302, %get3A_316 : vector<32xbf16>
        %get3A_318 = arith.index_cast %scan3A_299 : i32 to index
        %get3A_319 = arith.constant 96 : index
        %get3A_320 = tpu.vector_load %arg10[%get3A_318, %get3A_319] {strides = array<i32>} : memref<104x128xbf16, #tpu.memory_space<vmem>>, vector<1x32xbf16>,
        %get3A_321 = vector.shape_cast %get3A_320 : vector<1x32xbf16> to vector<32xbf16>
        %add3A_322 = arith.addf %scan3A_303, %get3A_321 : vector<32xbf16>
        scf.yield %add3A_307, %add3A_312, %add3A_317, %add3A_322 : vector<32xbf16>, vector<32xbf16>, vector<32xbf16>, vector<32xbf16>
      }
      %scan3A_272 = arith.constant 100 : i32
      %scan3A_273 = arith.constant 0 : i32
      %scan3A_274 = arith.constant 100 : i32
      %scan3A_275 = arith.addi %scan3A_273, %scan3A_274 : i32
      %scan3A_276 = arith.constant 1 : i32
      %scan3A_277:4 = scf.for %scan3A_299 = %scan3A_273 to %scan3A_275 step %scan3A_276 iter_args(%scan3A_300 = %scan3A_271#0, %scan3A_301 = %scan3A_271#1, %scan3A_302 = %scan3A_271#2, %scan3A_303 = %scan3A_271#3) -> (vector<32xbf16>, vector<32xbf16>, vector<32xbf16>, vector<32xbf16>)  : i32 {
        %get3A = arith.index_cast %scan3A_299 : i32 to index
        %get3A_304 = arith.constant 0 : index
        %get3A_305 = tpu.vector_load %arg11[%get3A, %get3A_304] {strides = array<i32>} : memref<104x128xbf16, #tpu.memory_space<vmem>>, vector<1x32xbf16>,
        %get3A_306 = vector.shape_cast %get3A_305 : vector<1x32xbf16> to vector<32xbf16>
        %add3A_307 = arith.addf %scan3A_300, %get3A_306 : vector<32xbf16>
        %get3A_308 = arith.index_cast %scan3A_299 : i32 to index
        %get3A_309 = arith.constant 32 : index
        %get3A_310 = tpu.vector_load %arg11[%get3A_308, %get3A_309] {strides = array<i32>} : memref<104x128xbf16, #tpu.memory_space<vmem>>, vector<1x32xbf16>,
        %get3A_311 = vector.shape_cast %get3A_310 : vector<1x32xbf16> to vector<32xbf16>
        %add3A_312 = arith.addf %scan3A_301, %get3A_311 : vector<32xbf16>
        %get3A_313 = arith.index_cast %scan3A_299 : i32 to index
        %get3A_314 = arith.constant 64 : index
        %get3A_315 = tpu.vector_load %arg11[%get3A_313, %get3A_314] {strides = array<i32>} : memref<104x128xbf16, #tpu.memory_space<vmem>>, vector<1x32xbf16>,
        %get3A_316 = vector.shape_cast %get3A_315 : vector<1x32xbf16> to vector<32xbf16>
        %add3A_317 = arith.addf %scan3A_302, %get3A_316 : vector<32xbf16>
        %get3A_318 = arith.index_cast %scan3A_299 : i32 to index
        %get3A_319 = arith.constant 96 : index
        %get3A_320 = tpu.vector_load %arg11[%get3A_318, %get3A_319] {strides = array<i32>} : memref<104x128xbf16, #tpu.memory_space<vmem>>, vector<1x32xbf16>,
        %get3A_321 = vector.shape_cast %get3A_320 : vector<1x32xbf16> to vector<32xbf16>
        %add3A_322 = arith.addf %scan3A_303, %get3A_321 : vector<32xbf16>
        scf.yield %add3A_307, %add3A_312, %add3A_317, %add3A_322 : vector<32xbf16>, vector<32xbf16>, vector<32xbf16>, vector<32xbf16>
      }
      %scan3A_278 = arith.constant 100 : i32
      %swap3A_279 = arith.index_cast %add3A_258 : i32 to index
      %swap3A_280 = arith.constant 0 : index
      %swap3A_281 = tpu.vector_load %arg12[%swap3A_279, %swap3A_280] {strides = array<i32>} : memref<512x128xbf16, #tpu.memory_space<vmem>>, vector<1x32xbf16>,
      %swap3A_282 = vector.shape_cast %swap3A_281 : vector<1x32xbf16> to vector<32xbf16>
      %swap3A_283 = vector.shape_cast %scan3A_277#0 : vector<32xbf16> to vector<1x32xbf16>
      tpu.vector_store %arg12[%swap3A_279, %swap3A_280], %swap3A_283 {strides = array<i32>} : memref<512x128xbf16, #tpu.memory_space<vmem>>, vector<1x32xbf16>,
      %swap3A_284 = arith.index_cast %add3A_258 : i32 to index
      %swap3A_285 = arith.constant 32 : index
      %swap3A_286 = tpu.vector_load %arg12[%swap3A_284, %swap3A_285] {strides = array<i32>} : memref<512x128xbf16, #tpu.memory_space<vmem>>, vector<1x32xbf16>,
      %swap3A_287 = vector.shape_cast %swap3A_286 : vector<1x32xbf16> to vector<32xbf16>
      %swap3A_288 = vector.shape_cast %scan3A_277#1 : vector<32xbf16> to vector<1x32xbf16>
      tpu.vector_store %arg12[%swap3A_284, %swap3A_285], %swap3A_288 {strides = array<i32>} : memref<512x128xbf16, #tpu.memory_space<vmem>>, vector<1x32xbf16>,
      %swap3A_289 = arith.index_cast %add3A_258 : i32 to index
      %swap3A_290 = arith.constant 64 : index
      %swap3A_291 = tpu.vector_load %arg12[%swap3A_289, %swap3A_290] {strides = array<i32>} : memref<512x128xbf16, #tpu.memory_space<vmem>>, vector<1x32xbf16>,
      %swap3A_292 = vector.shape_cast %swap3A_291 : vector<1x32xbf16> to vector<32xbf16>
      %swap3A_293 = vector.shape_cast %scan3A_277#2 : vector<32xbf16> to vector<1x32xbf16>
      tpu.vector_store %arg12[%swap3A_289, %swap3A_290], %swap3A_293 {strides = array<i32>} : memref<512x128xbf16, #tpu.memory_space<vmem>>, vector<1x32xbf16>,
      %swap3A_294 = arith.index_cast %add3A_258 : i32 to index
      %swap3A_295 = arith.constant 96 : index
      %swap3A_296 = tpu.vector_load %arg12[%swap3A_294, %swap3A_295] {strides = array<i32>} : memref<512x128xbf16, #tpu.memory_space<vmem>>, vector<1x32xbf16>,
      %swap3A_297 = vector.shape_cast %swap3A_296 : vector<1x32xbf16> to vector<32xbf16>
      %swap3A_298 = vector.shape_cast %scan3A_277#3 : vector<32xbf16> to vector<1x32xbf16>
      tpu.vector_store %arg12[%swap3A_294, %swap3A_295], %swap3A_298 {strides = array<i32>} : memref<512x128xbf16, #tpu.memory_space<vmem>>, vector<1x32xbf16>,
    }
    %scan3A_35 = arith.constant 32 : i32
    %add3A_36 = arith.constant 0 : i32
    %add3A_37 = arith.addi %mul3A_2, %add3A_36 : i32
    %mul3A_38 = arith.constant 2 : i32
    %mul3A_39 = arith.muli %add3A_37, %mul3A_38 : i32
    %dma_wait3A = arith.constant 0 : i32
    %dma_wait3A_40 = tpu.memref_slice %arg3[%mul3A_39, %dma_wait3A] : memref<32768x104xi32, #tpu.memory_space<hbm>> -> memref<128x104xi32, #tpu.memory_space<hbm>>
    %dma_wait3A_41 = arith.constant 0 : i32
    %dma_wait3A_42 = tpu.memref_slice %arg3[%mul3A_39, %dma_wait3A_41] : memref<32768x104xi32, #tpu.memory_space<hbm>> -> memref<128x104xi32, #tpu.memory_space<hbm>>
    tpu.wait_dma2 semaphore(%arg15 : memref<!tpu.dma_semaphore, #tpu.memory_space<semaphore_mem>>) src(%dma_wait3A_42 : memref<128x104xi32, #tpu.memory_space<hbm>>) dst(%arg7 : memref<128x104xi32, #tpu.memory_space<vmem>>)
    %add3A_43 = arith.constant 192 : i32
    %add3A_44 = arith.addi %mul3A_2, %add3A_43 : i32
    %mul3A_45 = arith.constant 2 : i32
    %mul3A_46 = arith.muli %add3A_44, %mul3A_45 : i32
    %dma_start3A_47 = arith.constant 0 : i32
    %dma_start3A_48 = tpu.memref_slice %arg3[%mul3A_46, %dma_start3A_47] : memref<32768x104xi32, #tpu.memory_space<hbm>> -> memref<128x104xi32, #tpu.memory_space<hbm>>
    %dma_start3A_49 = arith.constant 0 : i32
    %dma_start3A_50 = tpu.memref_slice %arg3[%mul3A_46, %dma_start3A_49] : memref<32768x104xi32, #tpu.memory_space<hbm>> -> memref<128x104xi32, #tpu.memory_space<hbm>>
    tpu.enqueue_dma source(%dma_start3A_50 : memref<128x104xi32, #tpu.memory_space<hbm>>) target(%arg5 : memref<128x104xi32, #tpu.memory_space<vmem>>) target_semaphore(%arg15 : memref<!tpu.dma_semaphore, #tpu.memory_space<semaphore_mem>>)
    %scan3A_51 = arith.constant 0 : i32
    %scan3A_52 = arith.constant 32 : i32
    %scan3A_53 = arith.addi %scan3A_51, %scan3A_52 : i32
    %scan3A_54 = arith.constant 1 : i32
    scf.for %scan3A_158 = %scan3A_51 to %scan3A_53 step %scan3A_54  : i32 {
      %mul3A_159 = arith.constant 1 : i32
      %mul3A_160 = arith.muli %scan3A_158, %mul3A_159 : i32
      %add3A_161 = arith.constant 0 : i32
      %add3A_162 = arith.addi %add3A_161, %mul3A_160 : i32
      %mul3A_163 = arith.constant 2 : i32
      %mul3A_164 = arith.muli %mul3A_163, %add3A_162 : i32
      %add3A_165 = arith.constant 64 : i32
      %add3A_166 = arith.addi %add3A_165, %mul3A_164 : i32
      %mul3A_167 = arith.constant 2 : i32
      %mul3A_168 = arith.muli %mul3A_167, %add3A_162 : i32
      %add3A_169 = arith.constant 1 : i32
      %add3A_170 = arith.addi %mul3A_168, %add3A_169 : i32
      %mul3A_171 = arith.constant 2 : i32
      %mul3A_172 = arith.muli %mul3A_171, %add3A_170 : i32
      %dma_start3A_173 = arith.constant 0 : i32
      %dma_start3A_174 = tpu.memref_slice %arg6[%mul3A_172, %dma_start3A_173] : memref<128x104xi32, #tpu.memory_space<vmem>> -> memref<1x104xi32, #tpu.memory_space<vmem>>
      %dma_start3A_175 = tpu.memref_squeeze %dma_start3A_174 : memref<1x104xi32, #tpu.memory_space<vmem>> -> memref<104xi32, #tpu.memory_space<vmem>>
      %dma_start3A_176 = arith.constant 0 : i32
      %dma_start3A_177 = arith.constant 0 : i32
      %dma_start3A_178 = tpu.memref_slice %arg2[%dma_start3A_176, %dma_start3A_177] : memref<100000x128xbf16, #tpu.memory_space<hbm>> -> memref<100000x128xbf16, #tpu.memory_space<hbm>>
      tpu.enqueue_indirect_dma source(%dma_start3A_178 : memref<100000x128xbf16, #tpu.memory_space<hbm>>) target(%arg10 : memref<104x128xbf16, #tpu.memory_space<vmem>>) offsets(%dma_start3A_175 : memref<104xi32, #tpu.memory_space<vmem>>) semaphore(%arg14 : memref<!tpu.dma_semaphore, #tpu.memory_space<semaphore_mem>>)
      %mul3A_179 = arith.constant 2 : i32
      %mul3A_180 = arith.muli %mul3A_179, %add3A_170 : i32
      %add3A_181 = arith.constant 1 : i32
      %add3A_182 = arith.addi %mul3A_180, %add3A_181 : i32
      %dma_start3A_183 = arith.constant 0 : i32
      %dma_start3A_184 = tpu.memref_slice %arg6[%add3A_182, %dma_start3A_183] : memref<128x104xi32, #tpu.memory_space<vmem>> -> memref<1x104xi32, #tpu.memory_space<vmem>>
      %dma_start3A_185 = tpu.memref_squeeze %dma_start3A_184 : memref<1x104xi32, #tpu.memory_space<vmem>> -> memref<104xi32, #tpu.memory_space<vmem>>
      %dma_start3A_186 = arith.constant 0 : i32
      %dma_start3A_187 = arith.constant 0 : i32
      %dma_start3A_188 = tpu.memref_slice %arg2[%dma_start3A_186, %dma_start3A_187] : memref<100000x128xbf16, #tpu.memory_space<hbm>> -> memref<100000x128xbf16, #tpu.memory_space<hbm>>
      tpu.enqueue_indirect_dma source(%dma_start3A_188 : memref<100000x128xbf16, #tpu.memory_space<hbm>>) target(%arg11 : memref<104x128xbf16, #tpu.memory_space<vmem>>) offsets(%dma_start3A_185 : memref<104xi32, #tpu.memory_space<vmem>>) semaphore(%arg14 : memref<!tpu.dma_semaphore, #tpu.memory_space<semaphore_mem>>)
      %dma_wait3A_189 = arith.constant 0 : i32
      %dma_wait3A_190 = arith.constant 0 : i32
      %dma_wait3A_191 = tpu.memref_slice %arg2[%dma_wait3A_189, %dma_wait3A_190] : memref<100000x128xbf16, #tpu.memory_space<hbm>> -> memref<104x128xbf16, #tpu.memory_space<hbm>>
      %dma_wait3A_192 = arith.constant 0 : i32
      %dma_wait3A_193 = arith.constant 0 : i32
      %dma_wait3A_194 = tpu.memref_slice %arg2[%dma_wait3A_192, %dma_wait3A_193] : memref<100000x128xbf16, #tpu.memory_space<hbm>> -> memref<104x128xbf16, #tpu.memory_space<hbm>>
      tpu.wait_dma2 semaphore(%arg13 : memref<!tpu.dma_semaphore, #tpu.memory_space<semaphore_mem>>) src(%dma_wait3A_194 : memref<104x128xbf16, #tpu.memory_space<hbm>>) dst(%arg8 : memref<104x128xbf16, #tpu.memory_space<vmem>>)
      %dma_wait3A_195 = arith.constant 0 : i32
      %dma_wait3A_196 = arith.constant 0 : i32
      %dma_wait3A_197 = tpu.memref_slice %arg2[%dma_wait3A_195, %dma_wait3A_196] : memref<100000x128xbf16, #tpu.memory_space<hbm>> -> memref<104x128xbf16, #tpu.memory_space<hbm>>
      %dma_wait3A_198 = arith.constant 0 : i32
      %dma_wait3A_199 = arith.constant 0 : i32
      %dma_wait3A_200 = tpu.memref_slice %arg2[%dma_wait3A_198, %dma_wait3A_199] : memref<100000x128xbf16, #tpu.memory_space<hbm>> -> memref<104x128xbf16, #tpu.memory_space<hbm>>
      tpu.wait_dma2 semaphore(%arg13 : memref<!tpu.dma_semaphore, #tpu.memory_space<semaphore_mem>>) src(%dma_wait3A_200 : memref<104x128xbf16, #tpu.memory_space<hbm>>) dst(%arg9 : memref<104x128xbf16, #tpu.memory_space<vmem>>)
      %broadcast_in_dim3A = arith.constant 0.000000e+00 : bf16
      %broadcast_in_dim3A_201 = vector.broadcast %broadcast_in_dim3A : bf16 to vector<32xbf16>
      %broadcast_in_dim3A_202 = arith.constant 0.000000e+00 : bf16
      %broadcast_in_dim3A_203 = vector.broadcast %broadcast_in_dim3A_202 : bf16 to vector<32xbf16>
      %broadcast_in_dim3A_204 = arith.constant 0.000000e+00 : bf16
      %broadcast_in_dim3A_205 = vector.broadcast %broadcast_in_dim3A_204 : bf16 to vector<32xbf16>
      %broadcast_in_dim3A_206 = arith.constant 0.000000e+00 : bf16
      %broadcast_in_dim3A_207 = vector.broadcast %broadcast_in_dim3A_206 : bf16 to vector<32xbf16>
      %scan3A_208 = arith.constant 0 : i32
      %scan3A_209 = arith.constant 100 : i32
      %scan3A_210 = arith.addi %scan3A_208, %scan3A_209 : i32
      %scan3A_211 = arith.constant 1 : i32
      %scan3A_212:4 = scf.for %scan3A_299 = %scan3A_208 to %scan3A_210 step %scan3A_211 iter_args(%scan3A_300 = %broadcast_in_dim3A_201, %scan3A_301 = %broadcast_in_dim3A_203, %scan3A_302 = %broadcast_in_dim3A_205, %scan3A_303 = %broadcast_in_dim3A_207) -> (vector<32xbf16>, vector<32xbf16>, vector<32xbf16>, vector<32xbf16>)  : i32 {
        %get3A = arith.index_cast %scan3A_299 : i32 to index
        %get3A_304 = arith.constant 0 : index
        %get3A_305 = tpu.vector_load %arg8[%get3A, %get3A_304] {strides = array<i32>} : memref<104x128xbf16, #tpu.memory_space<vmem>>, vector<1x32xbf16>,
        %get3A_306 = vector.shape_cast %get3A_305 : vector<1x32xbf16> to vector<32xbf16>
        %add3A_307 = arith.addf %scan3A_300, %get3A_306 : vector<32xbf16>
        %get3A_308 = arith.index_cast %scan3A_299 : i32 to index
        %get3A_309 = arith.constant 32 : index
        %get3A_310 = tpu.vector_load %arg8[%get3A_308, %get3A_309] {strides = array<i32>} : memref<104x128xbf16, #tpu.memory_space<vmem>>, vector<1x32xbf16>,
        %get3A_311 = vector.shape_cast %get3A_310 : vector<1x32xbf16> to vector<32xbf16>
        %add3A_312 = arith.addf %scan3A_301, %get3A_311 : vector<32xbf16>
        %get3A_313 = arith.index_cast %scan3A_299 : i32 to index
        %get3A_314 = arith.constant 64 : index
        %get3A_315 = tpu.vector_load %arg8[%get3A_313, %get3A_314] {strides = array<i32>} : memref<104x128xbf16, #tpu.memory_space<vmem>>, vector<1x32xbf16>,
        %get3A_316 = vector.shape_cast %get3A_315 : vector<1x32xbf16> to vector<32xbf16>
        %add3A_317 = arith.addf %scan3A_302, %get3A_316 : vector<32xbf16>
        %get3A_318 = arith.index_cast %scan3A_299 : i32 to index
        %get3A_319 = arith.constant 96 : index
        %get3A_320 = tpu.vector_load %arg8[%get3A_318, %get3A_319] {strides = array<i32>} : memref<104x128xbf16, #tpu.memory_space<vmem>>, vector<1x32xbf16>,
        %get3A_321 = vector.shape_cast %get3A_320 : vector<1x32xbf16> to vector<32xbf16>
        %add3A_322 = arith.addf %scan3A_303, %get3A_321 : vector<32xbf16>
        scf.yield %add3A_307, %add3A_312, %add3A_317, %add3A_322 : vector<32xbf16>, vector<32xbf16>, vector<32xbf16>, vector<32xbf16>
      }
      %scan3A_213 = arith.constant 100 : i32
      %scan3A_214 = arith.constant 0 : i32
      %scan3A_215 = arith.constant 100 : i32
      %scan3A_216 = arith.addi %scan3A_214, %scan3A_215 : i32
      %scan3A_217 = arith.constant 1 : i32
      %scan3A_218:4 = scf.for %scan3A_299 = %scan3A_214 to %scan3A_216 step %scan3A_217 iter_args(%scan3A_300 = %scan3A_212#0, %scan3A_301 = %scan3A_212#1, %scan3A_302 = %scan3A_212#2, %scan3A_303 = %scan3A_212#3) -> (vector<32xbf16>, vector<32xbf16>, vector<32xbf16>, vector<32xbf16>)  : i32 {
        %get3A = arith.index_cast %scan3A_299 : i32 to index
        %get3A_304 = arith.constant 0 : index
        %get3A_305 = tpu.vector_load %arg9[%get3A, %get3A_304] {strides = array<i32>} : memref<104x128xbf16, #tpu.memory_space<vmem>>, vector<1x32xbf16>,
        %get3A_306 = vector.shape_cast %get3A_305 : vector<1x32xbf16> to vector<32xbf16>
        %add3A_307 = arith.addf %scan3A_300, %get3A_306 : vector<32xbf16>
        %get3A_308 = arith.index_cast %scan3A_299 : i32 to index
        %get3A_309 = arith.constant 32 : index
        %get3A_310 = tpu.vector_load %arg9[%get3A_308, %get3A_309] {strides = array<i32>} : memref<104x128xbf16, #tpu.memory_space<vmem>>, vector<1x32xbf16>,
        %get3A_311 = vector.shape_cast %get3A_310 : vector<1x32xbf16> to vector<32xbf16>
        %add3A_312 = arith.addf %scan3A_301, %get3A_311 : vector<32xbf16>
        %get3A_313 = arith.index_cast %scan3A_299 : i32 to index
        %get3A_314 = arith.constant 64 : index
        %get3A_315 = tpu.vector_load %arg9[%get3A_313, %get3A_314] {strides = array<i32>} : memref<104x128xbf16, #tpu.memory_space<vmem>>, vector<1x32xbf16>,
        %get3A_316 = vector.shape_cast %get3A_315 : vector<1x32xbf16> to vector<32xbf16>
        %add3A_317 = arith.addf %scan3A_302, %get3A_316 : vector<32xbf16>
        %get3A_318 = arith.index_cast %scan3A_299 : i32 to index
        %get3A_319 = arith.constant 96 : index
        %get3A_320 = tpu.vector_load %arg9[%get3A_318, %get3A_319] {strides = array<i32>} : memref<104x128xbf16, #tpu.memory_space<vmem>>, vector<1x32xbf16>,
        %get3A_321 = vector.shape_cast %get3A_320 : vector<1x32xbf16> to vector<32xbf16>
        %add3A_322 = arith.addf %scan3A_303, %get3A_321 : vector<32xbf16>
        scf.yield %add3A_307, %add3A_312, %add3A_317, %add3A_322 : vector<32xbf16>, vector<32xbf16>, vector<32xbf16>, vector<32xbf16>
      }
      %scan3A_219 = arith.constant 100 : i32
      %swap3A = arith.index_cast %add3A_166 : i32 to index
      %swap3A_220 = arith.constant 0 : index
      %swap3A_221 = tpu.vector_load %arg12[%swap3A, %swap3A_220] {strides = array<i32>} : memref<512x128xbf16, #tpu.memory_space<vmem>>, vector<1x32xbf16>,
      %swap3A_222 = vector.shape_cast %swap3A_221 : vector<1x32xbf16> to vector<32xbf16>
      %swap3A_223 = vector.shape_cast %scan3A_218#0 : vector<32xbf16> to vector<1x32xbf16>
      tpu.vector_store %arg12[%swap3A, %swap3A_220], %swap3A_223 {strides = array<i32>} : memref<512x128xbf16, #tpu.memory_space<vmem>>, vector<1x32xbf16>,
      %swap3A_224 = arith.index_cast %add3A_166 : i32 to index
      %swap3A_225 = arith.constant 32 : index
      %swap3A_226 = tpu.vector_load %arg12[%swap3A_224, %swap3A_225] {strides = array<i32>} : memref<512x128xbf16, #tpu.memory_space<vmem>>, vector<1x32xbf16>,
      %swap3A_227 = vector.shape_cast %swap3A_226 : vector<1x32xbf16> to vector<32xbf16>
      %swap3A_228 = vector.shape_cast %scan3A_218#1 : vector<32xbf16> to vector<1x32xbf16>
      tpu.vector_store %arg12[%swap3A_224, %swap3A_225], %swap3A_228 {strides = array<i32>} : memref<512x128xbf16, #tpu.memory_space<vmem>>, vector<1x32xbf16>,
      %swap3A_229 = arith.index_cast %add3A_166 : i32 to index
      %swap3A_230 = arith.constant 64 : index
      %swap3A_231 = tpu.vector_load %arg12[%swap3A_229, %swap3A_230] {strides = array<i32>} : memref<512x128xbf16, #tpu.memory_space<vmem>>, vector<1x32xbf16>,
      %swap3A_232 = vector.shape_cast %swap3A_231 : vector<1x32xbf16> to vector<32xbf16>
      %swap3A_233 = vector.shape_cast %scan3A_218#2 : vector<32xbf16> to vector<1x32xbf16>
      tpu.vector_store %arg12[%swap3A_229, %swap3A_230], %swap3A_233 {strides = array<i32>} : memref<512x128xbf16, #tpu.memory_space<vmem>>, vector<1x32xbf16>,
      %swap3A_234 = arith.index_cast %add3A_166 : i32 to index
      %swap3A_235 = arith.constant 96 : index
      %swap3A_236 = tpu.vector_load %arg12[%swap3A_234, %swap3A_235] {strides = array<i32>} : memref<512x128xbf16, #tpu.memory_space<vmem>>, vector<1x32xbf16>,
      %swap3A_237 = vector.shape_cast %swap3A_236 : vector<1x32xbf16> to vector<32xbf16>
      %swap3A_238 = vector.shape_cast %scan3A_218#3 : vector<32xbf16> to vector<1x32xbf16>
      tpu.vector_store %arg12[%swap3A_234, %swap3A_235], %swap3A_238 {strides = array<i32>} : memref<512x128xbf16, #tpu.memory_space<vmem>>, vector<1x32xbf16>,
      %lt3A = arith.constant 31 : i32
      %lt3A_239 = arith.cmpi slt, %add3A_162, %lt3A : i32
      %convert_element_type3A = arith.extui %lt3A_239 : i1 to i32
      %cond3A = arith.constant 0 : i32
      %cond3A_240 = arith.cmpi ne, %convert_element_type3A, %cond3A : i32
      scf.if %cond3A_240 {
        %mul3A_299 = arith.constant 2 : i32
        %mul3A_300 = arith.muli %mul3A_299, %add3A_162 : i32
        %add3A_301 = arith.constant 2 : i32
        %add3A_302 = arith.addi %mul3A_300, %add3A_301 : i32
        %mul3A_303 = arith.constant 2 : i32
        %mul3A_304 = arith.muli %mul3A_303, %add3A_302 : i32
        %dma_start3A_305 = arith.constant 0 : i32
        %dma_start3A_306 = tpu.memref_slice %arg6[%mul3A_304, %dma_start3A_305] : memref<128x104xi32, #tpu.memory_space<vmem>> -> memref<1x104xi32, #tpu.memory_space<vmem>>
        %dma_start3A_307 = tpu.memref_squeeze %dma_start3A_306 : memref<1x104xi32, #tpu.memory_space<vmem>> -> memref<104xi32, #tpu.memory_space<vmem>>
        %dma_start3A_308 = arith.constant 0 : i32
        %dma_start3A_309 = arith.constant 0 : i32
        %dma_start3A_310 = tpu.memref_slice %arg2[%dma_start3A_308, %dma_start3A_309] : memref<100000x128xbf16, #tpu.memory_space<hbm>> -> memref<100000x128xbf16, #tpu.memory_space<hbm>>
        tpu.enqueue_indirect_dma source(%dma_start3A_310 : memref<100000x128xbf16, #tpu.memory_space<hbm>>) target(%arg8 : memref<104x128xbf16, #tpu.memory_space<vmem>>) offsets(%dma_start3A_307 : memref<104xi32, #tpu.memory_space<vmem>>) semaphore(%arg13 : memref<!tpu.dma_semaphore, #tpu.memory_space<semaphore_mem>>)
        %mul3A_311 = arith.constant 2 : i32
        %mul3A_312 = arith.muli %mul3A_311, %add3A_302 : i32
        %add3A_313 = arith.constant 1 : i32
        %add3A_314 = arith.addi %mul3A_312, %add3A_313 : i32
        %dma_start3A_315 = arith.constant 0 : i32
        %dma_start3A_316 = tpu.memref_slice %arg6[%add3A_314, %dma_start3A_315] : memref<128x104xi32, #tpu.memory_space<vmem>> -> memref<1x104xi32, #tpu.memory_space<vmem>>
        %dma_start3A_317 = tpu.memref_squeeze %dma_start3A_316 : memref<1x104xi32, #tpu.memory_space<vmem>> -> memref<104xi32, #tpu.memory_space<vmem>>
        %dma_start3A_318 = arith.constant 0 : i32
        %dma_start3A_319 = arith.constant 0 : i32
        %dma_start3A_320 = tpu.memref_slice %arg2[%dma_start3A_318, %dma_start3A_319] : memref<100000x128xbf16, #tpu.memory_space<hbm>> -> memref<100000x128xbf16, #tpu.memory_space<hbm>>
        tpu.enqueue_indirect_dma source(%dma_start3A_320 : memref<100000x128xbf16, #tpu.memory_space<hbm>>) target(%arg9 : memref<104x128xbf16, #tpu.memory_space<vmem>>) offsets(%dma_start3A_317 : memref<104xi32, #tpu.memory_space<vmem>>) semaphore(%arg13 : memref<!tpu.dma_semaphore, #tpu.memory_space<semaphore_mem>>)
      } else {
      }
      %eq3A = arith.constant 31 : i32
      %eq3A_241 = arith.cmpi eq, %add3A_162, %eq3A : i32
      %convert_element_type3A_242 = arith.extui %eq3A_241 : i1 to i32
      %cond3A_243 = arith.constant 0 : i32
      %cond3A_244 = arith.cmpi ne, %convert_element_type3A_242, %cond3A_243 : i32
      scf.if %cond3A_244 {
        %dma_start3A_299 = arith.constant 0 : i32
        %dma_start3A_300 = arith.constant 0 : i32
        %dma_start3A_301 = tpu.memref_slice %arg7[%dma_start3A_299, %dma_start3A_300] : memref<128x104xi32, #tpu.memory_space<vmem>> -> memref<1x104xi32, #tpu.memory_space<vmem>>
        %dma_start3A_302 = tpu.memref_squeeze %dma_start3A_301 : memref<1x104xi32, #tpu.memory_space<vmem>> -> memref<104xi32, #tpu.memory_space<vmem>>
        %dma_start3A_303 = arith.constant 0 : i32
        %dma_start3A_304 = arith.constant 0 : i32
        %dma_start3A_305 = tpu.memref_slice %arg2[%dma_start3A_303, %dma_start3A_304] : memref<100000x128xbf16, #tpu.memory_space<hbm>> -> memref<100000x128xbf16, #tpu.memory_space<hbm>>
        tpu.enqueue_indirect_dma source(%dma_start3A_305 : memref<100000x128xbf16, #tpu.memory_space<hbm>>) target(%arg8 : memref<104x128xbf16, #tpu.memory_space<vmem>>) offsets(%dma_start3A_302 : memref<104xi32, #tpu.memory_space<vmem>>) semaphore(%arg13 : memref<!tpu.dma_semaphore, #tpu.memory_space<semaphore_mem>>)
        %dma_start3A_306 = arith.constant 1 : i32
        %dma_start3A_307 = arith.constant 0 : i32
        %dma_start3A_308 = tpu.memref_slice %arg7[%dma_start3A_306, %dma_start3A_307] : memref<128x104xi32, #tpu.memory_space<vmem>> -> memref<1x104xi32, #tpu.memory_space<vmem>>
        %dma_start3A_309 = tpu.memref_squeeze %dma_start3A_308 : memref<1x104xi32, #tpu.memory_space<vmem>> -> memref<104xi32, #tpu.memory_space<vmem>>
        %dma_start3A_310 = arith.constant 0 : i32
        %dma_start3A_311 = arith.constant 0 : i32
        %dma_start3A_312 = tpu.memref_slice %arg2[%dma_start3A_310, %dma_start3A_311] : memref<100000x128xbf16, #tpu.memory_space<hbm>> -> memref<100000x128xbf16, #tpu.memory_space<hbm>>
        tpu.enqueue_indirect_dma source(%dma_start3A_312 : memref<100000x128xbf16, #tpu.memory_space<hbm>>) target(%arg9 : memref<104x128xbf16, #tpu.memory_space<vmem>>) offsets(%dma_start3A_309 : memref<104xi32, #tpu.memory_space<vmem>>) semaphore(%arg13 : memref<!tpu.dma_semaphore, #tpu.memory_space<semaphore_mem>>)
      } else {
      }
      %dma_wait3A_245 = arith.constant 0 : i32
      %dma_wait3A_246 = arith.constant 0 : i32
      %dma_wait3A_247 = tpu.memref_slice %arg2[%dma_wait3A_245, %dma_wait3A_246] : memref<100000x128xbf16, #tpu.memory_space<hbm>> -> memref<104x128xbf16, #tpu.memory_space<hbm>>
      %dma_wait3A_248 = arith.constant 0 : i32
      %dma_wait3A_249 = arith.constant 0 : i32
      %dma_wait3A_250 = tpu.memref_slice %arg2[%dma_wait3A_248, %dma_wait3A_249] : memref<100000x128xbf16, #tpu.memory_space<hbm>> -> memref<104x128xbf16, #tpu.memory_space<hbm>>
      tpu.wait_dma2 semaphore(%arg14 : memref<!tpu.dma_semaphore, #tpu.memory_space<semaphore_mem>>) src(%dma_wait3A_250 : memref<104x128xbf16, #tpu.memory_space<hbm>>) dst(%arg10 : memref<104x128xbf16, #tpu.memory_space<vmem>>)
      %dma_wait3A_251 = arith.constant 0 : i32
      %dma_wait3A_252 = arith.constant 0 : i32
      %dma_wait3A_253 = tpu.memref_slice %arg2[%dma_wait3A_251, %dma_wait3A_252] : memref<100000x128xbf16, #tpu.memory_space<hbm>> -> memref<104x128xbf16, #tpu.memory_space<hbm>>
      %dma_wait3A_254 = arith.constant 0 : i32
      %dma_wait3A_255 = arith.constant 0 : i32
      %dma_wait3A_256 = tpu.memref_slice %arg2[%dma_wait3A_254, %dma_wait3A_255] : memref<100000x128xbf16, #tpu.memory_space<hbm>> -> memref<104x128xbf16, #tpu.memory_space<hbm>>
      tpu.wait_dma2 semaphore(%arg14 : memref<!tpu.dma_semaphore, #tpu.memory_space<semaphore_mem>>) src(%dma_wait3A_256 : memref<104x128xbf16, #tpu.memory_space<hbm>>) dst(%arg11 : memref<104x128xbf16, #tpu.memory_space<vmem>>)
      %add3A_257 = arith.constant 1 : i32
      %add3A_258 = arith.addi %add3A_166, %add3A_257 : i32
      %broadcast_in_dim3A_259 = arith.constant 0.000000e+00 : bf16
      %broadcast_in_dim3A_260 = vector.broadcast %broadcast_in_dim3A_259 : bf16 to vector<32xbf16>
      %broadcast_in_dim3A_261 = arith.constant 0.000000e+00 : bf16
      %broadcast_in_dim3A_262 = vector.broadcast %broadcast_in_dim3A_261 : bf16 to vector<32xbf16>
      %broadcast_in_dim3A_263 = arith.constant 0.000000e+00 : bf16
      %broadcast_in_dim3A_264 = vector.broadcast %broadcast_in_dim3A_263 : bf16 to vector<32xbf16>
      %broadcast_in_dim3A_265 = arith.constant 0.000000e+00 : bf16
      %broadcast_in_dim3A_266 = vector.broadcast %broadcast_in_dim3A_265 : bf16 to vector<32xbf16>
      %scan3A_267 = arith.constant 0 : i32
      %scan3A_268 = arith.constant 100 : i32
      %scan3A_269 = arith.addi %scan3A_267, %scan3A_268 : i32
      %scan3A_270 = arith.constant 1 : i32
      %scan3A_271:4 = scf.for %scan3A_299 = %scan3A_267 to %scan3A_269 step %scan3A_270 iter_args(%scan3A_300 = %broadcast_in_dim3A_260, %scan3A_301 = %broadcast_in_dim3A_262, %scan3A_302 = %broadcast_in_dim3A_264, %scan3A_303 = %broadcast_in_dim3A_266) -> (vector<32xbf16>, vector<32xbf16>, vector<32xbf16>, vector<32xbf16>)  : i32 {
        %get3A = arith.index_cast %scan3A_299 : i32 to index
        %get3A_304 = arith.constant 0 : index
        %get3A_305 = tpu.vector_load %arg10[%get3A, %get3A_304] {strides = array<i32>} : memref<104x128xbf16, #tpu.memory_space<vmem>>, vector<1x32xbf16>,
        %get3A_306 = vector.shape_cast %get3A_305 : vector<1x32xbf16> to vector<32xbf16>
        %add3A_307 = arith.addf %scan3A_300, %get3A_306 : vector<32xbf16>
        %get3A_308 = arith.index_cast %scan3A_299 : i32 to index
        %get3A_309 = arith.constant 32 : index
        %get3A_310 = tpu.vector_load %arg10[%get3A_308, %get3A_309] {strides = array<i32>} : memref<104x128xbf16, #tpu.memory_space<vmem>>, vector<1x32xbf16>,
        %get3A_311 = vector.shape_cast %get3A_310 : vector<1x32xbf16> to vector<32xbf16>
        %add3A_312 = arith.addf %scan3A_301, %get3A_311 : vector<32xbf16>
        %get3A_313 = arith.index_cast %scan3A_299 : i32 to index
        %get3A_314 = arith.constant 64 : index
        %get3A_315 = tpu.vector_load %arg10[%get3A_313, %get3A_314] {strides = array<i32>} : memref<104x128xbf16, #tpu.memory_space<vmem>>, vector<1x32xbf16>,
        %get3A_316 = vector.shape_cast %get3A_315 : vector<1x32xbf16> to vector<32xbf16>
        %add3A_317 = arith.addf %scan3A_302, %get3A_316 : vector<32xbf16>
        %get3A_318 = arith.index_cast %scan3A_299 : i32 to index
        %get3A_319 = arith.constant 96 : index
        %get3A_320 = tpu.vector_load %arg10[%get3A_318, %get3A_319] {strides = array<i32>} : memref<104x128xbf16, #tpu.memory_space<vmem>>, vector<1x32xbf16>,
        %get3A_321 = vector.shape_cast %get3A_320 : vector<1x32xbf16> to vector<32xbf16>
        %add3A_322 = arith.addf %scan3A_303, %get3A_321 : vector<32xbf16>
        scf.yield %add3A_307, %add3A_312, %add3A_317, %add3A_322 : vector<32xbf16>, vector<32xbf16>, vector<32xbf16>, vector<32xbf16>
      }
      %scan3A_272 = arith.constant 100 : i32
      %scan3A_273 = arith.constant 0 : i32
      %scan3A_274 = arith.constant 100 : i32
      %scan3A_275 = arith.addi %scan3A_273, %scan3A_274 : i32
      %scan3A_276 = arith.constant 1 : i32
      %scan3A_277:4 = scf.for %scan3A_299 = %scan3A_273 to %scan3A_275 step %scan3A_276 iter_args(%scan3A_300 = %scan3A_271#0, %scan3A_301 = %scan3A_271#1, %scan3A_302 = %scan3A_271#2, %scan3A_303 = %scan3A_271#3) -> (vector<32xbf16>, vector<32xbf16>, vector<32xbf16>, vector<32xbf16>)  : i32 {
        %get3A = arith.index_cast %scan3A_299 : i32 to index
        %get3A_304 = arith.constant 0 : index
        %get3A_305 = tpu.vector_load %arg11[%get3A, %get3A_304] {strides = array<i32>} : memref<104x128xbf16, #tpu.memory_space<vmem>>, vector<1x32xbf16>,
        %get3A_306 = vector.shape_cast %get3A_305 : vector<1x32xbf16> to vector<32xbf16>
        %add3A_307 = arith.addf %scan3A_300, %get3A_306 : vector<32xbf16>
        %get3A_308 = arith.index_cast %scan3A_299 : i32 to index
        %get3A_309 = arith.constant 32 : index
        %get3A_310 = tpu.vector_load %arg11[%get3A_308, %get3A_309] {strides = array<i32>} : memref<104x128xbf16, #tpu.memory_space<vmem>>, vector<1x32xbf16>,
        %get3A_311 = vector.shape_cast %get3A_310 : vector<1x32xbf16> to vector<32xbf16>
        %add3A_312 = arith.addf %scan3A_301, %get3A_311 : vector<32xbf16>
        %get3A_313 = arith.index_cast %scan3A_299 : i32 to index
        %get3A_314 = arith.constant 64 : index
        %get3A_315 = tpu.vector_load %arg11[%get3A_313, %get3A_314] {strides = array<i32>} : memref<104x128xbf16, #tpu.memory_space<vmem>>, vector<1x32xbf16>,
        %get3A_316 = vector.shape_cast %get3A_315 : vector<1x32xbf16> to vector<32xbf16>
        %add3A_317 = arith.addf %scan3A_302, %get3A_316 : vector<32xbf16>
        %get3A_318 = arith.index_cast %scan3A_299 : i32 to index
        %get3A_319 = arith.constant 96 : index
        %get3A_320 = tpu.vector_load %arg11[%get3A_318, %get3A_319] {strides = array<i32>} : memref<104x128xbf16, #tpu.memory_space<vmem>>, vector<1x32xbf16>,
        %get3A_321 = vector.shape_cast %get3A_320 : vector<1x32xbf16> to vector<32xbf16>
        %add3A_322 = arith.addf %scan3A_303, %get3A_321 : vector<32xbf16>
        scf.yield %add3A_307, %add3A_312, %add3A_317, %add3A_322 : vector<32xbf16>, vector<32xbf16>, vector<32xbf16>, vector<32xbf16>
      }
      %scan3A_278 = arith.constant 100 : i32
      %swap3A_279 = arith.index_cast %add3A_258 : i32 to index
      %swap3A_280 = arith.constant 0 : index
      %swap3A_281 = tpu.vector_load %arg12[%swap3A_279, %swap3A_280] {strides = array<i32>} : memref<512x128xbf16, #tpu.memory_space<vmem>>, vector<1x32xbf16>,
      %swap3A_282 = vector.shape_cast %swap3A_281 : vector<1x32xbf16> to vector<32xbf16>
      %swap3A_283 = vector.shape_cast %scan3A_277#0 : vector<32xbf16> to vector<1x32xbf16>
      tpu.vector_store %arg12[%swap3A_279, %swap3A_280], %swap3A_283 {strides = array<i32>} : memref<512x128xbf16, #tpu.memory_space<vmem>>, vector<1x32xbf16>,
      %swap3A_284 = arith.index_cast %add3A_258 : i32 to index
      %swap3A_285 = arith.constant 32 : index
      %swap3A_286 = tpu.vector_load %arg12[%swap3A_284, %swap3A_285] {strides = array<i32>} : memref<512x128xbf16, #tpu.memory_space<vmem>>, vector<1x32xbf16>,
      %swap3A_287 = vector.shape_cast %swap3A_286 : vector<1x32xbf16> to vector<32xbf16>
      %swap3A_288 = vector.shape_cast %scan3A_277#1 : vector<32xbf16> to vector<1x32xbf16>
      tpu.vector_store %arg12[%swap3A_284, %swap3A_285], %swap3A_288 {strides = array<i32>} : memref<512x128xbf16, #tpu.memory_space<vmem>>, vector<1x32xbf16>,
      %swap3A_289 = arith.index_cast %add3A_258 : i32 to index
      %swap3A_290 = arith.constant 64 : index
      %swap3A_291 = tpu.vector_load %arg12[%swap3A_289, %swap3A_290] {strides = array<i32>} : memref<512x128xbf16, #tpu.memory_space<vmem>>, vector<1x32xbf16>,
      %swap3A_292 = vector.shape_cast %swap3A_291 : vector<1x32xbf16> to vector<32xbf16>
      %swap3A_293 = vector.shape_cast %scan3A_277#2 : vector<32xbf16> to vector<1x32xbf16>
      tpu.vector_store %arg12[%swap3A_289, %swap3A_290], %swap3A_293 {strides = array<i32>} : memref<512x128xbf16, #tpu.memory_space<vmem>>, vector<1x32xbf16>,
      %swap3A_294 = arith.index_cast %add3A_258 : i32 to index
      %swap3A_295 = arith.constant 96 : index
      %swap3A_296 = tpu.vector_load %arg12[%swap3A_294, %swap3A_295] {strides = array<i32>} : memref<512x128xbf16, #tpu.memory_space<vmem>>, vector<1x32xbf16>,
      %swap3A_297 = vector.shape_cast %swap3A_296 : vector<1x32xbf16> to vector<32xbf16>
      %swap3A_298 = vector.shape_cast %scan3A_277#3 : vector<32xbf16> to vector<1x32xbf16>
      tpu.vector_store %arg12[%swap3A_294, %swap3A_295], %swap3A_298 {strides = array<i32>} : memref<512x128xbf16, #tpu.memory_space<vmem>>, vector<1x32xbf16>,
    }
    %scan3A_55 = arith.constant 32 : i32
    %add3A_56 = arith.constant 0 : i32
    %add3A_57 = arith.addi %mul3A_2, %add3A_56 : i32
    %mul3A_58 = arith.constant 2 : i32
    %mul3A_59 = arith.muli %add3A_57, %mul3A_58 : i32
    %dma_wait3A_60 = arith.constant 0 : i32
    %dma_wait3A_61 = tpu.memref_slice %arg3[%mul3A_59, %dma_wait3A_60] : memref<32768x104xi32, #tpu.memory_space<hbm>> -> memref<128x104xi32, #tpu.memory_space<hbm>>
    %dma_wait3A_62 = arith.constant 0 : i32
    %dma_wait3A_63 = tpu.memref_slice %arg3[%mul3A_59, %dma_wait3A_62] : memref<32768x104xi32, #tpu.memory_space<hbm>> -> memref<128x104xi32, #tpu.memory_space<hbm>>
    tpu.wait_dma2 semaphore(%arg15 : memref<!tpu.dma_semaphore, #tpu.memory_space<semaphore_mem>>) src(%dma_wait3A_63 : memref<128x104xi32, #tpu.memory_space<hbm>>) dst(%arg5 : memref<128x104xi32, #tpu.memory_space<vmem>>)
    %add3A_64 = arith.constant 256 : i32
    %add3A_65 = arith.addi %mul3A_2, %add3A_64 : i32
    %mul3A_66 = arith.constant 2 : i32
    %mul3A_67 = arith.muli %add3A_65, %mul3A_66 : i32
    %dma_start3A_68 = arith.constant 0 : i32
    %dma_start3A_69 = tpu.memref_slice %arg3[%mul3A_67, %dma_start3A_68] : memref<32768x104xi32, #tpu.memory_space<hbm>> -> memref<128x104xi32, #tpu.memory_space<hbm>>
    %dma_start3A_70 = arith.constant 0 : i32
    %dma_start3A_71 = tpu.memref_slice %arg3[%mul3A_67, %dma_start3A_70] : memref<32768x104xi32, #tpu.memory_space<hbm>> -> memref<128x104xi32, #tpu.memory_space<hbm>>
    tpu.enqueue_dma source(%dma_start3A_71 : memref<128x104xi32, #tpu.memory_space<hbm>>) target(%arg6 : memref<128x104xi32, #tpu.memory_space<vmem>>) target_semaphore(%arg15 : memref<!tpu.dma_semaphore, #tpu.memory_space<semaphore_mem>>)
    %scan3A_72 = arith.constant 0 : i32
    %scan3A_73 = arith.constant 32 : i32
    %scan3A_74 = arith.addi %scan3A_72, %scan3A_73 : i32
    %scan3A_75 = arith.constant 1 : i32
    scf.for %scan3A_158 = %scan3A_72 to %scan3A_74 step %scan3A_75  : i32 {
      %mul3A_159 = arith.constant 1 : i32
      %mul3A_160 = arith.muli %scan3A_158, %mul3A_159 : i32
      %add3A_161 = arith.constant 0 : i32
      %add3A_162 = arith.addi %add3A_161, %mul3A_160 : i32
      %mul3A_163 = arith.constant 2 : i32
      %mul3A_164 = arith.muli %mul3A_163, %add3A_162 : i32
      %add3A_165 = arith.constant 128 : i32
      %add3A_166 = arith.addi %add3A_165, %mul3A_164 : i32
      %mul3A_167 = arith.constant 2 : i32
      %mul3A_168 = arith.muli %mul3A_167, %add3A_162 : i32
      %add3A_169 = arith.constant 1 : i32
      %add3A_170 = arith.addi %mul3A_168, %add3A_169 : i32
      %mul3A_171 = arith.constant 2 : i32
      %mul3A_172 = arith.muli %mul3A_171, %add3A_170 : i32
      %dma_start3A_173 = arith.constant 0 : i32
      %dma_start3A_174 = tpu.memref_slice %arg7[%mul3A_172, %dma_start3A_173] : memref<128x104xi32, #tpu.memory_space<vmem>> -> memref<1x104xi32, #tpu.memory_space<vmem>>
      %dma_start3A_175 = tpu.memref_squeeze %dma_start3A_174 : memref<1x104xi32, #tpu.memory_space<vmem>> -> memref<104xi32, #tpu.memory_space<vmem>>
      %dma_start3A_176 = arith.constant 0 : i32
      %dma_start3A_177 = arith.constant 0 : i32
      %dma_start3A_178 = tpu.memref_slice %arg2[%dma_start3A_176, %dma_start3A_177] : memref<100000x128xbf16, #tpu.memory_space<hbm>> -> memref<100000x128xbf16, #tpu.memory_space<hbm>>
      tpu.enqueue_indirect_dma source(%dma_start3A_178 : memref<100000x128xbf16, #tpu.memory_space<hbm>>) target(%arg10 : memref<104x128xbf16, #tpu.memory_space<vmem>>) offsets(%dma_start3A_175 : memref<104xi32, #tpu.memory_space<vmem>>) semaphore(%arg14 : memref<!tpu.dma_semaphore, #tpu.memory_space<semaphore_mem>>)
      %mul3A_179 = arith.constant 2 : i32
      %mul3A_180 = arith.muli %mul3A_179, %add3A_170 : i32
      %add3A_181 = arith.constant 1 : i32
      %add3A_182 = arith.addi %mul3A_180, %add3A_181 : i32
      %dma_start3A_183 = arith.constant 0 : i32
      %dma_start3A_184 = tpu.memref_slice %arg7[%add3A_182, %dma_start3A_183] : memref<128x104xi32, #tpu.memory_space<vmem>> -> memref<1x104xi32, #tpu.memory_space<vmem>>
      %dma_start3A_185 = tpu.memref_squeeze %dma_start3A_184 : memref<1x104xi32, #tpu.memory_space<vmem>> -> memref<104xi32, #tpu.memory_space<vmem>>
      %dma_start3A_186 = arith.constant 0 : i32
      %dma_start3A_187 = arith.constant 0 : i32
      %dma_start3A_188 = tpu.memref_slice %arg2[%dma_start3A_186, %dma_start3A_187] : memref<100000x128xbf16, #tpu.memory_space<hbm>> -> memref<100000x128xbf16, #tpu.memory_space<hbm>>
      tpu.enqueue_indirect_dma source(%dma_start3A_188 : memref<100000x128xbf16, #tpu.memory_space<hbm>>) target(%arg11 : memref<104x128xbf16, #tpu.memory_space<vmem>>) offsets(%dma_start3A_185 : memref<104xi32, #tpu.memory_space<vmem>>) semaphore(%arg14 : memref<!tpu.dma_semaphore, #tpu.memory_space<semaphore_mem>>)
      %dma_wait3A_189 = arith.constant 0 : i32
      %dma_wait3A_190 = arith.constant 0 : i32
      %dma_wait3A_191 = tpu.memref_slice %arg2[%dma_wait3A_189, %dma_wait3A_190] : memref<100000x128xbf16, #tpu.memory_space<hbm>> -> memref<104x128xbf16, #tpu.memory_space<hbm>>
      %dma_wait3A_192 = arith.constant 0 : i32
      %dma_wait3A_193 = arith.constant 0 : i32
      %dma_wait3A_194 = tpu.memref_slice %arg2[%dma_wait3A_192, %dma_wait3A_193] : memref<100000x128xbf16, #tpu.memory_space<hbm>> -> memref<104x128xbf16, #tpu.memory_space<hbm>>
      tpu.wait_dma2 semaphore(%arg13 : memref<!tpu.dma_semaphore, #tpu.memory_space<semaphore_mem>>) src(%dma_wait3A_194 : memref<104x128xbf16, #tpu.memory_space<hbm>>) dst(%arg8 : memref<104x128xbf16, #tpu.memory_space<vmem>>)
      %dma_wait3A_195 = arith.constant 0 : i32
      %dma_wait3A_196 = arith.constant 0 : i32
      %dma_wait3A_197 = tpu.memref_slice %arg2[%dma_wait3A_195, %dma_wait3A_196] : memref<100000x128xbf16, #tpu.memory_space<hbm>> -> memref<104x128xbf16, #tpu.memory_space<hbm>>
      %dma_wait3A_198 = arith.constant 0 : i32
      %dma_wait3A_199 = arith.constant 0 : i32
      %dma_wait3A_200 = tpu.memref_slice %arg2[%dma_wait3A_198, %dma_wait3A_199] : memref<100000x128xbf16, #tpu.memory_space<hbm>> -> memref<104x128xbf16, #tpu.memory_space<hbm>>
      tpu.wait_dma2 semaphore(%arg13 : memref<!tpu.dma_semaphore, #tpu.memory_space<semaphore_mem>>) src(%dma_wait3A_200 : memref<104x128xbf16, #tpu.memory_space<hbm>>) dst(%arg9 : memref<104x128xbf16, #tpu.memory_space<vmem>>)
      %broadcast_in_dim3A = arith.constant 0.000000e+00 : bf16
      %broadcast_in_dim3A_201 = vector.broadcast %broadcast_in_dim3A : bf16 to vector<32xbf16>
      %broadcast_in_dim3A_202 = arith.constant 0.000000e+00 : bf16
      %broadcast_in_dim3A_203 = vector.broadcast %broadcast_in_dim3A_202 : bf16 to vector<32xbf16>
      %broadcast_in_dim3A_204 = arith.constant 0.000000e+00 : bf16
      %broadcast_in_dim3A_205 = vector.broadcast %broadcast_in_dim3A_204 : bf16 to vector<32xbf16>
      %broadcast_in_dim3A_206 = arith.constant 0.000000e+00 : bf16
      %broadcast_in_dim3A_207 = vector.broadcast %broadcast_in_dim3A_206 : bf16 to vector<32xbf16>
      %scan3A_208 = arith.constant 0 : i32
      %scan3A_209 = arith.constant 100 : i32
      %scan3A_210 = arith.addi %scan3A_208, %scan3A_209 : i32
      %scan3A_211 = arith.constant 1 : i32
      %scan3A_212:4 = scf.for %scan3A_299 = %scan3A_208 to %scan3A_210 step %scan3A_211 iter_args(%scan3A_300 = %broadcast_in_dim3A_201, %scan3A_301 = %broadcast_in_dim3A_203, %scan3A_302 = %broadcast_in_dim3A_205, %scan3A_303 = %broadcast_in_dim3A_207) -> (vector<32xbf16>, vector<32xbf16>, vector<32xbf16>, vector<32xbf16>)  : i32 {
        %get3A = arith.index_cast %scan3A_299 : i32 to index
        %get3A_304 = arith.constant 0 : index
        %get3A_305 = tpu.vector_load %arg8[%get3A, %get3A_304] {strides = array<i32>} : memref<104x128xbf16, #tpu.memory_space<vmem>>, vector<1x32xbf16>,
        %get3A_306 = vector.shape_cast %get3A_305 : vector<1x32xbf16> to vector<32xbf16>
        %add3A_307 = arith.addf %scan3A_300, %get3A_306 : vector<32xbf16>
        %get3A_308 = arith.index_cast %scan3A_299 : i32 to index
        %get3A_309 = arith.constant 32 : index
        %get3A_310 = tpu.vector_load %arg8[%get3A_308, %get3A_309] {strides = array<i32>} : memref<104x128xbf16, #tpu.memory_space<vmem>>, vector<1x32xbf16>,
        %get3A_311 = vector.shape_cast %get3A_310 : vector<1x32xbf16> to vector<32xbf16>
        %add3A_312 = arith.addf %scan3A_301, %get3A_311 : vector<32xbf16>
        %get3A_313 = arith.index_cast %scan3A_299 : i32 to index
        %get3A_314 = arith.constant 64 : index
        %get3A_315 = tpu.vector_load %arg8[%get3A_313, %get3A_314] {strides = array<i32>} : memref<104x128xbf16, #tpu.memory_space<vmem>>, vector<1x32xbf16>,
        %get3A_316 = vector.shape_cast %get3A_315 : vector<1x32xbf16> to vector<32xbf16>
        %add3A_317 = arith.addf %scan3A_302, %get3A_316 : vector<32xbf16>
        %get3A_318 = arith.index_cast %scan3A_299 : i32 to index
        %get3A_319 = arith.constant 96 : index
        %get3A_320 = tpu.vector_load %arg8[%get3A_318, %get3A_319] {strides = array<i32>} : memref<104x128xbf16, #tpu.memory_space<vmem>>, vector<1x32xbf16>,
        %get3A_321 = vector.shape_cast %get3A_320 : vector<1x32xbf16> to vector<32xbf16>
        %add3A_322 = arith.addf %scan3A_303, %get3A_321 : vector<32xbf16>
        scf.yield %add3A_307, %add3A_312, %add3A_317, %add3A_322 : vector<32xbf16>, vector<32xbf16>, vector<32xbf16>, vector<32xbf16>
      }
      %scan3A_213 = arith.constant 100 : i32
      %scan3A_214 = arith.constant 0 : i32
      %scan3A_215 = arith.constant 100 : i32
      %scan3A_216 = arith.addi %scan3A_214, %scan3A_215 : i32
      %scan3A_217 = arith.constant 1 : i32
      %scan3A_218:4 = scf.for %scan3A_299 = %scan3A_214 to %scan3A_216 step %scan3A_217 iter_args(%scan3A_300 = %scan3A_212#0, %scan3A_301 = %scan3A_212#1, %scan3A_302 = %scan3A_212#2, %scan3A_303 = %scan3A_212#3) -> (vector<32xbf16>, vector<32xbf16>, vector<32xbf16>, vector<32xbf16>)  : i32 {
        %get3A = arith.index_cast %scan3A_299 : i32 to index
        %get3A_304 = arith.constant 0 : index
        %get3A_305 = tpu.vector_load %arg9[%get3A, %get3A_304] {strides = array<i32>} : memref<104x128xbf16, #tpu.memory_space<vmem>>, vector<1x32xbf16>,
        %get3A_306 = vector.shape_cast %get3A_305 : vector<1x32xbf16> to vector<32xbf16>
        %add3A_307 = arith.addf %scan3A_300, %get3A_306 : vector<32xbf16>
        %get3A_308 = arith.index_cast %scan3A_299 : i32 to index
        %get3A_309 = arith.constant 32 : index
        %get3A_310 = tpu.vector_load %arg9[%get3A_308, %get3A_309] {strides = array<i32>} : memref<104x128xbf16, #tpu.memory_space<vmem>>, vector<1x32xbf16>,
        %get3A_311 = vector.shape_cast %get3A_310 : vector<1x32xbf16> to vector<32xbf16>
        %add3A_312 = arith.addf %scan3A_301, %get3A_311 : vector<32xbf16>
        %get3A_313 = arith.index_cast %scan3A_299 : i32 to index
        %get3A_314 = arith.constant 64 : index
        %get3A_315 = tpu.vector_load %arg9[%get3A_313, %get3A_314] {strides = array<i32>} : memref<104x128xbf16, #tpu.memory_space<vmem>>, vector<1x32xbf16>,
        %get3A_316 = vector.shape_cast %get3A_315 : vector<1x32xbf16> to vector<32xbf16>
        %add3A_317 = arith.addf %scan3A_302, %get3A_316 : vector<32xbf16>
        %get3A_318 = arith.index_cast %scan3A_299 : i32 to index
        %get3A_319 = arith.constant 96 : index
        %get3A_320 = tpu.vector_load %arg9[%get3A_318, %get3A_319] {strides = array<i32>} : memref<104x128xbf16, #tpu.memory_space<vmem>>, vector<1x32xbf16>,
        %get3A_321 = vector.shape_cast %get3A_320 : vector<1x32xbf16> to vector<32xbf16>
        %add3A_322 = arith.addf %scan3A_303, %get3A_321 : vector<32xbf16>
        scf.yield %add3A_307, %add3A_312, %add3A_317, %add3A_322 : vector<32xbf16>, vector<32xbf16>, vector<32xbf16>, vector<32xbf16>
      }
      %scan3A_219 = arith.constant 100 : i32
      %swap3A = arith.index_cast %add3A_166 : i32 to index
      %swap3A_220 = arith.constant 0 : index
      %swap3A_221 = tpu.vector_load %arg12[%swap3A, %swap3A_220] {strides = array<i32>} : memref<512x128xbf16, #tpu.memory_space<vmem>>, vector<1x32xbf16>,
      %swap3A_222 = vector.shape_cast %swap3A_221 : vector<1x32xbf16> to vector<32xbf16>
      %swap3A_223 = vector.shape_cast %scan3A_218#0 : vector<32xbf16> to vector<1x32xbf16>
      tpu.vector_store %arg12[%swap3A, %swap3A_220], %swap3A_223 {strides = array<i32>} : memref<512x128xbf16, #tpu.memory_space<vmem>>, vector<1x32xbf16>,
      %swap3A_224 = arith.index_cast %add3A_166 : i32 to index
      %swap3A_225 = arith.constant 32 : index
      %swap3A_226 = tpu.vector_load %arg12[%swap3A_224, %swap3A_225] {strides = array<i32>} : memref<512x128xbf16, #tpu.memory_space<vmem>>, vector<1x32xbf16>,
      %swap3A_227 = vector.shape_cast %swap3A_226 : vector<1x32xbf16> to vector<32xbf16>
      %swap3A_228 = vector.shape_cast %scan3A_218#1 : vector<32xbf16> to vector<1x32xbf16>
      tpu.vector_store %arg12[%swap3A_224, %swap3A_225], %swap3A_228 {strides = array<i32>} : memref<512x128xbf16, #tpu.memory_space<vmem>>, vector<1x32xbf16>,
      %swap3A_229 = arith.index_cast %add3A_166 : i32 to index
      %swap3A_230 = arith.constant 64 : index
      %swap3A_231 = tpu.vector_load %arg12[%swap3A_229, %swap3A_230] {strides = array<i32>} : memref<512x128xbf16, #tpu.memory_space<vmem>>, vector<1x32xbf16>,
      %swap3A_232 = vector.shape_cast %swap3A_231 : vector<1x32xbf16> to vector<32xbf16>
      %swap3A_233 = vector.shape_cast %scan3A_218#2 : vector<32xbf16> to vector<1x32xbf16>
      tpu.vector_store %arg12[%swap3A_229, %swap3A_230], %swap3A_233 {strides = array<i32>} : memref<512x128xbf16, #tpu.memory_space<vmem>>, vector<1x32xbf16>,
      %swap3A_234 = arith.index_cast %add3A_166 : i32 to index
      %swap3A_235 = arith.constant 96 : index
      %swap3A_236 = tpu.vector_load %arg12[%swap3A_234, %swap3A_235] {strides = array<i32>} : memref<512x128xbf16, #tpu.memory_space<vmem>>, vector<1x32xbf16>,
      %swap3A_237 = vector.shape_cast %swap3A_236 : vector<1x32xbf16> to vector<32xbf16>
      %swap3A_238 = vector.shape_cast %scan3A_218#3 : vector<32xbf16> to vector<1x32xbf16>
      tpu.vector_store %arg12[%swap3A_234, %swap3A_235], %swap3A_238 {strides = array<i32>} : memref<512x128xbf16, #tpu.memory_space<vmem>>, vector<1x32xbf16>,
      %lt3A = arith.constant 31 : i32
      %lt3A_239 = arith.cmpi slt, %add3A_162, %lt3A : i32
      %convert_element_type3A = arith.extui %lt3A_239 : i1 to i32
      %cond3A = arith.constant 0 : i32
      %cond3A_240 = arith.cmpi ne, %convert_element_type3A, %cond3A : i32
      scf.if %cond3A_240 {
        %mul3A_299 = arith.constant 2 : i32
        %mul3A_300 = arith.muli %mul3A_299, %add3A_162 : i32
        %add3A_301 = arith.constant 2 : i32
        %add3A_302 = arith.addi %mul3A_300, %add3A_301 : i32
        %mul3A_303 = arith.constant 2 : i32
        %mul3A_304 = arith.muli %mul3A_303, %add3A_302 : i32
        %dma_start3A_305 = arith.constant 0 : i32
        %dma_start3A_306 = tpu.memref_slice %arg7[%mul3A_304, %dma_start3A_305] : memref<128x104xi32, #tpu.memory_space<vmem>> -> memref<1x104xi32, #tpu.memory_space<vmem>>
        %dma_start3A_307 = tpu.memref_squeeze %dma_start3A_306 : memref<1x104xi32, #tpu.memory_space<vmem>> -> memref<104xi32, #tpu.memory_space<vmem>>
        %dma_start3A_308 = arith.constant 0 : i32
        %dma_start3A_309 = arith.constant 0 : i32
        %dma_start3A_310 = tpu.memref_slice %arg2[%dma_start3A_308, %dma_start3A_309] : memref<100000x128xbf16, #tpu.memory_space<hbm>> -> memref<100000x128xbf16, #tpu.memory_space<hbm>>
        tpu.enqueue_indirect_dma source(%dma_start3A_310 : memref<100000x128xbf16, #tpu.memory_space<hbm>>) target(%arg8 : memref<104x128xbf16, #tpu.memory_space<vmem>>) offsets(%dma_start3A_307 : memref<104xi32, #tpu.memory_space<vmem>>) semaphore(%arg13 : memref<!tpu.dma_semaphore, #tpu.memory_space<semaphore_mem>>)
        %mul3A_311 = arith.constant 2 : i32
        %mul3A_312 = arith.muli %mul3A_311, %add3A_302 : i32
        %add3A_313 = arith.constant 1 : i32
        %add3A_314 = arith.addi %mul3A_312, %add3A_313 : i32
        %dma_start3A_315 = arith.constant 0 : i32
        %dma_start3A_316 = tpu.memref_slice %arg7[%add3A_314, %dma_start3A_315] : memref<128x104xi32, #tpu.memory_space<vmem>> -> memref<1x104xi32, #tpu.memory_space<vmem>>
        %dma_start3A_317 = tpu.memref_squeeze %dma_start3A_316 : memref<1x104xi32, #tpu.memory_space<vmem>> -> memref<104xi32, #tpu.memory_space<vmem>>
        %dma_start3A_318 = arith.constant 0 : i32
        %dma_start3A_319 = arith.constant 0 : i32
        %dma_start3A_320 = tpu.memref_slice %arg2[%dma_start3A_318, %dma_start3A_319] : memref<100000x128xbf16, #tpu.memory_space<hbm>> -> memref<100000x128xbf16, #tpu.memory_space<hbm>>
        tpu.enqueue_indirect_dma source(%dma_start3A_320 : memref<100000x128xbf16, #tpu.memory_space<hbm>>) target(%arg9 : memref<104x128xbf16, #tpu.memory_space<vmem>>) offsets(%dma_start3A_317 : memref<104xi32, #tpu.memory_space<vmem>>) semaphore(%arg13 : memref<!tpu.dma_semaphore, #tpu.memory_space<semaphore_mem>>)
      } else {
      }
      %eq3A = arith.constant 31 : i32
      %eq3A_241 = arith.cmpi eq, %add3A_162, %eq3A : i32
      %convert_element_type3A_242 = arith.extui %eq3A_241 : i1 to i32
      %cond3A_243 = arith.constant 0 : i32
      %cond3A_244 = arith.cmpi ne, %convert_element_type3A_242, %cond3A_243 : i32
      scf.if %cond3A_244 {
        %dma_start3A_299 = arith.constant 0 : i32
        %dma_start3A_300 = arith.constant 0 : i32
        %dma_start3A_301 = tpu.memref_slice %arg5[%dma_start3A_299, %dma_start3A_300] : memref<128x104xi32, #tpu.memory_space<vmem>> -> memref<1x104xi32, #tpu.memory_space<vmem>>
        %dma_start3A_302 = tpu.memref_squeeze %dma_start3A_301 : memref<1x104xi32, #tpu.memory_space<vmem>> -> memref<104xi32, #tpu.memory_space<vmem>>
        %dma_start3A_303 = arith.constant 0 : i32
        %dma_start3A_304 = arith.constant 0 : i32
        %dma_start3A_305 = tpu.memref_slice %arg2[%dma_start3A_303, %dma_start3A_304] : memref<100000x128xbf16, #tpu.memory_space<hbm>> -> memref<100000x128xbf16, #tpu.memory_space<hbm>>
        tpu.enqueue_indirect_dma source(%dma_start3A_305 : memref<100000x128xbf16, #tpu.memory_space<hbm>>) target(%arg8 : memref<104x128xbf16, #tpu.memory_space<vmem>>) offsets(%dma_start3A_302 : memref<104xi32, #tpu.memory_space<vmem>>) semaphore(%arg13 : memref<!tpu.dma_semaphore, #tpu.memory_space<semaphore_mem>>)
        %dma_start3A_306 = arith.constant 1 : i32
        %dma_start3A_307 = arith.constant 0 : i32
        %dma_start3A_308 = tpu.memref_slice %arg5[%dma_start3A_306, %dma_start3A_307] : memref<128x104xi32, #tpu.memory_space<vmem>> -> memref<1x104xi32, #tpu.memory_space<vmem>>
        %dma_start3A_309 = tpu.memref_squeeze %dma_start3A_308 : memref<1x104xi32, #tpu.memory_space<vmem>> -> memref<104xi32, #tpu.memory_space<vmem>>
        %dma_start3A_310 = arith.constant 0 : i32
        %dma_start3A_311 = arith.constant 0 : i32
        %dma_start3A_312 = tpu.memref_slice %arg2[%dma_start3A_310, %dma_start3A_311] : memref<100000x128xbf16, #tpu.memory_space<hbm>> -> memref<100000x128xbf16, #tpu.memory_space<hbm>>
        tpu.enqueue_indirect_dma source(%dma_start3A_312 : memref<100000x128xbf16, #tpu.memory_space<hbm>>) target(%arg9 : memref<104x128xbf16, #tpu.memory_space<vmem>>) offsets(%dma_start3A_309 : memref<104xi32, #tpu.memory_space<vmem>>) semaphore(%arg13 : memref<!tpu.dma_semaphore, #tpu.memory_space<semaphore_mem>>)
      } else {
      }
      %dma_wait3A_245 = arith.constant 0 : i32
      %dma_wait3A_246 = arith.constant 0 : i32
      %dma_wait3A_247 = tpu.memref_slice %arg2[%dma_wait3A_245, %dma_wait3A_246] : memref<100000x128xbf16, #tpu.memory_space<hbm>> -> memref<104x128xbf16, #tpu.memory_space<hbm>>
      %dma_wait3A_248 = arith.constant 0 : i32
      %dma_wait3A_249 = arith.constant 0 : i32
      %dma_wait3A_250 = tpu.memref_slice %arg2[%dma_wait3A_248, %dma_wait3A_249] : memref<100000x128xbf16, #tpu.memory_space<hbm>> -> memref<104x128xbf16, #tpu.memory_space<hbm>>
      tpu.wait_dma2 semaphore(%arg14 : memref<!tpu.dma_semaphore, #tpu.memory_space<semaphore_mem>>) src(%dma_wait3A_250 : memref<104x128xbf16, #tpu.memory_space<hbm>>) dst(%arg10 : memref<104x128xbf16, #tpu.memory_space<vmem>>)
      %dma_wait3A_251 = arith.constant 0 : i32
      %dma_wait3A_252 = arith.constant 0 : i32
      %dma_wait3A_253 = tpu.memref_slice %arg2[%dma_wait3A_251, %dma_wait3A_252] : memref<100000x128xbf16, #tpu.memory_space<hbm>> -> memref<104x128xbf16, #tpu.memory_space<hbm>>
      %dma_wait3A_254 = arith.constant 0 : i32
      %dma_wait3A_255 = arith.constant 0 : i32
      %dma_wait3A_256 = tpu.memref_slice %arg2[%dma_wait3A_254, %dma_wait3A_255] : memref<100000x128xbf16, #tpu.memory_space<hbm>> -> memref<104x128xbf16, #tpu.memory_space<hbm>>
      tpu.wait_dma2 semaphore(%arg14 : memref<!tpu.dma_semaphore, #tpu.memory_space<semaphore_mem>>) src(%dma_wait3A_256 : memref<104x128xbf16, #tpu.memory_space<hbm>>) dst(%arg11 : memref<104x128xbf16, #tpu.memory_space<vmem>>)
      %add3A_257 = arith.constant 1 : i32
      %add3A_258 = arith.addi %add3A_166, %add3A_257 : i32
      %broadcast_in_dim3A_259 = arith.constant 0.000000e+00 : bf16
      %broadcast_in_dim3A_260 = vector.broadcast %broadcast_in_dim3A_259 : bf16 to vector<32xbf16>
      %broadcast_in_dim3A_261 = arith.constant 0.000000e+00 : bf16
      %broadcast_in_dim3A_262 = vector.broadcast %broadcast_in_dim3A_261 : bf16 to vector<32xbf16>
      %broadcast_in_dim3A_263 = arith.constant 0.000000e+00 : bf16
      %broadcast_in_dim3A_264 = vector.broadcast %broadcast_in_dim3A_263 : bf16 to vector<32xbf16>
      %broadcast_in_dim3A_265 = arith.constant 0.000000e+00 : bf16
      %broadcast_in_dim3A_266 = vector.broadcast %broadcast_in_dim3A_265 : bf16 to vector<32xbf16>
      %scan3A_267 = arith.constant 0 : i32
      %scan3A_268 = arith.constant 100 : i32
      %scan3A_269 = arith.addi %scan3A_267, %scan3A_268 : i32
      %scan3A_270 = arith.constant 1 : i32
      %scan3A_271:4 = scf.for %scan3A_299 = %scan3A_267 to %scan3A_269 step %scan3A_270 iter_args(%scan3A_300 = %broadcast_in_dim3A_260, %scan3A_301 = %broadcast_in_dim3A_262, %scan3A_302 = %broadcast_in_dim3A_264, %scan3A_303 = %broadcast_in_dim3A_266) -> (vector<32xbf16>, vector<32xbf16>, vector<32xbf16>, vector<32xbf16>)  : i32 {
        %get3A = arith.index_cast %scan3A_299 : i32 to index
        %get3A_304 = arith.constant 0 : index
        %get3A_305 = tpu.vector_load %arg10[%get3A, %get3A_304] {strides = array<i32>} : memref<104x128xbf16, #tpu.memory_space<vmem>>, vector<1x32xbf16>,
        %get3A_306 = vector.shape_cast %get3A_305 : vector<1x32xbf16> to vector<32xbf16>
        %add3A_307 = arith.addf %scan3A_300, %get3A_306 : vector<32xbf16>
        %get3A_308 = arith.index_cast %scan3A_299 : i32 to index
        %get3A_309 = arith.constant 32 : index
        %get3A_310 = tpu.vector_load %arg10[%get3A_308, %get3A_309] {strides = array<i32>} : memref<104x128xbf16, #tpu.memory_space<vmem>>, vector<1x32xbf16>,
        %get3A_311 = vector.shape_cast %get3A_310 : vector<1x32xbf16> to vector<32xbf16>
        %add3A_312 = arith.addf %scan3A_301, %get3A_311 : vector<32xbf16>
        %get3A_313 = arith.index_cast %scan3A_299 : i32 to index
        %get3A_314 = arith.constant 64 : index
        %get3A_315 = tpu.vector_load %arg10[%get3A_313, %get3A_314] {strides = array<i32>} : memref<104x128xbf16, #tpu.memory_space<vmem>>, vector<1x32xbf16>,
        %get3A_316 = vector.shape_cast %get3A_315 : vector<1x32xbf16> to vector<32xbf16>
        %add3A_317 = arith.addf %scan3A_302, %get3A_316 : vector<32xbf16>
        %get3A_318 = arith.index_cast %scan3A_299 : i32 to index
        %get3A_319 = arith.constant 96 : index
        %get3A_320 = tpu.vector_load %arg10[%get3A_318, %get3A_319] {strides = array<i32>} : memref<104x128xbf16, #tpu.memory_space<vmem>>, vector<1x32xbf16>,
        %get3A_321 = vector.shape_cast %get3A_320 : vector<1x32xbf16> to vector<32xbf16>
        %add3A_322 = arith.addf %scan3A_303, %get3A_321 : vector<32xbf16>
        scf.yield %add3A_307, %add3A_312, %add3A_317, %add3A_322 : vector<32xbf16>, vector<32xbf16>, vector<32xbf16>, vector<32xbf16>
      }
      %scan3A_272 = arith.constant 100 : i32
      %scan3A_273 = arith.constant 0 : i32
      %scan3A_274 = arith.constant 100 : i32
      %scan3A_275 = arith.addi %scan3A_273, %scan3A_274 : i32
      %scan3A_276 = arith.constant 1 : i32
      %scan3A_277:4 = scf.for %scan3A_299 = %scan3A_273 to %scan3A_275 step %scan3A_276 iter_args(%scan3A_300 = %scan3A_271#0, %scan3A_301 = %scan3A_271#1, %scan3A_302 = %scan3A_271#2, %scan3A_303 = %scan3A_271#3) -> (vector<32xbf16>, vector<32xbf16>, vector<32xbf16>, vector<32xbf16>)  : i32 {
        %get3A = arith.index_cast %scan3A_299 : i32 to index
        %get3A_304 = arith.constant 0 : index
        %get3A_305 = tpu.vector_load %arg11[%get3A, %get3A_304] {strides = array<i32>} : memref<104x128xbf16, #tpu.memory_space<vmem>>, vector<1x32xbf16>,
        %get3A_306 = vector.shape_cast %get3A_305 : vector<1x32xbf16> to vector<32xbf16>
        %add3A_307 = arith.addf %scan3A_300, %get3A_306 : vector<32xbf16>
        %get3A_308 = arith.index_cast %scan3A_299 : i32 to index
        %get3A_309 = arith.constant 32 : index
        %get3A_310 = tpu.vector_load %arg11[%get3A_308, %get3A_309] {strides = array<i32>} : memref<104x128xbf16, #tpu.memory_space<vmem>>, vector<1x32xbf16>,
        %get3A_311 = vector.shape_cast %get3A_310 : vector<1x32xbf16> to vector<32xbf16>
        %add3A_312 = arith.addf %scan3A_301, %get3A_311 : vector<32xbf16>
        %get3A_313 = arith.index_cast %scan3A_299 : i32 to index
        %get3A_314 = arith.constant 64 : index
        %get3A_315 = tpu.vector_load %arg11[%get3A_313, %get3A_314] {strides = array<i32>} : memref<104x128xbf16, #tpu.memory_space<vmem>>, vector<1x32xbf16>,
        %get3A_316 = vector.shape_cast %get3A_315 : vector<1x32xbf16> to vector<32xbf16>
        %add3A_317 = arith.addf %scan3A_302, %get3A_316 : vector<32xbf16>
        %get3A_318 = arith.index_cast %scan3A_299 : i32 to index
        %get3A_319 = arith.constant 96 : index
        %get3A_320 = tpu.vector_load %arg11[%get3A_318, %get3A_319] {strides = array<i32>} : memref<104x128xbf16, #tpu.memory_space<vmem>>, vector<1x32xbf16>,
        %get3A_321 = vector.shape_cast %get3A_320 : vector<1x32xbf16> to vector<32xbf16>
        %add3A_322 = arith.addf %scan3A_303, %get3A_321 : vector<32xbf16>
        scf.yield %add3A_307, %add3A_312, %add3A_317, %add3A_322 : vector<32xbf16>, vector<32xbf16>, vector<32xbf16>, vector<32xbf16>
      }
      %scan3A_278 = arith.constant 100 : i32
      %swap3A_279 = arith.index_cast %add3A_258 : i32 to index
      %swap3A_280 = arith.constant 0 : index
      %swap3A_281 = tpu.vector_load %arg12[%swap3A_279, %swap3A_280] {strides = array<i32>} : memref<512x128xbf16, #tpu.memory_space<vmem>>, vector<1x32xbf16>,
      %swap3A_282 = vector.shape_cast %swap3A_281 : vector<1x32xbf16> to vector<32xbf16>
      %swap3A_283 = vector.shape_cast %scan3A_277#0 : vector<32xbf16> to vector<1x32xbf16>
      tpu.vector_store %arg12[%swap3A_279, %swap3A_280], %swap3A_283 {strides = array<i32>} : memref<512x128xbf16, #tpu.memory_space<vmem>>, vector<1x32xbf16>,
      %swap3A_284 = arith.index_cast %add3A_258 : i32 to index
      %swap3A_285 = arith.constant 32 : index
      %swap3A_286 = tpu.vector_load %arg12[%swap3A_284, %swap3A_285] {strides = array<i32>} : memref<512x128xbf16, #tpu.memory_space<vmem>>, vector<1x32xbf16>,
      %swap3A_287 = vector.shape_cast %swap3A_286 : vector<1x32xbf16> to vector<32xbf16>
      %swap3A_288 = vector.shape_cast %scan3A_277#1 : vector<32xbf16> to vector<1x32xbf16>
      tpu.vector_store %arg12[%swap3A_284, %swap3A_285], %swap3A_288 {strides = array<i32>} : memref<512x128xbf16, #tpu.memory_space<vmem>>, vector<1x32xbf16>,
      %swap3A_289 = arith.index_cast %add3A_258 : i32 to index
      %swap3A_290 = arith.constant 64 : index
      %swap3A_291 = tpu.vector_load %arg12[%swap3A_289, %swap3A_290] {strides = array<i32>} : memref<512x128xbf16, #tpu.memory_space<vmem>>, vector<1x32xbf16>,
      %swap3A_292 = vector.shape_cast %swap3A_291 : vector<1x32xbf16> to vector<32xbf16>
      %swap3A_293 = vector.shape_cast %scan3A_277#2 : vector<32xbf16> to vector<1x32xbf16>
      tpu.vector_store %arg12[%swap3A_289, %swap3A_290], %swap3A_293 {strides = array<i32>} : memref<512x128xbf16, #tpu.memory_space<vmem>>, vector<1x32xbf16>,
      %swap3A_294 = arith.index_cast %add3A_258 : i32 to index
      %swap3A_295 = arith.constant 96 : index
      %swap3A_296 = tpu.vector_load %arg12[%swap3A_294, %swap3A_295] {strides = array<i32>} : memref<512x128xbf16, #tpu.memory_space<vmem>>, vector<1x32xbf16>,
      %swap3A_297 = vector.shape_cast %swap3A_296 : vector<1x32xbf16> to vector<32xbf16>
      %swap3A_298 = vector.shape_cast %scan3A_277#3 : vector<32xbf16> to vector<1x32xbf16>
      tpu.vector_store %arg12[%swap3A_294, %swap3A_295], %swap3A_298 {strides = array<i32>} : memref<512x128xbf16, #tpu.memory_space<vmem>>, vector<1x32xbf16>,
    }
    %scan3A_76 = arith.constant 32 : i32
    %add3A_77 = arith.constant 0 : i32
    %add3A_78 = arith.addi %mul3A_2, %add3A_77 : i32
    %mul3A_79 = arith.constant 2 : i32
    %mul3A_80 = arith.muli %add3A_78, %mul3A_79 : i32
    %dma_wait3A_81 = arith.constant 0 : i32
    %dma_wait3A_82 = tpu.memref_slice %arg3[%mul3A_80, %dma_wait3A_81] : memref<32768x104xi32, #tpu.memory_space<hbm>> -> memref<128x104xi32, #tpu.memory_space<hbm>>
    %dma_wait3A_83 = arith.constant 0 : i32
    %dma_wait3A_84 = tpu.memref_slice %arg3[%mul3A_80, %dma_wait3A_83] : memref<32768x104xi32, #tpu.memory_space<hbm>> -> memref<128x104xi32, #tpu.memory_space<hbm>>
    tpu.wait_dma2 semaphore(%arg15 : memref<!tpu.dma_semaphore, #tpu.memory_space<semaphore_mem>>) src(%dma_wait3A_84 : memref<128x104xi32, #tpu.memory_space<hbm>>) dst(%arg6 : memref<128x104xi32, #tpu.memory_space<vmem>>)
    %add3A_85 = arith.constant 320 : i32
    %add3A_86 = arith.addi %mul3A_2, %add3A_85 : i32
    %mul3A_87 = arith.constant 2 : i32
    %mul3A_88 = arith.muli %add3A_86, %mul3A_87 : i32
    %dma_start3A_89 = arith.constant 0 : i32
    %dma_start3A_90 = tpu.memref_slice %arg3[%mul3A_88, %dma_start3A_89] : memref<32768x104xi32, #tpu.memory_space<hbm>> -> memref<128x104xi32, #tpu.memory_space<hbm>>
    %dma_start3A_91 = arith.constant 0 : i32
    %dma_start3A_92 = tpu.memref_slice %arg3[%mul3A_88, %dma_start3A_91] : memref<32768x104xi32, #tpu.memory_space<hbm>> -> memref<128x104xi32, #tpu.memory_space<hbm>>
    tpu.enqueue_dma source(%dma_start3A_92 : memref<128x104xi32, #tpu.memory_space<hbm>>) target(%arg7 : memref<128x104xi32, #tpu.memory_space<vmem>>) target_semaphore(%arg15 : memref<!tpu.dma_semaphore, #tpu.memory_space<semaphore_mem>>)
    %scan3A_93 = arith.constant 0 : i32
    %scan3A_94 = arith.constant 32 : i32
    %scan3A_95 = arith.addi %scan3A_93, %scan3A_94 : i32
    %scan3A_96 = arith.constant 1 : i32
    scf.for %scan3A_158 = %scan3A_93 to %scan3A_95 step %scan3A_96  : i32 {
      %mul3A_159 = arith.constant 1 : i32
      %mul3A_160 = arith.muli %scan3A_158, %mul3A_159 : i32
      %add3A_161 = arith.constant 0 : i32
      %add3A_162 = arith.addi %add3A_161, %mul3A_160 : i32
      %mul3A_163 = arith.constant 2 : i32
      %mul3A_164 = arith.muli %mul3A_163, %add3A_162 : i32
      %add3A_165 = arith.constant 192 : i32
      %add3A_166 = arith.addi %add3A_165, %mul3A_164 : i32
      %mul3A_167 = arith.constant 2 : i32
      %mul3A_168 = arith.muli %mul3A_167, %add3A_162 : i32
      %add3A_169 = arith.constant 1 : i32
      %add3A_170 = arith.addi %mul3A_168, %add3A_169 : i32
      %mul3A_171 = arith.constant 2 : i32
      %mul3A_172 = arith.muli %mul3A_171, %add3A_170 : i32
      %dma_start3A_173 = arith.constant 0 : i32
      %dma_start3A_174 = tpu.memref_slice %arg5[%mul3A_172, %dma_start3A_173] : memref<128x104xi32, #tpu.memory_space<vmem>> -> memref<1x104xi32, #tpu.memory_space<vmem>>
      %dma_start3A_175 = tpu.memref_squeeze %dma_start3A_174 : memref<1x104xi32, #tpu.memory_space<vmem>> -> memref<104xi32, #tpu.memory_space<vmem>>
      %dma_start3A_176 = arith.constant 0 : i32
      %dma_start3A_177 = arith.constant 0 : i32
      %dma_start3A_178 = tpu.memref_slice %arg2[%dma_start3A_176, %dma_start3A_177] : memref<100000x128xbf16, #tpu.memory_space<hbm>> -> memref<100000x128xbf16, #tpu.memory_space<hbm>>
      tpu.enqueue_indirect_dma source(%dma_start3A_178 : memref<100000x128xbf16, #tpu.memory_space<hbm>>) target(%arg10 : memref<104x128xbf16, #tpu.memory_space<vmem>>) offsets(%dma_start3A_175 : memref<104xi32, #tpu.memory_space<vmem>>) semaphore(%arg14 : memref<!tpu.dma_semaphore, #tpu.memory_space<semaphore_mem>>)
      %mul3A_179 = arith.constant 2 : i32
      %mul3A_180 = arith.muli %mul3A_179, %add3A_170 : i32
      %add3A_181 = arith.constant 1 : i32
      %add3A_182 = arith.addi %mul3A_180, %add3A_181 : i32
      %dma_start3A_183 = arith.constant 0 : i32
      %dma_start3A_184 = tpu.memref_slice %arg5[%add3A_182, %dma_start3A_183] : memref<128x104xi32, #tpu.memory_space<vmem>> -> memref<1x104xi32, #tpu.memory_space<vmem>>
      %dma_start3A_185 = tpu.memref_squeeze %dma_start3A_184 : memref<1x104xi32, #tpu.memory_space<vmem>> -> memref<104xi32, #tpu.memory_space<vmem>>
      %dma_start3A_186 = arith.constant 0 : i32
      %dma_start3A_187 = arith.constant 0 : i32
      %dma_start3A_188 = tpu.memref_slice %arg2[%dma_start3A_186, %dma_start3A_187] : memref<100000x128xbf16, #tpu.memory_space<hbm>> -> memref<100000x128xbf16, #tpu.memory_space<hbm>>
      tpu.enqueue_indirect_dma source(%dma_start3A_188 : memref<100000x128xbf16, #tpu.memory_space<hbm>>) target(%arg11 : memref<104x128xbf16, #tpu.memory_space<vmem>>) offsets(%dma_start3A_185 : memref<104xi32, #tpu.memory_space<vmem>>) semaphore(%arg14 : memref<!tpu.dma_semaphore, #tpu.memory_space<semaphore_mem>>)
      %dma_wait3A_189 = arith.constant 0 : i32
      %dma_wait3A_190 = arith.constant 0 : i32
      %dma_wait3A_191 = tpu.memref_slice %arg2[%dma_wait3A_189, %dma_wait3A_190] : memref<100000x128xbf16, #tpu.memory_space<hbm>> -> memref<104x128xbf16, #tpu.memory_space<hbm>>
      %dma_wait3A_192 = arith.constant 0 : i32
      %dma_wait3A_193 = arith.constant 0 : i32
      %dma_wait3A_194 = tpu.memref_slice %arg2[%dma_wait3A_192, %dma_wait3A_193] : memref<100000x128xbf16, #tpu.memory_space<hbm>> -> memref<104x128xbf16, #tpu.memory_space<hbm>>
      tpu.wait_dma2 semaphore(%arg13 : memref<!tpu.dma_semaphore, #tpu.memory_space<semaphore_mem>>) src(%dma_wait3A_194 : memref<104x128xbf16, #tpu.memory_space<hbm>>) dst(%arg8 : memref<104x128xbf16, #tpu.memory_space<vmem>>)
      %dma_wait3A_195 = arith.constant 0 : i32
      %dma_wait3A_196 = arith.constant 0 : i32
      %dma_wait3A_197 = tpu.memref_slice %arg2[%dma_wait3A_195, %dma_wait3A_196] : memref<100000x128xbf16, #tpu.memory_space<hbm>> -> memref<104x128xbf16, #tpu.memory_space<hbm>>
      %dma_wait3A_198 = arith.constant 0 : i32
      %dma_wait3A_199 = arith.constant 0 : i32
      %dma_wait3A_200 = tpu.memref_slice %arg2[%dma_wait3A_198, %dma_wait3A_199] : memref<100000x128xbf16, #tpu.memory_space<hbm>> -> memref<104x128xbf16, #tpu.memory_space<hbm>>
      tpu.wait_dma2 semaphore(%arg13 : memref<!tpu.dma_semaphore, #tpu.memory_space<semaphore_mem>>) src(%dma_wait3A_200 : memref<104x128xbf16, #tpu.memory_space<hbm>>) dst(%arg9 : memref<104x128xbf16, #tpu.memory_space<vmem>>)
      %broadcast_in_dim3A = arith.constant 0.000000e+00 : bf16
      %broadcast_in_dim3A_201 = vector.broadcast %broadcast_in_dim3A : bf16 to vector<32xbf16>
      %broadcast_in_dim3A_202 = arith.constant 0.000000e+00 : bf16
      %broadcast_in_dim3A_203 = vector.broadcast %broadcast_in_dim3A_202 : bf16 to vector<32xbf16>
      %broadcast_in_dim3A_204 = arith.constant 0.000000e+00 : bf16
      %broadcast_in_dim3A_205 = vector.broadcast %broadcast_in_dim3A_204 : bf16 to vector<32xbf16>
      %broadcast_in_dim3A_206 = arith.constant 0.000000e+00 : bf16
      %broadcast_in_dim3A_207 = vector.broadcast %broadcast_in_dim3A_206 : bf16 to vector<32xbf16>
      %scan3A_208 = arith.constant 0 : i32
      %scan3A_209 = arith.constant 100 : i32
      %scan3A_210 = arith.addi %scan3A_208, %scan3A_209 : i32
      %scan3A_211 = arith.constant 1 : i32
      %scan3A_212:4 = scf.for %scan3A_299 = %scan3A_208 to %scan3A_210 step %scan3A_211 iter_args(%scan3A_300 = %broadcast_in_dim3A_201, %scan3A_301 = %broadcast_in_dim3A_203, %scan3A_302 = %broadcast_in_dim3A_205, %scan3A_303 = %broadcast_in_dim3A_207) -> (vector<32xbf16>, vector<32xbf16>, vector<32xbf16>, vector<32xbf16>)  : i32 {
        %get3A = arith.index_cast %scan3A_299 : i32 to index
        %get3A_304 = arith.constant 0 : index
        %get3A_305 = tpu.vector_load %arg8[%get3A, %get3A_304] {strides = array<i32>} : memref<104x128xbf16, #tpu.memory_space<vmem>>, vector<1x32xbf16>,
        %get3A_306 = vector.shape_cast %get3A_305 : vector<1x32xbf16> to vector<32xbf16>
        %add3A_307 = arith.addf %scan3A_300, %get3A_306 : vector<32xbf16>
        %get3A_308 = arith.index_cast %scan3A_299 : i32 to index
        %get3A_309 = arith.constant 32 : index
        %get3A_310 = tpu.vector_load %arg8[%get3A_308, %get3A_309] {strides = array<i32>} : memref<104x128xbf16, #tpu.memory_space<vmem>>, vector<1x32xbf16>,
        %get3A_311 = vector.shape_cast %get3A_310 : vector<1x32xbf16> to vector<32xbf16>
        %add3A_312 = arith.addf %scan3A_301, %get3A_311 : vector<32xbf16>
        %get3A_313 = arith.index_cast %scan3A_299 : i32 to index
        %get3A_314 = arith.constant 64 : index
        %get3A_315 = tpu.vector_load %arg8[%get3A_313, %get3A_314] {strides = array<i32>} : memref<104x128xbf16, #tpu.memory_space<vmem>>, vector<1x32xbf16>,
        %get3A_316 = vector.shape_cast %get3A_315 : vector<1x32xbf16> to vector<32xbf16>
        %add3A_317 = arith.addf %scan3A_302, %get3A_316 : vector<32xbf16>
        %get3A_318 = arith.index_cast %scan3A_299 : i32 to index
        %get3A_319 = arith.constant 96 : index
        %get3A_320 = tpu.vector_load %arg8[%get3A_318, %get3A_319] {strides = array<i32>} : memref<104x128xbf16, #tpu.memory_space<vmem>>, vector<1x32xbf16>,
        %get3A_321 = vector.shape_cast %get3A_320 : vector<1x32xbf16> to vector<32xbf16>
        %add3A_322 = arith.addf %scan3A_303, %get3A_321 : vector<32xbf16>
        scf.yield %add3A_307, %add3A_312, %add3A_317, %add3A_322 : vector<32xbf16>, vector<32xbf16>, vector<32xbf16>, vector<32xbf16>
      }
      %scan3A_213 = arith.constant 100 : i32
      %scan3A_214 = arith.constant 0 : i32
      %scan3A_215 = arith.constant 100 : i32
      %scan3A_216 = arith.addi %scan3A_214, %scan3A_215 : i32
      %scan3A_217 = arith.constant 1 : i32
      %scan3A_218:4 = scf.for %scan3A_299 = %scan3A_214 to %scan3A_216 step %scan3A_217 iter_args(%scan3A_300 = %scan3A_212#0, %scan3A_301 = %scan3A_212#1, %scan3A_302 = %scan3A_212#2, %scan3A_303 = %scan3A_212#3) -> (vector<32xbf16>, vector<32xbf16>, vector<32xbf16>, vector<32xbf16>)  : i32 {
        %get3A = arith.index_cast %scan3A_299 : i32 to index
        %get3A_304 = arith.constant 0 : index
        %get3A_305 = tpu.vector_load %arg9[%get3A, %get3A_304] {strides = array<i32>} : memref<104x128xbf16, #tpu.memory_space<vmem>>, vector<1x32xbf16>,
        %get3A_306 = vector.shape_cast %get3A_305 : vector<1x32xbf16> to vector<32xbf16>
        %add3A_307 = arith.addf %scan3A_300, %get3A_306 : vector<32xbf16>
        %get3A_308 = arith.index_cast %scan3A_299 : i32 to index
        %get3A_309 = arith.constant 32 : index
        %get3A_310 = tpu.vector_load %arg9[%get3A_308, %get3A_309] {strides = array<i32>} : memref<104x128xbf16, #tpu.memory_space<vmem>>, vector<1x32xbf16>,
        %get3A_311 = vector.shape_cast %get3A_310 : vector<1x32xbf16> to vector<32xbf16>
        %add3A_312 = arith.addf %scan3A_301, %get3A_311 : vector<32xbf16>
        %get3A_313 = arith.index_cast %scan3A_299 : i32 to index
        %get3A_314 = arith.constant 64 : index
        %get3A_315 = tpu.vector_load %arg9[%get3A_313, %get3A_314] {strides = array<i32>} : memref<104x128xbf16, #tpu.memory_space<vmem>>, vector<1x32xbf16>,
        %get3A_316 = vector.shape_cast %get3A_315 : vector<1x32xbf16> to vector<32xbf16>
        %add3A_317 = arith.addf %scan3A_302, %get3A_316 : vector<32xbf16>
        %get3A_318 = arith.index_cast %scan3A_299 : i32 to index
        %get3A_319 = arith.constant 96 : index
        %get3A_320 = tpu.vector_load %arg9[%get3A_318, %get3A_319] {strides = array<i32>} : memref<104x128xbf16, #tpu.memory_space<vmem>>, vector<1x32xbf16>,
        %get3A_321 = vector.shape_cast %get3A_320 : vector<1x32xbf16> to vector<32xbf16>
        %add3A_322 = arith.addf %scan3A_303, %get3A_321 : vector<32xbf16>
        scf.yield %add3A_307, %add3A_312, %add3A_317, %add3A_322 : vector<32xbf16>, vector<32xbf16>, vector<32xbf16>, vector<32xbf16>
      }
      %scan3A_219 = arith.constant 100 : i32
      %swap3A = arith.index_cast %add3A_166 : i32 to index
      %swap3A_220 = arith.constant 0 : index
      %swap3A_221 = tpu.vector_load %arg12[%swap3A, %swap3A_220] {strides = array<i32>} : memref<512x128xbf16, #tpu.memory_space<vmem>>, vector<1x32xbf16>,
      %swap3A_222 = vector.shape_cast %swap3A_221 : vector<1x32xbf16> to vector<32xbf16>
      %swap3A_223 = vector.shape_cast %scan3A_218#0 : vector<32xbf16> to vector<1x32xbf16>
      tpu.vector_store %arg12[%swap3A, %swap3A_220], %swap3A_223 {strides = array<i32>} : memref<512x128xbf16, #tpu.memory_space<vmem>>, vector<1x32xbf16>,
      %swap3A_224 = arith.index_cast %add3A_166 : i32 to index
      %swap3A_225 = arith.constant 32 : index
      %swap3A_226 = tpu.vector_load %arg12[%swap3A_224, %swap3A_225] {strides = array<i32>} : memref<512x128xbf16, #tpu.memory_space<vmem>>, vector<1x32xbf16>,
      %swap3A_227 = vector.shape_cast %swap3A_226 : vector<1x32xbf16> to vector<32xbf16>
      %swap3A_228 = vector.shape_cast %scan3A_218#1 : vector<32xbf16> to vector<1x32xbf16>
      tpu.vector_store %arg12[%swap3A_224, %swap3A_225], %swap3A_228 {strides = array<i32>} : memref<512x128xbf16, #tpu.memory_space<vmem>>, vector<1x32xbf16>,
      %swap3A_229 = arith.index_cast %add3A_166 : i32 to index
      %swap3A_230 = arith.constant 64 : index
      %swap3A_231 = tpu.vector_load %arg12[%swap3A_229, %swap3A_230] {strides = array<i32>} : memref<512x128xbf16, #tpu.memory_space<vmem>>, vector<1x32xbf16>,
      %swap3A_232 = vector.shape_cast %swap3A_231 : vector<1x32xbf16> to vector<32xbf16>
      %swap3A_233 = vector.shape_cast %scan3A_218#2 : vector<32xbf16> to vector<1x32xbf16>
      tpu.vector_store %arg12[%swap3A_229, %swap3A_230], %swap3A_233 {strides = array<i32>} : memref<512x128xbf16, #tpu.memory_space<vmem>>, vector<1x32xbf16>,
      %swap3A_234 = arith.index_cast %add3A_166 : i32 to index
      %swap3A_235 = arith.constant 96 : index
      %swap3A_236 = tpu.vector_load %arg12[%swap3A_234, %swap3A_235] {strides = array<i32>} : memref<512x128xbf16, #tpu.memory_space<vmem>>, vector<1x32xbf16>,
      %swap3A_237 = vector.shape_cast %swap3A_236 : vector<1x32xbf16> to vector<32xbf16>
      %swap3A_238 = vector.shape_cast %scan3A_218#3 : vector<32xbf16> to vector<1x32xbf16>
      tpu.vector_store %arg12[%swap3A_234, %swap3A_235], %swap3A_238 {strides = array<i32>} : memref<512x128xbf16, #tpu.memory_space<vmem>>, vector<1x32xbf16>,
      %lt3A = arith.constant 31 : i32
      %lt3A_239 = arith.cmpi slt, %add3A_162, %lt3A : i32
      %convert_element_type3A = arith.extui %lt3A_239 : i1 to i32
      %cond3A = arith.constant 0 : i32
      %cond3A_240 = arith.cmpi ne, %convert_element_type3A, %cond3A : i32
      scf.if %cond3A_240 {
        %mul3A_299 = arith.constant 2 : i32
        %mul3A_300 = arith.muli %mul3A_299, %add3A_162 : i32
        %add3A_301 = arith.constant 2 : i32
        %add3A_302 = arith.addi %mul3A_300, %add3A_301 : i32
        %mul3A_303 = arith.constant 2 : i32
        %mul3A_304 = arith.muli %mul3A_303, %add3A_302 : i32
        %dma_start3A_305 = arith.constant 0 : i32
        %dma_start3A_306 = tpu.memref_slice %arg5[%mul3A_304, %dma_start3A_305] : memref<128x104xi32, #tpu.memory_space<vmem>> -> memref<1x104xi32, #tpu.memory_space<vmem>>
        %dma_start3A_307 = tpu.memref_squeeze %dma_start3A_306 : memref<1x104xi32, #tpu.memory_space<vmem>> -> memref<104xi32, #tpu.memory_space<vmem>>
        %dma_start3A_308 = arith.constant 0 : i32
        %dma_start3A_309 = arith.constant 0 : i32
        %dma_start3A_310 = tpu.memref_slice %arg2[%dma_start3A_308, %dma_start3A_309] : memref<100000x128xbf16, #tpu.memory_space<hbm>> -> memref<100000x128xbf16, #tpu.memory_space<hbm>>
        tpu.enqueue_indirect_dma source(%dma_start3A_310 : memref<100000x128xbf16, #tpu.memory_space<hbm>>) target(%arg8 : memref<104x128xbf16, #tpu.memory_space<vmem>>) offsets(%dma_start3A_307 : memref<104xi32, #tpu.memory_space<vmem>>) semaphore(%arg13 : memref<!tpu.dma_semaphore, #tpu.memory_space<semaphore_mem>>)
        %mul3A_311 = arith.constant 2 : i32
        %mul3A_312 = arith.muli %mul3A_311, %add3A_302 : i32
        %add3A_313 = arith.constant 1 : i32
        %add3A_314 = arith.addi %mul3A_312, %add3A_313 : i32
        %dma_start3A_315 = arith.constant 0 : i32
        %dma_start3A_316 = tpu.memref_slice %arg5[%add3A_314, %dma_start3A_315] : memref<128x104xi32, #tpu.memory_space<vmem>> -> memref<1x104xi32, #tpu.memory_space<vmem>>
        %dma_start3A_317 = tpu.memref_squeeze %dma_start3A_316 : memref<1x104xi32, #tpu.memory_space<vmem>> -> memref<104xi32, #tpu.memory_space<vmem>>
        %dma_start3A_318 = arith.constant 0 : i32
        %dma_start3A_319 = arith.constant 0 : i32
        %dma_start3A_320 = tpu.memref_slice %arg2[%dma_start3A_318, %dma_start3A_319] : memref<100000x128xbf16, #tpu.memory_space<hbm>> -> memref<100000x128xbf16, #tpu.memory_space<hbm>>
        tpu.enqueue_indirect_dma source(%dma_start3A_320 : memref<100000x128xbf16, #tpu.memory_space<hbm>>) target(%arg9 : memref<104x128xbf16, #tpu.memory_space<vmem>>) offsets(%dma_start3A_317 : memref<104xi32, #tpu.memory_space<vmem>>) semaphore(%arg13 : memref<!tpu.dma_semaphore, #tpu.memory_space<semaphore_mem>>)
      } else {
      }
      %eq3A = arith.constant 31 : i32
      %eq3A_241 = arith.cmpi eq, %add3A_162, %eq3A : i32
      %convert_element_type3A_242 = arith.extui %eq3A_241 : i1 to i32
      %cond3A_243 = arith.constant 0 : i32
      %cond3A_244 = arith.cmpi ne, %convert_element_type3A_242, %cond3A_243 : i32
      scf.if %cond3A_244 {
        %dma_start3A_299 = arith.constant 0 : i32
        %dma_start3A_300 = arith.constant 0 : i32
        %dma_start3A_301 = tpu.memref_slice %arg6[%dma_start3A_299, %dma_start3A_300] : memref<128x104xi32, #tpu.memory_space<vmem>> -> memref<1x104xi32, #tpu.memory_space<vmem>>
        %dma_start3A_302 = tpu.memref_squeeze %dma_start3A_301 : memref<1x104xi32, #tpu.memory_space<vmem>> -> memref<104xi32, #tpu.memory_space<vmem>>
        %dma_start3A_303 = arith.constant 0 : i32
        %dma_start3A_304 = arith.constant 0 : i32
        %dma_start3A_305 = tpu.memref_slice %arg2[%dma_start3A_303, %dma_start3A_304] : memref<100000x128xbf16, #tpu.memory_space<hbm>> -> memref<100000x128xbf16, #tpu.memory_space<hbm>>
        tpu.enqueue_indirect_dma source(%dma_start3A_305 : memref<100000x128xbf16, #tpu.memory_space<hbm>>) target(%arg8 : memref<104x128xbf16, #tpu.memory_space<vmem>>) offsets(%dma_start3A_302 : memref<104xi32, #tpu.memory_space<vmem>>) semaphore(%arg13 : memref<!tpu.dma_semaphore, #tpu.memory_space<semaphore_mem>>)
        %dma_start3A_306 = arith.constant 1 : i32
        %dma_start3A_307 = arith.constant 0 : i32
        %dma_start3A_308 = tpu.memref_slice %arg6[%dma_start3A_306, %dma_start3A_307] : memref<128x104xi32, #tpu.memory_space<vmem>> -> memref<1x104xi32, #tpu.memory_space<vmem>>
        %dma_start3A_309 = tpu.memref_squeeze %dma_start3A_308 : memref<1x104xi32, #tpu.memory_space<vmem>> -> memref<104xi32, #tpu.memory_space<vmem>>
        %dma_start3A_310 = arith.constant 0 : i32
        %dma_start3A_311 = arith.constant 0 : i32
        %dma_start3A_312 = tpu.memref_slice %arg2[%dma_start3A_310, %dma_start3A_311] : memref<100000x128xbf16, #tpu.memory_space<hbm>> -> memref<100000x128xbf16, #tpu.memory_space<hbm>>
        tpu.enqueue_indirect_dma source(%dma_start3A_312 : memref<100000x128xbf16, #tpu.memory_space<hbm>>) target(%arg9 : memref<104x128xbf16, #tpu.memory_space<vmem>>) offsets(%dma_start3A_309 : memref<104xi32, #tpu.memory_space<vmem>>) semaphore(%arg13 : memref<!tpu.dma_semaphore, #tpu.memory_space<semaphore_mem>>)
      } else {
      }
      %dma_wait3A_245 = arith.constant 0 : i32
      %dma_wait3A_246 = arith.constant 0 : i32
      %dma_wait3A_247 = tpu.memref_slice %arg2[%dma_wait3A_245, %dma_wait3A_246] : memref<100000x128xbf16, #tpu.memory_space<hbm>> -> memref<104x128xbf16, #tpu.memory_space<hbm>>
      %dma_wait3A_248 = arith.constant 0 : i32
      %dma_wait3A_249 = arith.constant 0 : i32
      %dma_wait3A_250 = tpu.memref_slice %arg2[%dma_wait3A_248, %dma_wait3A_249] : memref<100000x128xbf16, #tpu.memory_space<hbm>> -> memref<104x128xbf16, #tpu.memory_space<hbm>>
      tpu.wait_dma2 semaphore(%arg14 : memref<!tpu.dma_semaphore, #tpu.memory_space<semaphore_mem>>) src(%dma_wait3A_250 : memref<104x128xbf16, #tpu.memory_space<hbm>>) dst(%arg10 : memref<104x128xbf16, #tpu.memory_space<vmem>>)
      %dma_wait3A_251 = arith.constant 0 : i32
      %dma_wait3A_252 = arith.constant 0 : i32
      %dma_wait3A_253 = tpu.memref_slice %arg2[%dma_wait3A_251, %dma_wait3A_252] : memref<100000x128xbf16, #tpu.memory_space<hbm>> -> memref<104x128xbf16, #tpu.memory_space<hbm>>
      %dma_wait3A_254 = arith.constant 0 : i32
      %dma_wait3A_255 = arith.constant 0 : i32
      %dma_wait3A_256 = tpu.memref_slice %arg2[%dma_wait3A_254, %dma_wait3A_255] : memref<100000x128xbf16, #tpu.memory_space<hbm>> -> memref<104x128xbf16, #tpu.memory_space<hbm>>
      tpu.wait_dma2 semaphore(%arg14 : memref<!tpu.dma_semaphore, #tpu.memory_space<semaphore_mem>>) src(%dma_wait3A_256 : memref<104x128xbf16, #tpu.memory_space<hbm>>) dst(%arg11 : memref<104x128xbf16, #tpu.memory_space<vmem>>)
      %add3A_257 = arith.constant 1 : i32
      %add3A_258 = arith.addi %add3A_166, %add3A_257 : i32
      %broadcast_in_dim3A_259 = arith.constant 0.000000e+00 : bf16
      %broadcast_in_dim3A_260 = vector.broadcast %broadcast_in_dim3A_259 : bf16 to vector<32xbf16>
      %broadcast_in_dim3A_261 = arith.constant 0.000000e+00 : bf16
      %broadcast_in_dim3A_262 = vector.broadcast %broadcast_in_dim3A_261 : bf16 to vector<32xbf16>
      %broadcast_in_dim3A_263 = arith.constant 0.000000e+00 : bf16
      %broadcast_in_dim3A_264 = vector.broadcast %broadcast_in_dim3A_263 : bf16 to vector<32xbf16>
      %broadcast_in_dim3A_265 = arith.constant 0.000000e+00 : bf16
      %broadcast_in_dim3A_266 = vector.broadcast %broadcast_in_dim3A_265 : bf16 to vector<32xbf16>
      %scan3A_267 = arith.constant 0 : i32
      %scan3A_268 = arith.constant 100 : i32
      %scan3A_269 = arith.addi %scan3A_267, %scan3A_268 : i32
      %scan3A_270 = arith.constant 1 : i32
      %scan3A_271:4 = scf.for %scan3A_299 = %scan3A_267 to %scan3A_269 step %scan3A_270 iter_args(%scan3A_300 = %broadcast_in_dim3A_260, %scan3A_301 = %broadcast_in_dim3A_262, %scan3A_302 = %broadcast_in_dim3A_264, %scan3A_303 = %broadcast_in_dim3A_266) -> (vector<32xbf16>, vector<32xbf16>, vector<32xbf16>, vector<32xbf16>)  : i32 {
        %get3A = arith.index_cast %scan3A_299 : i32 to index
        %get3A_304 = arith.constant 0 : index
        %get3A_305 = tpu.vector_load %arg10[%get3A, %get3A_304] {strides = array<i32>} : memref<104x128xbf16, #tpu.memory_space<vmem>>, vector<1x32xbf16>,
        %get3A_306 = vector.shape_cast %get3A_305 : vector<1x32xbf16> to vector<32xbf16>
        %add3A_307 = arith.addf %scan3A_300, %get3A_306 : vector<32xbf16>
        %get3A_308 = arith.index_cast %scan3A_299 : i32 to index
        %get3A_309 = arith.constant 32 : index
        %get3A_310 = tpu.vector_load %arg10[%get3A_308, %get3A_309] {strides = array<i32>} : memref<104x128xbf16, #tpu.memory_space<vmem>>, vector<1x32xbf16>,
        %get3A_311 = vector.shape_cast %get3A_310 : vector<1x32xbf16> to vector<32xbf16>
        %add3A_312 = arith.addf %scan3A_301, %get3A_311 : vector<32xbf16>
        %get3A_313 = arith.index_cast %scan3A_299 : i32 to index
        %get3A_314 = arith.constant 64 : index
        %get3A_315 = tpu.vector_load %arg10[%get3A_313, %get3A_314] {strides = array<i32>} : memref<104x128xbf16, #tpu.memory_space<vmem>>, vector<1x32xbf16>,
        %get3A_316 = vector.shape_cast %get3A_315 : vector<1x32xbf16> to vector<32xbf16>
        %add3A_317 = arith.addf %scan3A_302, %get3A_316 : vector<32xbf16>
        %get3A_318 = arith.index_cast %scan3A_299 : i32 to index
        %get3A_319 = arith.constant 96 : index
        %get3A_320 = tpu.vector_load %arg10[%get3A_318, %get3A_319] {strides = array<i32>} : memref<104x128xbf16, #tpu.memory_space<vmem>>, vector<1x32xbf16>,
        %get3A_321 = vector.shape_cast %get3A_320 : vector<1x32xbf16> to vector<32xbf16>
        %add3A_322 = arith.addf %scan3A_303, %get3A_321 : vector<32xbf16>
        scf.yield %add3A_307, %add3A_312, %add3A_317, %add3A_322 : vector<32xbf16>, vector<32xbf16>, vector<32xbf16>, vector<32xbf16>
      }
      %scan3A_272 = arith.constant 100 : i32
      %scan3A_273 = arith.constant 0 : i32
      %scan3A_274 = arith.constant 100 : i32
      %scan3A_275 = arith.addi %scan3A_273, %scan3A_274 : i32
      %scan3A_276 = arith.constant 1 : i32
      %scan3A_277:4 = scf.for %scan3A_299 = %scan3A_273 to %scan3A_275 step %scan3A_276 iter_args(%scan3A_300 = %scan3A_271#0, %scan3A_301 = %scan3A_271#1, %scan3A_302 = %scan3A_271#2, %scan3A_303 = %scan3A_271#3) -> (vector<32xbf16>, vector<32xbf16>, vector<32xbf16>, vector<32xbf16>)  : i32 {
        %get3A = arith.index_cast %scan3A_299 : i32 to index
        %get3A_304 = arith.constant 0 : index
        %get3A_305 = tpu.vector_load %arg11[%get3A, %get3A_304] {strides = array<i32>} : memref<104x128xbf16, #tpu.memory_space<vmem>>, vector<1x32xbf16>,
        %get3A_306 = vector.shape_cast %get3A_305 : vector<1x32xbf16> to vector<32xbf16>
        %add3A_307 = arith.addf %scan3A_300, %get3A_306 : vector<32xbf16>
        %get3A_308 = arith.index_cast %scan3A_299 : i32 to index
        %get3A_309 = arith.constant 32 : index
        %get3A_310 = tpu.vector_load %arg11[%get3A_308, %get3A_309] {strides = array<i32>} : memref<104x128xbf16, #tpu.memory_space<vmem>>, vector<1x32xbf16>,
        %get3A_311 = vector.shape_cast %get3A_310 : vector<1x32xbf16> to vector<32xbf16>
        %add3A_312 = arith.addf %scan3A_301, %get3A_311 : vector<32xbf16>
        %get3A_313 = arith.index_cast %scan3A_299 : i32 to index
        %get3A_314 = arith.constant 64 : index
        %get3A_315 = tpu.vector_load %arg11[%get3A_313, %get3A_314] {strides = array<i32>} : memref<104x128xbf16, #tpu.memory_space<vmem>>, vector<1x32xbf16>,
        %get3A_316 = vector.shape_cast %get3A_315 : vector<1x32xbf16> to vector<32xbf16>
        %add3A_317 = arith.addf %scan3A_302, %get3A_316 : vector<32xbf16>
        %get3A_318 = arith.index_cast %scan3A_299 : i32 to index
        %get3A_319 = arith.constant 96 : index
        %get3A_320 = tpu.vector_load %arg11[%get3A_318, %get3A_319] {strides = array<i32>} : memref<104x128xbf16, #tpu.memory_space<vmem>>, vector<1x32xbf16>,
        %get3A_321 = vector.shape_cast %get3A_320 : vector<1x32xbf16> to vector<32xbf16>
        %add3A_322 = arith.addf %scan3A_303, %get3A_321 : vector<32xbf16>
        scf.yield %add3A_307, %add3A_312, %add3A_317, %add3A_322 : vector<32xbf16>, vector<32xbf16>, vector<32xbf16>, vector<32xbf16>
      }
      %scan3A_278 = arith.constant 100 : i32
      %swap3A_279 = arith.index_cast %add3A_258 : i32 to index
      %swap3A_280 = arith.constant 0 : index
      %swap3A_281 = tpu.vector_load %arg12[%swap3A_279, %swap3A_280] {strides = array<i32>} : memref<512x128xbf16, #tpu.memory_space<vmem>>, vector<1x32xbf16>,
      %swap3A_282 = vector.shape_cast %swap3A_281 : vector<1x32xbf16> to vector<32xbf16>
      %swap3A_283 = vector.shape_cast %scan3A_277#0 : vector<32xbf16> to vector<1x32xbf16>
      tpu.vector_store %arg12[%swap3A_279, %swap3A_280], %swap3A_283 {strides = array<i32>} : memref<512x128xbf16, #tpu.memory_space<vmem>>, vector<1x32xbf16>,
      %swap3A_284 = arith.index_cast %add3A_258 : i32 to index
      %swap3A_285 = arith.constant 32 : index
      %swap3A_286 = tpu.vector_load %arg12[%swap3A_284, %swap3A_285] {strides = array<i32>} : memref<512x128xbf16, #tpu.memory_space<vmem>>, vector<1x32xbf16>,
      %swap3A_287 = vector.shape_cast %swap3A_286 : vector<1x32xbf16> to vector<32xbf16>
      %swap3A_288 = vector.shape_cast %scan3A_277#1 : vector<32xbf16> to vector<1x32xbf16>
      tpu.vector_store %arg12[%swap3A_284, %swap3A_285], %swap3A_288 {strides = array<i32>} : memref<512x128xbf16, #tpu.memory_space<vmem>>, vector<1x32xbf16>,
      %swap3A_289 = arith.index_cast %add3A_258 : i32 to index
      %swap3A_290 = arith.constant 64 : index
      %swap3A_291 = tpu.vector_load %arg12[%swap3A_289, %swap3A_290] {strides = array<i32>} : memref<512x128xbf16, #tpu.memory_space<vmem>>, vector<1x32xbf16>,
      %swap3A_292 = vector.shape_cast %swap3A_291 : vector<1x32xbf16> to vector<32xbf16>
      %swap3A_293 = vector.shape_cast %scan3A_277#2 : vector<32xbf16> to vector<1x32xbf16>
      tpu.vector_store %arg12[%swap3A_289, %swap3A_290], %swap3A_293 {strides = array<i32>} : memref<512x128xbf16, #tpu.memory_space<vmem>>, vector<1x32xbf16>,
      %swap3A_294 = arith.index_cast %add3A_258 : i32 to index
      %swap3A_295 = arith.constant 96 : index
      %swap3A_296 = tpu.vector_load %arg12[%swap3A_294, %swap3A_295] {strides = array<i32>} : memref<512x128xbf16, #tpu.memory_space<vmem>>, vector<1x32xbf16>,
      %swap3A_297 = vector.shape_cast %swap3A_296 : vector<1x32xbf16> to vector<32xbf16>
      %swap3A_298 = vector.shape_cast %scan3A_277#3 : vector<32xbf16> to vector<1x32xbf16>
      tpu.vector_store %arg12[%swap3A_294, %swap3A_295], %swap3A_298 {strides = array<i32>} : memref<512x128xbf16, #tpu.memory_space<vmem>>, vector<1x32xbf16>,
    }
    %scan3A_97 = arith.constant 32 : i32
    %add3A_98 = arith.constant 0 : i32
    %add3A_99 = arith.addi %mul3A_2, %add3A_98 : i32
    %mul3A_100 = arith.constant 2 : i32
    %mul3A_101 = arith.muli %add3A_99, %mul3A_100 : i32
    %dma_wait3A_102 = arith.constant 0 : i32
    %dma_wait3A_103 = tpu.memref_slice %arg3[%mul3A_101, %dma_wait3A_102] : memref<32768x104xi32, #tpu.memory_space<hbm>> -> memref<128x104xi32, #tpu.memory_space<hbm>>
    %dma_wait3A_104 = arith.constant 0 : i32
    %dma_wait3A_105 = tpu.memref_slice %arg3[%mul3A_101, %dma_wait3A_104] : memref<32768x104xi32, #tpu.memory_space<hbm>> -> memref<128x104xi32, #tpu.memory_space<hbm>>
    tpu.wait_dma2 semaphore(%arg15 : memref<!tpu.dma_semaphore, #tpu.memory_space<semaphore_mem>>) src(%dma_wait3A_105 : memref<128x104xi32, #tpu.memory_space<hbm>>) dst(%arg7 : memref<128x104xi32, #tpu.memory_space<vmem>>)
    %add3A_106 = arith.constant 384 : i32
    %add3A_107 = arith.addi %mul3A_2, %add3A_106 : i32
    %mul3A_108 = arith.constant 2 : i32
    %mul3A_109 = arith.muli %add3A_107, %mul3A_108 : i32
    %dma_start3A_110 = arith.constant 0 : i32
    %dma_start3A_111 = tpu.memref_slice %arg3[%mul3A_109, %dma_start3A_110] : memref<32768x104xi32, #tpu.memory_space<hbm>> -> memref<128x104xi32, #tpu.memory_space<hbm>>
    %dma_start3A_112 = arith.constant 0 : i32
    %dma_start3A_113 = tpu.memref_slice %arg3[%mul3A_109, %dma_start3A_112] : memref<32768x104xi32, #tpu.memory_space<hbm>> -> memref<128x104xi32, #tpu.memory_space<hbm>>
    tpu.enqueue_dma source(%dma_start3A_113 : memref<128x104xi32, #tpu.memory_space<hbm>>) target(%arg5 : memref<128x104xi32, #tpu.memory_space<vmem>>) target_semaphore(%arg15 : memref<!tpu.dma_semaphore, #tpu.memory_space<semaphore_mem>>)
    %scan3A_114 = arith.constant 0 : i32
    %scan3A_115 = arith.constant 32 : i32
    %scan3A_116 = arith.addi %scan3A_114, %scan3A_115 : i32
    %scan3A_117 = arith.constant 1 : i32
    scf.for %scan3A_158 = %scan3A_114 to %scan3A_116 step %scan3A_117  : i32 {
      %mul3A_159 = arith.constant 1 : i32
      %mul3A_160 = arith.muli %scan3A_158, %mul3A_159 : i32
      %add3A_161 = arith.constant 0 : i32
      %add3A_162 = arith.addi %add3A_161, %mul3A_160 : i32
      %mul3A_163 = arith.constant 2 : i32
      %mul3A_164 = arith.muli %mul3A_163, %add3A_162 : i32
      %add3A_165 = arith.constant 256 : i32
      %add3A_166 = arith.addi %add3A_165, %mul3A_164 : i32
      %mul3A_167 = arith.constant 2 : i32
      %mul3A_168 = arith.muli %mul3A_167, %add3A_162 : i32
      %add3A_169 = arith.constant 1 : i32
      %add3A_170 = arith.addi %mul3A_168, %add3A_169 : i32
      %mul3A_171 = arith.constant 2 : i32
      %mul3A_172 = arith.muli %mul3A_171, %add3A_170 : i32
      %dma_start3A_173 = arith.constant 0 : i32
      %dma_start3A_174 = tpu.memref_slice %arg6[%mul3A_172, %dma_start3A_173] : memref<128x104xi32, #tpu.memory_space<vmem>> -> memref<1x104xi32, #tpu.memory_space<vmem>>
      %dma_start3A_175 = tpu.memref_squeeze %dma_start3A_174 : memref<1x104xi32, #tpu.memory_space<vmem>> -> memref<104xi32, #tpu.memory_space<vmem>>
      %dma_start3A_176 = arith.constant 0 : i32
      %dma_start3A_177 = arith.constant 0 : i32
      %dma_start3A_178 = tpu.memref_slice %arg2[%dma_start3A_176, %dma_start3A_177] : memref<100000x128xbf16, #tpu.memory_space<hbm>> -> memref<100000x128xbf16, #tpu.memory_space<hbm>>
      tpu.enqueue_indirect_dma source(%dma_start3A_178 : memref<100000x128xbf16, #tpu.memory_space<hbm>>) target(%arg10 : memref<104x128xbf16, #tpu.memory_space<vmem>>) offsets(%dma_start3A_175 : memref<104xi32, #tpu.memory_space<vmem>>) semaphore(%arg14 : memref<!tpu.dma_semaphore, #tpu.memory_space<semaphore_mem>>)
      %mul3A_179 = arith.constant 2 : i32
      %mul3A_180 = arith.muli %mul3A_179, %add3A_170 : i32
      %add3A_181 = arith.constant 1 : i32
      %add3A_182 = arith.addi %mul3A_180, %add3A_181 : i32
      %dma_start3A_183 = arith.constant 0 : i32
      %dma_start3A_184 = tpu.memref_slice %arg6[%add3A_182, %dma_start3A_183] : memref<128x104xi32, #tpu.memory_space<vmem>> -> memref<1x104xi32, #tpu.memory_space<vmem>>
      %dma_start3A_185 = tpu.memref_squeeze %dma_start3A_184 : memref<1x104xi32, #tpu.memory_space<vmem>> -> memref<104xi32, #tpu.memory_space<vmem>>
      %dma_start3A_186 = arith.constant 0 : i32
      %dma_start3A_187 = arith.constant 0 : i32
      %dma_start3A_188 = tpu.memref_slice %arg2[%dma_start3A_186, %dma_start3A_187] : memref<100000x128xbf16, #tpu.memory_space<hbm>> -> memref<100000x128xbf16, #tpu.memory_space<hbm>>
      tpu.enqueue_indirect_dma source(%dma_start3A_188 : memref<100000x128xbf16, #tpu.memory_space<hbm>>) target(%arg11 : memref<104x128xbf16, #tpu.memory_space<vmem>>) offsets(%dma_start3A_185 : memref<104xi32, #tpu.memory_space<vmem>>) semaphore(%arg14 : memref<!tpu.dma_semaphore, #tpu.memory_space<semaphore_mem>>)
      %dma_wait3A_189 = arith.constant 0 : i32
      %dma_wait3A_190 = arith.constant 0 : i32
      %dma_wait3A_191 = tpu.memref_slice %arg2[%dma_wait3A_189, %dma_wait3A_190] : memref<100000x128xbf16, #tpu.memory_space<hbm>> -> memref<104x128xbf16, #tpu.memory_space<hbm>>
      %dma_wait3A_192 = arith.constant 0 : i32
      %dma_wait3A_193 = arith.constant 0 : i32
      %dma_wait3A_194 = tpu.memref_slice %arg2[%dma_wait3A_192, %dma_wait3A_193] : memref<100000x128xbf16, #tpu.memory_space<hbm>> -> memref<104x128xbf16, #tpu.memory_space<hbm>>
      tpu.wait_dma2 semaphore(%arg13 : memref<!tpu.dma_semaphore, #tpu.memory_space<semaphore_mem>>) src(%dma_wait3A_194 : memref<104x128xbf16, #tpu.memory_space<hbm>>) dst(%arg8 : memref<104x128xbf16, #tpu.memory_space<vmem>>)
      %dma_wait3A_195 = arith.constant 0 : i32
      %dma_wait3A_196 = arith.constant 0 : i32
      %dma_wait3A_197 = tpu.memref_slice %arg2[%dma_wait3A_195, %dma_wait3A_196] : memref<100000x128xbf16, #tpu.memory_space<hbm>> -> memref<104x128xbf16, #tpu.memory_space<hbm>>
      %dma_wait3A_198 = arith.constant 0 : i32
      %dma_wait3A_199 = arith.constant 0 : i32
      %dma_wait3A_200 = tpu.memref_slice %arg2[%dma_wait3A_198, %dma_wait3A_199] : memref<100000x128xbf16, #tpu.memory_space<hbm>> -> memref<104x128xbf16, #tpu.memory_space<hbm>>
      tpu.wait_dma2 semaphore(%arg13 : memref<!tpu.dma_semaphore, #tpu.memory_space<semaphore_mem>>) src(%dma_wait3A_200 : memref<104x128xbf16, #tpu.memory_space<hbm>>) dst(%arg9 : memref<104x128xbf16, #tpu.memory_space<vmem>>)
      %broadcast_in_dim3A = arith.constant 0.000000e+00 : bf16
      %broadcast_in_dim3A_201 = vector.broadcast %broadcast_in_dim3A : bf16 to vector<32xbf16>
      %broadcast_in_dim3A_202 = arith.constant 0.000000e+00 : bf16
      %broadcast_in_dim3A_203 = vector.broadcast %broadcast_in_dim3A_202 : bf16 to vector<32xbf16>
      %broadcast_in_dim3A_204 = arith.constant 0.000000e+00 : bf16
      %broadcast_in_dim3A_205 = vector.broadcast %broadcast_in_dim3A_204 : bf16 to vector<32xbf16>
      %broadcast_in_dim3A_206 = arith.constant 0.000000e+00 : bf16
      %broadcast_in_dim3A_207 = vector.broadcast %broadcast_in_dim3A_206 : bf16 to vector<32xbf16>
      %scan3A_208 = arith.constant 0 : i32
      %scan3A_209 = arith.constant 100 : i32
      %scan3A_210 = arith.addi %scan3A_208, %scan3A_209 : i32
      %scan3A_211 = arith.constant 1 : i32
      %scan3A_212:4 = scf.for %scan3A_299 = %scan3A_208 to %scan3A_210 step %scan3A_211 iter_args(%scan3A_300 = %broadcast_in_dim3A_201, %scan3A_301 = %broadcast_in_dim3A_203, %scan3A_302 = %broadcast_in_dim3A_205, %scan3A_303 = %broadcast_in_dim3A_207) -> (vector<32xbf16>, vector<32xbf16>, vector<32xbf16>, vector<32xbf16>)  : i32 {
        %get3A = arith.index_cast %scan3A_299 : i32 to index
        %get3A_304 = arith.constant 0 : index
        %get3A_305 = tpu.vector_load %arg8[%get3A, %get3A_304] {strides = array<i32>} : memref<104x128xbf16, #tpu.memory_space<vmem>>, vector<1x32xbf16>,
        %get3A_306 = vector.shape_cast %get3A_305 : vector<1x32xbf16> to vector<32xbf16>
        %add3A_307 = arith.addf %scan3A_300, %get3A_306 : vector<32xbf16>
        %get3A_308 = arith.index_cast %scan3A_299 : i32 to index
        %get3A_309 = arith.constant 32 : index
        %get3A_310 = tpu.vector_load %arg8[%get3A_308, %get3A_309] {strides = array<i32>} : memref<104x128xbf16, #tpu.memory_space<vmem>>, vector<1x32xbf16>,
        %get3A_311 = vector.shape_cast %get3A_310 : vector<1x32xbf16> to vector<32xbf16>
        %add3A_312 = arith.addf %scan3A_301, %get3A_311 : vector<32xbf16>
        %get3A_313 = arith.index_cast %scan3A_299 : i32 to index
        %get3A_314 = arith.constant 64 : index
        %get3A_315 = tpu.vector_load %arg8[%get3A_313, %get3A_314] {strides = array<i32>} : memref<104x128xbf16, #tpu.memory_space<vmem>>, vector<1x32xbf16>,
        %get3A_316 = vector.shape_cast %get3A_315 : vector<1x32xbf16> to vector<32xbf16>
        %add3A_317 = arith.addf %scan3A_302, %get3A_316 : vector<32xbf16>
        %get3A_318 = arith.index_cast %scan3A_299 : i32 to index
        %get3A_319 = arith.constant 96 : index
        %get3A_320 = tpu.vector_load %arg8[%get3A_318, %get3A_319] {strides = array<i32>} : memref<104x128xbf16, #tpu.memory_space<vmem>>, vector<1x32xbf16>,
        %get3A_321 = vector.shape_cast %get3A_320 : vector<1x32xbf16> to vector<32xbf16>
        %add3A_322 = arith.addf %scan3A_303, %get3A_321 : vector<32xbf16>
        scf.yield %add3A_307, %add3A_312, %add3A_317, %add3A_322 : vector<32xbf16>, vector<32xbf16>, vector<32xbf16>, vector<32xbf16>
      }
      %scan3A_213 = arith.constant 100 : i32
      %scan3A_214 = arith.constant 0 : i32
      %scan3A_215 = arith.constant 100 : i32
      %scan3A_216 = arith.addi %scan3A_214, %scan3A_215 : i32
      %scan3A_217 = arith.constant 1 : i32
      %scan3A_218:4 = scf.for %scan3A_299 = %scan3A_214 to %scan3A_216 step %scan3A_217 iter_args(%scan3A_300 = %scan3A_212#0, %scan3A_301 = %scan3A_212#1, %scan3A_302 = %scan3A_212#2, %scan3A_303 = %scan3A_212#3) -> (vector<32xbf16>, vector<32xbf16>, vector<32xbf16>, vector<32xbf16>)  : i32 {
        %get3A = arith.index_cast %scan3A_299 : i32 to index
        %get3A_304 = arith.constant 0 : index
        %get3A_305 = tpu.vector_load %arg9[%get3A, %get3A_304] {strides = array<i32>} : memref<104x128xbf16, #tpu.memory_space<vmem>>, vector<1x32xbf16>,
        %get3A_306 = vector.shape_cast %get3A_305 : vector<1x32xbf16> to vector<32xbf16>
        %add3A_307 = arith.addf %scan3A_300, %get3A_306 : vector<32xbf16>
        %get3A_308 = arith.index_cast %scan3A_299 : i32 to index
        %get3A_309 = arith.constant 32 : index
        %get3A_310 = tpu.vector_load %arg9[%get3A_308, %get3A_309] {strides = array<i32>} : memref<104x128xbf16, #tpu.memory_space<vmem>>, vector<1x32xbf16>,
        %get3A_311 = vector.shape_cast %get3A_310 : vector<1x32xbf16> to vector<32xbf16>
        %add3A_312 = arith.addf %scan3A_301, %get3A_311 : vector<32xbf16>
        %get3A_313 = arith.index_cast %scan3A_299 : i32 to index
        %get3A_314 = arith.constant 64 : index
        %get3A_315 = tpu.vector_load %arg9[%get3A_313, %get3A_314] {strides = array<i32>} : memref<104x128xbf16, #tpu.memory_space<vmem>>, vector<1x32xbf16>,
        %get3A_316 = vector.shape_cast %get3A_315 : vector<1x32xbf16> to vector<32xbf16>
        %add3A_317 = arith.addf %scan3A_302, %get3A_316 : vector<32xbf16>
        %get3A_318 = arith.index_cast %scan3A_299 : i32 to index
        %get3A_319 = arith.constant 96 : index
        %get3A_320 = tpu.vector_load %arg9[%get3A_318, %get3A_319] {strides = array<i32>} : memref<104x128xbf16, #tpu.memory_space<vmem>>, vector<1x32xbf16>,
        %get3A_321 = vector.shape_cast %get3A_320 : vector<1x32xbf16> to vector<32xbf16>
        %add3A_322 = arith.addf %scan3A_303, %get3A_321 : vector<32xbf16>
        scf.yield %add3A_307, %add3A_312, %add3A_317, %add3A_322 : vector<32xbf16>, vector<32xbf16>, vector<32xbf16>, vector<32xbf16>
      }
      %scan3A_219 = arith.constant 100 : i32
      %swap3A = arith.index_cast %add3A_166 : i32 to index
      %swap3A_220 = arith.constant 0 : index
      %swap3A_221 = tpu.vector_load %arg12[%swap3A, %swap3A_220] {strides = array<i32>} : memref<512x128xbf16, #tpu.memory_space<vmem>>, vector<1x32xbf16>,
      %swap3A_222 = vector.shape_cast %swap3A_221 : vector<1x32xbf16> to vector<32xbf16>
      %swap3A_223 = vector.shape_cast %scan3A_218#0 : vector<32xbf16> to vector<1x32xbf16>
      tpu.vector_store %arg12[%swap3A, %swap3A_220], %swap3A_223 {strides = array<i32>} : memref<512x128xbf16, #tpu.memory_space<vmem>>, vector<1x32xbf16>,
      %swap3A_224 = arith.index_cast %add3A_166 : i32 to index
      %swap3A_225 = arith.constant 32 : index
      %swap3A_226 = tpu.vector_load %arg12[%swap3A_224, %swap3A_225] {strides = array<i32>} : memref<512x128xbf16, #tpu.memory_space<vmem>>, vector<1x32xbf16>,
      %swap3A_227 = vector.shape_cast %swap3A_226 : vector<1x32xbf16> to vector<32xbf16>
      %swap3A_228 = vector.shape_cast %scan3A_218#1 : vector<32xbf16> to vector<1x32xbf16>
      tpu.vector_store %arg12[%swap3A_224, %swap3A_225], %swap3A_228 {strides = array<i32>} : memref<512x128xbf16, #tpu.memory_space<vmem>>, vector<1x32xbf16>,
      %swap3A_229 = arith.index_cast %add3A_166 : i32 to index
      %swap3A_230 = arith.constant 64 : index
      %swap3A_231 = tpu.vector_load %arg12[%swap3A_229, %swap3A_230] {strides = array<i32>} : memref<512x128xbf16, #tpu.memory_space<vmem>>, vector<1x32xbf16>,
      %swap3A_232 = vector.shape_cast %swap3A_231 : vector<1x32xbf16> to vector<32xbf16>
      %swap3A_233 = vector.shape_cast %scan3A_218#2 : vector<32xbf16> to vector<1x32xbf16>
      tpu.vector_store %arg12[%swap3A_229, %swap3A_230], %swap3A_233 {strides = array<i32>} : memref<512x128xbf16, #tpu.memory_space<vmem>>, vector<1x32xbf16>,
      %swap3A_234 = arith.index_cast %add3A_166 : i32 to index
      %swap3A_235 = arith.constant 96 : index
      %swap3A_236 = tpu.vector_load %arg12[%swap3A_234, %swap3A_235] {strides = array<i32>} : memref<512x128xbf16, #tpu.memory_space<vmem>>, vector<1x32xbf16>,
      %swap3A_237 = vector.shape_cast %swap3A_236 : vector<1x32xbf16> to vector<32xbf16>
      %swap3A_238 = vector.shape_cast %scan3A_218#3 : vector<32xbf16> to vector<1x32xbf16>
      tpu.vector_store %arg12[%swap3A_234, %swap3A_235], %swap3A_238 {strides = array<i32>} : memref<512x128xbf16, #tpu.memory_space<vmem>>, vector<1x32xbf16>,
      %lt3A = arith.constant 31 : i32
      %lt3A_239 = arith.cmpi slt, %add3A_162, %lt3A : i32
      %convert_element_type3A = arith.extui %lt3A_239 : i1 to i32
      %cond3A = arith.constant 0 : i32
      %cond3A_240 = arith.cmpi ne, %convert_element_type3A, %cond3A : i32
      scf.if %cond3A_240 {
        %mul3A_299 = arith.constant 2 : i32
        %mul3A_300 = arith.muli %mul3A_299, %add3A_162 : i32
        %add3A_301 = arith.constant 2 : i32
        %add3A_302 = arith.addi %mul3A_300, %add3A_301 : i32
        %mul3A_303 = arith.constant 2 : i32
        %mul3A_304 = arith.muli %mul3A_303, %add3A_302 : i32
        %dma_start3A_305 = arith.constant 0 : i32
        %dma_start3A_306 = tpu.memref_slice %arg6[%mul3A_304, %dma_start3A_305] : memref<128x104xi32, #tpu.memory_space<vmem>> -> memref<1x104xi32, #tpu.memory_space<vmem>>
        %dma_start3A_307 = tpu.memref_squeeze %dma_start3A_306 : memref<1x104xi32, #tpu.memory_space<vmem>> -> memref<104xi32, #tpu.memory_space<vmem>>
        %dma_start3A_308 = arith.constant 0 : i32
        %dma_start3A_309 = arith.constant 0 : i32
        %dma_start3A_310 = tpu.memref_slice %arg2[%dma_start3A_308, %dma_start3A_309] : memref<100000x128xbf16, #tpu.memory_space<hbm>> -> memref<100000x128xbf16, #tpu.memory_space<hbm>>
        tpu.enqueue_indirect_dma source(%dma_start3A_310 : memref<100000x128xbf16, #tpu.memory_space<hbm>>) target(%arg8 : memref<104x128xbf16, #tpu.memory_space<vmem>>) offsets(%dma_start3A_307 : memref<104xi32, #tpu.memory_space<vmem>>) semaphore(%arg13 : memref<!tpu.dma_semaphore, #tpu.memory_space<semaphore_mem>>)
        %mul3A_311 = arith.constant 2 : i32
        %mul3A_312 = arith.muli %mul3A_311, %add3A_302 : i32
        %add3A_313 = arith.constant 1 : i32
        %add3A_314 = arith.addi %mul3A_312, %add3A_313 : i32
        %dma_start3A_315 = arith.constant 0 : i32
        %dma_start3A_316 = tpu.memref_slice %arg6[%add3A_314, %dma_start3A_315] : memref<128x104xi32, #tpu.memory_space<vmem>> -> memref<1x104xi32, #tpu.memory_space<vmem>>
        %dma_start3A_317 = tpu.memref_squeeze %dma_start3A_316 : memref<1x104xi32, #tpu.memory_space<vmem>> -> memref<104xi32, #tpu.memory_space<vmem>>
        %dma_start3A_318 = arith.constant 0 : i32
        %dma_start3A_319 = arith.constant 0 : i32
        %dma_start3A_320 = tpu.memref_slice %arg2[%dma_start3A_318, %dma_start3A_319] : memref<100000x128xbf16, #tpu.memory_space<hbm>> -> memref<100000x128xbf16, #tpu.memory_space<hbm>>
        tpu.enqueue_indirect_dma source(%dma_start3A_320 : memref<100000x128xbf16, #tpu.memory_space<hbm>>) target(%arg9 : memref<104x128xbf16, #tpu.memory_space<vmem>>) offsets(%dma_start3A_317 : memref<104xi32, #tpu.memory_space<vmem>>) semaphore(%arg13 : memref<!tpu.dma_semaphore, #tpu.memory_space<semaphore_mem>>)
      } else {
      }
      %eq3A = arith.constant 31 : i32
      %eq3A_241 = arith.cmpi eq, %add3A_162, %eq3A : i32
      %convert_element_type3A_242 = arith.extui %eq3A_241 : i1 to i32
      %cond3A_243 = arith.constant 0 : i32
      %cond3A_244 = arith.cmpi ne, %convert_element_type3A_242, %cond3A_243 : i32
      scf.if %cond3A_244 {
        %dma_start3A_299 = arith.constant 0 : i32
        %dma_start3A_300 = arith.constant 0 : i32
        %dma_start3A_301 = tpu.memref_slice %arg7[%dma_start3A_299, %dma_start3A_300] : memref<128x104xi32, #tpu.memory_space<vmem>> -> memref<1x104xi32, #tpu.memory_space<vmem>>
        %dma_start3A_302 = tpu.memref_squeeze %dma_start3A_301 : memref<1x104xi32, #tpu.memory_space<vmem>> -> memref<104xi32, #tpu.memory_space<vmem>>
        %dma_start3A_303 = arith.constant 0 : i32
        %dma_start3A_304 = arith.constant 0 : i32
        %dma_start3A_305 = tpu.memref_slice %arg2[%dma_start3A_303, %dma_start3A_304] : memref<100000x128xbf16, #tpu.memory_space<hbm>> -> memref<100000x128xbf16, #tpu.memory_space<hbm>>
        tpu.enqueue_indirect_dma source(%dma_start3A_305 : memref<100000x128xbf16, #tpu.memory_space<hbm>>) target(%arg8 : memref<104x128xbf16, #tpu.memory_space<vmem>>) offsets(%dma_start3A_302 : memref<104xi32, #tpu.memory_space<vmem>>) semaphore(%arg13 : memref<!tpu.dma_semaphore, #tpu.memory_space<semaphore_mem>>)
        %dma_start3A_306 = arith.constant 1 : i32
        %dma_start3A_307 = arith.constant 0 : i32
        %dma_start3A_308 = tpu.memref_slice %arg7[%dma_start3A_306, %dma_start3A_307] : memref<128x104xi32, #tpu.memory_space<vmem>> -> memref<1x104xi32, #tpu.memory_space<vmem>>
        %dma_start3A_309 = tpu.memref_squeeze %dma_start3A_308 : memref<1x104xi32, #tpu.memory_space<vmem>> -> memref<104xi32, #tpu.memory_space<vmem>>
        %dma_start3A_310 = arith.constant 0 : i32
        %dma_start3A_311 = arith.constant 0 : i32
        %dma_start3A_312 = tpu.memref_slice %arg2[%dma_start3A_310, %dma_start3A_311] : memref<100000x128xbf16, #tpu.memory_space<hbm>> -> memref<100000x128xbf16, #tpu.memory_space<hbm>>
        tpu.enqueue_indirect_dma source(%dma_start3A_312 : memref<100000x128xbf16, #tpu.memory_space<hbm>>) target(%arg9 : memref<104x128xbf16, #tpu.memory_space<vmem>>) offsets(%dma_start3A_309 : memref<104xi32, #tpu.memory_space<vmem>>) semaphore(%arg13 : memref<!tpu.dma_semaphore, #tpu.memory_space<semaphore_mem>>)
      } else {
      }
      %dma_wait3A_245 = arith.constant 0 : i32
      %dma_wait3A_246 = arith.constant 0 : i32
      %dma_wait3A_247 = tpu.memref_slice %arg2[%dma_wait3A_245, %dma_wait3A_246] : memref<100000x128xbf16, #tpu.memory_space<hbm>> -> memref<104x128xbf16, #tpu.memory_space<hbm>>
      %dma_wait3A_248 = arith.constant 0 : i32
      %dma_wait3A_249 = arith.constant 0 : i32
      %dma_wait3A_250 = tpu.memref_slice %arg2[%dma_wait3A_248, %dma_wait3A_249] : memref<100000x128xbf16, #tpu.memory_space<hbm>> -> memref<104x128xbf16, #tpu.memory_space<hbm>>
      tpu.wait_dma2 semaphore(%arg14 : memref<!tpu.dma_semaphore, #tpu.memory_space<semaphore_mem>>) src(%dma_wait3A_250 : memref<104x128xbf16, #tpu.memory_space<hbm>>) dst(%arg10 : memref<104x128xbf16, #tpu.memory_space<vmem>>)
      %dma_wait3A_251 = arith.constant 0 : i32
      %dma_wait3A_252 = arith.constant 0 : i32
      %dma_wait3A_253 = tpu.memref_slice %arg2[%dma_wait3A_251, %dma_wait3A_252] : memref<100000x128xbf16, #tpu.memory_space<hbm>> -> memref<104x128xbf16, #tpu.memory_space<hbm>>
      %dma_wait3A_254 = arith.constant 0 : i32
      %dma_wait3A_255 = arith.constant 0 : i32
      %dma_wait3A_256 = tpu.memref_slice %arg2[%dma_wait3A_254, %dma_wait3A_255] : memref<100000x128xbf16, #tpu.memory_space<hbm>> -> memref<104x128xbf16, #tpu.memory_space<hbm>>
      tpu.wait_dma2 semaphore(%arg14 : memref<!tpu.dma_semaphore, #tpu.memory_space<semaphore_mem>>) src(%dma_wait3A_256 : memref<104x128xbf16, #tpu.memory_space<hbm>>) dst(%arg11 : memref<104x128xbf16, #tpu.memory_space<vmem>>)
      %add3A_257 = arith.constant 1 : i32
      %add3A_258 = arith.addi %add3A_166, %add3A_257 : i32
      %broadcast_in_dim3A_259 = arith.constant 0.000000e+00 : bf16
      %broadcast_in_dim3A_260 = vector.broadcast %broadcast_in_dim3A_259 : bf16 to vector<32xbf16>
      %broadcast_in_dim3A_261 = arith.constant 0.000000e+00 : bf16
      %broadcast_in_dim3A_262 = vector.broadcast %broadcast_in_dim3A_261 : bf16 to vector<32xbf16>
      %broadcast_in_dim3A_263 = arith.constant 0.000000e+00 : bf16
      %broadcast_in_dim3A_264 = vector.broadcast %broadcast_in_dim3A_263 : bf16 to vector<32xbf16>
      %broadcast_in_dim3A_265 = arith.constant 0.000000e+00 : bf16
      %broadcast_in_dim3A_266 = vector.broadcast %broadcast_in_dim3A_265 : bf16 to vector<32xbf16>
      %scan3A_267 = arith.constant 0 : i32
      %scan3A_268 = arith.constant 100 : i32
      %scan3A_269 = arith.addi %scan3A_267, %scan3A_268 : i32
      %scan3A_270 = arith.constant 1 : i32
      %scan3A_271:4 = scf.for %scan3A_299 = %scan3A_267 to %scan3A_269 step %scan3A_270 iter_args(%scan3A_300 = %broadcast_in_dim3A_260, %scan3A_301 = %broadcast_in_dim3A_262, %scan3A_302 = %broadcast_in_dim3A_264, %scan3A_303 = %broadcast_in_dim3A_266) -> (vector<32xbf16>, vector<32xbf16>, vector<32xbf16>, vector<32xbf16>)  : i32 {
        %get3A = arith.index_cast %scan3A_299 : i32 to index
        %get3A_304 = arith.constant 0 : index
        %get3A_305 = tpu.vector_load %arg10[%get3A, %get3A_304] {strides = array<i32>} : memref<104x128xbf16, #tpu.memory_space<vmem>>, vector<1x32xbf16>,
        %get3A_306 = vector.shape_cast %get3A_305 : vector<1x32xbf16> to vector<32xbf16>
        %add3A_307 = arith.addf %scan3A_300, %get3A_306 : vector<32xbf16>
        %get3A_308 = arith.index_cast %scan3A_299 : i32 to index
        %get3A_309 = arith.constant 32 : index
        %get3A_310 = tpu.vector_load %arg10[%get3A_308, %get3A_309] {strides = array<i32>} : memref<104x128xbf16, #tpu.memory_space<vmem>>, vector<1x32xbf16>,
        %get3A_311 = vector.shape_cast %get3A_310 : vector<1x32xbf16> to vector<32xbf16>
        %add3A_312 = arith.addf %scan3A_301, %get3A_311 : vector<32xbf16>
        %get3A_313 = arith.index_cast %scan3A_299 : i32 to index
        %get3A_314 = arith.constant 64 : index
        %get3A_315 = tpu.vector_load %arg10[%get3A_313, %get3A_314] {strides = array<i32>} : memref<104x128xbf16, #tpu.memory_space<vmem>>, vector<1x32xbf16>,
        %get3A_316 = vector.shape_cast %get3A_315 : vector<1x32xbf16> to vector<32xbf16>
        %add3A_317 = arith.addf %scan3A_302, %get3A_316 : vector<32xbf16>
        %get3A_318 = arith.index_cast %scan3A_299 : i32 to index
        %get3A_319 = arith.constant 96 : index
        %get3A_320 = tpu.vector_load %arg10[%get3A_318, %get3A_319] {strides = array<i32>} : memref<104x128xbf16, #tpu.memory_space<vmem>>, vector<1x32xbf16>,
        %get3A_321 = vector.shape_cast %get3A_320 : vector<1x32xbf16> to vector<32xbf16>
        %add3A_322 = arith.addf %scan3A_303, %get3A_321 : vector<32xbf16>
        scf.yield %add3A_307, %add3A_312, %add3A_317, %add3A_322 : vector<32xbf16>, vector<32xbf16>, vector<32xbf16>, vector<32xbf16>
      }
      %scan3A_272 = arith.constant 100 : i32
      %scan3A_273 = arith.constant 0 : i32
      %scan3A_274 = arith.constant 100 : i32
      %scan3A_275 = arith.addi %scan3A_273, %scan3A_274 : i32
      %scan3A_276 = arith.constant 1 : i32
      %scan3A_277:4 = scf.for %scan3A_299 = %scan3A_273 to %scan3A_275 step %scan3A_276 iter_args(%scan3A_300 = %scan3A_271#0, %scan3A_301 = %scan3A_271#1, %scan3A_302 = %scan3A_271#2, %scan3A_303 = %scan3A_271#3) -> (vector<32xbf16>, vector<32xbf16>, vector<32xbf16>, vector<32xbf16>)  : i32 {
        %get3A = arith.index_cast %scan3A_299 : i32 to index
        %get3A_304 = arith.constant 0 : index
        %get3A_305 = tpu.vector_load %arg11[%get3A, %get3A_304] {strides = array<i32>} : memref<104x128xbf16, #tpu.memory_space<vmem>>, vector<1x32xbf16>,
        %get3A_306 = vector.shape_cast %get3A_305 : vector<1x32xbf16> to vector<32xbf16>
        %add3A_307 = arith.addf %scan3A_300, %get3A_306 : vector<32xbf16>
        %get3A_308 = arith.index_cast %scan3A_299 : i32 to index
        %get3A_309 = arith.constant 32 : index
        %get3A_310 = tpu.vector_load %arg11[%get3A_308, %get3A_309] {strides = array<i32>} : memref<104x128xbf16, #tpu.memory_space<vmem>>, vector<1x32xbf16>,
        %get3A_311 = vector.shape_cast %get3A_310 : vector<1x32xbf16> to vector<32xbf16>
        %add3A_312 = arith.addf %scan3A_301, %get3A_311 : vector<32xbf16>
        %get3A_313 = arith.index_cast %scan3A_299 : i32 to index
        %get3A_314 = arith.constant 64 : index
        %get3A_315 = tpu.vector_load %arg11[%get3A_313, %get3A_314] {strides = array<i32>} : memref<104x128xbf16, #tpu.memory_space<vmem>>, vector<1x32xbf16>,
        %get3A_316 = vector.shape_cast %get3A_315 : vector<1x32xbf16> to vector<32xbf16>
        %add3A_317 = arith.addf %scan3A_302, %get3A_316 : vector<32xbf16>
        %get3A_318 = arith.index_cast %scan3A_299 : i32 to index
        %get3A_319 = arith.constant 96 : index
        %get3A_320 = tpu.vector_load %arg11[%get3A_318, %get3A_319] {strides = array<i32>} : memref<104x128xbf16, #tpu.memory_space<vmem>>, vector<1x32xbf16>,
        %get3A_321 = vector.shape_cast %get3A_320 : vector<1x32xbf16> to vector<32xbf16>
        %add3A_322 = arith.addf %scan3A_303, %get3A_321 : vector<32xbf16>
        scf.yield %add3A_307, %add3A_312, %add3A_317, %add3A_322 : vector<32xbf16>, vector<32xbf16>, vector<32xbf16>, vector<32xbf16>
      }
      %scan3A_278 = arith.constant 100 : i32
      %swap3A_279 = arith.index_cast %add3A_258 : i32 to index
      %swap3A_280 = arith.constant 0 : index
      %swap3A_281 = tpu.vector_load %arg12[%swap3A_279, %swap3A_280] {strides = array<i32>} : memref<512x128xbf16, #tpu.memory_space<vmem>>, vector<1x32xbf16>,
      %swap3A_282 = vector.shape_cast %swap3A_281 : vector<1x32xbf16> to vector<32xbf16>
      %swap3A_283 = vector.shape_cast %scan3A_277#0 : vector<32xbf16> to vector<1x32xbf16>
      tpu.vector_store %arg12[%swap3A_279, %swap3A_280], %swap3A_283 {strides = array<i32>} : memref<512x128xbf16, #tpu.memory_space<vmem>>, vector<1x32xbf16>,
      %swap3A_284 = arith.index_cast %add3A_258 : i32 to index
      %swap3A_285 = arith.constant 32 : index
      %swap3A_286 = tpu.vector_load %arg12[%swap3A_284, %swap3A_285] {strides = array<i32>} : memref<512x128xbf16, #tpu.memory_space<vmem>>, vector<1x32xbf16>,
      %swap3A_287 = vector.shape_cast %swap3A_286 : vector<1x32xbf16> to vector<32xbf16>
      %swap3A_288 = vector.shape_cast %scan3A_277#1 : vector<32xbf16> to vector<1x32xbf16>
      tpu.vector_store %arg12[%swap3A_284, %swap3A_285], %swap3A_288 {strides = array<i32>} : memref<512x128xbf16, #tpu.memory_space<vmem>>, vector<1x32xbf16>,
      %swap3A_289 = arith.index_cast %add3A_258 : i32 to index
      %swap3A_290 = arith.constant 64 : index
      %swap3A_291 = tpu.vector_load %arg12[%swap3A_289, %swap3A_290] {strides = array<i32>} : memref<512x128xbf16, #tpu.memory_space<vmem>>, vector<1x32xbf16>,
      %swap3A_292 = vector.shape_cast %swap3A_291 : vector<1x32xbf16> to vector<32xbf16>
      %swap3A_293 = vector.shape_cast %scan3A_277#2 : vector<32xbf16> to vector<1x32xbf16>
      tpu.vector_store %arg12[%swap3A_289, %swap3A_290], %swap3A_293 {strides = array<i32>} : memref<512x128xbf16, #tpu.memory_space<vmem>>, vector<1x32xbf16>,
      %swap3A_294 = arith.index_cast %add3A_258 : i32 to index
      %swap3A_295 = arith.constant 96 : index
      %swap3A_296 = tpu.vector_load %arg12[%swap3A_294, %swap3A_295] {strides = array<i32>} : memref<512x128xbf16, #tpu.memory_space<vmem>>, vector<1x32xbf16>,
      %swap3A_297 = vector.shape_cast %swap3A_296 : vector<1x32xbf16> to vector<32xbf16>
      %swap3A_298 = vector.shape_cast %scan3A_277#3 : vector<32xbf16> to vector<1x32xbf16>
      tpu.vector_store %arg12[%swap3A_294, %swap3A_295], %swap3A_298 {strides = array<i32>} : memref<512x128xbf16, #tpu.memory_space<vmem>>, vector<1x32xbf16>,
    }
    %scan3A_118 = arith.constant 32 : i32
    %add3A_119 = arith.constant 0 : i32
    %add3A_120 = arith.addi %mul3A_2, %add3A_119 : i32
    %mul3A_121 = arith.constant 2 : i32
    %mul3A_122 = arith.muli %add3A_120, %mul3A_121 : i32
    %dma_wait3A_123 = arith.constant 0 : i32
    %dma_wait3A_124 = tpu.memref_slice %arg3[%mul3A_122, %dma_wait3A_123] : memref<32768x104xi32, #tpu.memory_space<hbm>> -> memref<128x104xi32, #tpu.memory_space<hbm>>
    %dma_wait3A_125 = arith.constant 0 : i32
    %dma_wait3A_126 = tpu.memref_slice %arg3[%mul3A_122, %dma_wait3A_125] : memref<32768x104xi32, #tpu.memory_space<hbm>> -> memref<128x104xi32, #tpu.memory_space<hbm>>
    tpu.wait_dma2 semaphore(%arg15 : memref<!tpu.dma_semaphore, #tpu.memory_space<semaphore_mem>>) src(%dma_wait3A_126 : memref<128x104xi32, #tpu.memory_space<hbm>>) dst(%arg5 : memref<128x104xi32, #tpu.memory_space<vmem>>)
    %add3A_127 = arith.constant 448 : i32
    %add3A_128 = arith.addi %mul3A_2, %add3A_127 : i32
    %mul3A_129 = arith.constant 2 : i32
    %mul3A_130 = arith.muli %add3A_128, %mul3A_129 : i32
    %dma_start3A_131 = arith.constant 0 : i32
    %dma_start3A_132 = tpu.memref_slice %arg3[%mul3A_130, %dma_start3A_131] : memref<32768x104xi32, #tpu.memory_space<hbm>> -> memref<128x104xi32, #tpu.memory_space<hbm>>
    %dma_start3A_133 = arith.constant 0 : i32
    %dma_start3A_134 = tpu.memref_slice %arg3[%mul3A_130, %dma_start3A_133] : memref<32768x104xi32, #tpu.memory_space<hbm>> -> memref<128x104xi32, #tpu.memory_space<hbm>>
    tpu.enqueue_dma source(%dma_start3A_134 : memref<128x104xi32, #tpu.memory_space<hbm>>) target(%arg6 : memref<128x104xi32, #tpu.memory_space<vmem>>) target_semaphore(%arg15 : memref<!tpu.dma_semaphore, #tpu.memory_space<semaphore_mem>>)
    %scan3A_135 = arith.constant 0 : i32
    %scan3A_136 = arith.constant 32 : i32
    %scan3A_137 = arith.addi %scan3A_135, %scan3A_136 : i32
    %scan3A_138 = arith.constant 1 : i32
    scf.for %scan3A_158 = %scan3A_135 to %scan3A_137 step %scan3A_138  : i32 {
      %mul3A_159 = arith.constant 1 : i32
      %mul3A_160 = arith.muli %scan3A_158, %mul3A_159 : i32
      %add3A_161 = arith.constant 0 : i32
      %add3A_162 = arith.addi %add3A_161, %mul3A_160 : i32
      %mul3A_163 = arith.constant 2 : i32
      %mul3A_164 = arith.muli %mul3A_163, %add3A_162 : i32
      %add3A_165 = arith.constant 320 : i32
      %add3A_166 = arith.addi %add3A_165, %mul3A_164 : i32
      %mul3A_167 = arith.constant 2 : i32
      %mul3A_168 = arith.muli %mul3A_167, %add3A_162 : i32
      %add3A_169 = arith.constant 1 : i32
      %add3A_170 = arith.addi %mul3A_168, %add3A_169 : i32
      %mul3A_171 = arith.constant 2 : i32
      %mul3A_172 = arith.muli %mul3A_171, %add3A_170 : i32
      %dma_start3A_173 = arith.constant 0 : i32
      %dma_start3A_174 = tpu.memref_slice %arg7[%mul3A_172, %dma_start3A_173] : memref<128x104xi32, #tpu.memory_space<vmem>> -> memref<1x104xi32, #tpu.memory_space<vmem>>
      %dma_start3A_175 = tpu.memref_squeeze %dma_start3A_174 : memref<1x104xi32, #tpu.memory_space<vmem>> -> memref<104xi32, #tpu.memory_space<vmem>>
      %dma_start3A_176 = arith.constant 0 : i32
      %dma_start3A_177 = arith.constant 0 : i32
      %dma_start3A_178 = tpu.memref_slice %arg2[%dma_start3A_176, %dma_start3A_177] : memref<100000x128xbf16, #tpu.memory_space<hbm>> -> memref<100000x128xbf16, #tpu.memory_space<hbm>>
      tpu.enqueue_indirect_dma source(%dma_start3A_178 : memref<100000x128xbf16, #tpu.memory_space<hbm>>) target(%arg10 : memref<104x128xbf16, #tpu.memory_space<vmem>>) offsets(%dma_start3A_175 : memref<104xi32, #tpu.memory_space<vmem>>) semaphore(%arg14 : memref<!tpu.dma_semaphore, #tpu.memory_space<semaphore_mem>>)
      %mul3A_179 = arith.constant 2 : i32
      %mul3A_180 = arith.muli %mul3A_179, %add3A_170 : i32
      %add3A_181 = arith.constant 1 : i32
      %add3A_182 = arith.addi %mul3A_180, %add3A_181 : i32
      %dma_start3A_183 = arith.constant 0 : i32
      %dma_start3A_184 = tpu.memref_slice %arg7[%add3A_182, %dma_start3A_183] : memref<128x104xi32, #tpu.memory_space<vmem>> -> memref<1x104xi32, #tpu.memory_space<vmem>>
      %dma_start3A_185 = tpu.memref_squeeze %dma_start3A_184 : memref<1x104xi32, #tpu.memory_space<vmem>> -> memref<104xi32, #tpu.memory_space<vmem>>
      %dma_start3A_186 = arith.constant 0 : i32
      %dma_start3A_187 = arith.constant 0 : i32
      %dma_start3A_188 = tpu.memref_slice %arg2[%dma_start3A_186, %dma_start3A_187] : memref<100000x128xbf16, #tpu.memory_space<hbm>> -> memref<100000x128xbf16, #tpu.memory_space<hbm>>
      tpu.enqueue_indirect_dma source(%dma_start3A_188 : memref<100000x128xbf16, #tpu.memory_space<hbm>>) target(%arg11 : memref<104x128xbf16, #tpu.memory_space<vmem>>) offsets(%dma_start3A_185 : memref<104xi32, #tpu.memory_space<vmem>>) semaphore(%arg14 : memref<!tpu.dma_semaphore, #tpu.memory_space<semaphore_mem>>)
      %dma_wait3A_189 = arith.constant 0 : i32
      %dma_wait3A_190 = arith.constant 0 : i32
      %dma_wait3A_191 = tpu.memref_slice %arg2[%dma_wait3A_189, %dma_wait3A_190] : memref<100000x128xbf16, #tpu.memory_space<hbm>> -> memref<104x128xbf16, #tpu.memory_space<hbm>>
      %dma_wait3A_192 = arith.constant 0 : i32
      %dma_wait3A_193 = arith.constant 0 : i32
      %dma_wait3A_194 = tpu.memref_slice %arg2[%dma_wait3A_192, %dma_wait3A_193] : memref<100000x128xbf16, #tpu.memory_space<hbm>> -> memref<104x128xbf16, #tpu.memory_space<hbm>>
      tpu.wait_dma2 semaphore(%arg13 : memref<!tpu.dma_semaphore, #tpu.memory_space<semaphore_mem>>) src(%dma_wait3A_194 : memref<104x128xbf16, #tpu.memory_space<hbm>>) dst(%arg8 : memref<104x128xbf16, #tpu.memory_space<vmem>>)
      %dma_wait3A_195 = arith.constant 0 : i32
      %dma_wait3A_196 = arith.constant 0 : i32
      %dma_wait3A_197 = tpu.memref_slice %arg2[%dma_wait3A_195, %dma_wait3A_196] : memref<100000x128xbf16, #tpu.memory_space<hbm>> -> memref<104x128xbf16, #tpu.memory_space<hbm>>
      %dma_wait3A_198 = arith.constant 0 : i32
      %dma_wait3A_199 = arith.constant 0 : i32
      %dma_wait3A_200 = tpu.memref_slice %arg2[%dma_wait3A_198, %dma_wait3A_199] : memref<100000x128xbf16, #tpu.memory_space<hbm>> -> memref<104x128xbf16, #tpu.memory_space<hbm>>
      tpu.wait_dma2 semaphore(%arg13 : memref<!tpu.dma_semaphore, #tpu.memory_space<semaphore_mem>>) src(%dma_wait3A_200 : memref<104x128xbf16, #tpu.memory_space<hbm>>) dst(%arg9 : memref<104x128xbf16, #tpu.memory_space<vmem>>)
      %broadcast_in_dim3A = arith.constant 0.000000e+00 : bf16
      %broadcast_in_dim3A_201 = vector.broadcast %broadcast_in_dim3A : bf16 to vector<32xbf16>
      %broadcast_in_dim3A_202 = arith.constant 0.000000e+00 : bf16
      %broadcast_in_dim3A_203 = vector.broadcast %broadcast_in_dim3A_202 : bf16 to vector<32xbf16>
      %broadcast_in_dim3A_204 = arith.constant 0.000000e+00 : bf16
      %broadcast_in_dim3A_205 = vector.broadcast %broadcast_in_dim3A_204 : bf16 to vector<32xbf16>
      %broadcast_in_dim3A_206 = arith.constant 0.000000e+00 : bf16
      %broadcast_in_dim3A_207 = vector.broadcast %broadcast_in_dim3A_206 : bf16 to vector<32xbf16>
      %scan3A_208 = arith.constant 0 : i32
      %scan3A_209 = arith.constant 100 : i32
      %scan3A_210 = arith.addi %scan3A_208, %scan3A_209 : i32
      %scan3A_211 = arith.constant 1 : i32
      %scan3A_212:4 = scf.for %scan3A_299 = %scan3A_208 to %scan3A_210 step %scan3A_211 iter_args(%scan3A_300 = %broadcast_in_dim3A_201, %scan3A_301 = %broadcast_in_dim3A_203, %scan3A_302 = %broadcast_in_dim3A_205, %scan3A_303 = %broadcast_in_dim3A_207) -> (vector<32xbf16>, vector<32xbf16>, vector<32xbf16>, vector<32xbf16>)  : i32 {
        %get3A = arith.index_cast %scan3A_299 : i32 to index
        %get3A_304 = arith.constant 0 : index
        %get3A_305 = tpu.vector_load %arg8[%get3A, %get3A_304] {strides = array<i32>} : memref<104x128xbf16, #tpu.memory_space<vmem>>, vector<1x32xbf16>,
        %get3A_306 = vector.shape_cast %get3A_305 : vector<1x32xbf16> to vector<32xbf16>
        %add3A_307 = arith.addf %scan3A_300, %get3A_306 : vector<32xbf16>
        %get3A_308 = arith.index_cast %scan3A_299 : i32 to index
        %get3A_309 = arith.constant 32 : index
        %get3A_310 = tpu.vector_load %arg8[%get3A_308, %get3A_309] {strides = array<i32>} : memref<104x128xbf16, #tpu.memory_space<vmem>>, vector<1x32xbf16>,
        %get3A_311 = vector.shape_cast %get3A_310 : vector<1x32xbf16> to vector<32xbf16>
        %add3A_312 = arith.addf %scan3A_301, %get3A_311 : vector<32xbf16>
        %get3A_313 = arith.index_cast %scan3A_299 : i32 to index
        %get3A_314 = arith.constant 64 : index
        %get3A_315 = tpu.vector_load %arg8[%get3A_313, %get3A_314] {strides = array<i32>} : memref<104x128xbf16, #tpu.memory_space<vmem>>, vector<1x32xbf16>,
        %get3A_316 = vector.shape_cast %get3A_315 : vector<1x32xbf16> to vector<32xbf16>
        %add3A_317 = arith.addf %scan3A_302, %get3A_316 : vector<32xbf16>
        %get3A_318 = arith.index_cast %scan3A_299 : i32 to index
        %get3A_319 = arith.constant 96 : index
        %get3A_320 = tpu.vector_load %arg8[%get3A_318, %get3A_319] {strides = array<i32>} : memref<104x128xbf16, #tpu.memory_space<vmem>>, vector<1x32xbf16>,
        %get3A_321 = vector.shape_cast %get3A_320 : vector<1x32xbf16> to vector<32xbf16>
        %add3A_322 = arith.addf %scan3A_303, %get3A_321 : vector<32xbf16>
        scf.yield %add3A_307, %add3A_312, %add3A_317, %add3A_322 : vector<32xbf16>, vector<32xbf16>, vector<32xbf16>, vector<32xbf16>
      }
      %scan3A_213 = arith.constant 100 : i32
      %scan3A_214 = arith.constant 0 : i32
      %scan3A_215 = arith.constant 100 : i32
      %scan3A_216 = arith.addi %scan3A_214, %scan3A_215 : i32
      %scan3A_217 = arith.constant 1 : i32
      %scan3A_218:4 = scf.for %scan3A_299 = %scan3A_214 to %scan3A_216 step %scan3A_217 iter_args(%scan3A_300 = %scan3A_212#0, %scan3A_301 = %scan3A_212#1, %scan3A_302 = %scan3A_212#2, %scan3A_303 = %scan3A_212#3) -> (vector<32xbf16>, vector<32xbf16>, vector<32xbf16>, vector<32xbf16>)  : i32 {
        %get3A = arith.index_cast %scan3A_299 : i32 to index
        %get3A_304 = arith.constant 0 : index
        %get3A_305 = tpu.vector_load %arg9[%get3A, %get3A_304] {strides = array<i32>} : memref<104x128xbf16, #tpu.memory_space<vmem>>, vector<1x32xbf16>,
        %get3A_306 = vector.shape_cast %get3A_305 : vector<1x32xbf16> to vector<32xbf16>
        %add3A_307 = arith.addf %scan3A_300, %get3A_306 : vector<32xbf16>
        %get3A_308 = arith.index_cast %scan3A_299 : i32 to index
        %get3A_309 = arith.constant 32 : index
        %get3A_310 = tpu.vector_load %arg9[%get3A_308, %get3A_309] {strides = array<i32>} : memref<104x128xbf16, #tpu.memory_space<vmem>>, vector<1x32xbf16>,
        %get3A_311 = vector.shape_cast %get3A_310 : vector<1x32xbf16> to vector<32xbf16>
        %add3A_312 = arith.addf %scan3A_301, %get3A_311 : vector<32xbf16>
        %get3A_313 = arith.index_cast %scan3A_299 : i32 to index
        %get3A_314 = arith.constant 64 : index
        %get3A_315 = tpu.vector_load %arg9[%get3A_313, %get3A_314] {strides = array<i32>} : memref<104x128xbf16, #tpu.memory_space<vmem>>, vector<1x32xbf16>,
        %get3A_316 = vector.shape_cast %get3A_315 : vector<1x32xbf16> to vector<32xbf16>
        %add3A_317 = arith.addf %scan3A_302, %get3A_316 : vector<32xbf16>
        %get3A_318 = arith.index_cast %scan3A_299 : i32 to index
        %get3A_319 = arith.constant 96 : index
        %get3A_320 = tpu.vector_load %arg9[%get3A_318, %get3A_319] {strides = array<i32>} : memref<104x128xbf16, #tpu.memory_space<vmem>>, vector<1x32xbf16>,
        %get3A_321 = vector.shape_cast %get3A_320 : vector<1x32xbf16> to vector<32xbf16>
        %add3A_322 = arith.addf %scan3A_303, %get3A_321 : vector<32xbf16>
        scf.yield %add3A_307, %add3A_312, %add3A_317, %add3A_322 : vector<32xbf16>, vector<32xbf16>, vector<32xbf16>, vector<32xbf16>
      }
      %scan3A_219 = arith.constant 100 : i32
      %swap3A = arith.index_cast %add3A_166 : i32 to index
      %swap3A_220 = arith.constant 0 : index
      %swap3A_221 = tpu.vector_load %arg12[%swap3A, %swap3A_220] {strides = array<i32>} : memref<512x128xbf16, #tpu.memory_space<vmem>>, vector<1x32xbf16>,
      %swap3A_222 = vector.shape_cast %swap3A_221 : vector<1x32xbf16> to vector<32xbf16>
      %swap3A_223 = vector.shape_cast %scan3A_218#0 : vector<32xbf16> to vector<1x32xbf16>
      tpu.vector_store %arg12[%swap3A, %swap3A_220], %swap3A_223 {strides = array<i32>} : memref<512x128xbf16, #tpu.memory_space<vmem>>, vector<1x32xbf16>,
      %swap3A_224 = arith.index_cast %add3A_166 : i32 to index
      %swap3A_225 = arith.constant 32 : index
      %swap3A_226 = tpu.vector_load %arg12[%swap3A_224, %swap3A_225] {strides = array<i32>} : memref<512x128xbf16, #tpu.memory_space<vmem>>, vector<1x32xbf16>,
      %swap3A_227 = vector.shape_cast %swap3A_226 : vector<1x32xbf16> to vector<32xbf16>
      %swap3A_228 = vector.shape_cast %scan3A_218#1 : vector<32xbf16> to vector<1x32xbf16>
      tpu.vector_store %arg12[%swap3A_224, %swap3A_225], %swap3A_228 {strides = array<i32>} : memref<512x128xbf16, #tpu.memory_space<vmem>>, vector<1x32xbf16>,
      %swap3A_229 = arith.index_cast %add3A_166 : i32 to index
      %swap3A_230 = arith.constant 64 : index
      %swap3A_231 = tpu.vector_load %arg12[%swap3A_229, %swap3A_230] {strides = array<i32>} : memref<512x128xbf16, #tpu.memory_space<vmem>>, vector<1x32xbf16>,
      %swap3A_232 = vector.shape_cast %swap3A_231 : vector<1x32xbf16> to vector<32xbf16>
      %swap3A_233 = vector.shape_cast %scan3A_218#2 : vector<32xbf16> to vector<1x32xbf16>
      tpu.vector_store %arg12[%swap3A_229, %swap3A_230], %swap3A_233 {strides = array<i32>} : memref<512x128xbf16, #tpu.memory_space<vmem>>, vector<1x32xbf16>,
      %swap3A_234 = arith.index_cast %add3A_166 : i32 to index
      %swap3A_235 = arith.constant 96 : index
      %swap3A_236 = tpu.vector_load %arg12[%swap3A_234, %swap3A_235] {strides = array<i32>} : memref<512x128xbf16, #tpu.memory_space<vmem>>, vector<1x32xbf16>,
      %swap3A_237 = vector.shape_cast %swap3A_236 : vector<1x32xbf16> to vector<32xbf16>
      %swap3A_238 = vector.shape_cast %scan3A_218#3 : vector<32xbf16> to vector<1x32xbf16>
      tpu.vector_store %arg12[%swap3A_234, %swap3A_235], %swap3A_238 {strides = array<i32>} : memref<512x128xbf16, #tpu.memory_space<vmem>>, vector<1x32xbf16>,
      %lt3A = arith.constant 31 : i32
      %lt3A_239 = arith.cmpi slt, %add3A_162, %lt3A : i32
      %convert_element_type3A = arith.extui %lt3A_239 : i1 to i32
      %cond3A = arith.constant 0 : i32
      %cond3A_240 = arith.cmpi ne, %convert_element_type3A, %cond3A : i32
      scf.if %cond3A_240 {
        %mul3A_299 = arith.constant 2 : i32
        %mul3A_300 = arith.muli %mul3A_299, %add3A_162 : i32
        %add3A_301 = arith.constant 2 : i32
        %add3A_302 = arith.addi %mul3A_300, %add3A_301 : i32
        %mul3A_303 = arith.constant 2 : i32
        %mul3A_304 = arith.muli %mul3A_303, %add3A_302 : i32
        %dma_start3A_305 = arith.constant 0 : i32
        %dma_start3A_306 = tpu.memref_slice %arg7[%mul3A_304, %dma_start3A_305] : memref<128x104xi32, #tpu.memory_space<vmem>> -> memref<1x104xi32, #tpu.memory_space<vmem>>
        %dma_start3A_307 = tpu.memref_squeeze %dma_start3A_306 : memref<1x104xi32, #tpu.memory_space<vmem>> -> memref<104xi32, #tpu.memory_space<vmem>>
        %dma_start3A_308 = arith.constant 0 : i32
        %dma_start3A_309 = arith.constant 0 : i32
        %dma_start3A_310 = tpu.memref_slice %arg2[%dma_start3A_308, %dma_start3A_309] : memref<100000x128xbf16, #tpu.memory_space<hbm>> -> memref<100000x128xbf16, #tpu.memory_space<hbm>>
        tpu.enqueue_indirect_dma source(%dma_start3A_310 : memref<100000x128xbf16, #tpu.memory_space<hbm>>) target(%arg8 : memref<104x128xbf16, #tpu.memory_space<vmem>>) offsets(%dma_start3A_307 : memref<104xi32, #tpu.memory_space<vmem>>) semaphore(%arg13 : memref<!tpu.dma_semaphore, #tpu.memory_space<semaphore_mem>>)
        %mul3A_311 = arith.constant 2 : i32
        %mul3A_312 = arith.muli %mul3A_311, %add3A_302 : i32
        %add3A_313 = arith.constant 1 : i32
        %add3A_314 = arith.addi %mul3A_312, %add3A_313 : i32
        %dma_start3A_315 = arith.constant 0 : i32
        %dma_start3A_316 = tpu.memref_slice %arg7[%add3A_314, %dma_start3A_315] : memref<128x104xi32, #tpu.memory_space<vmem>> -> memref<1x104xi32, #tpu.memory_space<vmem>>
        %dma_start3A_317 = tpu.memref_squeeze %dma_start3A_316 : memref<1x104xi32, #tpu.memory_space<vmem>> -> memref<104xi32, #tpu.memory_space<vmem>>
        %dma_start3A_318 = arith.constant 0 : i32
        %dma_start3A_319 = arith.constant 0 : i32
        %dma_start3A_320 = tpu.memref_slice %arg2[%dma_start3A_318, %dma_start3A_319] : memref<100000x128xbf16, #tpu.memory_space<hbm>> -> memref<100000x128xbf16, #tpu.memory_space<hbm>>
        tpu.enqueue_indirect_dma source(%dma_start3A_320 : memref<100000x128xbf16, #tpu.memory_space<hbm>>) target(%arg9 : memref<104x128xbf16, #tpu.memory_space<vmem>>) offsets(%dma_start3A_317 : memref<104xi32, #tpu.memory_space<vmem>>) semaphore(%arg13 : memref<!tpu.dma_semaphore, #tpu.memory_space<semaphore_mem>>)
      } else {
      }
      %eq3A = arith.constant 31 : i32
      %eq3A_241 = arith.cmpi eq, %add3A_162, %eq3A : i32
      %convert_element_type3A_242 = arith.extui %eq3A_241 : i1 to i32
      %cond3A_243 = arith.constant 0 : i32
      %cond3A_244 = arith.cmpi ne, %convert_element_type3A_242, %cond3A_243 : i32
      scf.if %cond3A_244 {
        %dma_start3A_299 = arith.constant 0 : i32
        %dma_start3A_300 = arith.constant 0 : i32
        %dma_start3A_301 = tpu.memref_slice %arg5[%dma_start3A_299, %dma_start3A_300] : memref<128x104xi32, #tpu.memory_space<vmem>> -> memref<1x104xi32, #tpu.memory_space<vmem>>
        %dma_start3A_302 = tpu.memref_squeeze %dma_start3A_301 : memref<1x104xi32, #tpu.memory_space<vmem>> -> memref<104xi32, #tpu.memory_space<vmem>>
        %dma_start3A_303 = arith.constant 0 : i32
        %dma_start3A_304 = arith.constant 0 : i32
        %dma_start3A_305 = tpu.memref_slice %arg2[%dma_start3A_303, %dma_start3A_304] : memref<100000x128xbf16, #tpu.memory_space<hbm>> -> memref<100000x128xbf16, #tpu.memory_space<hbm>>
        tpu.enqueue_indirect_dma source(%dma_start3A_305 : memref<100000x128xbf16, #tpu.memory_space<hbm>>) target(%arg8 : memref<104x128xbf16, #tpu.memory_space<vmem>>) offsets(%dma_start3A_302 : memref<104xi32, #tpu.memory_space<vmem>>) semaphore(%arg13 : memref<!tpu.dma_semaphore, #tpu.memory_space<semaphore_mem>>)
        %dma_start3A_306 = arith.constant 1 : i32
        %dma_start3A_307 = arith.constant 0 : i32
        %dma_start3A_308 = tpu.memref_slice %arg5[%dma_start3A_306, %dma_start3A_307] : memref<128x104xi32, #tpu.memory_space<vmem>> -> memref<1x104xi32, #tpu.memory_space<vmem>>
        %dma_start3A_309 = tpu.memref_squeeze %dma_start3A_308 : memref<1x104xi32, #tpu.memory_space<vmem>> -> memref<104xi32, #tpu.memory_space<vmem>>
        %dma_start3A_310 = arith.constant 0 : i32
        %dma_start3A_311 = arith.constant 0 : i32
        %dma_start3A_312 = tpu.memref_slice %arg2[%dma_start3A_310, %dma_start3A_311] : memref<100000x128xbf16, #tpu.memory_space<hbm>> -> memref<100000x128xbf16, #tpu.memory_space<hbm>>
        tpu.enqueue_indirect_dma source(%dma_start3A_312 : memref<100000x128xbf16, #tpu.memory_space<hbm>>) target(%arg9 : memref<104x128xbf16, #tpu.memory_space<vmem>>) offsets(%dma_start3A_309 : memref<104xi32, #tpu.memory_space<vmem>>) semaphore(%arg13 : memref<!tpu.dma_semaphore, #tpu.memory_space<semaphore_mem>>)
      } else {
      }
      %dma_wait3A_245 = arith.constant 0 : i32
      %dma_wait3A_246 = arith.constant 0 : i32
      %dma_wait3A_247 = tpu.memref_slice %arg2[%dma_wait3A_245, %dma_wait3A_246] : memref<100000x128xbf16, #tpu.memory_space<hbm>> -> memref<104x128xbf16, #tpu.memory_space<hbm>>
      %dma_wait3A_248 = arith.constant 0 : i32
      %dma_wait3A_249 = arith.constant 0 : i32
      %dma_wait3A_250 = tpu.memref_slice %arg2[%dma_wait3A_248, %dma_wait3A_249] : memref<100000x128xbf16, #tpu.memory_space<hbm>> -> memref<104x128xbf16, #tpu.memory_space<hbm>>
      tpu.wait_dma2 semaphore(%arg14 : memref<!tpu.dma_semaphore, #tpu.memory_space<semaphore_mem>>) src(%dma_wait3A_250 : memref<104x128xbf16, #tpu.memory_space<hbm>>) dst(%arg10 : memref<104x128xbf16, #tpu.memory_space<vmem>>)
      %dma_wait3A_251 = arith.constant 0 : i32
      %dma_wait3A_252 = arith.constant 0 : i32
      %dma_wait3A_253 = tpu.memref_slice %arg2[%dma_wait3A_251, %dma_wait3A_252] : memref<100000x128xbf16, #tpu.memory_space<hbm>> -> memref<104x128xbf16, #tpu.memory_space<hbm>>
      %dma_wait3A_254 = arith.constant 0 : i32
      %dma_wait3A_255 = arith.constant 0 : i32
      %dma_wait3A_256 = tpu.memref_slice %arg2[%dma_wait3A_254, %dma_wait3A_255] : memref<100000x128xbf16, #tpu.memory_space<hbm>> -> memref<104x128xbf16, #tpu.memory_space<hbm>>
      tpu.wait_dma2 semaphore(%arg14 : memref<!tpu.dma_semaphore, #tpu.memory_space<semaphore_mem>>) src(%dma_wait3A_256 : memref<104x128xbf16, #tpu.memory_space<hbm>>) dst(%arg11 : memref<104x128xbf16, #tpu.memory_space<vmem>>)
      %add3A_257 = arith.constant 1 : i32
      %add3A_258 = arith.addi %add3A_166, %add3A_257 : i32
      %broadcast_in_dim3A_259 = arith.constant 0.000000e+00 : bf16
      %broadcast_in_dim3A_260 = vector.broadcast %broadcast_in_dim3A_259 : bf16 to vector<32xbf16>
      %broadcast_in_dim3A_261 = arith.constant 0.000000e+00 : bf16
      %broadcast_in_dim3A_262 = vector.broadcast %broadcast_in_dim3A_261 : bf16 to vector<32xbf16>
      %broadcast_in_dim3A_263 = arith.constant 0.000000e+00 : bf16
      %broadcast_in_dim3A_264 = vector.broadcast %broadcast_in_dim3A_263 : bf16 to vector<32xbf16>
      %broadcast_in_dim3A_265 = arith.constant 0.000000e+00 : bf16
      %broadcast_in_dim3A_266 = vector.broadcast %broadcast_in_dim3A_265 : bf16 to vector<32xbf16>
      %scan3A_267 = arith.constant 0 : i32
      %scan3A_268 = arith.constant 100 : i32
      %scan3A_269 = arith.addi %scan3A_267, %scan3A_268 : i32
      %scan3A_270 = arith.constant 1 : i32
      %scan3A_271:4 = scf.for %scan3A_299 = %scan3A_267 to %scan3A_269 step %scan3A_270 iter_args(%scan3A_300 = %broadcast_in_dim3A_260, %scan3A_301 = %broadcast_in_dim3A_262, %scan3A_302 = %broadcast_in_dim3A_264, %scan3A_303 = %broadcast_in_dim3A_266) -> (vector<32xbf16>, vector<32xbf16>, vector<32xbf16>, vector<32xbf16>)  : i32 {
        %get3A = arith.index_cast %scan3A_299 : i32 to index
        %get3A_304 = arith.constant 0 : index
        %get3A_305 = tpu.vector_load %arg10[%get3A, %get3A_304] {strides = array<i32>} : memref<104x128xbf16, #tpu.memory_space<vmem>>, vector<1x32xbf16>,
        %get3A_306 = vector.shape_cast %get3A_305 : vector<1x32xbf16> to vector<32xbf16>
        %add3A_307 = arith.addf %scan3A_300, %get3A_306 : vector<32xbf16>
        %get3A_308 = arith.index_cast %scan3A_299 : i32 to index
        %get3A_309 = arith.constant 32 : index
        %get3A_310 = tpu.vector_load %arg10[%get3A_308, %get3A_309] {strides = array<i32>} : memref<104x128xbf16, #tpu.memory_space<vmem>>, vector<1x32xbf16>,
        %get3A_311 = vector.shape_cast %get3A_310 : vector<1x32xbf16> to vector<32xbf16>
        %add3A_312 = arith.addf %scan3A_301, %get3A_311 : vector<32xbf16>
        %get3A_313 = arith.index_cast %scan3A_299 : i32 to index
        %get3A_314 = arith.constant 64 : index
        %get3A_315 = tpu.vector_load %arg10[%get3A_313, %get3A_314] {strides = array<i32>} : memref<104x128xbf16, #tpu.memory_space<vmem>>, vector<1x32xbf16>,
        %get3A_316 = vector.shape_cast %get3A_315 : vector<1x32xbf16> to vector<32xbf16>
        %add3A_317 = arith.addf %scan3A_302, %get3A_316 : vector<32xbf16>
        %get3A_318 = arith.index_cast %scan3A_299 : i32 to index
        %get3A_319 = arith.constant 96 : index
        %get3A_320 = tpu.vector_load %arg10[%get3A_318, %get3A_319] {strides = array<i32>} : memref<104x128xbf16, #tpu.memory_space<vmem>>, vector<1x32xbf16>,
        %get3A_321 = vector.shape_cast %get3A_320 : vector<1x32xbf16> to vector<32xbf16>
        %add3A_322 = arith.addf %scan3A_303, %get3A_321 : vector<32xbf16>
        scf.yield %add3A_307, %add3A_312, %add3A_317, %add3A_322 : vector<32xbf16>, vector<32xbf16>, vector<32xbf16>, vector<32xbf16>
      }
      %scan3A_272 = arith.constant 100 : i32
      %scan3A_273 = arith.constant 0 : i32
      %scan3A_274 = arith.constant 100 : i32
      %scan3A_275 = arith.addi %scan3A_273, %scan3A_274 : i32
      %scan3A_276 = arith.constant 1 : i32
      %scan3A_277:4 = scf.for %scan3A_299 = %scan3A_273 to %scan3A_275 step %scan3A_276 iter_args(%scan3A_300 = %scan3A_271#0, %scan3A_301 = %scan3A_271#1, %scan3A_302 = %scan3A_271#2, %scan3A_303 = %scan3A_271#3) -> (vector<32xbf16>, vector<32xbf16>, vector<32xbf16>, vector<32xbf16>)  : i32 {
        %get3A = arith.index_cast %scan3A_299 : i32 to index
        %get3A_304 = arith.constant 0 : index
        %get3A_305 = tpu.vector_load %arg11[%get3A, %get3A_304] {strides = array<i32>} : memref<104x128xbf16, #tpu.memory_space<vmem>>, vector<1x32xbf16>,
        %get3A_306 = vector.shape_cast %get3A_305 : vector<1x32xbf16> to vector<32xbf16>
        %add3A_307 = arith.addf %scan3A_300, %get3A_306 : vector<32xbf16>
        %get3A_308 = arith.index_cast %scan3A_299 : i32 to index
        %get3A_309 = arith.constant 32 : index
        %get3A_310 = tpu.vector_load %arg11[%get3A_308, %get3A_309] {strides = array<i32>} : memref<104x128xbf16, #tpu.memory_space<vmem>>, vector<1x32xbf16>,
        %get3A_311 = vector.shape_cast %get3A_310 : vector<1x32xbf16> to vector<32xbf16>
        %add3A_312 = arith.addf %scan3A_301, %get3A_311 : vector<32xbf16>
        %get3A_313 = arith.index_cast %scan3A_299 : i32 to index
        %get3A_314 = arith.constant 64 : index
        %get3A_315 = tpu.vector_load %arg11[%get3A_313, %get3A_314] {strides = array<i32>} : memref<104x128xbf16, #tpu.memory_space<vmem>>, vector<1x32xbf16>,
        %get3A_316 = vector.shape_cast %get3A_315 : vector<1x32xbf16> to vector<32xbf16>
        %add3A_317 = arith.addf %scan3A_302, %get3A_316 : vector<32xbf16>
        %get3A_318 = arith.index_cast %scan3A_299 : i32 to index
        %get3A_319 = arith.constant 96 : index
        %get3A_320 = tpu.vector_load %arg11[%get3A_318, %get3A_319] {strides = array<i32>} : memref<104x128xbf16, #tpu.memory_space<vmem>>, vector<1x32xbf16>,
        %get3A_321 = vector.shape_cast %get3A_320 : vector<1x32xbf16> to vector<32xbf16>
        %add3A_322 = arith.addf %scan3A_303, %get3A_321 : vector<32xbf16>
        scf.yield %add3A_307, %add3A_312, %add3A_317, %add3A_322 : vector<32xbf16>, vector<32xbf16>, vector<32xbf16>, vector<32xbf16>
      }
      %scan3A_278 = arith.constant 100 : i32
      %swap3A_279 = arith.index_cast %add3A_258 : i32 to index
      %swap3A_280 = arith.constant 0 : index
      %swap3A_281 = tpu.vector_load %arg12[%swap3A_279, %swap3A_280] {strides = array<i32>} : memref<512x128xbf16, #tpu.memory_space<vmem>>, vector<1x32xbf16>,
      %swap3A_282 = vector.shape_cast %swap3A_281 : vector<1x32xbf16> to vector<32xbf16>
      %swap3A_283 = vector.shape_cast %scan3A_277#0 : vector<32xbf16> to vector<1x32xbf16>
      tpu.vector_store %arg12[%swap3A_279, %swap3A_280], %swap3A_283 {strides = array<i32>} : memref<512x128xbf16, #tpu.memory_space<vmem>>, vector<1x32xbf16>,
      %swap3A_284 = arith.index_cast %add3A_258 : i32 to index
      %swap3A_285 = arith.constant 32 : index
      %swap3A_286 = tpu.vector_load %arg12[%swap3A_284, %swap3A_285] {strides = array<i32>} : memref<512x128xbf16, #tpu.memory_space<vmem>>, vector<1x32xbf16>,
      %swap3A_287 = vector.shape_cast %swap3A_286 : vector<1x32xbf16> to vector<32xbf16>
      %swap3A_288 = vector.shape_cast %scan3A_277#1 : vector<32xbf16> to vector<1x32xbf16>
      tpu.vector_store %arg12[%swap3A_284, %swap3A_285], %swap3A_288 {strides = array<i32>} : memref<512x128xbf16, #tpu.memory_space<vmem>>, vector<1x32xbf16>,
      %swap3A_289 = arith.index_cast %add3A_258 : i32 to index
      %swap3A_290 = arith.constant 64 : index
      %swap3A_291 = tpu.vector_load %arg12[%swap3A_289, %swap3A_290] {strides = array<i32>} : memref<512x128xbf16, #tpu.memory_space<vmem>>, vector<1x32xbf16>,
      %swap3A_292 = vector.shape_cast %swap3A_291 : vector<1x32xbf16> to vector<32xbf16>
      %swap3A_293 = vector.shape_cast %scan3A_277#2 : vector<32xbf16> to vector<1x32xbf16>
      tpu.vector_store %arg12[%swap3A_289, %swap3A_290], %swap3A_293 {strides = array<i32>} : memref<512x128xbf16, #tpu.memory_space<vmem>>, vector<1x32xbf16>,
      %swap3A_294 = arith.index_cast %add3A_258 : i32 to index
      %swap3A_295 = arith.constant 96 : index
      %swap3A_296 = tpu.vector_load %arg12[%swap3A_294, %swap3A_295] {strides = array<i32>} : memref<512x128xbf16, #tpu.memory_space<vmem>>, vector<1x32xbf16>,
      %swap3A_297 = vector.shape_cast %swap3A_296 : vector<1x32xbf16> to vector<32xbf16>
      %swap3A_298 = vector.shape_cast %scan3A_277#3 : vector<32xbf16> to vector<1x32xbf16>
      tpu.vector_store %arg12[%swap3A_294, %swap3A_295], %swap3A_298 {strides = array<i32>} : memref<512x128xbf16, #tpu.memory_space<vmem>>, vector<1x32xbf16>,
    }
    %scan3A_139 = arith.constant 32 : i32
    %add3A_140 = arith.constant 0 : i32
    %add3A_141 = arith.addi %mul3A_2, %add3A_140 : i32
    %mul3A_142 = arith.constant 2 : i32
    %mul3A_143 = arith.muli %add3A_141, %mul3A_142 : i32
    %dma_wait3A_144 = arith.constant 0 : i32
    %dma_wait3A_145 = tpu.memref_slice %arg3[%mul3A_143, %dma_wait3A_144] : memref<32768x104xi32, #tpu.memory_space<hbm>> -> memref<128x104xi32, #tpu.memory_space<hbm>>
    %dma_wait3A_146 = arith.constant 0 : i32
    %dma_wait3A_147 = tpu.memref_slice %arg3[%mul3A_143, %dma_wait3A_146] : memref<32768x104xi32, #tpu.memory_space<hbm>> -> memref<128x104xi32, #tpu.memory_space<hbm>>
    tpu.wait_dma2 semaphore(%arg15 : memref<!tpu.dma_semaphore, #tpu.memory_space<semaphore_mem>>) src(%dma_wait3A_147 : memref<128x104xi32, #tpu.memory_space<hbm>>) dst(%arg6 : memref<128x104xi32, #tpu.memory_space<vmem>>)
    %scan3A_148 = arith.constant 0 : i32
    %scan3A_149 = arith.constant 32 : i32
    %scan3A_150 = arith.addi %scan3A_148, %scan3A_149 : i32
    %scan3A_151 = arith.constant 1 : i32
    scf.for %scan3A_158 = %scan3A_148 to %scan3A_150 step %scan3A_151  : i32 {
      %mul3A_159 = arith.constant 1 : i32
      %mul3A_160 = arith.muli %scan3A_158, %mul3A_159 : i32
      %add3A_161 = arith.constant 0 : i32
      %add3A_162 = arith.addi %add3A_161, %mul3A_160 : i32
      %mul3A_163 = arith.constant 2 : i32
      %mul3A_164 = arith.muli %mul3A_163, %add3A_162 : i32
      %add3A_165 = arith.constant 384 : i32
      %add3A_166 = arith.addi %add3A_165, %mul3A_164 : i32
      %mul3A_167 = arith.constant 2 : i32
      %mul3A_168 = arith.muli %mul3A_167, %add3A_162 : i32
      %add3A_169 = arith.constant 1 : i32
      %add3A_170 = arith.addi %mul3A_168, %add3A_169 : i32
      %mul3A_171 = arith.constant 2 : i32
      %mul3A_172 = arith.muli %mul3A_171, %add3A_170 : i32
      %dma_start3A_173 = arith.constant 0 : i32
      %dma_start3A_174 = tpu.memref_slice %arg5[%mul3A_172, %dma_start3A_173] : memref<128x104xi32, #tpu.memory_space<vmem>> -> memref<1x104xi32, #tpu.memory_space<vmem>>
      %dma_start3A_175 = tpu.memref_squeeze %dma_start3A_174 : memref<1x104xi32, #tpu.memory_space<vmem>> -> memref<104xi32, #tpu.memory_space<vmem>>
      %dma_start3A_176 = arith.constant 0 : i32
      %dma_start3A_177 = arith.constant 0 : i32
      %dma_start3A_178 = tpu.memref_slice %arg2[%dma_start3A_176, %dma_start3A_177] : memref<100000x128xbf16, #tpu.memory_space<hbm>> -> memref<100000x128xbf16, #tpu.memory_space<hbm>>
      tpu.enqueue_indirect_dma source(%dma_start3A_178 : memref<100000x128xbf16, #tpu.memory_space<hbm>>) target(%arg10 : memref<104x128xbf16, #tpu.memory_space<vmem>>) offsets(%dma_start3A_175 : memref<104xi32, #tpu.memory_space<vmem>>) semaphore(%arg14 : memref<!tpu.dma_semaphore, #tpu.memory_space<semaphore_mem>>)
      %mul3A_179 = arith.constant 2 : i32
      %mul3A_180 = arith.muli %mul3A_179, %add3A_170 : i32
      %add3A_181 = arith.constant 1 : i32
      %add3A_182 = arith.addi %mul3A_180, %add3A_181 : i32
      %dma_start3A_183 = arith.constant 0 : i32
      %dma_start3A_184 = tpu.memref_slice %arg5[%add3A_182, %dma_start3A_183] : memref<128x104xi32, #tpu.memory_space<vmem>> -> memref<1x104xi32, #tpu.memory_space<vmem>>
      %dma_start3A_185 = tpu.memref_squeeze %dma_start3A_184 : memref<1x104xi32, #tpu.memory_space<vmem>> -> memref<104xi32, #tpu.memory_space<vmem>>
      %dma_start3A_186 = arith.constant 0 : i32
      %dma_start3A_187 = arith.constant 0 : i32
      %dma_start3A_188 = tpu.memref_slice %arg2[%dma_start3A_186, %dma_start3A_187] : memref<100000x128xbf16, #tpu.memory_space<hbm>> -> memref<100000x128xbf16, #tpu.memory_space<hbm>>
      tpu.enqueue_indirect_dma source(%dma_start3A_188 : memref<100000x128xbf16, #tpu.memory_space<hbm>>) target(%arg11 : memref<104x128xbf16, #tpu.memory_space<vmem>>) offsets(%dma_start3A_185 : memref<104xi32, #tpu.memory_space<vmem>>) semaphore(%arg14 : memref<!tpu.dma_semaphore, #tpu.memory_space<semaphore_mem>>)
      %dma_wait3A_189 = arith.constant 0 : i32
      %dma_wait3A_190 = arith.constant 0 : i32
      %dma_wait3A_191 = tpu.memref_slice %arg2[%dma_wait3A_189, %dma_wait3A_190] : memref<100000x128xbf16, #tpu.memory_space<hbm>> -> memref<104x128xbf16, #tpu.memory_space<hbm>>
      %dma_wait3A_192 = arith.constant 0 : i32
      %dma_wait3A_193 = arith.constant 0 : i32
      %dma_wait3A_194 = tpu.memref_slice %arg2[%dma_wait3A_192, %dma_wait3A_193] : memref<100000x128xbf16, #tpu.memory_space<hbm>> -> memref<104x128xbf16, #tpu.memory_space<hbm>>
      tpu.wait_dma2 semaphore(%arg13 : memref<!tpu.dma_semaphore, #tpu.memory_space<semaphore_mem>>) src(%dma_wait3A_194 : memref<104x128xbf16, #tpu.memory_space<hbm>>) dst(%arg8 : memref<104x128xbf16, #tpu.memory_space<vmem>>)
      %dma_wait3A_195 = arith.constant 0 : i32
      %dma_wait3A_196 = arith.constant 0 : i32
      %dma_wait3A_197 = tpu.memref_slice %arg2[%dma_wait3A_195, %dma_wait3A_196] : memref<100000x128xbf16, #tpu.memory_space<hbm>> -> memref<104x128xbf16, #tpu.memory_space<hbm>>
      %dma_wait3A_198 = arith.constant 0 : i32
      %dma_wait3A_199 = arith.constant 0 : i32
      %dma_wait3A_200 = tpu.memref_slice %arg2[%dma_wait3A_198, %dma_wait3A_199] : memref<100000x128xbf16, #tpu.memory_space<hbm>> -> memref<104x128xbf16, #tpu.memory_space<hbm>>
      tpu.wait_dma2 semaphore(%arg13 : memref<!tpu.dma_semaphore, #tpu.memory_space<semaphore_mem>>) src(%dma_wait3A_200 : memref<104x128xbf16, #tpu.memory_space<hbm>>) dst(%arg9 : memref<104x128xbf16, #tpu.memory_space<vmem>>)
      %broadcast_in_dim3A = arith.constant 0.000000e+00 : bf16
      %broadcast_in_dim3A_201 = vector.broadcast %broadcast_in_dim3A : bf16 to vector<32xbf16>
      %broadcast_in_dim3A_202 = arith.constant 0.000000e+00 : bf16
      %broadcast_in_dim3A_203 = vector.broadcast %broadcast_in_dim3A_202 : bf16 to vector<32xbf16>
      %broadcast_in_dim3A_204 = arith.constant 0.000000e+00 : bf16
      %broadcast_in_dim3A_205 = vector.broadcast %broadcast_in_dim3A_204 : bf16 to vector<32xbf16>
      %broadcast_in_dim3A_206 = arith.constant 0.000000e+00 : bf16
      %broadcast_in_dim3A_207 = vector.broadcast %broadcast_in_dim3A_206 : bf16 to vector<32xbf16>
      %scan3A_208 = arith.constant 0 : i32
      %scan3A_209 = arith.constant 100 : i32
      %scan3A_210 = arith.addi %scan3A_208, %scan3A_209 : i32
      %scan3A_211 = arith.constant 1 : i32
      %scan3A_212:4 = scf.for %scan3A_299 = %scan3A_208 to %scan3A_210 step %scan3A_211 iter_args(%scan3A_300 = %broadcast_in_dim3A_201, %scan3A_301 = %broadcast_in_dim3A_203, %scan3A_302 = %broadcast_in_dim3A_205, %scan3A_303 = %broadcast_in_dim3A_207) -> (vector<32xbf16>, vector<32xbf16>, vector<32xbf16>, vector<32xbf16>)  : i32 {
        %get3A = arith.index_cast %scan3A_299 : i32 to index
        %get3A_304 = arith.constant 0 : index
        %get3A_305 = tpu.vector_load %arg8[%get3A, %get3A_304] {strides = array<i32>} : memref<104x128xbf16, #tpu.memory_space<vmem>>, vector<1x32xbf16>,
        %get3A_306 = vector.shape_cast %get3A_305 : vector<1x32xbf16> to vector<32xbf16>
        %add3A_307 = arith.addf %scan3A_300, %get3A_306 : vector<32xbf16>
        %get3A_308 = arith.index_cast %scan3A_299 : i32 to index
        %get3A_309 = arith.constant 32 : index
        %get3A_310 = tpu.vector_load %arg8[%get3A_308, %get3A_309] {strides = array<i32>} : memref<104x128xbf16, #tpu.memory_space<vmem>>, vector<1x32xbf16>,
        %get3A_311 = vector.shape_cast %get3A_310 : vector<1x32xbf16> to vector<32xbf16>
        %add3A_312 = arith.addf %scan3A_301, %get3A_311 : vector<32xbf16>
        %get3A_313 = arith.index_cast %scan3A_299 : i32 to index
        %get3A_314 = arith.constant 64 : index
        %get3A_315 = tpu.vector_load %arg8[%get3A_313, %get3A_314] {strides = array<i32>} : memref<104x128xbf16, #tpu.memory_space<vmem>>, vector<1x32xbf16>,
        %get3A_316 = vector.shape_cast %get3A_315 : vector<1x32xbf16> to vector<32xbf16>
        %add3A_317 = arith.addf %scan3A_302, %get3A_316 : vector<32xbf16>
        %get3A_318 = arith.index_cast %scan3A_299 : i32 to index
        %get3A_319 = arith.constant 96 : index
        %get3A_320 = tpu.vector_load %arg8[%get3A_318, %get3A_319] {strides = array<i32>} : memref<104x128xbf16, #tpu.memory_space<vmem>>, vector<1x32xbf16>,
        %get3A_321 = vector.shape_cast %get3A_320 : vector<1x32xbf16> to vector<32xbf16>
        %add3A_322 = arith.addf %scan3A_303, %get3A_321 : vector<32xbf16>
        scf.yield %add3A_307, %add3A_312, %add3A_317, %add3A_322 : vector<32xbf16>, vector<32xbf16>, vector<32xbf16>, vector<32xbf16>
      }
      %scan3A_213 = arith.constant 100 : i32
      %scan3A_214 = arith.constant 0 : i32
      %scan3A_215 = arith.constant 100 : i32
      %scan3A_216 = arith.addi %scan3A_214, %scan3A_215 : i32
      %scan3A_217 = arith.constant 1 : i32
      %scan3A_218:4 = scf.for %scan3A_299 = %scan3A_214 to %scan3A_216 step %scan3A_217 iter_args(%scan3A_300 = %scan3A_212#0, %scan3A_301 = %scan3A_212#1, %scan3A_302 = %scan3A_212#2, %scan3A_303 = %scan3A_212#3) -> (vector<32xbf16>, vector<32xbf16>, vector<32xbf16>, vector<32xbf16>)  : i32 {
        %get3A = arith.index_cast %scan3A_299 : i32 to index
        %get3A_304 = arith.constant 0 : index
        %get3A_305 = tpu.vector_load %arg9[%get3A, %get3A_304] {strides = array<i32>} : memref<104x128xbf16, #tpu.memory_space<vmem>>, vector<1x32xbf16>,
        %get3A_306 = vector.shape_cast %get3A_305 : vector<1x32xbf16> to vector<32xbf16>
        %add3A_307 = arith.addf %scan3A_300, %get3A_306 : vector<32xbf16>
        %get3A_308 = arith.index_cast %scan3A_299 : i32 to index
        %get3A_309 = arith.constant 32 : index
        %get3A_310 = tpu.vector_load %arg9[%get3A_308, %get3A_309] {strides = array<i32>} : memref<104x128xbf16, #tpu.memory_space<vmem>>, vector<1x32xbf16>,
        %get3A_311 = vector.shape_cast %get3A_310 : vector<1x32xbf16> to vector<32xbf16>
        %add3A_312 = arith.addf %scan3A_301, %get3A_311 : vector<32xbf16>
        %get3A_313 = arith.index_cast %scan3A_299 : i32 to index
        %get3A_314 = arith.constant 64 : index
        %get3A_315 = tpu.vector_load %arg9[%get3A_313, %get3A_314] {strides = array<i32>} : memref<104x128xbf16, #tpu.memory_space<vmem>>, vector<1x32xbf16>,
        %get3A_316 = vector.shape_cast %get3A_315 : vector<1x32xbf16> to vector<32xbf16>
        %add3A_317 = arith.addf %scan3A_302, %get3A_316 : vector<32xbf16>
        %get3A_318 = arith.index_cast %scan3A_299 : i32 to index
        %get3A_319 = arith.constant 96 : index
        %get3A_320 = tpu.vector_load %arg9[%get3A_318, %get3A_319] {strides = array<i32>} : memref<104x128xbf16, #tpu.memory_space<vmem>>, vector<1x32xbf16>,
        %get3A_321 = vector.shape_cast %get3A_320 : vector<1x32xbf16> to vector<32xbf16>
        %add3A_322 = arith.addf %scan3A_303, %get3A_321 : vector<32xbf16>
        scf.yield %add3A_307, %add3A_312, %add3A_317, %add3A_322 : vector<32xbf16>, vector<32xbf16>, vector<32xbf16>, vector<32xbf16>
      }
      %scan3A_219 = arith.constant 100 : i32
      %swap3A = arith.index_cast %add3A_166 : i32 to index
      %swap3A_220 = arith.constant 0 : index
      %swap3A_221 = tpu.vector_load %arg12[%swap3A, %swap3A_220] {strides = array<i32>} : memref<512x128xbf16, #tpu.memory_space<vmem>>, vector<1x32xbf16>,
      %swap3A_222 = vector.shape_cast %swap3A_221 : vector<1x32xbf16> to vector<32xbf16>
      %swap3A_223 = vector.shape_cast %scan3A_218#0 : vector<32xbf16> to vector<1x32xbf16>
      tpu.vector_store %arg12[%swap3A, %swap3A_220], %swap3A_223 {strides = array<i32>} : memref<512x128xbf16, #tpu.memory_space<vmem>>, vector<1x32xbf16>,
      %swap3A_224 = arith.index_cast %add3A_166 : i32 to index
      %swap3A_225 = arith.constant 32 : index
      %swap3A_226 = tpu.vector_load %arg12[%swap3A_224, %swap3A_225] {strides = array<i32>} : memref<512x128xbf16, #tpu.memory_space<vmem>>, vector<1x32xbf16>,
      %swap3A_227 = vector.shape_cast %swap3A_226 : vector<1x32xbf16> to vector<32xbf16>
      %swap3A_228 = vector.shape_cast %scan3A_218#1 : vector<32xbf16> to vector<1x32xbf16>
      tpu.vector_store %arg12[%swap3A_224, %swap3A_225], %swap3A_228 {strides = array<i32>} : memref<512x128xbf16, #tpu.memory_space<vmem>>, vector<1x32xbf16>,
      %swap3A_229 = arith.index_cast %add3A_166 : i32 to index
      %swap3A_230 = arith.constant 64 : index
      %swap3A_231 = tpu.vector_load %arg12[%swap3A_229, %swap3A_230] {strides = array<i32>} : memref<512x128xbf16, #tpu.memory_space<vmem>>, vector<1x32xbf16>,
      %swap3A_232 = vector.shape_cast %swap3A_231 : vector<1x32xbf16> to vector<32xbf16>
      %swap3A_233 = vector.shape_cast %scan3A_218#2 : vector<32xbf16> to vector<1x32xbf16>
      tpu.vector_store %arg12[%swap3A_229, %swap3A_230], %swap3A_233 {strides = array<i32>} : memref<512x128xbf16, #tpu.memory_space<vmem>>, vector<1x32xbf16>,
      %swap3A_234 = arith.index_cast %add3A_166 : i32 to index
      %swap3A_235 = arith.constant 96 : index
      %swap3A_236 = tpu.vector_load %arg12[%swap3A_234, %swap3A_235] {strides = array<i32>} : memref<512x128xbf16, #tpu.memory_space<vmem>>, vector<1x32xbf16>,
      %swap3A_237 = vector.shape_cast %swap3A_236 : vector<1x32xbf16> to vector<32xbf16>
      %swap3A_238 = vector.shape_cast %scan3A_218#3 : vector<32xbf16> to vector<1x32xbf16>
      tpu.vector_store %arg12[%swap3A_234, %swap3A_235], %swap3A_238 {strides = array<i32>} : memref<512x128xbf16, #tpu.memory_space<vmem>>, vector<1x32xbf16>,
      %lt3A = arith.constant 31 : i32
      %lt3A_239 = arith.cmpi slt, %add3A_162, %lt3A : i32
      %convert_element_type3A = arith.extui %lt3A_239 : i1 to i32
      %cond3A = arith.constant 0 : i32
      %cond3A_240 = arith.cmpi ne, %convert_element_type3A, %cond3A : i32
      scf.if %cond3A_240 {
        %mul3A_299 = arith.constant 2 : i32
        %mul3A_300 = arith.muli %mul3A_299, %add3A_162 : i32
        %add3A_301 = arith.constant 2 : i32
        %add3A_302 = arith.addi %mul3A_300, %add3A_301 : i32
        %mul3A_303 = arith.constant 2 : i32
        %mul3A_304 = arith.muli %mul3A_303, %add3A_302 : i32
        %dma_start3A_305 = arith.constant 0 : i32
        %dma_start3A_306 = tpu.memref_slice %arg5[%mul3A_304, %dma_start3A_305] : memref<128x104xi32, #tpu.memory_space<vmem>> -> memref<1x104xi32, #tpu.memory_space<vmem>>
        %dma_start3A_307 = tpu.memref_squeeze %dma_start3A_306 : memref<1x104xi32, #tpu.memory_space<vmem>> -> memref<104xi32, #tpu.memory_space<vmem>>
        %dma_start3A_308 = arith.constant 0 : i32
        %dma_start3A_309 = arith.constant 0 : i32
        %dma_start3A_310 = tpu.memref_slice %arg2[%dma_start3A_308, %dma_start3A_309] : memref<100000x128xbf16, #tpu.memory_space<hbm>> -> memref<100000x128xbf16, #tpu.memory_space<hbm>>
        tpu.enqueue_indirect_dma source(%dma_start3A_310 : memref<100000x128xbf16, #tpu.memory_space<hbm>>) target(%arg8 : memref<104x128xbf16, #tpu.memory_space<vmem>>) offsets(%dma_start3A_307 : memref<104xi32, #tpu.memory_space<vmem>>) semaphore(%arg13 : memref<!tpu.dma_semaphore, #tpu.memory_space<semaphore_mem>>)
        %mul3A_311 = arith.constant 2 : i32
        %mul3A_312 = arith.muli %mul3A_311, %add3A_302 : i32
        %add3A_313 = arith.constant 1 : i32
        %add3A_314 = arith.addi %mul3A_312, %add3A_313 : i32
        %dma_start3A_315 = arith.constant 0 : i32
        %dma_start3A_316 = tpu.memref_slice %arg5[%add3A_314, %dma_start3A_315] : memref<128x104xi32, #tpu.memory_space<vmem>> -> memref<1x104xi32, #tpu.memory_space<vmem>>
        %dma_start3A_317 = tpu.memref_squeeze %dma_start3A_316 : memref<1x104xi32, #tpu.memory_space<vmem>> -> memref<104xi32, #tpu.memory_space<vmem>>
        %dma_start3A_318 = arith.constant 0 : i32
        %dma_start3A_319 = arith.constant 0 : i32
        %dma_start3A_320 = tpu.memref_slice %arg2[%dma_start3A_318, %dma_start3A_319] : memref<100000x128xbf16, #tpu.memory_space<hbm>> -> memref<100000x128xbf16, #tpu.memory_space<hbm>>
        tpu.enqueue_indirect_dma source(%dma_start3A_320 : memref<100000x128xbf16, #tpu.memory_space<hbm>>) target(%arg9 : memref<104x128xbf16, #tpu.memory_space<vmem>>) offsets(%dma_start3A_317 : memref<104xi32, #tpu.memory_space<vmem>>) semaphore(%arg13 : memref<!tpu.dma_semaphore, #tpu.memory_space<semaphore_mem>>)
      } else {
      }
      %eq3A = arith.constant 31 : i32
      %eq3A_241 = arith.cmpi eq, %add3A_162, %eq3A : i32
      %convert_element_type3A_242 = arith.extui %eq3A_241 : i1 to i32
      %cond3A_243 = arith.constant 0 : i32
      %cond3A_244 = arith.cmpi ne, %convert_element_type3A_242, %cond3A_243 : i32
      scf.if %cond3A_244 {
        %dma_start3A_299 = arith.constant 0 : i32
        %dma_start3A_300 = arith.constant 0 : i32
        %dma_start3A_301 = tpu.memref_slice %arg6[%dma_start3A_299, %dma_start3A_300] : memref<128x104xi32, #tpu.memory_space<vmem>> -> memref<1x104xi32, #tpu.memory_space<vmem>>
        %dma_start3A_302 = tpu.memref_squeeze %dma_start3A_301 : memref<1x104xi32, #tpu.memory_space<vmem>> -> memref<104xi32, #tpu.memory_space<vmem>>
        %dma_start3A_303 = arith.constant 0 : i32
        %dma_start3A_304 = arith.constant 0 : i32
        %dma_start3A_305 = tpu.memref_slice %arg2[%dma_start3A_303, %dma_start3A_304] : memref<100000x128xbf16, #tpu.memory_space<hbm>> -> memref<100000x128xbf16, #tpu.memory_space<hbm>>
        tpu.enqueue_indirect_dma source(%dma_start3A_305 : memref<100000x128xbf16, #tpu.memory_space<hbm>>) target(%arg8 : memref<104x128xbf16, #tpu.memory_space<vmem>>) offsets(%dma_start3A_302 : memref<104xi32, #tpu.memory_space<vmem>>) semaphore(%arg13 : memref<!tpu.dma_semaphore, #tpu.memory_space<semaphore_mem>>)
        %dma_start3A_306 = arith.constant 1 : i32
        %dma_start3A_307 = arith.constant 0 : i32
        %dma_start3A_308 = tpu.memref_slice %arg6[%dma_start3A_306, %dma_start3A_307] : memref<128x104xi32, #tpu.memory_space<vmem>> -> memref<1x104xi32, #tpu.memory_space<vmem>>
        %dma_start3A_309 = tpu.memref_squeeze %dma_start3A_308 : memref<1x104xi32, #tpu.memory_space<vmem>> -> memref<104xi32, #tpu.memory_space<vmem>>
        %dma_start3A_310 = arith.constant 0 : i32
        %dma_start3A_311 = arith.constant 0 : i32
        %dma_start3A_312 = tpu.memref_slice %arg2[%dma_start3A_310, %dma_start3A_311] : memref<100000x128xbf16, #tpu.memory_space<hbm>> -> memref<100000x128xbf16, #tpu.memory_space<hbm>>
        tpu.enqueue_indirect_dma source(%dma_start3A_312 : memref<100000x128xbf16, #tpu.memory_space<hbm>>) target(%arg9 : memref<104x128xbf16, #tpu.memory_space<vmem>>) offsets(%dma_start3A_309 : memref<104xi32, #tpu.memory_space<vmem>>) semaphore(%arg13 : memref<!tpu.dma_semaphore, #tpu.memory_space<semaphore_mem>>)
      } else {
      }
      %dma_wait3A_245 = arith.constant 0 : i32
      %dma_wait3A_246 = arith.constant 0 : i32
      %dma_wait3A_247 = tpu.memref_slice %arg2[%dma_wait3A_245, %dma_wait3A_246] : memref<100000x128xbf16, #tpu.memory_space<hbm>> -> memref<104x128xbf16, #tpu.memory_space<hbm>>
      %dma_wait3A_248 = arith.constant 0 : i32
      %dma_wait3A_249 = arith.constant 0 : i32
      %dma_wait3A_250 = tpu.memref_slice %arg2[%dma_wait3A_248, %dma_wait3A_249] : memref<100000x128xbf16, #tpu.memory_space<hbm>> -> memref<104x128xbf16, #tpu.memory_space<hbm>>
      tpu.wait_dma2 semaphore(%arg14 : memref<!tpu.dma_semaphore, #tpu.memory_space<semaphore_mem>>) src(%dma_wait3A_250 : memref<104x128xbf16, #tpu.memory_space<hbm>>) dst(%arg10 : memref<104x128xbf16, #tpu.memory_space<vmem>>)
      %dma_wait3A_251 = arith.constant 0 : i32
      %dma_wait3A_252 = arith.constant 0 : i32
      %dma_wait3A_253 = tpu.memref_slice %arg2[%dma_wait3A_251, %dma_wait3A_252] : memref<100000x128xbf16, #tpu.memory_space<hbm>> -> memref<104x128xbf16, #tpu.memory_space<hbm>>
      %dma_wait3A_254 = arith.constant 0 : i32
      %dma_wait3A_255 = arith.constant 0 : i32
      %dma_wait3A_256 = tpu.memref_slice %arg2[%dma_wait3A_254, %dma_wait3A_255] : memref<100000x128xbf16, #tpu.memory_space<hbm>> -> memref<104x128xbf16, #tpu.memory_space<hbm>>
      tpu.wait_dma2 semaphore(%arg14 : memref<!tpu.dma_semaphore, #tpu.memory_space<semaphore_mem>>) src(%dma_wait3A_256 : memref<104x128xbf16, #tpu.memory_space<hbm>>) dst(%arg11 : memref<104x128xbf16, #tpu.memory_space<vmem>>)
      %add3A_257 = arith.constant 1 : i32
      %add3A_258 = arith.addi %add3A_166, %add3A_257 : i32
      %broadcast_in_dim3A_259 = arith.constant 0.000000e+00 : bf16
      %broadcast_in_dim3A_260 = vector.broadcast %broadcast_in_dim3A_259 : bf16 to vector<32xbf16>
      %broadcast_in_dim3A_261 = arith.constant 0.000000e+00 : bf16
      %broadcast_in_dim3A_262 = vector.broadcast %broadcast_in_dim3A_261 : bf16 to vector<32xbf16>
      %broadcast_in_dim3A_263 = arith.constant 0.000000e+00 : bf16
      %broadcast_in_dim3A_264 = vector.broadcast %broadcast_in_dim3A_263 : bf16 to vector<32xbf16>
      %broadcast_in_dim3A_265 = arith.constant 0.000000e+00 : bf16
      %broadcast_in_dim3A_266 = vector.broadcast %broadcast_in_dim3A_265 : bf16 to vector<32xbf16>
      %scan3A_267 = arith.constant 0 : i32
      %scan3A_268 = arith.constant 100 : i32
      %scan3A_269 = arith.addi %scan3A_267, %scan3A_268 : i32
      %scan3A_270 = arith.constant 1 : i32
      %scan3A_271:4 = scf.for %scan3A_299 = %scan3A_267 to %scan3A_269 step %scan3A_270 iter_args(%scan3A_300 = %broadcast_in_dim3A_260, %scan3A_301 = %broadcast_in_dim3A_262, %scan3A_302 = %broadcast_in_dim3A_264, %scan3A_303 = %broadcast_in_dim3A_266) -> (vector<32xbf16>, vector<32xbf16>, vector<32xbf16>, vector<32xbf16>)  : i32 {
        %get3A = arith.index_cast %scan3A_299 : i32 to index
        %get3A_304 = arith.constant 0 : index
        %get3A_305 = tpu.vector_load %arg10[%get3A, %get3A_304] {strides = array<i32>} : memref<104x128xbf16, #tpu.memory_space<vmem>>, vector<1x32xbf16>,
        %get3A_306 = vector.shape_cast %get3A_305 : vector<1x32xbf16> to vector<32xbf16>
        %add3A_307 = arith.addf %scan3A_300, %get3A_306 : vector<32xbf16>
        %get3A_308 = arith.index_cast %scan3A_299 : i32 to index
        %get3A_309 = arith.constant 32 : index
        %get3A_310 = tpu.vector_load %arg10[%get3A_308, %get3A_309] {strides = array<i32>} : memref<104x128xbf16, #tpu.memory_space<vmem>>, vector<1x32xbf16>,
        %get3A_311 = vector.shape_cast %get3A_310 : vector<1x32xbf16> to vector<32xbf16>
        %add3A_312 = arith.addf %scan3A_301, %get3A_311 : vector<32xbf16>
        %get3A_313 = arith.index_cast %scan3A_299 : i32 to index
        %get3A_314 = arith.constant 64 : index
        %get3A_315 = tpu.vector_load %arg10[%get3A_313, %get3A_314] {strides = array<i32>} : memref<104x128xbf16, #tpu.memory_space<vmem>>, vector<1x32xbf16>,
        %get3A_316 = vector.shape_cast %get3A_315 : vector<1x32xbf16> to vector<32xbf16>
        %add3A_317 = arith.addf %scan3A_302, %get3A_316 : vector<32xbf16>
        %get3A_318 = arith.index_cast %scan3A_299 : i32 to index
        %get3A_319 = arith.constant 96 : index
        %get3A_320 = tpu.vector_load %arg10[%get3A_318, %get3A_319] {strides = array<i32>} : memref<104x128xbf16, #tpu.memory_space<vmem>>, vector<1x32xbf16>,
        %get3A_321 = vector.shape_cast %get3A_320 : vector<1x32xbf16> to vector<32xbf16>
        %add3A_322 = arith.addf %scan3A_303, %get3A_321 : vector<32xbf16>
        scf.yield %add3A_307, %add3A_312, %add3A_317, %add3A_322 : vector<32xbf16>, vector<32xbf16>, vector<32xbf16>, vector<32xbf16>
      }
      %scan3A_272 = arith.constant 100 : i32
      %scan3A_273 = arith.constant 0 : i32
      %scan3A_274 = arith.constant 100 : i32
      %scan3A_275 = arith.addi %scan3A_273, %scan3A_274 : i32
      %scan3A_276 = arith.constant 1 : i32
      %scan3A_277:4 = scf.for %scan3A_299 = %scan3A_273 to %scan3A_275 step %scan3A_276 iter_args(%scan3A_300 = %scan3A_271#0, %scan3A_301 = %scan3A_271#1, %scan3A_302 = %scan3A_271#2, %scan3A_303 = %scan3A_271#3) -> (vector<32xbf16>, vector<32xbf16>, vector<32xbf16>, vector<32xbf16>)  : i32 {
        %get3A = arith.index_cast %scan3A_299 : i32 to index
        %get3A_304 = arith.constant 0 : index
        %get3A_305 = tpu.vector_load %arg11[%get3A, %get3A_304] {strides = array<i32>} : memref<104x128xbf16, #tpu.memory_space<vmem>>, vector<1x32xbf16>,
        %get3A_306 = vector.shape_cast %get3A_305 : vector<1x32xbf16> to vector<32xbf16>
        %add3A_307 = arith.addf %scan3A_300, %get3A_306 : vector<32xbf16>
        %get3A_308 = arith.index_cast %scan3A_299 : i32 to index
        %get3A_309 = arith.constant 32 : index
        %get3A_310 = tpu.vector_load %arg11[%get3A_308, %get3A_309] {strides = array<i32>} : memref<104x128xbf16, #tpu.memory_space<vmem>>, vector<1x32xbf16>,
        %get3A_311 = vector.shape_cast %get3A_310 : vector<1x32xbf16> to vector<32xbf16>
        %add3A_312 = arith.addf %scan3A_301, %get3A_311 : vector<32xbf16>
        %get3A_313 = arith.index_cast %scan3A_299 : i32 to index
        %get3A_314 = arith.constant 64 : index
        %get3A_315 = tpu.vector_load %arg11[%get3A_313, %get3A_314] {strides = array<i32>} : memref<104x128xbf16, #tpu.memory_space<vmem>>, vector<1x32xbf16>,
        %get3A_316 = vector.shape_cast %get3A_315 : vector<1x32xbf16> to vector<32xbf16>
        %add3A_317 = arith.addf %scan3A_302, %get3A_316 : vector<32xbf16>
        %get3A_318 = arith.index_cast %scan3A_299 : i32 to index
        %get3A_319 = arith.constant 96 : index
        %get3A_320 = tpu.vector_load %arg11[%get3A_318, %get3A_319] {strides = array<i32>} : memref<104x128xbf16, #tpu.memory_space<vmem>>, vector<1x32xbf16>,
        %get3A_321 = vector.shape_cast %get3A_320 : vector<1x32xbf16> to vector<32xbf16>
        %add3A_322 = arith.addf %scan3A_303, %get3A_321 : vector<32xbf16>
        scf.yield %add3A_307, %add3A_312, %add3A_317, %add3A_322 : vector<32xbf16>, vector<32xbf16>, vector<32xbf16>, vector<32xbf16>
      }
      %scan3A_278 = arith.constant 100 : i32
      %swap3A_279 = arith.index_cast %add3A_258 : i32 to index
      %swap3A_280 = arith.constant 0 : index
      %swap3A_281 = tpu.vector_load %arg12[%swap3A_279, %swap3A_280] {strides = array<i32>} : memref<512x128xbf16, #tpu.memory_space<vmem>>, vector<1x32xbf16>,
      %swap3A_282 = vector.shape_cast %swap3A_281 : vector<1x32xbf16> to vector<32xbf16>
      %swap3A_283 = vector.shape_cast %scan3A_277#0 : vector<32xbf16> to vector<1x32xbf16>
      tpu.vector_store %arg12[%swap3A_279, %swap3A_280], %swap3A_283 {strides = array<i32>} : memref<512x128xbf16, #tpu.memory_space<vmem>>, vector<1x32xbf16>,
      %swap3A_284 = arith.index_cast %add3A_258 : i32 to index
      %swap3A_285 = arith.constant 32 : index
      %swap3A_286 = tpu.vector_load %arg12[%swap3A_284, %swap3A_285] {strides = array<i32>} : memref<512x128xbf16, #tpu.memory_space<vmem>>, vector<1x32xbf16>,
      %swap3A_287 = vector.shape_cast %swap3A_286 : vector<1x32xbf16> to vector<32xbf16>
      %swap3A_288 = vector.shape_cast %scan3A_277#1 : vector<32xbf16> to vector<1x32xbf16>
      tpu.vector_store %arg12[%swap3A_284, %swap3A_285], %swap3A_288 {strides = array<i32>} : memref<512x128xbf16, #tpu.memory_space<vmem>>, vector<1x32xbf16>,
      %swap3A_289 = arith.index_cast %add3A_258 : i32 to index
      %swap3A_290 = arith.constant 64 : index
      %swap3A_291 = tpu.vector_load %arg12[%swap3A_289, %swap3A_290] {strides = array<i32>} : memref<512x128xbf16, #tpu.memory_space<vmem>>, vector<1x32xbf16>,
      %swap3A_292 = vector.shape_cast %swap3A_291 : vector<1x32xbf16> to vector<32xbf16>
      %swap3A_293 = vector.shape_cast %scan3A_277#2 : vector<32xbf16> to vector<1x32xbf16>
      tpu.vector_store %arg12[%swap3A_289, %swap3A_290], %swap3A_293 {strides = array<i32>} : memref<512x128xbf16, #tpu.memory_space<vmem>>, vector<1x32xbf16>,
      %swap3A_294 = arith.index_cast %add3A_258 : i32 to index
      %swap3A_295 = arith.constant 96 : index
      %swap3A_296 = tpu.vector_load %arg12[%swap3A_294, %swap3A_295] {strides = array<i32>} : memref<512x128xbf16, #tpu.memory_space<vmem>>, vector<1x32xbf16>,
      %swap3A_297 = vector.shape_cast %swap3A_296 : vector<1x32xbf16> to vector<32xbf16>
      %swap3A_298 = vector.shape_cast %scan3A_277#3 : vector<32xbf16> to vector<1x32xbf16>
      tpu.vector_store %arg12[%swap3A_294, %swap3A_295], %swap3A_298 {strides = array<i32>} : memref<512x128xbf16, #tpu.memory_space<vmem>>, vector<1x32xbf16>,
    }
    %scan3A_152 = arith.constant 32 : i32
    %scan3A_153 = arith.constant 0 : i32
    %scan3A_154 = arith.constant 32 : i32
    %scan3A_155 = arith.addi %scan3A_153, %scan3A_154 : i32
    %scan3A_156 = arith.constant 1 : i32
    scf.for %scan3A_158 = %scan3A_153 to %scan3A_155 step %scan3A_156  : i32 {
      %mul3A_159 = arith.constant 1 : i32
      %mul3A_160 = arith.muli %scan3A_158, %mul3A_159 : i32
      %add3A_161 = arith.constant 0 : i32
      %add3A_162 = arith.addi %add3A_161, %mul3A_160 : i32
      %mul3A_163 = arith.constant 2 : i32
      %mul3A_164 = arith.muli %mul3A_163, %add3A_162 : i32
      %add3A_165 = arith.constant 448 : i32
      %add3A_166 = arith.addi %add3A_165, %mul3A_164 : i32
      %mul3A_167 = arith.constant 2 : i32
      %mul3A_168 = arith.muli %mul3A_167, %add3A_162 : i32
      %add3A_169 = arith.constant 1 : i32
      %add3A_170 = arith.addi %mul3A_168, %add3A_169 : i32
      %mul3A_171 = arith.constant 2 : i32
      %mul3A_172 = arith.muli %mul3A_171, %add3A_170 : i32
      %dma_start3A_173 = arith.constant 0 : i32
      %dma_start3A_174 = tpu.memref_slice %arg6[%mul3A_172, %dma_start3A_173] : memref<128x104xi32, #tpu.memory_space<vmem>> -> memref<1x104xi32, #tpu.memory_space<vmem>>
      %dma_start3A_175 = tpu.memref_squeeze %dma_start3A_174 : memref<1x104xi32, #tpu.memory_space<vmem>> -> memref<104xi32, #tpu.memory_space<vmem>>
      %dma_start3A_176 = arith.constant 0 : i32
      %dma_start3A_177 = arith.constant 0 : i32
      %dma_start3A_178 = tpu.memref_slice %arg2[%dma_start3A_176, %dma_start3A_177] : memref<100000x128xbf16, #tpu.memory_space<hbm>> -> memref<100000x128xbf16, #tpu.memory_space<hbm>>
      tpu.enqueue_indirect_dma source(%dma_start3A_178 : memref<100000x128xbf16, #tpu.memory_space<hbm>>) target(%arg10 : memref<104x128xbf16, #tpu.memory_space<vmem>>) offsets(%dma_start3A_175 : memref<104xi32, #tpu.memory_space<vmem>>) semaphore(%arg14 : memref<!tpu.dma_semaphore, #tpu.memory_space<semaphore_mem>>)
      %mul3A_179 = arith.constant 2 : i32
      %mul3A_180 = arith.muli %mul3A_179, %add3A_170 : i32
      %add3A_181 = arith.constant 1 : i32
      %add3A_182 = arith.addi %mul3A_180, %add3A_181 : i32
      %dma_start3A_183 = arith.constant 0 : i32
      %dma_start3A_184 = tpu.memref_slice %arg6[%add3A_182, %dma_start3A_183] : memref<128x104xi32, #tpu.memory_space<vmem>> -> memref<1x104xi32, #tpu.memory_space<vmem>>
      %dma_start3A_185 = tpu.memref_squeeze %dma_start3A_184 : memref<1x104xi32, #tpu.memory_space<vmem>> -> memref<104xi32, #tpu.memory_space<vmem>>
      %dma_start3A_186 = arith.constant 0 : i32
      %dma_start3A_187 = arith.constant 0 : i32
      %dma_start3A_188 = tpu.memref_slice %arg2[%dma_start3A_186, %dma_start3A_187] : memref<100000x128xbf16, #tpu.memory_space<hbm>> -> memref<100000x128xbf16, #tpu.memory_space<hbm>>
      tpu.enqueue_indirect_dma source(%dma_start3A_188 : memref<100000x128xbf16, #tpu.memory_space<hbm>>) target(%arg11 : memref<104x128xbf16, #tpu.memory_space<vmem>>) offsets(%dma_start3A_185 : memref<104xi32, #tpu.memory_space<vmem>>) semaphore(%arg14 : memref<!tpu.dma_semaphore, #tpu.memory_space<semaphore_mem>>)
      %dma_wait3A_189 = arith.constant 0 : i32
      %dma_wait3A_190 = arith.constant 0 : i32
      %dma_wait3A_191 = tpu.memref_slice %arg2[%dma_wait3A_189, %dma_wait3A_190] : memref<100000x128xbf16, #tpu.memory_space<hbm>> -> memref<104x128xbf16, #tpu.memory_space<hbm>>
      %dma_wait3A_192 = arith.constant 0 : i32
      %dma_wait3A_193 = arith.constant 0 : i32
      %dma_wait3A_194 = tpu.memref_slice %arg2[%dma_wait3A_192, %dma_wait3A_193] : memref<100000x128xbf16, #tpu.memory_space<hbm>> -> memref<104x128xbf16, #tpu.memory_space<hbm>>
      tpu.wait_dma2 semaphore(%arg13 : memref<!tpu.dma_semaphore, #tpu.memory_space<semaphore_mem>>) src(%dma_wait3A_194 : memref<104x128xbf16, #tpu.memory_space<hbm>>) dst(%arg8 : memref<104x128xbf16, #tpu.memory_space<vmem>>)
      %dma_wait3A_195 = arith.constant 0 : i32
      %dma_wait3A_196 = arith.constant 0 : i32
      %dma_wait3A_197 = tpu.memref_slice %arg2[%dma_wait3A_195, %dma_wait3A_196] : memref<100000x128xbf16, #tpu.memory_space<hbm>> -> memref<104x128xbf16, #tpu.memory_space<hbm>>
      %dma_wait3A_198 = arith.constant 0 : i32
      %dma_wait3A_199 = arith.constant 0 : i32
      %dma_wait3A_200 = tpu.memref_slice %arg2[%dma_wait3A_198, %dma_wait3A_199] : memref<100000x128xbf16, #tpu.memory_space<hbm>> -> memref<104x128xbf16, #tpu.memory_space<hbm>>
      tpu.wait_dma2 semaphore(%arg13 : memref<!tpu.dma_semaphore, #tpu.memory_space<semaphore_mem>>) src(%dma_wait3A_200 : memref<104x128xbf16, #tpu.memory_space<hbm>>) dst(%arg9 : memref<104x128xbf16, #tpu.memory_space<vmem>>)
      %broadcast_in_dim3A = arith.constant 0.000000e+00 : bf16
      %broadcast_in_dim3A_201 = vector.broadcast %broadcast_in_dim3A : bf16 to vector<32xbf16>
      %broadcast_in_dim3A_202 = arith.constant 0.000000e+00 : bf16
      %broadcast_in_dim3A_203 = vector.broadcast %broadcast_in_dim3A_202 : bf16 to vector<32xbf16>
      %broadcast_in_dim3A_204 = arith.constant 0.000000e+00 : bf16
      %broadcast_in_dim3A_205 = vector.broadcast %broadcast_in_dim3A_204 : bf16 to vector<32xbf16>
      %broadcast_in_dim3A_206 = arith.constant 0.000000e+00 : bf16
      %broadcast_in_dim3A_207 = vector.broadcast %broadcast_in_dim3A_206 : bf16 to vector<32xbf16>
      %scan3A_208 = arith.constant 0 : i32
      %scan3A_209 = arith.constant 100 : i32
      %scan3A_210 = arith.addi %scan3A_208, %scan3A_209 : i32
      %scan3A_211 = arith.constant 1 : i32
      %scan3A_212:4 = scf.for %scan3A_295 = %scan3A_208 to %scan3A_210 step %scan3A_211 iter_args(%scan3A_296 = %broadcast_in_dim3A_201, %scan3A_297 = %broadcast_in_dim3A_203, %scan3A_298 = %broadcast_in_dim3A_205, %scan3A_299 = %broadcast_in_dim3A_207) -> (vector<32xbf16>, vector<32xbf16>, vector<32xbf16>, vector<32xbf16>)  : i32 {
        %get3A = arith.index_cast %scan3A_295 : i32 to index
        %get3A_300 = arith.constant 0 : index
        %get3A_301 = tpu.vector_load %arg8[%get3A, %get3A_300] {strides = array<i32>} : memref<104x128xbf16, #tpu.memory_space<vmem>>, vector<1x32xbf16>,
        %get3A_302 = vector.shape_cast %get3A_301 : vector<1x32xbf16> to vector<32xbf16>
        %add3A_303 = arith.addf %scan3A_296, %get3A_302 : vector<32xbf16>
        %get3A_304 = arith.index_cast %scan3A_295 : i32 to index
        %get3A_305 = arith.constant 32 : index
        %get3A_306 = tpu.vector_load %arg8[%get3A_304, %get3A_305] {strides = array<i32>} : memref<104x128xbf16, #tpu.memory_space<vmem>>, vector<1x32xbf16>,
        %get3A_307 = vector.shape_cast %get3A_306 : vector<1x32xbf16> to vector<32xbf16>
        %add3A_308 = arith.addf %scan3A_297, %get3A_307 : vector<32xbf16>
        %get3A_309 = arith.index_cast %scan3A_295 : i32 to index
        %get3A_310 = arith.constant 64 : index
        %get3A_311 = tpu.vector_load %arg8[%get3A_309, %get3A_310] {strides = array<i32>} : memref<104x128xbf16, #tpu.memory_space<vmem>>, vector<1x32xbf16>,
        %get3A_312 = vector.shape_cast %get3A_311 : vector<1x32xbf16> to vector<32xbf16>
        %add3A_313 = arith.addf %scan3A_298, %get3A_312 : vector<32xbf16>
        %get3A_314 = arith.index_cast %scan3A_295 : i32 to index
        %get3A_315 = arith.constant 96 : index
        %get3A_316 = tpu.vector_load %arg8[%get3A_314, %get3A_315] {strides = array<i32>} : memref<104x128xbf16, #tpu.memory_space<vmem>>, vector<1x32xbf16>,
        %get3A_317 = vector.shape_cast %get3A_316 : vector<1x32xbf16> to vector<32xbf16>
        %add3A_318 = arith.addf %scan3A_299, %get3A_317 : vector<32xbf16>
        scf.yield %add3A_303, %add3A_308, %add3A_313, %add3A_318 : vector<32xbf16>, vector<32xbf16>, vector<32xbf16>, vector<32xbf16>
      }
      %scan3A_213 = arith.constant 100 : i32
      %scan3A_214 = arith.constant 0 : i32
      %scan3A_215 = arith.constant 100 : i32
      %scan3A_216 = arith.addi %scan3A_214, %scan3A_215 : i32
      %scan3A_217 = arith.constant 1 : i32
      %scan3A_218:4 = scf.for %scan3A_295 = %scan3A_214 to %scan3A_216 step %scan3A_217 iter_args(%scan3A_296 = %scan3A_212#0, %scan3A_297 = %scan3A_212#1, %scan3A_298 = %scan3A_212#2, %scan3A_299 = %scan3A_212#3) -> (vector<32xbf16>, vector<32xbf16>, vector<32xbf16>, vector<32xbf16>)  : i32 {
        %get3A = arith.index_cast %scan3A_295 : i32 to index
        %get3A_300 = arith.constant 0 : index
        %get3A_301 = tpu.vector_load %arg9[%get3A, %get3A_300] {strides = array<i32>} : memref<104x128xbf16, #tpu.memory_space<vmem>>, vector<1x32xbf16>,
        %get3A_302 = vector.shape_cast %get3A_301 : vector<1x32xbf16> to vector<32xbf16>
        %add3A_303 = arith.addf %scan3A_296, %get3A_302 : vector<32xbf16>
        %get3A_304 = arith.index_cast %scan3A_295 : i32 to index
        %get3A_305 = arith.constant 32 : index
        %get3A_306 = tpu.vector_load %arg9[%get3A_304, %get3A_305] {strides = array<i32>} : memref<104x128xbf16, #tpu.memory_space<vmem>>, vector<1x32xbf16>,
        %get3A_307 = vector.shape_cast %get3A_306 : vector<1x32xbf16> to vector<32xbf16>
        %add3A_308 = arith.addf %scan3A_297, %get3A_307 : vector<32xbf16>
        %get3A_309 = arith.index_cast %scan3A_295 : i32 to index
        %get3A_310 = arith.constant 64 : index
        %get3A_311 = tpu.vector_load %arg9[%get3A_309, %get3A_310] {strides = array<i32>} : memref<104x128xbf16, #tpu.memory_space<vmem>>, vector<1x32xbf16>,
        %get3A_312 = vector.shape_cast %get3A_311 : vector<1x32xbf16> to vector<32xbf16>
        %add3A_313 = arith.addf %scan3A_298, %get3A_312 : vector<32xbf16>
        %get3A_314 = arith.index_cast %scan3A_295 : i32 to index
        %get3A_315 = arith.constant 96 : index
        %get3A_316 = tpu.vector_load %arg9[%get3A_314, %get3A_315] {strides = array<i32>} : memref<104x128xbf16, #tpu.memory_space<vmem>>, vector<1x32xbf16>,
        %get3A_317 = vector.shape_cast %get3A_316 : vector<1x32xbf16> to vector<32xbf16>
        %add3A_318 = arith.addf %scan3A_299, %get3A_317 : vector<32xbf16>
        scf.yield %add3A_303, %add3A_308, %add3A_313, %add3A_318 : vector<32xbf16>, vector<32xbf16>, vector<32xbf16>, vector<32xbf16>
      }
      %scan3A_219 = arith.constant 100 : i32
      %swap3A = arith.index_cast %add3A_166 : i32 to index
      %swap3A_220 = arith.constant 0 : index
      %swap3A_221 = tpu.vector_load %arg12[%swap3A, %swap3A_220] {strides = array<i32>} : memref<512x128xbf16, #tpu.memory_space<vmem>>, vector<1x32xbf16>,
      %swap3A_222 = vector.shape_cast %swap3A_221 : vector<1x32xbf16> to vector<32xbf16>
      %swap3A_223 = vector.shape_cast %scan3A_218#0 : vector<32xbf16> to vector<1x32xbf16>
      tpu.vector_store %arg12[%swap3A, %swap3A_220], %swap3A_223 {strides = array<i32>} : memref<512x128xbf16, #tpu.memory_space<vmem>>, vector<1x32xbf16>,
      %swap3A_224 = arith.index_cast %add3A_166 : i32 to index
      %swap3A_225 = arith.constant 32 : index
      %swap3A_226 = tpu.vector_load %arg12[%swap3A_224, %swap3A_225] {strides = array<i32>} : memref<512x128xbf16, #tpu.memory_space<vmem>>, vector<1x32xbf16>,
      %swap3A_227 = vector.shape_cast %swap3A_226 : vector<1x32xbf16> to vector<32xbf16>
      %swap3A_228 = vector.shape_cast %scan3A_218#1 : vector<32xbf16> to vector<1x32xbf16>
      tpu.vector_store %arg12[%swap3A_224, %swap3A_225], %swap3A_228 {strides = array<i32>} : memref<512x128xbf16, #tpu.memory_space<vmem>>, vector<1x32xbf16>,
      %swap3A_229 = arith.index_cast %add3A_166 : i32 to index
      %swap3A_230 = arith.constant 64 : index
      %swap3A_231 = tpu.vector_load %arg12[%swap3A_229, %swap3A_230] {strides = array<i32>} : memref<512x128xbf16, #tpu.memory_space<vmem>>, vector<1x32xbf16>,
      %swap3A_232 = vector.shape_cast %swap3A_231 : vector<1x32xbf16> to vector<32xbf16>
      %swap3A_233 = vector.shape_cast %scan3A_218#2 : vector<32xbf16> to vector<1x32xbf16>
      tpu.vector_store %arg12[%swap3A_229, %swap3A_230], %swap3A_233 {strides = array<i32>} : memref<512x128xbf16, #tpu.memory_space<vmem>>, vector<1x32xbf16>,
      %swap3A_234 = arith.index_cast %add3A_166 : i32 to index
      %swap3A_235 = arith.constant 96 : index
      %swap3A_236 = tpu.vector_load %arg12[%swap3A_234, %swap3A_235] {strides = array<i32>} : memref<512x128xbf16, #tpu.memory_space<vmem>>, vector<1x32xbf16>,
      %swap3A_237 = vector.shape_cast %swap3A_236 : vector<1x32xbf16> to vector<32xbf16>
      %swap3A_238 = vector.shape_cast %scan3A_218#3 : vector<32xbf16> to vector<1x32xbf16>
      tpu.vector_store %arg12[%swap3A_234, %swap3A_235], %swap3A_238 {strides = array<i32>} : memref<512x128xbf16, #tpu.memory_space<vmem>>, vector<1x32xbf16>,
      %lt3A = arith.constant 31 : i32
      %lt3A_239 = arith.cmpi slt, %add3A_162, %lt3A : i32
      %convert_element_type3A = arith.extui %lt3A_239 : i1 to i32
      %cond3A = arith.constant 0 : i32
      %cond3A_240 = arith.cmpi ne, %convert_element_type3A, %cond3A : i32
      scf.if %cond3A_240 {
        %mul3A_295 = arith.constant 2 : i32
        %mul3A_296 = arith.muli %mul3A_295, %add3A_162 : i32
        %add3A_297 = arith.constant 2 : i32
        %add3A_298 = arith.addi %mul3A_296, %add3A_297 : i32
        %mul3A_299 = arith.constant 2 : i32
        %mul3A_300 = arith.muli %mul3A_299, %add3A_298 : i32
        %dma_start3A_301 = arith.constant 0 : i32
        %dma_start3A_302 = tpu.memref_slice %arg6[%mul3A_300, %dma_start3A_301] : memref<128x104xi32, #tpu.memory_space<vmem>> -> memref<1x104xi32, #tpu.memory_space<vmem>>
        %dma_start3A_303 = tpu.memref_squeeze %dma_start3A_302 : memref<1x104xi32, #tpu.memory_space<vmem>> -> memref<104xi32, #tpu.memory_space<vmem>>
        %dma_start3A_304 = arith.constant 0 : i32
        %dma_start3A_305 = arith.constant 0 : i32
        %dma_start3A_306 = tpu.memref_slice %arg2[%dma_start3A_304, %dma_start3A_305] : memref<100000x128xbf16, #tpu.memory_space<hbm>> -> memref<100000x128xbf16, #tpu.memory_space<hbm>>
        tpu.enqueue_indirect_dma source(%dma_start3A_306 : memref<100000x128xbf16, #tpu.memory_space<hbm>>) target(%arg8 : memref<104x128xbf16, #tpu.memory_space<vmem>>) offsets(%dma_start3A_303 : memref<104xi32, #tpu.memory_space<vmem>>) semaphore(%arg13 : memref<!tpu.dma_semaphore, #tpu.memory_space<semaphore_mem>>)
        %mul3A_307 = arith.constant 2 : i32
        %mul3A_308 = arith.muli %mul3A_307, %add3A_298 : i32
        %add3A_309 = arith.constant 1 : i32
        %add3A_310 = arith.addi %mul3A_308, %add3A_309 : i32
        %dma_start3A_311 = arith.constant 0 : i32
        %dma_start3A_312 = tpu.memref_slice %arg6[%add3A_310, %dma_start3A_311] : memref<128x104xi32, #tpu.memory_space<vmem>> -> memref<1x104xi32, #tpu.memory_space<vmem>>
        %dma_start3A_313 = tpu.memref_squeeze %dma_start3A_312 : memref<1x104xi32, #tpu.memory_space<vmem>> -> memref<104xi32, #tpu.memory_space<vmem>>
        %dma_start3A_314 = arith.constant 0 : i32
        %dma_start3A_315 = arith.constant 0 : i32
        %dma_start3A_316 = tpu.memref_slice %arg2[%dma_start3A_314, %dma_start3A_315] : memref<100000x128xbf16, #tpu.memory_space<hbm>> -> memref<100000x128xbf16, #tpu.memory_space<hbm>>
        tpu.enqueue_indirect_dma source(%dma_start3A_316 : memref<100000x128xbf16, #tpu.memory_space<hbm>>) target(%arg9 : memref<104x128xbf16, #tpu.memory_space<vmem>>) offsets(%dma_start3A_313 : memref<104xi32, #tpu.memory_space<vmem>>) semaphore(%arg13 : memref<!tpu.dma_semaphore, #tpu.memory_space<semaphore_mem>>)
      } else {
      }
      %dma_wait3A_241 = arith.constant 0 : i32
      %dma_wait3A_242 = arith.constant 0 : i32
      %dma_wait3A_243 = tpu.memref_slice %arg2[%dma_wait3A_241, %dma_wait3A_242] : memref<100000x128xbf16, #tpu.memory_space<hbm>> -> memref<104x128xbf16, #tpu.memory_space<hbm>>
      %dma_wait3A_244 = arith.constant 0 : i32
      %dma_wait3A_245 = arith.constant 0 : i32
      %dma_wait3A_246 = tpu.memref_slice %arg2[%dma_wait3A_244, %dma_wait3A_245] : memref<100000x128xbf16, #tpu.memory_space<hbm>> -> memref<104x128xbf16, #tpu.memory_space<hbm>>
      tpu.wait_dma2 semaphore(%arg14 : memref<!tpu.dma_semaphore, #tpu.memory_space<semaphore_mem>>) src(%dma_wait3A_246 : memref<104x128xbf16, #tpu.memory_space<hbm>>) dst(%arg10 : memref<104x128xbf16, #tpu.memory_space<vmem>>)
      %dma_wait3A_247 = arith.constant 0 : i32
      %dma_wait3A_248 = arith.constant 0 : i32
      %dma_wait3A_249 = tpu.memref_slice %arg2[%dma_wait3A_247, %dma_wait3A_248] : memref<100000x128xbf16, #tpu.memory_space<hbm>> -> memref<104x128xbf16, #tpu.memory_space<hbm>>
      %dma_wait3A_250 = arith.constant 0 : i32
      %dma_wait3A_251 = arith.constant 0 : i32
      %dma_wait3A_252 = tpu.memref_slice %arg2[%dma_wait3A_250, %dma_wait3A_251] : memref<100000x128xbf16, #tpu.memory_space<hbm>> -> memref<104x128xbf16, #tpu.memory_space<hbm>>
      tpu.wait_dma2 semaphore(%arg14 : memref<!tpu.dma_semaphore, #tpu.memory_space<semaphore_mem>>) src(%dma_wait3A_252 : memref<104x128xbf16, #tpu.memory_space<hbm>>) dst(%arg11 : memref<104x128xbf16, #tpu.memory_space<vmem>>)
      %add3A_253 = arith.constant 1 : i32
      %add3A_254 = arith.addi %add3A_166, %add3A_253 : i32
      %broadcast_in_dim3A_255 = arith.constant 0.000000e+00 : bf16
      %broadcast_in_dim3A_256 = vector.broadcast %broadcast_in_dim3A_255 : bf16 to vector<32xbf16>
      %broadcast_in_dim3A_257 = arith.constant 0.000000e+00 : bf16
      %broadcast_in_dim3A_258 = vector.broadcast %broadcast_in_dim3A_257 : bf16 to vector<32xbf16>
      %broadcast_in_dim3A_259 = arith.constant 0.000000e+00 : bf16
      %broadcast_in_dim3A_260 = vector.broadcast %broadcast_in_dim3A_259 : bf16 to vector<32xbf16>
      %broadcast_in_dim3A_261 = arith.constant 0.000000e+00 : bf16
      %broadcast_in_dim3A_262 = vector.broadcast %broadcast_in_dim3A_261 : bf16 to vector<32xbf16>
      %scan3A_263 = arith.constant 0 : i32
      %scan3A_264 = arith.constant 100 : i32
      %scan3A_265 = arith.addi %scan3A_263, %scan3A_264 : i32
      %scan3A_266 = arith.constant 1 : i32
      %scan3A_267:4 = scf.for %scan3A_295 = %scan3A_263 to %scan3A_265 step %scan3A_266 iter_args(%scan3A_296 = %broadcast_in_dim3A_256, %scan3A_297 = %broadcast_in_dim3A_258, %scan3A_298 = %broadcast_in_dim3A_260, %scan3A_299 = %broadcast_in_dim3A_262) -> (vector<32xbf16>, vector<32xbf16>, vector<32xbf16>, vector<32xbf16>)  : i32 {
        %get3A = arith.index_cast %scan3A_295 : i32 to index
        %get3A_300 = arith.constant 0 : index
        %get3A_301 = tpu.vector_load %arg10[%get3A, %get3A_300] {strides = array<i32>} : memref<104x128xbf16, #tpu.memory_space<vmem>>, vector<1x32xbf16>,
        %get3A_302 = vector.shape_cast %get3A_301 : vector<1x32xbf16> to vector<32xbf16>
        %add3A_303 = arith.addf %scan3A_296, %get3A_302 : vector<32xbf16>
        %get3A_304 = arith.index_cast %scan3A_295 : i32 to index
        %get3A_305 = arith.constant 32 : index
        %get3A_306 = tpu.vector_load %arg10[%get3A_304, %get3A_305] {strides = array<i32>} : memref<104x128xbf16, #tpu.memory_space<vmem>>, vector<1x32xbf16>,
        %get3A_307 = vector.shape_cast %get3A_306 : vector<1x32xbf16> to vector<32xbf16>
        %add3A_308 = arith.addf %scan3A_297, %get3A_307 : vector<32xbf16>
        %get3A_309 = arith.index_cast %scan3A_295 : i32 to index
        %get3A_310 = arith.constant 64 : index
        %get3A_311 = tpu.vector_load %arg10[%get3A_309, %get3A_310] {strides = array<i32>} : memref<104x128xbf16, #tpu.memory_space<vmem>>, vector<1x32xbf16>,
        %get3A_312 = vector.shape_cast %get3A_311 : vector<1x32xbf16> to vector<32xbf16>
        %add3A_313 = arith.addf %scan3A_298, %get3A_312 : vector<32xbf16>
        %get3A_314 = arith.index_cast %scan3A_295 : i32 to index
        %get3A_315 = arith.constant 96 : index
        %get3A_316 = tpu.vector_load %arg10[%get3A_314, %get3A_315] {strides = array<i32>} : memref<104x128xbf16, #tpu.memory_space<vmem>>, vector<1x32xbf16>,
        %get3A_317 = vector.shape_cast %get3A_316 : vector<1x32xbf16> to vector<32xbf16>
        %add3A_318 = arith.addf %scan3A_299, %get3A_317 : vector<32xbf16>
        scf.yield %add3A_303, %add3A_308, %add3A_313, %add3A_318 : vector<32xbf16>, vector<32xbf16>, vector<32xbf16>, vector<32xbf16>
      }
      %scan3A_268 = arith.constant 100 : i32
      %scan3A_269 = arith.constant 0 : i32
      %scan3A_270 = arith.constant 100 : i32
      %scan3A_271 = arith.addi %scan3A_269, %scan3A_270 : i32
      %scan3A_272 = arith.constant 1 : i32
      %scan3A_273:4 = scf.for %scan3A_295 = %scan3A_269 to %scan3A_271 step %scan3A_272 iter_args(%scan3A_296 = %scan3A_267#0, %scan3A_297 = %scan3A_267#1, %scan3A_298 = %scan3A_267#2, %scan3A_299 = %scan3A_267#3) -> (vector<32xbf16>, vector<32xbf16>, vector<32xbf16>, vector<32xbf16>)  : i32 {
        %get3A = arith.index_cast %scan3A_295 : i32 to index
        %get3A_300 = arith.constant 0 : index
        %get3A_301 = tpu.vector_load %arg11[%get3A, %get3A_300] {strides = array<i32>} : memref<104x128xbf16, #tpu.memory_space<vmem>>, vector<1x32xbf16>,
        %get3A_302 = vector.shape_cast %get3A_301 : vector<1x32xbf16> to vector<32xbf16>
        %add3A_303 = arith.addf %scan3A_296, %get3A_302 : vector<32xbf16>
        %get3A_304 = arith.index_cast %scan3A_295 : i32 to index
        %get3A_305 = arith.constant 32 : index
        %get3A_306 = tpu.vector_load %arg11[%get3A_304, %get3A_305] {strides = array<i32>} : memref<104x128xbf16, #tpu.memory_space<vmem>>, vector<1x32xbf16>,
        %get3A_307 = vector.shape_cast %get3A_306 : vector<1x32xbf16> to vector<32xbf16>
        %add3A_308 = arith.addf %scan3A_297, %get3A_307 : vector<32xbf16>
        %get3A_309 = arith.index_cast %scan3A_295 : i32 to index
        %get3A_310 = arith.constant 64 : index
        %get3A_311 = tpu.vector_load %arg11[%get3A_309, %get3A_310] {strides = array<i32>} : memref<104x128xbf16, #tpu.memory_space<vmem>>, vector<1x32xbf16>,
        %get3A_312 = vector.shape_cast %get3A_311 : vector<1x32xbf16> to vector<32xbf16>
        %add3A_313 = arith.addf %scan3A_298, %get3A_312 : vector<32xbf16>
        %get3A_314 = arith.index_cast %scan3A_295 : i32 to index
        %get3A_315 = arith.constant 96 : index
        %get3A_316 = tpu.vector_load %arg11[%get3A_314, %get3A_315] {strides = array<i32>} : memref<104x128xbf16, #tpu.memory_space<vmem>>, vector<1x32xbf16>,
        %get3A_317 = vector.shape_cast %get3A_316 : vector<1x32xbf16> to vector<32xbf16>
        %add3A_318 = arith.addf %scan3A_299, %get3A_317 : vector<32xbf16>
        scf.yield %add3A_303, %add3A_308, %add3A_313, %add3A_318 : vector<32xbf16>, vector<32xbf16>, vector<32xbf16>, vector<32xbf16>
      }
      %scan3A_274 = arith.constant 100 : i32
      %swap3A_275 = arith.index_cast %add3A_254 : i32 to index
      %swap3A_276 = arith.constant 0 : index
      %swap3A_277 = tpu.vector_load %arg12[%swap3A_275, %swap3A_276] {strides = array<i32>} : memref<512x128xbf16, #tpu.memory_space<vmem>>, vector<1x32xbf16>,
      %swap3A_278 = vector.shape_cast %swap3A_277 : vector<1x32xbf16> to vector<32xbf16>
      %swap3A_279 = vector.shape_cast %scan3A_273#0 : vector<32xbf16> to vector<1x32xbf16>
      tpu.vector_store %arg12[%swap3A_275, %swap3A_276], %swap3A_279 {strides = array<i32>} : memref<512x128xbf16, #tpu.memory_space<vmem>>, vector<1x32xbf16>,
      %swap3A_280 = arith.index_cast %add3A_254 : i32 to index
      %swap3A_281 = arith.constant 32 : index
      %swap3A_282 = tpu.vector_load %arg12[%swap3A_280, %swap3A_281] {strides = array<i32>} : memref<512x128xbf16, #tpu.memory_space<vmem>>, vector<1x32xbf16>,
      %swap3A_283 = vector.shape_cast %swap3A_282 : vector<1x32xbf16> to vector<32xbf16>
      %swap3A_284 = vector.shape_cast %scan3A_273#1 : vector<32xbf16> to vector<1x32xbf16>
      tpu.vector_store %arg12[%swap3A_280, %swap3A_281], %swap3A_284 {strides = array<i32>} : memref<512x128xbf16, #tpu.memory_space<vmem>>, vector<1x32xbf16>,
      %swap3A_285 = arith.index_cast %add3A_254 : i32 to index
      %swap3A_286 = arith.constant 64 : index
      %swap3A_287 = tpu.vector_load %arg12[%swap3A_285, %swap3A_286] {strides = array<i32>} : memref<512x128xbf16, #tpu.memory_space<vmem>>, vector<1x32xbf16>,
      %swap3A_288 = vector.shape_cast %swap3A_287 : vector<1x32xbf16> to vector<32xbf16>
      %swap3A_289 = vector.shape_cast %scan3A_273#2 : vector<32xbf16> to vector<1x32xbf16>
      tpu.vector_store %arg12[%swap3A_285, %swap3A_286], %swap3A_289 {strides = array<i32>} : memref<512x128xbf16, #tpu.memory_space<vmem>>, vector<1x32xbf16>,
      %swap3A_290 = arith.index_cast %add3A_254 : i32 to index
      %swap3A_291 = arith.constant 96 : index
      %swap3A_292 = tpu.vector_load %arg12[%swap3A_290, %swap3A_291] {strides = array<i32>} : memref<512x128xbf16, #tpu.memory_space<vmem>>, vector<1x32xbf16>,
      %swap3A_293 = vector.shape_cast %swap3A_292 : vector<1x32xbf16> to vector<32xbf16>
      %swap3A_294 = vector.shape_cast %scan3A_273#3 : vector<32xbf16> to vector<1x32xbf16>
      tpu.vector_store %arg12[%swap3A_290, %swap3A_291], %swap3A_294 {strides = array<i32>} : memref<512x128xbf16, #tpu.memory_space<vmem>>, vector<1x32xbf16>,
    }
    %scan3A_157 = arith.constant 32 : i32
    "tpu.region"() ({
      %run_scoped3A = tpu.sem_alloc : memref<!tpu.dma_semaphore, #tpu.memory_space<semaphore_mem>>
      %dma_start3A_158 = arith.constant 0 : i32
      %dma_start3A_159 = tpu.memref_slice %arg4[%mul3A_2, %dma_start3A_158] : memref<16384x128xbf16, #tpu.memory_space<hbm>> -> memref<512x128xbf16, #tpu.memory_space<hbm>>
      %dma_start3A_160 = arith.constant 0 : i32
      %dma_start3A_161 = tpu.memref_slice %arg4[%mul3A_2, %dma_start3A_160] : memref<16384x128xbf16, #tpu.memory_space<hbm>> -> memref<512x128xbf16, #tpu.memory_space<hbm>>
      tpu.enqueue_dma source(%arg12 : memref<512x128xbf16, #tpu.memory_space<vmem>>) target(%dma_start3A_161 : memref<512x128xbf16, #tpu.memory_space<hbm>>) target_semaphore(%run_scoped3A : memref<!tpu.dma_semaphore, #tpu.memory_space<semaphore_mem>>)
      %dma_wait3A_162 = arith.constant 0 : i32
      %dma_wait3A_163 = tpu.memref_slice %arg4[%mul3A_2, %dma_wait3A_162] : memref<16384x128xbf16, #tpu.memory_space<hbm>> -> memref<512x128xbf16, #tpu.memory_space<hbm>>
      %dma_wait3A_164 = arith.constant 0 : i32
      %dma_wait3A_165 = tpu.memref_slice %arg4[%mul3A_2, %dma_wait3A_164] : memref<16384x128xbf16, #tpu.memory_space<hbm>> -> memref<512x128xbf16, #tpu.memory_space<hbm>>
      tpu.wait_dma2 semaphore(%run_scoped3A : memref<!tpu.dma_semaphore, #tpu.memory_space<semaphore_mem>>) src(%arg12 : memref<512x128xbf16, #tpu.memory_space<vmem>>) dst(%dma_wait3A_165 : memref<512x128xbf16, #tpu.memory_space<hbm>>)
      tpu.yield
    }) : () -> ()
    return
  }
}

module attributes {stable_mosaic.version = 14 : i64} {
  func.func @body(%arg0: i32, %arg1: memref<2048x128xbf16, #tpu.memory_space<vmem>>, %arg2: memref<2048x1xf32, #tpu.memory_space<vmem>>, %arg3: memref<1x16xf32, #tpu.memory_space<vmem>>, %arg4: memref<1x16xf32, #tpu.memory_space<vmem>>, %arg5: memref<16x128xf32, #tpu.memory_space<vmem>>, %arg6: memref<1x128xf32, #tpu.memory_space<vmem>>, %arg7: memref<256x64xf32, #tpu.memory_space<vmem>>, %arg8: memref<1x64xf32, #tpu.memory_space<vmem>>, %arg9: memref<1x64xf32, #tpu.memory_space<vmem>>, %arg10: memref<1x1xf32, #tpu.memory_space<vmem>>, %arg11: memref<2048x1xf32, #tpu.memory_space<vmem>>) attributes {dimension_semantics = [#tpu.dimension_semantics<arbitrary>], iteration_bounds = array<i64: 8>, scalar_prefetch = 0 : i64, scratch_operands = 0 : i64, tpu.core_type = #tpu.core_type<tc>, window_params = [{transform_indices = @transform_0, window_bounds = array<i64: 2048, 128>}, {transform_indices = @transform_1, window_bounds = array<i64: 2048, 1>}, {pipeline_mode = #tpu.pipeline_mode<synchronous>, transform_indices = @transform_2, window_bounds = array<i64: 1, 16>}, {pipeline_mode = #tpu.pipeline_mode<synchronous>, transform_indices = @transform_3, window_bounds = array<i64: 1, 16>}, {pipeline_mode = #tpu.pipeline_mode<synchronous>, transform_indices = @transform_4, window_bounds = array<i64: 16, 128>}, {pipeline_mode = #tpu.pipeline_mode<synchronous>, transform_indices = @transform_5, window_bounds = array<i64: 1, 128>}, {pipeline_mode = #tpu.pipeline_mode<synchronous>, transform_indices = @transform_6, window_bounds = array<i64: 256, 64>}, {pipeline_mode = #tpu.pipeline_mode<synchronous>, transform_indices = @transform_7, window_bounds = array<i64: 1, 64>}, {pipeline_mode = #tpu.pipeline_mode<synchronous>, transform_indices = @transform_8, window_bounds = array<i64: 1, 64>}, {pipeline_mode = #tpu.pipeline_mode<synchronous>, transform_indices = @transform_9, window_bounds = array<i64: 1, 1>}, {transform_indices = @transform_10, window_bounds = array<i64: 2048, 1>}]} {
    %get3A = arith.constant 0 : index
    %get3A_0 = arith.constant 0 : index
    %get3A_1 = vector.load %arg1[%get3A, %get3A_0] : memref<2048x128xbf16, #tpu.memory_space<vmem>>, vector<2048x128xbf16>
    %convert_element_type3A = arith.extf %get3A_1 : vector<2048x128xbf16> to vector<2048x128xf32>
    %mul3A = arith.constant 5.000000e-03 : f32
    %mul3A_2 = vector.broadcast %mul3A : f32 to vector<2048x128xf32>
    %mul3A_3 = arith.mulf %convert_element_type3A, %mul3A_2 : vector<2048x128xf32>
    %get3A_4 = arith.constant 0 : index
    %get3A_5 = arith.constant 0 : index
    %get3A_6 = vector.load %arg2[%get3A_4, %get3A_5] : memref<2048x1xf32, #tpu.memory_space<vmem>>, vector<2048x1xf32>
    %get3A_7 = arith.constant 0 : index
    %get3A_8 = arith.constant 0 : index
    %get3A_9 = vector.load %arg3[%get3A_7, %get3A_8] : memref<1x16xf32, #tpu.memory_space<vmem>>, vector<1x16xf32>
    %mul3A_10 = vector.broadcast %get3A_6 : vector<2048x1xf32> to vector<2048x16xf32>
    %mul3A_11 = vector.broadcast %get3A_9 : vector<1x16xf32> to vector<2048x16xf32>
    %mul3A_12 = arith.mulf %mul3A_10, %mul3A_11 : vector<2048x16xf32>
    %get3A_13 = arith.constant 0 : index
    %get3A_14 = arith.constant 0 : index
    %get3A_15 = vector.load %arg4[%get3A_13, %get3A_14] : memref<1x16xf32, #tpu.memory_space<vmem>>, vector<1x16xf32>
    %add3A = vector.broadcast %get3A_15 : vector<1x16xf32> to vector<2048x16xf32>
    %add3A_16 = arith.addf %mul3A_12, %add3A : vector<2048x16xf32>
    %mul3A_17 = arith.constant 5.000000e-01 : f32
    %mul3A_18 = vector.broadcast %mul3A_17 : f32 to vector<2048x16xf32>
    %mul3A_19 = arith.mulf %mul3A_18, %add3A_16 : vector<2048x16xf32>
    %mul3A_20 = arith.constant 0.707106769 : f32
    %mul3A_21 = vector.broadcast %mul3A_20 : f32 to vector<2048x16xf32>
    %mul3A_22 = arith.mulf %add3A_16, %mul3A_21 : vector<2048x16xf32>
    %abs3A = math.absf %mul3A_22 : vector<2048x16xf32>
    %mul3A_23 = arith.constant 0.327591091 : f32
    %mul3A_24 = vector.broadcast %mul3A_23 : f32 to vector<2048x16xf32>
    %mul3A_25 = arith.mulf %mul3A_24, %abs3A : vector<2048x16xf32>
    %add3A_26 = arith.constant 1.000000e+00 : f32
    %add3A_27 = vector.broadcast %add3A_26 : f32 to vector<2048x16xf32>
    %add3A_28 = arith.addf %add3A_27, %mul3A_25 : vector<2048x16xf32>
    %div3A = arith.constant 1.000000e+00 : f32
    %div3A_29 = vector.broadcast %div3A : f32 to vector<2048x16xf32>
    %div3A_30 = arith.divf %div3A_29, %add3A_28 : vector<2048x16xf32>
    %mul3A_31 = arith.constant 1.06140542 : f32
    %mul3A_32 = vector.broadcast %mul3A_31 : f32 to vector<2048x16xf32>
    %mul3A_33 = arith.mulf %div3A_30, %mul3A_32 : vector<2048x16xf32>
    %add3A_34 = arith.constant -1.45315206 : f32
    %add3A_35 = vector.broadcast %add3A_34 : f32 to vector<2048x16xf32>
    %add3A_36 = arith.addf %add3A_35, %mul3A_33 : vector<2048x16xf32>
    %mul3A_37 = arith.mulf %div3A_30, %add3A_36 : vector<2048x16xf32>
    %add3A_38 = arith.constant 1.42141378 : f32
    %add3A_39 = vector.broadcast %add3A_38 : f32 to vector<2048x16xf32>
    %add3A_40 = arith.addf %add3A_39, %mul3A_37 : vector<2048x16xf32>
    %mul3A_41 = arith.mulf %div3A_30, %add3A_40 : vector<2048x16xf32>
    %add3A_42 = arith.constant -0.284496725 : f32
    %add3A_43 = vector.broadcast %add3A_42 : f32 to vector<2048x16xf32>
    %add3A_44 = arith.addf %add3A_43, %mul3A_41 : vector<2048x16xf32>
    %mul3A_45 = arith.mulf %div3A_30, %add3A_44 : vector<2048x16xf32>
    %add3A_46 = arith.constant 0.254829586 : f32
    %add3A_47 = vector.broadcast %add3A_46 : f32 to vector<2048x16xf32>
    %add3A_48 = arith.addf %add3A_47, %mul3A_45 : vector<2048x16xf32>
    %mul3A_49 = arith.mulf %div3A_30, %add3A_48 : vector<2048x16xf32>
    %neg3A = arith.constant 0.000000e+00 : f32
    %neg3A_50 = vector.broadcast %neg3A : f32 to vector<2048x16xf32>
    %neg3A_51 = arith.subf %neg3A_50, %abs3A : vector<2048x16xf32>
    %mul3A_52 = arith.mulf %neg3A_51, %abs3A : vector<2048x16xf32>
    %exp3A = math.exp %mul3A_52 : vector<2048x16xf32>
    %mul3A_53 = arith.mulf %mul3A_49, %exp3A : vector<2048x16xf32>
    %sub3A = arith.constant 1.000000e+00 : f32
    %sub3A_54 = vector.broadcast %sub3A : f32 to vector<2048x16xf32>
    %sub3A_55 = arith.subf %sub3A_54, %mul3A_53 : vector<2048x16xf32>
    %sign3A = tpu.bitcast %mul3A_22 : vector<2048x16xf32> -> vector<2048x16xi32>
    %sign3A_56 = arith.constant -2147483648 : i32
    %sign3A_57 = vector.broadcast %sign3A_56 : i32 to vector<2048x16xi32>
    %sign3A_58 = arith.andi %sign3A, %sign3A_57 : vector<2048x16xi32>
    %sign3A_59 = arith.constant 1065353216 : i32
    %sign3A_60 = vector.broadcast %sign3A_59 : i32 to vector<2048x16xi32>
    %sign3A_61 = arith.ori %sign3A_60, %sign3A_58 : vector<2048x16xi32>
    %sign3A_62 = tpu.bitcast %sign3A_61 : vector<2048x16xi32> -> vector<2048x16xf32>
    %sign3A_63 = math.absf %mul3A_22 : vector<2048x16xf32>
    %sign3A_64 = arith.constant 0.000000e+00 : f32
    %sign3A_65 = vector.broadcast %sign3A_64 : f32 to vector<2048x16xf32>
    %sign3A_66 = arith.cmpf ogt, %sign3A_63, %sign3A_65 : vector<2048x16xf32>
    %sign3A_67 = arith.select %sign3A_66, %sign3A_62, %mul3A_22 : vector<2048x16xi1>, vector<2048x16xf32>
    %mul3A_68 = arith.mulf %sign3A_67, %sub3A_55 : vector<2048x16xf32>
    %add3A_69 = arith.constant 1.000000e+00 : f32
    %add3A_70 = vector.broadcast %add3A_69 : f32 to vector<2048x16xf32>
    %add3A_71 = arith.addf %add3A_70, %mul3A_68 : vector<2048x16xf32>
    %mul3A_72 = arith.mulf %mul3A_19, %add3A_71 : vector<2048x16xf32>
    %get3A_73 = arith.constant 0 : index
    %get3A_74 = arith.constant 0 : index
    %get3A_75 = vector.load %arg5[%get3A_73, %get3A_74] : memref<16x128xf32, #tpu.memory_space<vmem>>, vector<16x128xf32>
    %dot_general3A = arith.constant dense<0.000000e+00> : vector<2048x128xf32>
    %dot_general3A_76 = tpu.matmul %mul3A_72, %get3A_75, %dot_general3A {dimension_numbers = #tpu.dot_dimension_numbers<[1], [0], [0], [1], [0, 0, 1, 1], [], []>, transpose_lhs_hint = false} : vector<2048x16xf32>, vector<16x128xf32>, vector<2048x128xf32> -> vector<2048x128xf32>
    %get3A_77 = arith.constant 0 : index
    %get3A_78 = arith.constant 0 : index
    %get3A_79 = vector.load %arg6[%get3A_77, %get3A_78] : memref<1x128xf32, #tpu.memory_space<vmem>>, vector<1x128xf32>
    %add3A_80 = vector.broadcast %get3A_79 : vector<1x128xf32> to vector<2048x128xf32>
    %add3A_81 = arith.addf %dot_general3A_76, %add3A_80 : vector<2048x128xf32>
    %concatenate3A = tpu.concatenate %mul3A_3, %add3A_81 in 1 : vector<2048x128xf32>, vector<2048x128xf32> -> vector<2048x256xf32>
    %get3A_82 = arith.constant 0 : index
    %get3A_83 = arith.constant 0 : index
    %get3A_84 = vector.load %arg7[%get3A_82, %get3A_83] : memref<256x64xf32, #tpu.memory_space<vmem>>, vector<256x64xf32>
    %dot_general3A_85 = arith.constant dense<0.000000e+00> : vector<2048x64xf32>
    %dot_general3A_86 = tpu.matmul %concatenate3A, %get3A_84, %dot_general3A_85 {dimension_numbers = #tpu.dot_dimension_numbers<[1], [0], [0], [1], [0, 0, 1, 1], [], []>, transpose_lhs_hint = false} : vector<2048x256xf32>, vector<256x64xf32>, vector<2048x64xf32> -> vector<2048x64xf32>
    %get3A_87 = arith.constant 0 : index
    %get3A_88 = arith.constant 0 : index
    %get3A_89 = vector.load %arg8[%get3A_87, %get3A_88] : memref<1x64xf32, #tpu.memory_space<vmem>>, vector<1x64xf32>
    %add3A_90 = vector.broadcast %get3A_89 : vector<1x64xf32> to vector<2048x64xf32>
    %add3A_91 = arith.addf %dot_general3A_86, %add3A_90 : vector<2048x64xf32>
    %mul3A_92 = arith.constant 5.000000e-01 : f32
    %mul3A_93 = vector.broadcast %mul3A_92 : f32 to vector<2048x64xf32>
    %mul3A_94 = arith.mulf %mul3A_93, %add3A_91 : vector<2048x64xf32>
    %mul3A_95 = arith.constant 0.707106769 : f32
    %mul3A_96 = vector.broadcast %mul3A_95 : f32 to vector<2048x64xf32>
    %mul3A_97 = arith.mulf %add3A_91, %mul3A_96 : vector<2048x64xf32>
    %abs3A_98 = math.absf %mul3A_97 : vector<2048x64xf32>
    %mul3A_99 = arith.constant 0.327591091 : f32
    %mul3A_100 = vector.broadcast %mul3A_99 : f32 to vector<2048x64xf32>
    %mul3A_101 = arith.mulf %mul3A_100, %abs3A_98 : vector<2048x64xf32>
    %add3A_102 = arith.constant 1.000000e+00 : f32
    %add3A_103 = vector.broadcast %add3A_102 : f32 to vector<2048x64xf32>
    %add3A_104 = arith.addf %add3A_103, %mul3A_101 : vector<2048x64xf32>
    %div3A_105 = arith.constant 1.000000e+00 : f32
    %div3A_106 = vector.broadcast %div3A_105 : f32 to vector<2048x64xf32>
    %div3A_107 = arith.divf %div3A_106, %add3A_104 : vector<2048x64xf32>
    %mul3A_108 = arith.constant 1.06140542 : f32
    %mul3A_109 = vector.broadcast %mul3A_108 : f32 to vector<2048x64xf32>
    %mul3A_110 = arith.mulf %div3A_107, %mul3A_109 : vector<2048x64xf32>
    %add3A_111 = arith.constant -1.45315206 : f32
    %add3A_112 = vector.broadcast %add3A_111 : f32 to vector<2048x64xf32>
    %add3A_113 = arith.addf %add3A_112, %mul3A_110 : vector<2048x64xf32>
    %mul3A_114 = arith.mulf %div3A_107, %add3A_113 : vector<2048x64xf32>
    %add3A_115 = arith.constant 1.42141378 : f32
    %add3A_116 = vector.broadcast %add3A_115 : f32 to vector<2048x64xf32>
    %add3A_117 = arith.addf %add3A_116, %mul3A_114 : vector<2048x64xf32>
    %mul3A_118 = arith.mulf %div3A_107, %add3A_117 : vector<2048x64xf32>
    %add3A_119 = arith.constant -0.284496725 : f32
    %add3A_120 = vector.broadcast %add3A_119 : f32 to vector<2048x64xf32>
    %add3A_121 = arith.addf %add3A_120, %mul3A_118 : vector<2048x64xf32>
    %mul3A_122 = arith.mulf %div3A_107, %add3A_121 : vector<2048x64xf32>
    %add3A_123 = arith.constant 0.254829586 : f32
    %add3A_124 = vector.broadcast %add3A_123 : f32 to vector<2048x64xf32>
    %add3A_125 = arith.addf %add3A_124, %mul3A_122 : vector<2048x64xf32>
    %mul3A_126 = arith.mulf %div3A_107, %add3A_125 : vector<2048x64xf32>
    %neg3A_127 = arith.constant 0.000000e+00 : f32
    %neg3A_128 = vector.broadcast %neg3A_127 : f32 to vector<2048x64xf32>
    %neg3A_129 = arith.subf %neg3A_128, %abs3A_98 : vector<2048x64xf32>
    %mul3A_130 = arith.mulf %neg3A_129, %abs3A_98 : vector<2048x64xf32>
    %exp3A_131 = math.exp %mul3A_130 : vector<2048x64xf32>
    %mul3A_132 = arith.mulf %mul3A_126, %exp3A_131 : vector<2048x64xf32>
    %sub3A_133 = arith.constant 1.000000e+00 : f32
    %sub3A_134 = vector.broadcast %sub3A_133 : f32 to vector<2048x64xf32>
    %sub3A_135 = arith.subf %sub3A_134, %mul3A_132 : vector<2048x64xf32>
    %sign3A_136 = tpu.bitcast %mul3A_97 : vector<2048x64xf32> -> vector<2048x64xi32>
    %sign3A_137 = arith.constant -2147483648 : i32
    %sign3A_138 = vector.broadcast %sign3A_137 : i32 to vector<2048x64xi32>
    %sign3A_139 = arith.andi %sign3A_136, %sign3A_138 : vector<2048x64xi32>
    %sign3A_140 = arith.constant 1065353216 : i32
    %sign3A_141 = vector.broadcast %sign3A_140 : i32 to vector<2048x64xi32>
    %sign3A_142 = arith.ori %sign3A_141, %sign3A_139 : vector<2048x64xi32>
    %sign3A_143 = tpu.bitcast %sign3A_142 : vector<2048x64xi32> -> vector<2048x64xf32>
    %sign3A_144 = math.absf %mul3A_97 : vector<2048x64xf32>
    %sign3A_145 = arith.constant 0.000000e+00 : f32
    %sign3A_146 = vector.broadcast %sign3A_145 : f32 to vector<2048x64xf32>
    %sign3A_147 = arith.cmpf ogt, %sign3A_144, %sign3A_146 : vector<2048x64xf32>
    %sign3A_148 = arith.select %sign3A_147, %sign3A_143, %mul3A_97 : vector<2048x64xi1>, vector<2048x64xf32>
    %mul3A_149 = arith.mulf %sign3A_148, %sub3A_135 : vector<2048x64xf32>
    %add3A_150 = arith.constant 1.000000e+00 : f32
    %add3A_151 = vector.broadcast %add3A_150 : f32 to vector<2048x64xf32>
    %add3A_152 = arith.addf %add3A_151, %mul3A_149 : vector<2048x64xf32>
    %mul3A_153 = arith.mulf %mul3A_94, %add3A_152 : vector<2048x64xf32>
    %get3A_154 = arith.constant 0 : index
    %get3A_155 = arith.constant 0 : index
    %get3A_156 = vector.load %arg9[%get3A_154, %get3A_155] : memref<1x64xf32, #tpu.memory_space<vmem>>, vector<1x64xf32>
    %mul3A_157 = vector.broadcast %get3A_156 : vector<1x64xf32> to vector<2048x64xf32>
    %mul3A_158 = arith.mulf %mul3A_153, %mul3A_157 : vector<2048x64xf32>
    %reduce_sum3A = arith.constant dense<0.000000e+00> : vector<2048xf32>
    %reduce_sum3A_159 = vector.multi_reduction <add>, %mul3A_158, %reduce_sum3A [1] : vector<2048x64xf32> to vector<2048xf32>
    %broadcast_in_dim3A = vector.shape_cast %reduce_sum3A_159 : vector<2048xf32> to vector<2048x1xf32>
    %get3A_160 = arith.constant 0 : index
    %get3A_161 = arith.constant 0 : index
    %get3A_162 = vector.load %arg10[%get3A_160, %get3A_161] : memref<1x1xf32, #tpu.memory_space<vmem>>, vector<1x1xf32>
    %add3A_163 = vector.broadcast %get3A_162 : vector<1x1xf32> to vector<2048x1xf32>
    %add3A_164 = arith.addf %broadcast_in_dim3A, %add3A_163 : vector<2048x1xf32>
    %swap3A = arith.constant 0 : index
    %swap3A_165 = arith.constant 0 : index
    %swap3A_166 = vector.load %arg11[%swap3A, %swap3A_165] : memref<2048x1xf32, #tpu.memory_space<vmem>>, vector<2048x1xf32>
    tpu.vector_store %arg11[%swap3A, %swap3A_165], %add3A_164 {strides = array<i32>} : memref<2048x1xf32, #tpu.memory_space<vmem>>, vector<2048x1xf32>,
    return
  }
  func.func @transform_0(%arg0: i32) -> (i32, i32) {
    %c0_i32 = arith.constant 0 : i32
    %c0_i32_0 = arith.constant 0 : i32
    return %arg0, %c0_i32 : i32, i32
  }
  func.func @transform_1(%arg0: i32) -> (i32, i32) {
    %c0_i32 = arith.constant 0 : i32
    %c0_i32_0 = arith.constant 0 : i32
    return %arg0, %c0_i32 : i32, i32
  }
  func.func @transform_2(%arg0: i32) -> (i32, i32) {
    %c0_i32 = arith.constant 0 : i32
    %c0_i32_0 = arith.constant 0 : i32
    %c0_i32_1 = arith.constant 0 : i32
    return %c0_i32, %c0_i32_0 : i32, i32
  }
  func.func @transform_3(%arg0: i32) -> (i32, i32) {
    %c0_i32 = arith.constant 0 : i32
    %c0_i32_0 = arith.constant 0 : i32
    %c0_i32_1 = arith.constant 0 : i32
    return %c0_i32, %c0_i32_0 : i32, i32
  }
  func.func @transform_4(%arg0: i32) -> (i32, i32) {
    %c0_i32 = arith.constant 0 : i32
    %c0_i32_0 = arith.constant 0 : i32
    %c0_i32_1 = arith.constant 0 : i32
    return %c0_i32, %c0_i32_0 : i32, i32
  }
  func.func @transform_5(%arg0: i32) -> (i32, i32) {
    %c0_i32 = arith.constant 0 : i32
    %c0_i32_0 = arith.constant 0 : i32
    %c0_i32_1 = arith.constant 0 : i32
    return %c0_i32, %c0_i32_0 : i32, i32
  }
  func.func @transform_6(%arg0: i32) -> (i32, i32) {
    %c0_i32 = arith.constant 0 : i32
    %c0_i32_0 = arith.constant 0 : i32
    %c0_i32_1 = arith.constant 0 : i32
    return %c0_i32, %c0_i32_0 : i32, i32
  }
  func.func @transform_7(%arg0: i32) -> (i32, i32) {
    %c0_i32 = arith.constant 0 : i32
    %c0_i32_0 = arith.constant 0 : i32
    %c0_i32_1 = arith.constant 0 : i32
    return %c0_i32, %c0_i32_0 : i32, i32
  }
  func.func @transform_8(%arg0: i32) -> (i32, i32) {
    %c0_i32 = arith.constant 0 : i32
    %c0_i32_0 = arith.constant 0 : i32
    %c0_i32_1 = arith.constant 0 : i32
    return %c0_i32, %c0_i32_0 : i32, i32
  }
  func.func @transform_9(%arg0: i32) -> (i32, i32) {
    %c0_i32 = arith.constant 0 : i32
    %c0_i32_0 = arith.constant 0 : i32
    %c0_i32_1 = arith.constant 0 : i32
    return %c0_i32, %c0_i32_0 : i32, i32
  }
  func.func @transform_10(%arg0: i32) -> (i32, i32) {
    %c0_i32 = arith.constant 0 : i32
    %c0_i32_0 = arith.constant 0 : i32
    return %arg0, %c0_i32 : i32, i32
  }
}

</mosaic_0001>

<sc_bundles>
// kernel: kernel.4.cloned.1.call-start
scs
__scs_entry_jumppad:
0x0: {  	(pc) =	sbr.rel $0x88, $3  }
0x1: {  	(tag) =	ssettag $0x0;
	lr =	simm.s32 $0x1  }
0x2: {  	[smem:$0x3F96] =	sst lr;
	_ =	strace $0xD0000000  }
0x3: {  	_ = 	snop  }
0x4: {  	_ = 	snop  }
0x5: {  	_ = 	snop  }
0x6: {  	_ = 	snop  }
0x7: {  	_ = 	snop  }
__scs_overlays_trampoline_lowered:
0x8: {  	[smem:$0x3FA5] =	sst s0  }
0x9: {  	[smem:$0x3FA6] =	sst s1  }
0xa: {  	[smem:$0x3FA7] =	sst s2  }
0xb: {  	[smem:$0x3FA8] =	sst s3  }
0xc: {  	[smem:$0x3FA9] =	sst s4  }
0xd: {  	[smem:$0x3FAA] =	sst s5  }
0xe: {  	[smem:$0x3FAB] =	sst s6  }
0xf: {  	[smem:$0x3FAC] =	sst s7  }
0x10: {  	[smem:$0x3FAD] =	sst s8  }
0x11: {  	[smem:$0x3FAE] =	sst s9;
	s0 =	simm.s32 @!p0 $0x0  }
0x12: {  	s1 =	sld [smem:$0x3F94];
	s0 =	simm.s32 @p0 $0x1  }
0x13: {  	[smem:$0x3FAF] =	sst s0;
	s0 =	simm.s32 @!p1 $0x0  }
0x14: {  	s2 =	sld [smem:$0x3F93];
	s0 =	simm.s32 @p1 $0x1  }
0x15: {  	[smem:$0x3FB0] =	sst s0;
	s0 =	simm.s32 @!p2 $0x0  }
0x16: {  	s3 =	sld [smem:$0x3FDB];
	s0 =	simm.s32 @p2 $0x1  }
0x17: {  	s4 =	simm.s32 $0x1BF5;
	[smem:$0x3FB2] =	sst s0  }
0x18: {  	s0 =	sld [smem:$0x3F95];
	_ =	swait.ge [sflag:s4], $0x0  }
0x19: {  	s7 =	sld [smem:$0x3F96]  }
0x1a: {  	s8 =	sadd.s32 $0xFFFFE003, lr  }
0x1b: {  	s9 =	sadd.s32 $0xFFFFFEF7, lr;
	s5 =	simm.s32 $0xFFFFFFFF;
	p2 =	slt.u32 s8, $0xFFFFF086  }
0x1c: {  	p1 =	slt.u32 s9, $0xF7A;
	s5 =	simm.s32 @!p2 $0x0  }
0x1d: {  	s5 =	simm.s32 @p1 $0x1;
	p0 =	seq.s32 s7, s2  }
0x1e: {  	s7 =	smul.u32 @!p0 $0xF7A, s2;
	p2 =	seq.s32 @!p0 s5, $0x0  }
0x1f: {  	s9 =	smul.u32 $0xF7A, s1;
	s8 =	simm.s32 @!p0 $0x1BF5;
	p2 =	por !p2, p0  }
0x20: {  	[sflag:s8] =	ssyncset.s32 @!p0 $0xFFFFF086;
	s6 =	sadd.s32 @!p0 s3, s7;
	s7 =	simm.s32 @!p0 $0x108  }
0x21: {  	s3 =	sadd.s32 s3, s9;
	s6 =	sadd.s32 @!p0 $0x88, s6;
	s7 =	simm.s32 @p2 $0x1082  }
0x22: {  	[simem:s7], [sflag:s8] =	dma.local @!p0 [hbm:s6], $0xF7A  }
0x23: {  	s9 =	sor.u32 $0xD0000000, s2;
	s6 =	simm.s32 $0x108;
	_ =	swait.ge @!p0 [sflag:s8], $0x0  }
0x24: {  	s3 =	sadd.s32 $0x88, s3;
	s6 =	simm.s32 @!p1 $0x1082;
	[sflag:s4] =	ssyncset.s32 $0xFFFFF086  }
0x25: {  	[simem:s6], [sflag:s4] =	dma.local [hbm:s3], $0xF7A  }
0x26: {  	[smem:$0x3F96] =	sst s1;
	(tag) =	ssettag s2;
	_ =	strace s9  }
0x27: {  	s1 =	sld [smem:$0x3FA6]  }
0x28: {  	s2 =	sld [smem:$0x3FA7]  }
0x29: {  	s4 =	sld [smem:$0x3FA9]  }
0x2a: {  	p0 =	seq.s32 s5, $0x0;
	s5 =	sld [smem:$0x3FAA]  }
0x2b: {  	s6 =	sld [smem:$0x3FAB]  }
0x2c: {  	s7 =	sld [smem:$0x3FAC]  }
0x2d: {  	s3 =	simm.s32 $0x108;
	s8 =	sld [smem:$0x3FAD]  }
0x2e: {  	s3 =	simm.s32 @!p0 $0x1082;
	s9 =	sld [smem:$0x3FAE]  }
0x2f: {  	lr =	sadd.s32 s0, s3;
	s0 =	sld [smem:$0x3FA5]  }
0x30: {  	s3 =	sld [smem:$0x3FA8]  }
0x31: {  	[smem:$0x3FB1] =	sst s10  }
0x32: {  	s10 =	sld [smem:$0x3FAF];
	_ =	sdelay $0x3  }
0x33: {  	p0 =	seq.s32 s10, $0x1;
	s10 =	sld [smem:$0x3FB1];
	_ =	sdelay $0x3  }
0x34: {  	[smem:$0x3FB1] =	sst s10  }
0x35: {  	s10 =	sld [smem:$0x3FB0];
	_ =	sdelay $0x3  }
0x36: {  	p1 =	seq.s32 s10, $0x1;
	s10 =	sld [smem:$0x3FB1];
	_ =	sdelay $0x3  }
0x37: {  	[smem:$0x3FB1] =	sst s10  }
0x38: {  	s10 =	sld [smem:$0x3FB2]  }
0x39: {  	_ = 	snop;
	(pc) =	sbr.ind lr, $3  }
0x3a: {  	_ = 	snop  }
0x3b: {  	_ = 	snop  }
0x3c: {  	p2 =	seq.s32 s10, $0x1;
	s10 =	sld [smem:$0x3FB1]  }
0x3d: {  	_ =	shalt  }
0x3e: {  	_ =	shalt  }
0x3f: {  	_ =	shalt  }
0x40: {  	_ =	shalt  }
0x41: {  	_ =	shalt  }
0x42: {  	_ =	shalt  }
0x43: {  	_ =	shalt  }
0x44: {  	_ =	shalt  }
0x45: {  	_ =	shalt  }
0x46: {  	_ =	shalt  }
0x47: {  	_ =	shalt  }
0x48: {  	_ =	shalt  }
0x49: {  	_ =	shalt  }
0x4a: {  	_ =	shalt  }
0x4b: {  	_ =	shalt  }
0x4c: {  	_ =	shalt  }
0x4d: {  	_ =	shalt  }
0x4e: {  	_ =	shalt  }
0x4f: {  	_ =	shalt  }
0x50: {  	_ =	shalt  }
0x51: {  	_ =	shalt  }
0x52: {  	_ =	shalt  }
0x53: {  	_ =	shalt  }
0x54: {  	_ =	shalt  }
0x55: {  	_ =	shalt  }
0x56: {  	_ =	shalt  }
0x57: {  	_ =	shalt  }
0x58: {  	_ =	shalt  }
0x59: {  	_ =	shalt  }
0x5a: {  	_ =	shalt  }
0x5b: {  	_ =	shalt  }
0x5c: {  	_ =	shalt  }
0x5d: {  	_ =	shalt  }
0x5e: {  	_ =	shalt  }
0x5f: {  	_ =	shalt  }
0x60: {  	_ =	shalt  }
0x61: {  	_ =	shalt  }
0x62: {  	_ =	shalt  }
0x63: {  	_ =	shalt  }
0x64: {  	_ =	shalt  }
0x65: {  	_ =	shalt  }
0x66: {  	_ =	shalt  }
0x67: {  	_ =	shalt  }
0x68: {  	_ =	shalt  }
0x69: {  	_ =	shalt  }
0x6a: {  	_ =	shalt  }
0x6b: {  	_ =	shalt  }
0x6c: {  	_ =	shalt  }
0x6d: {  	_ =	shalt  }
0x6e: {  	_ =	shalt  }
0x6f: {  	_ =	shalt  }
0x70: {  	_ =	shalt  }
0x71: {  	_ =	shalt  }
0x72: {  	_ =	shalt  }
0x73: {  	_ =	shalt  }
0x74: {  	_ =	shalt  }
0x75: {  	_ =	shalt  }
0x76: {  	_ =	shalt  }
0x77: {  	_ =	shalt  }
0x78: {  	_ =	shalt  }
0x79: {  	_ =	shalt  }
0x7a: {  	_ =	shalt  }
0x7b: {  	_ =	shalt  }
0x7c: {  	_ =	shalt  }
0x7d: {  	_ =	shalt  }
0x7e: {  	_ =	shalt  }
0x7f: {  	_ =	shalt  }
0x80: {  	_ =	shalt  }
0x81: {  	_ =	shalt  }
0x82: {  	_ =	shalt  }
0x83: {  	_ =	shalt  }
0x84: {  	_ =	shalt  }
0x85: {  	_ =	shalt  }
0x86: {  	_ =	shalt  }
0x87: {  	_ =	shalt  }
.Lfunc_end0:
.L_simem_size_0:
called_computation_lowered:
.L_overlay_start_0:
0x88: {  	s2 =	sld [smem:$0x3FD9]  }
0x89: {  	s3 =	sld [smem:$0x3FFE];
	_ =	sdelay $0x1  }
0x8a: {  	s1 =	srdreg.scid  }
0x8b: {  	s0 =	sand.u32 $0x1, s1  }
0x8c: {  	s16 =	sshll.u32 s0, $0xA;
	s2 =	sadd.s32 s3, s2  }
0x8d: {  	s2 =	sadd.s32 s2, s16  }
0x8e: {  	[smem:$0x3FBD] =	sst s2  }
0x8f: {  	_ = 	snop  }
0x90: {  	(tm) =	ssettm $0x1  }
0x91: {  	s17 =	sld [smem:$0x3FFB];
	_ =	sdelay $0x3  }
0x92: {  	_ =	strace s17  }
0x93: {  	s2 =	sld [smem:$0x3FFC];
	_ =	sdelay $0x3  }
0x94: {  	_ =	strace s2  }
0x95: {  	s2 =	sld [smem:$0x3FFD];
	_ =	sdelay $0x3  }
0x96: {  	_ =	strace s2  }
0x97: {  	_ =	strace $0x8FFFFFFF  }
0x98: {  	s18 =	sld [smem:$0x3FDB];
	_ =	sdelay $0x1  }
0x99: {  	s19 =	simm.s32 $_scs_section_size  }
0x9a: {  	s4 =	simm.s32 $_size__tile_overlayer_lowered;
	s5 =	simm.s32 $_tile_overlayer_lowered  }
0x9b: {  	s22 =	simm.s32 $0x1BFF;
	s21 =	sshll.u32 s5, $0x1;
	s2 =	sadd.s32 s19, s18  }
0x9c: {  	s6 =	simm.s32 $0x0;
	s20 =	sshll.u32 s4, $0x1;
	s4 =	sadd.s32 s21, s2  }
0x9d: {  	[timem:s6], [sflag:s22] =	dma.local [hbm:s4], s20  }
0x9e: {  	_ =	swait.ge [sflag:s22], s20  }
0x9f: {  	s3 =	ssub.s32 $0x0, s20;
	[sflag:s22] =	ssyncset.done $0x0  }
0xa0: {  	[sflag:s22] =	ssyncadd.s32 s3;
	_ =	sdelay $0x1  }
0xa1: {  	s23 =	simm.s32 $0x1B8B  }
0xa2: {  	_ =	swait.ge [sflag:s23], $0x1  }
0xa3: {  	[sflag:s23] =	ssyncset.done $0x0  }
0xa4: {  	s25 =	simm.s32 $0x1B8E;
	s24 =	sld [smem:$0x3FFE];
	[sflag:s23] =	ssyncadd.s32 $0xFFFFFFFF  }
0xa5: {  	s26 =	simm.s32 $execute0_lowered;
	[smem:$0x3FD2] =	sst s25  }
0xa6: {  	s4 =	sshll.u32 s26, $0x1;
	_ =	strace $0x80000046;
	[dreg:$0x1] =	wrdreg $0xFFFFFFFF  }
0xa7: {  	s28 =	simm.s32 $_size_execute0_lowered;
	s2 =	sadd.s32 s2, s4;
	[dreg:$0x0] =	wrdreg $0x0  }
0xa8: {  	s4 =	sshll.u32 s28, $0x1;
	[dreg:$0x2] =	wrdreg s2  }
0xa9: {  	[dreg:$0x3] =	wrdreg s4  }
0xaa: {  	[dreg:$0x4] =	wrdreg $0xC0  }
0xab: {  	_ =	task [dreg:s6], $0x5FFFF  }
0xac: {  	[dreg:$0x1] =	wrdreg $0xFFFFFFFF  }
0xad: {  	[dreg:$0x0] =	wrdreg $0x60  }
0xae: {  	[dreg:$0x2] =	wrdreg s24  }
0xaf: {  	[dreg:$0x3] =	wrdreg $0x9  }
0xb0: {  	_ =	task.clear_ibuf [dreg:s6], $0x4FFFF;
	_ =	strace $0x90000046  }
0xb1: {  	s29 =	simm.s32 $0x9;
	_ =	strace $0x80000048  }
0xb2: {  	_ =	swait.ge [sflag:s29], $0x1  }
0xb3: {  	[sflag:s29] =	ssyncadd.s32 $0xFFFFFFFF  }
0xb4: {  	_ =	strace $0x90000048  }
0xb5: {  	_ =	sfence  }
0xb6: {  	s30 =	sld [smem:$0x0];
	_ =	sdelay $0x2  }
0xb7: {  	s31 =	sshll.u32 s1, $0xD;
	s1 =	sshrl.u32 s1, $0x2  }
0xb8: {  	s3 =	sand.u32 $0x4000, s31;
	s1 =	sadd.s32 s1, s30  }
0xb9: {  	s0 =	sor.u32 s3, s0;
	s1 =	sshll.u32 s1, $0x11  }
0xba: {  	s0 =	sor.u32 s1, s0  }
0xbb: {  	s0 =	sadd.s32 $0x8F2B, s0  }
0xbc: {  	[sflag:s0] =	ssyncadd.remote.s32 $0x1  }
0xbd: {  	_ =	sfence.sel $0xFFFF  }
0xbe: {  	[dreg:$0x0] =	wrdreg $0xFFFFFFFF;
	(pc) =	sbr.abs _section_cstart, $3  }
0xbf: {  	[dreg:$0x1] =	wrdreg $0xFFFFFFFF  }
0xc0: {  	_ =	task.clear_ibuf [dreg:s6], $0x2FFFF;
	_ =	strace $0x9FFFFFFF  }
0xc1: {  	(tm) =	ssettm $0x7FFFFFFF  }
tec
execute0_lowered:
.L_overlay_start_1:
0x0: {  	(tag) =	ssettag $0x1  }
0x1: {  	s4 =	rddreg [dreg:$0x0]  }
0x2: {  	s3 =	srdreg.scid;
	s0 =	stileid.u32;
	s2 =	simm.s32 $0x0  }
0x3: {  	s14 =	simm.s32 $0x4;
	s15 =	simm.s32 $0x3400;
	s16 =	simm.s32 $0x68  }
0x4: {  	s17 =	simm.s32 $0x9C00;
	s18 =	simm.s32 $0xB600;
	s19 =	simm.s32 $0x6800  }
0x5: {  	s20 =	simm.s32 $0xD000;
	s21 =	simm.s32 $0xEA00;
	s22 =	simm.s32 $0x1  }
0x6: {  	s23 =	simm.s32 $0x2;
	s24 =	simm.s32 $0x3;
	s25 =	simm.s32 $0x10400  }
0x7: {  	s26 =	simm.s32 $0x0;
	s5 =	sand.u32 $0x1, s3;
	s30 =	sshll.u32 s0, $0x1  }
0x8: {  	[smem:$0x7FF] =	sst s2;
	s3 =	sadd.s32 $0x12C600, s4;
	s6 =	sor.u32 s5, s30  }
0x9: {  	s8 =	sadd.s32 $0x1000, s4;
	_ =	strace $0x80000047;
	s7 =	smul.u32 $0x1A000, s6  }
0xa: {  	s5 =	ssub.s32 $0x2, s5;
	s9 =	sshll.u32 s6, $0xC;
	s6 =	smul.u32 $0x3400, s6  }
0xb: {  	s31 =	sshrl.u32 s5, $0x1;
	s12 =	sadd.s32 s9, s4;
	s7 =	sshrl.u32 s7, $0x3  }
0xc: {  	s13 =	ssub.s32 s5, s31;
	s4 =	sadd.s32 s8, s6;
	s11 =	sadd.s32 s8, s7  }
0xd: {  	s12 =	sadd.s32 $0x69000, s12;
	s13 =	smax.u32 s13, $0x1;
	s5 =	sadd.s32 $0x680, s11  }
0xe: {  	s6 =	sadd.s32 $0xD00, s11;
	s7 =	sadd.s32 $0x1380, s11;
	s8 =	sadd.s32 $0x1A00, s11  }
0xf: {  	s9 =	sadd.s32 $0x2080, s11;
	s10 =	sadd.s32 $0x2700, s11;
	s11 =	sadd.s32 $0x2D80, s11  }
.LBB2_1:
0x10: {  	[tilespmem:s2], [sflag:$0x4] =	stream.linear.gather [hbm4b:s4+s2], $0x3400, $0x38;
	[tilespmem:$0x18400] =	vst v63  }
0x11: {  	_ =	swait.ge [sflag:s14], $0x3400  }
0x12: {  	[sflag:s14] =	ssyncset.done $0x0  }
0x13: {  	[sflag:s14] =	ssyncadd.s32 $0xFFFFCC00  }
0x14: {  	[tilespmem:s15], [sflag:$0x4] =	stream.linear.gather [hbm4b:s5+s2], $0x3400, $0x38;
	[tilespmem:$0x18400] =	vst v63  }
0x15: {  	_ =	swait.ge [sflag:s14], $0x3400  }
0x16: {  	[sflag:s14] =	ssyncset.done $0x0  }
0x17: {  	[sflag:s14] =	ssyncadd.s32 $0xFFFFCC00  }
0x18: {  	[tilespmem:s17], [sflag:$0x1] =	stream.indirect.gather [hbm4b:s3+s16], $0x40, s2, s16, $0xb8;
	[tilespmem:$0x18400] =	vst v63  }
0x19: {  	_ = 	snop  }
0x1a: {  	[tilespmem:s18], [sflag:$0x1] =	stream.indirect.gather [hbm4b:s3+s16], $0x40, s16, s16, $0xb8;
	[tilespmem:$0x18400] =	vst v63  }
0x1b: {  	s28 =	simm.s32 $0x0  }
0x1c: {  	[tilespmem:s19], [sflag:$0x3] =	stream.linear.gather [hbm4b:s6+s2], $0x3400, $0x38;
	[tilespmem:$0x18400] =	vst v63  }
.LBB2_2:
0x1d: {  	s29 =	sshllo.u32 s28, $0x1  }
0x1e: {  	s30 =	smul.u32 $0x340, s29;
	_ =	sdelay $0x1  }
0x1f: {  	s30 =	sshra.s32 s30, $0x2  }
0x20: {  	[tilespmem:s20], [sflag:$0x2] =	stream.indirect.gather [hbm4b:s3+s16], $0x40, s30, s16, $0xb8;
	[tilespmem:$0x18400] =	vst v63  }
0x21: {  	s30 =	sadd.s32 $0x68, s30  }
0x22: {  	[tilespmem:s21], [sflag:$0x2] =	stream.indirect.gather [hbm4b:s3+s16], $0x40, s30, s16, $0xb8;
	[tilespmem:$0x18400] =	vst v63  }
0x23: {  	_ =	swait.ge [sflag:s22], $0x1A00  }
0x24: {  	[sflag:s22] =	ssyncset.done $0x0  }
0x25: {  	[sflag:s22] =	ssyncadd.s32 $0xFFFFE600  }
0x26: {  	_ =	swait.ge [sflag:s22], $0x1A00  }
0x27: {  	[sflag:s22] =	ssyncset.done $0x0  }
0x28: {  	s30 =	simm.s32 $0x0;
	[sflag:s22] =	ssyncadd.s32 $0xFFFFE600  }
0x29: {  	v2 =	vld [tilespmem:s30+$0x9C30]  }
0x2a: {  	v3 =	vld [tilespmem:s30+$0x9C00]  }
0x2b: {  	v0 =	vimm.bf16 $0.0e+00;
	v4 =	vld [tilespmem:s30+$0x9C10]  }
0x2c: {  	s31 =	simm.s32 $0x100;
	v8 =	vimm.bf16 $0.0e+00;
	v6 =	vimm.bf16 $0.0e+00;
	v7 =	vimm.bf16 $0.0e+00;
	v5 =	vld [tilespmem:s30+$0x9C20]  }
.LBB2_3:
0x2d: {  	p0 =	sne.s32 s31, $0x6300  }
.Ltmp0:
0x2e: {  	s0 =	sshra.s32 s31, $0x2;
	s31 =	sadd.s32 $0x100, s31;
	v0 =	vadd.bf16 v2, v0;
	(pc) =	sbr.rel @p0 .LBB2_3-.Ltmp0, $4  }
0x2f: {  	v2 =	vld [tilespmem:s0+$0x9C30];
	v8 =	vadd.bf16 v3, v8  }
0x30: {  	v3 =	vld [tilespmem:s0+$0x9C00];
	v6 =	vadd.bf16 v4, v6  }
0x31: {  	v4 =	vld [tilespmem:s0+$0x9C10];
	v7 =	vadd.bf16 v5, v7  }
0x32: {  	v5 =	vld [tilespmem:s0+$0x9C20]  }
0x33: {  	_ = 	snop  }
0x34: {  	v1 =	vld [tilespmem:s30+$0xB630]  }
0x35: {  	v9 =	vld [tilespmem:s30+$0xB600]  }
0x36: {  	v0 =	vadd.bf16 v2, v0;
	v3 =	vadd.bf16 v3, v8;
	v8 =	vld [tilespmem:s30+$0xB610]  }
0x37: {  	s31 =	simm.s32 $0x100;
	v4 =	vadd.bf16 v4, v6;
	v2 =	vadd.bf16 v5, v7;
	v5 =	vld [tilespmem:s30+$0xB620]  }
.LBB2_5:
0x38: {  	p0 =	sne.s32 s31, $0x6300  }
.Ltmp1:
0x39: {  	s0 =	sshra.s32 s31, $0x2;
	s31 =	sadd.s32 $0x100, s31;
	v0 =	vadd.bf16 v1, v0;
	(pc) =	sbr.rel @p0 .LBB2_5-.Ltmp1, $4  }
0x3a: {  	v1 =	vld [tilespmem:s0+$0xB630];
	v3 =	vadd.bf16 v9, v3  }
0x3b: {  	v9 =	vld [tilespmem:s0+$0xB600];
	v4 =	vadd.bf16 v8, v4  }
0x3c: {  	v8 =	vld [tilespmem:s0+$0xB610];
	v2 =	vadd.bf16 v5, v2  }
0x3d: {  	v5 =	vld [tilespmem:s0+$0xB620]  }
0x3e: {  	_ = 	snop  }
0x3f: {  	s0 =	sshll.u32 s28, $0x7;
	v0 =	vadd.bf16 v1, v0  }
0x40: {  	s0 =	sand.u32 $0x3FFFFF80, s0;
	v3 =	vadd.bf16 v9, v3  }
0x41: {  	v4 =	vadd.bf16 v8, v4;
	[tilespmem:s0+$0x10430] =	vst v0  }
0x42: {  	p0 =	seq.s32 s28, $0x1F;
	v2 =	vadd.bf16 v5, v2;
	[tilespmem:s0+$0x10400] =	vst v3  }
0x43: {  	s30 =	simm.s32 @p0 $0x68;
	[tilespmem:s0+$0x10410] =	vst v4  }
0x44: {  	s31 =	simm.s32 @p0 $0x9C00;
	s1 =	smul.u32 @!p0 $0x680, s28;
	[tilespmem:s0+$0x10420] =	vst v2;
	s0 =	simm.s32 @p0 $0x3400  }
0x45: {  	[tilespmem:s31], [sflag:$0x1] =	stream.indirect.gather @p0 [hbm4b:s3+s30], $0x40, s0, s30, $0xb8;
	[tilespmem:$0x18400] =	vst v63  }
0x46: {  	s0 =	sshra.s32 @!p0 s1, $0x2;
	s30 =	simm.s32 @!p0 $0x68  }
0x47: {  	s31 =	simm.s32 @!p0 $0x9C00;
	s1 =	sadd.s32 @!p0 $0x1A0, s0;
	s0 =	sadd.s32 @!p0 $0x208, s0  }
0x48: {  	[tilespmem:s31], [sflag:$0x1] =	stream.indirect.gather @!p0 [hbm4b:s3+s30], $0x40, s1, s30, $0xb8;
	[tilespmem:$0x18400] =	vst v63  }
0x49: {  	s0 =	simm.s32 @p0 $0x3468  }
0x4a: {  	[tilespmem:s18], [sflag:$0x1] =	stream.indirect.gather [hbm4b:s3+s16], $0x40, s0, s16, $0xb8;
	[tilespmem:$0x18400] =	vst v63  }
0x4b: {  	_ =	swait.ge [sflag:s23], $0x1A00  }
0x4c: {  	[sflag:s23] =	ssyncset.done $0x0  }
0x4d: {  	[sflag:s23] =	ssyncadd.s32 $0xFFFFE600  }
0x4e: {  	_ =	swait.ge [sflag:s23], $0x1A00  }
0x4f: {  	[sflag:s23] =	ssyncset.done $0x0  }
0x50: {  	s30 =	simm.s32 $0x0;
	[sflag:s23] =	ssyncadd.s32 $0xFFFFE600  }
0x51: {  	v2 =	vld [tilespmem:s30+$0xD030]  }
0x52: {  	v3 =	vld [tilespmem:s30+$0xD000]  }
0x53: {  	v6 =	vimm.bf16 $0.0e+00;
	v4 =	vld [tilespmem:s30+$0xD010]  }
0x54: {  	v7 =	vimm.bf16 $0.0e+00;
	v0 =	vimm.bf16 $0.0e+00;
	v8 =	vimm.bf16 $0.0e+00;
	s31 =	simm.s32 $0x100;
	v5 =	vld [tilespmem:s30+$0xD020]  }
.LBB2_7:
0x55: {  	p0 =	sne.s32 s31, $0x6300  }
.Ltmp2:
0x56: {  	s0 =	sshra.s32 s31, $0x2;
	s31 =	sadd.s32 $0x100, s31;
	v0 =	vadd.bf16 v2, v0;
	(pc) =	sbr.rel @p0 .LBB2_7-.Ltmp2, $4  }
0x57: {  	v2 =	vld [tilespmem:s0+$0xD030];
	v8 =	vadd.bf16 v3, v8  }
0x58: {  	v3 =	vld [tilespmem:s0+$0xD000];
	v6 =	vadd.bf16 v4, v6  }
0x59: {  	v4 =	vld [tilespmem:s0+$0xD010];
	v7 =	vadd.bf16 v5, v7  }
0x5a: {  	v5 =	vld [tilespmem:s0+$0xD020]  }
0x5b: {  	_ = 	snop  }
0x5c: {  	v1 =	vld [tilespmem:s30+$0xEA30]  }
0x5d: {  	v9 =	vld [tilespmem:s30+$0xEA00]  }
0x5e: {  	v0 =	vadd.bf16 v2, v0;
	v3 =	vadd.bf16 v3, v8;
	v8 =	vld [tilespmem:s30+$0xEA10]  }
0x5f: {  	s31 =	simm.s32 $0x100;
	v4 =	vadd.bf16 v4, v6;
	v2 =	vadd.bf16 v5, v7;
	v5 =	vld [tilespmem:s30+$0xEA20]  }
.LBB2_9:
0x60: {  	p0 =	sne.s32 s31, $0x6300  }
.Ltmp3:
0x61: {  	s0 =	sshra.s32 s31, $0x2;
	s31 =	sadd.s32 $0x100, s31;
	v0 =	vadd.bf16 v1, v0;
	(pc) =	sbr.rel @p0 .LBB2_9-.Ltmp3, $4  }
0x62: {  	v1 =	vld [tilespmem:s0+$0xEA30];
	v3 =	vadd.bf16 v9, v3  }
0x63: {  	v9 =	vld [tilespmem:s0+$0xEA00];
	v4 =	vadd.bf16 v8, v4  }
0x64: {  	v8 =	vld [tilespmem:s0+$0xEA10];
	v2 =	vadd.bf16 v5, v2  }
0x65: {  	v5 =	vld [tilespmem:s0+$0xEA20]  }
0x66: {  	s28 =	sadd.s32 $0x1, s28  }
0x67: {  	s0 =	sshll.u32 s29, $0x6;
	v0 =	vadd.bf16 v1, v0;
	p0 =	sne.s32 s28, $0x20  }
.Ltmp4:
0x68: {  	s0 =	sand.u32 $0x3FFFFFC0, s0;
	v3 =	vadd.bf16 v9, v3;
	(pc) =	sbr.rel @p0 .LBB2_2-.Ltmp4, $4  }
0x69: {  	v4 =	vadd.bf16 v8, v4;
	[tilespmem:s0+$0x10430] =	vst v0  }
0x6a: {  	v2 =	vadd.bf16 v5, v2;
	[tilespmem:s0+$0x10400] =	vst v3  }
0x6b: {  	[tilespmem:s0+$0x10410] =	vst v4  }
0x6c: {  	[tilespmem:s0+$0x10420] =	vst v2  }
0x6d: {  	_ =	swait.ge [sflag:s24], $0x3400  }
0x6e: {  	[sflag:s24] =	ssyncset.done $0x0  }
0x6f: {  	s28 =	simm.s32 $0x0;
	[sflag:s24] =	ssyncadd.s32 $0xFFFFCC00  }
0x70: {  	[tilespmem:s28], [sflag:$0x3] =	stream.linear.gather [hbm4b:s7+s28], $0x3400, $0x38;
	[tilespmem:$0x18400] =	vst v63  }
.LBB2_12:
0x71: {  	s0 =	smul.u32 $0x680, s28;
	_ =	sdelay $0x1  }
0x72: {  	s30 =	sshra.s32 s0, $0x2  }
0x73: {  	s0 =	sadd.s32 $0x34D0, s30  }
0x74: {  	[tilespmem:s20], [sflag:$0x2] =	stream.indirect.gather [hbm4b:s3+s16], $0x40, s0, s16, $0xb8;
	[tilespmem:$0x18400] =	vst v63  }
0x75: {  	s1 =	sadd.s32 $0x3538, s30  }
0x76: {  	[tilespmem:s21], [sflag:$0x2] =	stream.indirect.gather [hbm4b:s3+s16], $0x40, s1, s16, $0xb8;
	[tilespmem:$0x18400] =	vst v63  }
0x77: {  	_ =	swait.ge [sflag:s22], $0x1A00  }
0x78: {  	[sflag:s22] =	ssyncset.done $0x0  }
0x79: {  	[sflag:s22] =	ssyncadd.s32 $0xFFFFE600  }
0x7a: {  	_ =	swait.ge [sflag:s22], $0x1A00  }
0x7b: {  	[sflag:s22] =	ssyncset.done $0x0  }
0x7c: {  	s31 =	simm.s32 $0x0;
	[sflag:s22] =	ssyncadd.s32 $0xFFFFE600  }
0x7d: {  	v2 =	vld [tilespmem:s31+$0x9C30]  }
0x7e: {  	v3 =	vld [tilespmem:s31+$0x9C00]  }
0x7f: {  	v0 =	vimm.bf16 $0.0e+00;
	v4 =	vld [tilespmem:s31+$0x9C10]  }
0x80: {  	s29 =	simm.s32 $0x100;
	v8 =	vimm.bf16 $0.0e+00;
	v6 =	vimm.bf16 $0.0e+00;
	v7 =	vimm.bf16 $0.0e+00;
	v5 =	vld [tilespmem:s31+$0x9C20]  }
.LBB2_13:
0x81: {  	p0 =	sne.s32 s29, $0x6300  }
.Ltmp5:
0x82: {  	s0 =	sshra.s32 s29, $0x2;
	s29 =	sadd.s32 $0x100, s29;
	v0 =	vadd.bf16 v2, v0;
	(pc) =	sbr.rel @p0 .LBB2_13-.Ltmp5, $4  }
0x83: {  	v2 =	vld [tilespmem:s0+$0x9C30];
	v8 =	vadd.bf16 v3, v8  }
0x84: {  	v3 =	vld [tilespmem:s0+$0x9C00];
	v6 =	vadd.bf16 v4, v6  }
0x85: {  	v4 =	vld [tilespmem:s0+$0x9C10];
	v7 =	vadd.bf16 v5, v7  }
0x86: {  	v5 =	vld [tilespmem:s0+$0x9C20]  }
0x87: {  	s0 =	simm.s32 $0x0  }
0x88: {  	v1 =	vld [tilespmem:s0+$0xB630]  }
0x89: {  	v9 =	vld [tilespmem:s0+$0xB600]  }
0x8a: {  	v0 =	vadd.bf16 v2, v0;
	v3 =	vadd.bf16 v3, v8;
	v8 =	vld [tilespmem:s0+$0xB610]  }
0x8b: {  	s29 =	simm.s32 $0x100;
	v4 =	vadd.bf16 v4, v6;
	v2 =	vadd.bf16 v5, v7;
	v5 =	vld [tilespmem:s0+$0xB620]  }
.LBB2_15:
0x8c: {  	p0 =	sne.s32 s29, $0x6300  }
.Ltmp6:
0x8d: {  	s0 =	sshra.s32 s29, $0x2;
	s29 =	sadd.s32 $0x100, s29;
	v0 =	vadd.bf16 v1, v0;
	(pc) =	sbr.rel @p0 .LBB2_15-.Ltmp6, $4  }
0x8e: {  	v1 =	vld [tilespmem:s0+$0xB630];
	v3 =	vadd.bf16 v9, v3  }
0x8f: {  	v9 =	vld [tilespmem:s0+$0xB600];
	v4 =	vadd.bf16 v8, v4  }
0x90: {  	v8 =	vld [tilespmem:s0+$0xB610];
	v2 =	vadd.bf16 v5, v2  }
0x91: {  	v5 =	vld [tilespmem:s0+$0xB620]  }
0x92: {  	_ = 	snop  }
0x93: {  	s0 =	sshll.u32 s28, $0x7;
	v0 =	vadd.bf16 v1, v0  }
0x94: {  	s29 =	sand.u32 $0x3FFFFF80, s0;
	v3 =	vadd.bf16 v9, v3  }
0x95: {  	v4 =	vadd.bf16 v8, v4;
	[tilespmem:s29+$0x11430] =	vst v0  }
0x96: {  	v2 =	vadd.bf16 v5, v2;
	[tilespmem:s29+$0x11400] =	vst v3  }
0x97: {  	p0 =	seq.s32 s28, $0x1F;
	[tilespmem:s29+$0x11410] =	vst v4  }
0x98: {  	s0 =	simm.s32 @p0 $0x68;
	s1 =	simm.s32 @p0 $0x6800;
	s31 =	simm.s32 @p0 $0x9C00;
	[tilespmem:s29+$0x11420] =	vst v2  }
0x99: {  	[tilespmem:s31], [sflag:$0x1] =	stream.indirect.gather @p0 [hbm4b:s3+s0], $0x40, s1, s0, $0xb8;
	[tilespmem:$0x18400] =	vst v63  }
0x9a: {  	s0 =	sadd.s32 @!p0 $0x35A0, s30;
	s1 =	simm.s32 @!p0 $0x68;
	s31 =	simm.s32 @!p0 $0x9C00  }
0x9b: {  	[tilespmem:s31], [sflag:$0x1] =	stream.indirect.gather @!p0 [hbm4b:s3+s1], $0x40, s0, s1, $0xb8;
	[tilespmem:$0x18400] =	vst v63  }
0x9c: {  	s0 =	sadd.s32 @!p0 $0x3608, s30  }
0x9d: {  	s0 =	simm.s32 @p0 $0x6868  }
0x9e: {  	[tilespmem:s18], [sflag:$0x1] =	stream.indirect.gather [hbm4b:s3+s16], $0x40, s0, s16, $0xb8;
	[tilespmem:$0x18400] =	vst v63  }
0x9f: {  	_ =	swait.ge [sflag:s23], $0x1A00  }
0xa0: {  	[sflag:s23] =	ssyncset.done $0x0  }
0xa1: {  	[sflag:s23] =	ssyncadd.s32 $0xFFFFE600  }
0xa2: {  	_ =	swait.ge [sflag:s23], $0x1A00  }
0xa3: {  	[sflag:s23] =	ssyncset.done $0x0  }
0xa4: {  	s30 =	simm.s32 $0x0;
	[sflag:s23] =	ssyncadd.s32 $0xFFFFE600  }
0xa5: {  	v2 =	vld [tilespmem:s30+$0xD030]  }
0xa6: {  	v3 =	vld [tilespmem:s30+$0xD000]  }
0xa7: {  	v6 =	vimm.bf16 $0.0e+00;
	v4 =	vld [tilespmem:s30+$0xD010]  }
0xa8: {  	v7 =	vimm.bf16 $0.0e+00;
	v0 =	vimm.bf16 $0.0e+00;
	v8 =	vimm.bf16 $0.0e+00;
	s31 =	simm.s32 $0x100;
	v5 =	vld [tilespmem:s30+$0xD020]  }
.LBB2_17:
0xa9: {  	p0 =	sne.s32 s31, $0x6300  }
.Ltmp7:
0xaa: {  	s0 =	sshra.s32 s31, $0x2;
	s31 =	sadd.s32 $0x100, s31;
	v0 =	vadd.bf16 v2, v0;
	(pc) =	sbr.rel @p0 .LBB2_17-.Ltmp7, $4  }
0xab: {  	v2 =	vld [tilespmem:s0+$0xD030];
	v8 =	vadd.bf16 v3, v8  }
0xac: {  	v3 =	vld [tilespmem:s0+$0xD000];
	v6 =	vadd.bf16 v4, v6  }
0xad: {  	v4 =	vld [tilespmem:s0+$0xD010];
	v7 =	vadd.bf16 v5, v7  }
0xae: {  	v5 =	vld [tilespmem:s0+$0xD020]  }
0xaf: {  	_ = 	snop  }
0xb0: {  	v1 =	vld [tilespmem:s30+$0xEA30]  }
0xb1: {  	v9 =	vld [tilespmem:s30+$0xEA00]  }
0xb2: {  	v0 =	vadd.bf16 v2, v0;
	v2 =	vadd.bf16 v3, v8;
	v8 =	vld [tilespmem:s30+$0xEA10]  }
0xb3: {  	s31 =	simm.s32 $0x100;
	v3 =	vadd.bf16 v4, v6;
	v4 =	vadd.bf16 v5, v7;
	v5 =	vld [tilespmem:s30+$0xEA20]  }
.LBB2_19:
0xb4: {  	p0 =	sne.s32 s31, $0x6300  }
.Ltmp8:
0xb5: {  	s0 =	sshra.s32 s31, $0x2;
	s31 =	sadd.s32 $0x100, s31;
	v0 =	vadd.bf16 v1, v0;
	(pc) =	sbr.rel @p0 .LBB2_19-.Ltmp8, $4  }
0xb6: {  	v1 =	vld [tilespmem:s0+$0xEA30];
	v2 =	vadd.bf16 v9, v2  }
0xb7: {  	v9 =	vld [tilespmem:s0+$0xEA00];
	v3 =	vadd.bf16 v8, v3  }
0xb8: {  	v8 =	vld [tilespmem:s0+$0xEA10];
	v4 =	vadd.bf16 v5, v4  }
0xb9: {  	v5 =	vld [tilespmem:s0+$0xEA20]  }
0xba: {  	s28 =	sadd.s32 $0x1, s28  }
0xbb: {  	v0 =	vadd.bf16 v1, v0;
	p0 =	sne.s32 s28, $0x20  }
.Ltmp9:
0xbc: {  	v2 =	vadd.bf16 v9, v2;
	(pc) =	sbr.rel @p0 .LBB2_12-.Ltmp9, $4  }
0xbd: {  	v3 =	vadd.bf16 v8, v3;
	[tilespmem:s29+$0x11470] =	vst v0  }
0xbe: {  	v4 =	vadd.bf16 v5, v4;
	[tilespmem:s29+$0x11440] =	vst v2  }
0xbf: {  	[tilespmem:s29+$0x11450] =	vst v3  }
0xc0: {  	[tilespmem:s29+$0x11460] =	vst v4  }
0xc1: {  	_ =	swait.ge [sflag:s24], $0x3400  }
0xc2: {  	[sflag:s24] =	ssyncset.done $0x0  }
0xc3: {  	s28 =	simm.s32 $0x0;
	[sflag:s24] =	ssyncadd.s32 $0xFFFFCC00  }
0xc4: {  	[tilespmem:s15], [sflag:$0x3] =	stream.linear.gather [hbm4b:s8+s28], $0x3400, $0x38;
	[tilespmem:$0x18400] =	vst v63  }
.LBB2_22:
0xc5: {  	s0 =	smul.u32 $0x680, s28;
	_ =	sdelay $0x1  }
0xc6: {  	s30 =	sshra.s32 s0, $0x2  }
0xc7: {  	s0 =	sadd.s32 $0x68D0, s30  }
0xc8: {  	[tilespmem:s20], [sflag:$0x2] =	stream.indirect.gather [hbm4b:s3+s16], $0x40, s0, s16, $0xb8;
	[tilespmem:$0x18400] =	vst v63  }
0xc9: {  	s1 =	sadd.s32 $0x6938, s30  }
0xca: {  	[tilespmem:s21], [sflag:$0x2] =	stream.indirect.gather [hbm4b:s3+s16], $0x40, s1, s16, $0xb8;
	[tilespmem:$0x18400] =	vst v63  }
0xcb: {  	_ =	swait.ge [sflag:s22], $0x1A00  }
0xcc: {  	[sflag:s22] =	ssyncset.done $0x0  }
0xcd: {  	[sflag:s22] =	ssyncadd.s32 $0xFFFFE600  }
0xce: {  	_ =	swait.ge [sflag:s22], $0x1A00  }
0xcf: {  	[sflag:s22] =	ssyncset.done $0x0  }
0xd0: {  	s31 =	simm.s32 $0x0;
	[sflag:s22] =	ssyncadd.s32 $0xFFFFE600  }
0xd1: {  	v2 =	vld [tilespmem:s31+$0x9C30]  }
0xd2: {  	v3 =	vld [tilespmem:s31+$0x9C00]  }
0xd3: {  	v0 =	vimm.bf16 $0.0e+00;
	v4 =	vld [tilespmem:s31+$0x9C10]  }
0xd4: {  	s29 =	simm.s32 $0x100;
	v8 =	vimm.bf16 $0.0e+00;
	v6 =	vimm.bf16 $0.0e+00;
	v7 =	vimm.bf16 $0.0e+00;
	v5 =	vld [tilespmem:s31+$0x9C20]  }
.LBB2_23:
0xd5: {  	p0 =	sne.s32 s29, $0x6300  }
.Ltmp10:
0xd6: {  	s0 =	sshra.s32 s29, $0x2;
	s29 =	sadd.s32 $0x100, s29;
	v0 =	vadd.bf16 v2, v0;
	(pc) =	sbr.rel @p0 .LBB2_23-.Ltmp10, $4  }
0xd7: {  	v2 =	vld [tilespmem:s0+$0x9C30];
	v8 =	vadd.bf16 v3, v8  }
0xd8: {  	v3 =	vld [tilespmem:s0+$0x9C00];
	v6 =	vadd.bf16 v4, v6  }
0xd9: {  	v4 =	vld [tilespmem:s0+$0x9C10];
	v7 =	vadd.bf16 v5, v7  }
0xda: {  	v5 =	vld [tilespmem:s0+$0x9C20]  }
0xdb: {  	s0 =	simm.s32 $0x0  }
0xdc: {  	v1 =	vld [tilespmem:s0+$0xB630]  }
0xdd: {  	v9 =	vld [tilespmem:s0+$0xB600]  }
0xde: {  	v0 =	vadd.bf16 v2, v0;
	v3 =	vadd.bf16 v3, v8;
	v8 =	vld [tilespmem:s0+$0xB610]  }
0xdf: {  	s29 =	simm.s32 $0x100;
	v4 =	vadd.bf16 v4, v6;
	v2 =	vadd.bf16 v5, v7;
	v5 =	vld [tilespmem:s0+$0xB620]  }
.LBB2_25:
0xe0: {  	p0 =	sne.s32 s29, $0x6300  }
.Ltmp11:
0xe1: {  	s0 =	sshra.s32 s29, $0x2;
	s29 =	sadd.s32 $0x100, s29;
	v0 =	vadd.bf16 v1, v0;
	(pc) =	sbr.rel @p0 .LBB2_25-.Ltmp11, $4  }
0xe2: {  	v1 =	vld [tilespmem:s0+$0xB630];
	v3 =	vadd.bf16 v9, v3  }
0xe3: {  	v9 =	vld [tilespmem:s0+$0xB600];
	v4 =	vadd.bf16 v8, v4  }
0xe4: {  	v8 =	vld [tilespmem:s0+$0xB610];
	v2 =	vadd.bf16 v5, v2  }
0xe5: {  	v5 =	vld [tilespmem:s0+$0xB620]  }
0xe6: {  	_ = 	snop  }
0xe7: {  	s0 =	sshll.u32 s28, $0x7;
	v0 =	vadd.bf16 v1, v0  }
0xe8: {  	s29 =	sand.u32 $0x3FFFFF80, s0;
	v3 =	vadd.bf16 v9, v3  }
0xe9: {  	v4 =	vadd.bf16 v8, v4;
	[tilespmem:s29+$0x12430] =	vst v0  }
0xea: {  	v2 =	vadd.bf16 v5, v2;
	[tilespmem:s29+$0x12400] =	vst v3  }
0xeb: {  	p0 =	seq.s32 s28, $0x1F;
	[tilespmem:s29+$0x12410] =	vst v4  }
0xec: {  	s0 =	simm.s32 @p0 $0x68;
	s1 =	simm.s32 @p0 $0x0;
	s31 =	simm.s32 @p0 $0x9C00;
	[tilespmem:s29+$0x12420] =	vst v2  }
0xed: {  	[tilespmem:s31], [sflag:$0x1] =	stream.indirect.gather @p0 [hbm4b:s3+s0], $0x40, s1, s0, $0xb8;
	[tilespmem:$0x18400] =	vst v63  }
0xee: {  	s0 =	sadd.s32 @!p0 $0x69A0, s30;
	s1 =	simm.s32 @!p0 $0x68;
	s31 =	simm.s32 @!p0 $0x9C00  }
0xef: {  	[tilespmem:s31], [sflag:$0x1] =	stream.indirect.gather @!p0 [hbm4b:s3+s1], $0x40, s0, s1, $0xb8;
	[tilespmem:$0x18400] =	vst v63  }
0xf0: {  	s0 =	sadd.s32 @!p0 $0x6A08, s30  }
0xf1: {  	s0 =	simm.s32 @p0 $0x68  }
0xf2: {  	[tilespmem:s18], [sflag:$0x1] =	stream.indirect.gather [hbm4b:s3+s16], $0x40, s0, s16, $0xb8;
	[tilespmem:$0x18400] =	vst v63  }
0xf3: {  	_ =	swait.ge [sflag:s23], $0x1A00  }
0xf4: {  	[sflag:s23] =	ssyncset.done $0x0  }
0xf5: {  	[sflag:s23] =	ssyncadd.s32 $0xFFFFE600  }
0xf6: {  	_ =	swait.ge [sflag:s23], $0x1A00  }
0xf7: {  	[sflag:s23] =	ssyncset.done $0x0  }
0xf8: {  	s30 =	simm.s32 $0x0;
	[sflag:s23] =	ssyncadd.s32 $0xFFFFE600  }
0xf9: {  	v2 =	vld [tilespmem:s30+$0xD030]  }
0xfa: {  	v3 =	vld [tilespmem:s30+$0xD000]  }
0xfb: {  	v6 =	vimm.bf16 $0.0e+00;
	v4 =	vld [tilespmem:s30+$0xD010]  }
0xfc: {  	v7 =	vimm.bf16 $0.0e+00;
	v0 =	vimm.bf16 $0.0e+00;
	v8 =	vimm.bf16 $0.0e+00;
	s31 =	simm.s32 $0x100;
	v5 =	vld [tilespmem:s30+$0xD020]  }
.LBB2_27:
0xfd: {  	p0 =	sne.s32 s31, $0x6300  }
.Ltmp12:
0xfe: {  	s0 =	sshra.s32 s31, $0x2;
	s31 =	sadd.s32 $0x100, s31;
	v0 =	vadd.bf16 v2, v0;
	(pc) =	sbr.rel @p0 .LBB2_27-.Ltmp12, $4  }
0xff: {  	v2 =	vld [tilespmem:s0+$0xD030];
	v8 =	vadd.bf16 v3, v8  }
0x100: {  	v3 =	vld [tilespmem:s0+$0xD000];
	v6 =	vadd.bf16 v4, v6  }
0x101: {  	v4 =	vld [tilespmem:s0+$0xD010];
	v7 =	vadd.bf16 v5, v7  }
0x102: {  	v5 =	vld [tilespmem:s0+$0xD020]  }
0x103: {  	_ = 	snop  }
0x104: {  	v1 =	vld [tilespmem:s30+$0xEA30]  }
0x105: {  	v9 =	vld [tilespmem:s30+$0xEA00]  }
0x106: {  	v0 =	vadd.bf16 v2, v0;
	v2 =	vadd.bf16 v3, v8;
	v8 =	vld [tilespmem:s30+$0xEA10]  }
0x107: {  	s31 =	simm.s32 $0x100;
	v3 =	vadd.bf16 v4, v6;
	v4 =	vadd.bf16 v5, v7;
	v5 =	vld [tilespmem:s30+$0xEA20]  }
.LBB2_29:
0x108: {  	p0 =	sne.s32 s31, $0x6300  }
.Ltmp13:
0x109: {  	s0 =	sshra.s32 s31, $0x2;
	s31 =	sadd.s32 $0x100, s31;
	v0 =	vadd.bf16 v1, v0;
	(pc) =	sbr.rel @p0 .LBB2_29-.Ltmp13, $4  }
0x10a: {  	v1 =	vld [tilespmem:s0+$0xEA30];
	v2 =	vadd.bf16 v9, v2  }
0x10b: {  	v9 =	vld [tilespmem:s0+$0xEA00];
	v3 =	vadd.bf16 v8, v3  }
0x10c: {  	v8 =	vld [tilespmem:s0+$0xEA10];
	v4 =	vadd.bf16 v5, v4  }
0x10d: {  	v5 =	vld [tilespmem:s0+$0xEA20]  }
0x10e: {  	s28 =	sadd.s32 $0x1, s28  }
0x10f: {  	v0 =	vadd.bf16 v1, v0;
	p0 =	sne.s32 s28, $0x20  }
.Ltmp14:
0x110: {  	v2 =	vadd.bf16 v9, v2;
	(pc) =	sbr.rel @p0 .LBB2_22-.Ltmp14, $4  }
0x111: {  	v3 =	vadd.bf16 v8, v3;
	[tilespmem:s29+$0x12470] =	vst v0  }
0x112: {  	v4 =	vadd.bf16 v5, v4;
	[tilespmem:s29+$0x12440] =	vst v2  }
0x113: {  	[tilespmem:s29+$0x12450] =	vst v3  }
0x114: {  	[tilespmem:s29+$0x12460] =	vst v4  }
0x115: {  	_ =	swait.ge [sflag:s24], $0x3400  }
0x116: {  	[sflag:s24] =	ssyncset.done $0x0  }
0x117: {  	s28 =	simm.s32 $0x0;
	[sflag:s24] =	ssyncadd.s32 $0xFFFFCC00  }
0x118: {  	[tilespmem:s19], [sflag:$0x3] =	stream.linear.gather [hbm4b:s9+s28], $0x3400, $0x38;
	[tilespmem:$0x18400] =	vst v63  }
.LBB2_32:
0x119: {  	s0 =	smul.u32 $0x680, s28;
	_ =	sdelay $0x1  }
0x11a: {  	s30 =	sshra.s32 s0, $0x2  }
0x11b: {  	s0 =	sadd.s32 $0xD0, s30  }
0x11c: {  	[tilespmem:s20], [sflag:$0x2] =	stream.indirect.gather [hbm4b:s3+s16], $0x40, s0, s16, $0xb8;
	[tilespmem:$0x18400] =	vst v63  }
0x11d: {  	s1 =	sadd.s32 $0x138, s30  }
0x11e: {  	[tilespmem:s21], [sflag:$0x2] =	stream.indirect.gather [hbm4b:s3+s16], $0x40, s1, s16, $0xb8;
	[tilespmem:$0x18400] =	vst v63  }
0x11f: {  	_ =	swait.ge [sflag:s22], $0x1A00  }
0x120: {  	[sflag:s22] =	ssyncset.done $0x0  }
0x121: {  	[sflag:s22] =	ssyncadd.s32 $0xFFFFE600  }
0x122: {  	_ =	swait.ge [sflag:s22], $0x1A00  }
0x123: {  	[sflag:s22] =	ssyncset.done $0x0  }
0x124: {  	s31 =	simm.s32 $0x0;
	[sflag:s22] =	ssyncadd.s32 $0xFFFFE600  }
0x125: {  	v2 =	vld [tilespmem:s31+$0x9C30]  }
0x126: {  	v3 =	vld [tilespmem:s31+$0x9C00]  }
0x127: {  	v0 =	vimm.bf16 $0.0e+00;
	v4 =	vld [tilespmem:s31+$0x9C10]  }
0x128: {  	s29 =	simm.s32 $0x100;
	v8 =	vimm.bf16 $0.0e+00;
	v6 =	vimm.bf16 $0.0e+00;
	v7 =	vimm.bf16 $0.0e+00;
	v5 =	vld [tilespmem:s31+$0x9C20]  }
.LBB2_33:
0x129: {  	p0 =	sne.s32 s29, $0x6300  }
.Ltmp15:
0x12a: {  	s0 =	sshra.s32 s29, $0x2;
	s29 =	sadd.s32 $0x100, s29;
	v0 =	vadd.bf16 v2, v0;
	(pc) =	sbr.rel @p0 .LBB2_33-.Ltmp15, $4  }
0x12b: {  	v2 =	vld [tilespmem:s0+$0x9C30];
	v8 =	vadd.bf16 v3, v8  }
0x12c: {  	v3 =	vld [tilespmem:s0+$0x9C00];
	v6 =	vadd.bf16 v4, v6  }
0x12d: {  	v4 =	vld [tilespmem:s0+$0x9C10];
	v7 =	vadd.bf16 v5, v7  }
0x12e: {  	v5 =	vld [tilespmem:s0+$0x9C20]  }
0x12f: {  	s0 =	simm.s32 $0x0  }
0x130: {  	v1 =	vld [tilespmem:s0+$0xB630]  }
0x131: {  	v9 =	vld [tilespmem:s0+$0xB600]  }
0x132: {  	v0 =	vadd.bf16 v2, v0;
	v3 =	vadd.bf16 v3, v8;
	v8 =	vld [tilespmem:s0+$0xB610]  }
0x133: {  	s29 =	simm.s32 $0x100;
	v4 =	vadd.bf16 v4, v6;
	v2 =	vadd.bf16 v5, v7;
	v5 =	vld [tilespmem:s0+$0xB620]  }
.LBB2_35:
0x134: {  	p0 =	sne.s32 s29, $0x6300  }
.Ltmp16:
0x135: {  	s0 =	sshra.s32 s29, $0x2;
	s29 =	sadd.s32 $0x100, s29;
	v0 =	vadd.bf16 v1, v0;
	(pc) =	sbr.rel @p0 .LBB2_35-.Ltmp16, $4  }
0x136: {  	v1 =	vld [tilespmem:s0+$0xB630];
	v3 =	vadd.bf16 v9, v3  }
0x137: {  	v9 =	vld [tilespmem:s0+$0xB600];
	v4 =	vadd.bf16 v8, v4  }
0x138: {  	v8 =	vld [tilespmem:s0+$0xB610];
	v2 =	vadd.bf16 v5, v2  }
0x139: {  	v5 =	vld [tilespmem:s0+$0xB620]  }
0x13a: {  	_ = 	snop  }
0x13b: {  	s0 =	sshll.u32 s28, $0x7;
	v0 =	vadd.bf16 v1, v0  }
0x13c: {  	s29 =	sand.u32 $0x3FFFFF80, s0;
	v3 =	vadd.bf16 v9, v3  }
0x13d: {  	v4 =	vadd.bf16 v8, v4;
	[tilespmem:s29+$0x13430] =	vst v0  }
0x13e: {  	v2 =	vadd.bf16 v5, v2;
	[tilespmem:s29+$0x13400] =	vst v3  }
0x13f: {  	p0 =	seq.s32 s28, $0x1F;
	[tilespmem:s29+$0x13410] =	vst v4  }
0x140: {  	s0 =	simm.s32 @p0 $0x68;
	s1 =	simm.s32 @p0 $0x3400;
	s31 =	simm.s32 @p0 $0x9C00;
	[tilespmem:s29+$0x13420] =	vst v2  }
0x141: {  	[tilespmem:s31], [sflag:$0x1] =	stream.indirect.gather @p0 [hbm4b:s3+s0], $0x40, s1, s0, $0xb8;
	[tilespmem:$0x18400] =	vst v63  }
0x142: {  	s0 =	sadd.s32 @!p0 $0x1A0, s30;
	s1 =	simm.s32 @!p0 $0x68;
	s31 =	simm.s32 @!p0 $0x9C00  }
0x143: {  	[tilespmem:s31], [sflag:$0x1] =	stream.indirect.gather @!p0 [hbm4b:s3+s1], $0x40, s0, s1, $0xb8;
	[tilespmem:$0x18400] =	vst v63  }
0x144: {  	s0 =	sadd.s32 @!p0 $0x208, s30  }
0x145: {  	s0 =	simm.s32 @p0 $0x3468  }
0x146: {  	[tilespmem:s18], [sflag:$0x1] =	stream.indirect.gather [hbm4b:s3+s16], $0x40, s0, s16, $0xb8;
	[tilespmem:$0x18400] =	vst v63  }
0x147: {  	_ =	swait.ge [sflag:s23], $0x1A00  }
0x148: {  	[sflag:s23] =	ssyncset.done $0x0  }
0x149: {  	[sflag:s23] =	ssyncadd.s32 $0xFFFFE600  }
0x14a: {  	_ =	swait.ge [sflag:s23], $0x1A00  }
0x14b: {  	[sflag:s23] =	ssyncset.done $0x0  }
0x14c: {  	s30 =	simm.s32 $0x0;
	[sflag:s23] =	ssyncadd.s32 $0xFFFFE600  }
0x14d: {  	v2 =	vld [tilespmem:s30+$0xD030]  }
0x14e: {  	v3 =	vld [tilespmem:s30+$0xD000]  }
0x14f: {  	v6 =	vimm.bf16 $0.0e+00;
	v4 =	vld [tilespmem:s30+$0xD010]  }
0x150: {  	v7 =	vimm.bf16 $0.0e+00;
	v0 =	vimm.bf16 $0.0e+00;
	v8 =	vimm.bf16 $0.0e+00;
	s31 =	simm.s32 $0x100;
	v5 =	vld [tilespmem:s30+$0xD020]  }
.LBB2_37:
0x151: {  	p0 =	sne.s32 s31, $0x6300  }
.Ltmp17:
0x152: {  	s0 =	sshra.s32 s31, $0x2;
	s31 =	sadd.s32 $0x100, s31;
	v0 =	vadd.bf16 v2, v0;
	(pc) =	sbr.rel @p0 .LBB2_37-.Ltmp17, $4  }
0x153: {  	v2 =	vld [tilespmem:s0+$0xD030];
	v8 =	vadd.bf16 v3, v8  }
0x154: {  	v3 =	vld [tilespmem:s0+$0xD000];
	v6 =	vadd.bf16 v4, v6  }
0x155: {  	v4 =	vld [tilespmem:s0+$0xD010];
	v7 =	vadd.bf16 v5, v7  }
0x156: {  	v5 =	vld [tilespmem:s0+$0xD020]  }
0x157: {  	_ = 	snop  }
0x158: {  	v1 =	vld [tilespmem:s30+$0xEA30]  }
0x159: {  	v9 =	vld [tilespmem:s30+$0xEA00]  }
0x15a: {  	v0 =	vadd.bf16 v2, v0;
	v2 =	vadd.bf16 v3, v8;
	v8 =	vld [tilespmem:s30+$0xEA10]  }
0x15b: {  	s31 =	simm.s32 $0x100;
	v3 =	vadd.bf16 v4, v6;
	v4 =	vadd.bf16 v5, v7;
	v5 =	vld [tilespmem:s30+$0xEA20]  }
.LBB2_39:
0x15c: {  	p0 =	sne.s32 s31, $0x6300  }
.Ltmp18:
0x15d: {  	s0 =	sshra.s32 s31, $0x2;
	s31 =	sadd.s32 $0x100, s31;
	v0 =	vadd.bf16 v1, v0;
	(pc) =	sbr.rel @p0 .LBB2_39-.Ltmp18, $4  }
0x15e: {  	v1 =	vld [tilespmem:s0+$0xEA30];
	v2 =	vadd.bf16 v9, v2  }
0x15f: {  	v9 =	vld [tilespmem:s0+$0xEA00];
	v3 =	vadd.bf16 v8, v3  }
0x160: {  	v8 =	vld [tilespmem:s0+$0xEA10];
	v4 =	vadd.bf16 v5, v4  }
0x161: {  	v5 =	vld [tilespmem:s0+$0xEA20]  }
0x162: {  	s28 =	sadd.s32 $0x1, s28  }
0x163: {  	v0 =	vadd.bf16 v1, v0;
	p0 =	sne.s32 s28, $0x20  }
.Ltmp19:
0x164: {  	v2 =	vadd.bf16 v9, v2;
	(pc) =	sbr.rel @p0 .LBB2_32-.Ltmp19, $4  }
0x165: {  	v3 =	vadd.bf16 v8, v3;
	[tilespmem:s29+$0x13470] =	vst v0  }
0x166: {  	v4 =	vadd.bf16 v5, v4;
	[tilespmem:s29+$0x13440] =	vst v2  }
0x167: {  	[tilespmem:s29+$0x13450] =	vst v3  }
0x168: {  	[tilespmem:s29+$0x13460] =	vst v4  }
0x169: {  	_ =	swait.ge [sflag:s24], $0x3400  }
0x16a: {  	[sflag:s24] =	ssyncset.done $0x0  }
0x16b: {  	s28 =	simm.s32 $0x0;
	[sflag:s24] =	ssyncadd.s32 $0xFFFFCC00  }
0x16c: {  	[tilespmem:s28], [sflag:$0x3] =	stream.linear.gather [hbm4b:s10+s28], $0x3400, $0x38;
	[tilespmem:$0x18400] =	vst v63  }
.LBB2_42:
0x16d: {  	s0 =	smul.u32 $0x680, s28;
	_ =	sdelay $0x1  }
0x16e: {  	s30 =	sshra.s32 s0, $0x2  }
0x16f: {  	s0 =	sadd.s32 $0x34D0, s30  }
0x170: {  	[tilespmem:s20], [sflag:$0x2] =	stream.indirect.gather [hbm4b:s3+s16], $0x40, s0, s16, $0xb8;
	[tilespmem:$0x18400] =	vst v63  }
0x171: {  	s1 =	sadd.s32 $0x3538, s30  }
0x172: {  	[tilespmem:s21], [sflag:$0x2] =	stream.indirect.gather [hbm4b:s3+s16], $0x40, s1, s16, $0xb8;
	[tilespmem:$0x18400] =	vst v63  }
0x173: {  	_ =	swait.ge [sflag:s22], $0x1A00  }
0x174: {  	[sflag:s22] =	ssyncset.done $0x0  }
0x175: {  	[sflag:s22] =	ssyncadd.s32 $0xFFFFE600  }
0x176: {  	_ =	swait.ge [sflag:s22], $0x1A00  }
0x177: {  	[sflag:s22] =	ssyncset.done $0x0  }
0x178: {  	s31 =	simm.s32 $0x0;
	[sflag:s22] =	ssyncadd.s32 $0xFFFFE600  }
0x179: {  	v2 =	vld [tilespmem:s31+$0x9C30]  }
0x17a: {  	v3 =	vld [tilespmem:s31+$0x9C00]  }
0x17b: {  	v0 =	vimm.bf16 $0.0e+00;
	v4 =	vld [tilespmem:s31+$0x9C10]  }
0x17c: {  	s29 =	simm.s32 $0x100;
	v8 =	vimm.bf16 $0.0e+00;
	v6 =	vimm.bf16 $0.0e+00;
	v7 =	vimm.bf16 $0.0e+00;
	v5 =	vld [tilespmem:s31+$0x9C20]  }
.LBB2_43:
0x17d: {  	p0 =	sne.s32 s29, $0x6300  }
.Ltmp20:
0x17e: {  	s0 =	sshra.s32 s29, $0x2;
	s29 =	sadd.s32 $0x100, s29;
	v0 =	vadd.bf16 v2, v0;
	(pc) =	sbr.rel @p0 .LBB2_43-.Ltmp20, $4  }
0x17f: {  	v2 =	vld [tilespmem:s0+$0x9C30];
	v8 =	vadd.bf16 v3, v8  }
0x180: {  	v3 =	vld [tilespmem:s0+$0x9C00];
	v6 =	vadd.bf16 v4, v6  }
0x181: {  	v4 =	vld [tilespmem:s0+$0x9C10];
	v7 =	vadd.bf16 v5, v7  }
0x182: {  	v5 =	vld [tilespmem:s0+$0x9C20]  }
0x183: {  	s0 =	simm.s32 $0x0  }
0x184: {  	v1 =	vld [tilespmem:s0+$0xB630]  }
0x185: {  	v9 =	vld [tilespmem:s0+$0xB600]  }
0x186: {  	v0 =	vadd.bf16 v2, v0;
	v3 =	vadd.bf16 v3, v8;
	v8 =	vld [tilespmem:s0+$0xB610]  }
0x187: {  	s29 =	simm.s32 $0x100;
	v4 =	vadd.bf16 v4, v6;
	v2 =	vadd.bf16 v5, v7;
	v5 =	vld [tilespmem:s0+$0xB620]  }
.LBB2_45:
0x188: {  	p0 =	sne.s32 s29, $0x6300  }
.Ltmp21:
0x189: {  	s0 =	sshra.s32 s29, $0x2;
	s29 =	sadd.s32 $0x100, s29;
	v0 =	vadd.bf16 v1, v0;
	(pc) =	sbr.rel @p0 .LBB2_45-.Ltmp21, $4  }
0x18a: {  	v1 =	vld [tilespmem:s0+$0xB630];
	v3 =	vadd.bf16 v9, v3  }
0x18b: {  	v9 =	vld [tilespmem:s0+$0xB600];
	v4 =	vadd.bf16 v8, v4  }
0x18c: {  	v8 =	vld [tilespmem:s0+$0xB610];
	v2 =	vadd.bf16 v5, v2  }
0x18d: {  	v5 =	vld [tilespmem:s0+$0xB620]  }
0x18e: {  	_ = 	snop  }
0x18f: {  	s0 =	sshll.u32 s28, $0x7;
	v0 =	vadd.bf16 v1, v0  }
0x190: {  	s29 =	sand.u32 $0x3FFFFF80, s0;
	v3 =	vadd.bf16 v9, v3  }
0x191: {  	v4 =	vadd.bf16 v8, v4;
	[tilespmem:s29+$0x14430] =	vst v0  }
0x192: {  	v2 =	vadd.bf16 v5, v2;
	[tilespmem:s29+$0x14400] =	vst v3  }
0x193: {  	p0 =	seq.s32 s28, $0x1F;
	[tilespmem:s29+$0x14410] =	vst v4  }
0x194: {  	s0 =	simm.s32 @p0 $0x68;
	s1 =	simm.s32 @p0 $0x6800;
	s31 =	simm.s32 @p0 $0x9C00;
	[tilespmem:s29+$0x14420] =	vst v2  }
0x195: {  	[tilespmem:s31], [sflag:$0x1] =	stream.indirect.gather @p0 [hbm4b:s3+s0], $0x40, s1, s0, $0xb8;
	[tilespmem:$0x18400] =	vst v63  }
0x196: {  	s0 =	sadd.s32 @!p0 $0x35A0, s30;
	s1 =	simm.s32 @!p0 $0x68;
	s31 =	simm.s32 @!p0 $0x9C00  }
0x197: {  	[tilespmem:s31], [sflag:$0x1] =	stream.indirect.gather @!p0 [hbm4b:s3+s1], $0x40, s0, s1, $0xb8;
	[tilespmem:$0x18400] =	vst v63  }
0x198: {  	s0 =	sadd.s32 @!p0 $0x3608, s30  }
0x199: {  	s0 =	simm.s32 @p0 $0x6868  }
0x19a: {  	[tilespmem:s18], [sflag:$0x1] =	stream.indirect.gather [hbm4b:s3+s16], $0x40, s0, s16, $0xb8;
	[tilespmem:$0x18400] =	vst v63  }
0x19b: {  	_ =	swait.ge [sflag:s23], $0x1A00  }
0x19c: {  	[sflag:s23] =	ssyncset.done $0x0  }
0x19d: {  	[sflag:s23] =	ssyncadd.s32 $0xFFFFE600  }
0x19e: {  	_ =	swait.ge [sflag:s23], $0x1A00  }
0x19f: {  	[sflag:s23] =	ssyncset.done $0x0  }
0x1a0: {  	s30 =	simm.s32 $0x0;
	[sflag:s23] =	ssyncadd.s32 $0xFFFFE600  }
0x1a1: {  	v2 =	vld [tilespmem:s30+$0xD030]  }
0x1a2: {  	v3 =	vld [tilespmem:s30+$0xD000]  }
0x1a3: {  	v6 =	vimm.bf16 $0.0e+00;
	v4 =	vld [tilespmem:s30+$0xD010]  }
0x1a4: {  	v7 =	vimm.bf16 $0.0e+00;
	v0 =	vimm.bf16 $0.0e+00;
	v8 =	vimm.bf16 $0.0e+00;
	s31 =	simm.s32 $0x100;
	v5 =	vld [tilespmem:s30+$0xD020]  }
.LBB2_47:
0x1a5: {  	p0 =	sne.s32 s31, $0x6300  }
.Ltmp22:
0x1a6: {  	s0 =	sshra.s32 s31, $0x2;
	s31 =	sadd.s32 $0x100, s31;
	v0 =	vadd.bf16 v2, v0;
	(pc) =	sbr.rel @p0 .LBB2_47-.Ltmp22, $4  }
0x1a7: {  	v2 =	vld [tilespmem:s0+$0xD030];
	v8 =	vadd.bf16 v3, v8  }
0x1a8: {  	v3 =	vld [tilespmem:s0+$0xD000];
	v6 =	vadd.bf16 v4, v6  }
0x1a9: {  	v4 =	vld [tilespmem:s0+$0xD010];
	v7 =	vadd.bf16 v5, v7  }
0x1aa: {  	v5 =	vld [tilespmem:s0+$0xD020]  }
0x1ab: {  	_ = 	snop  }
0x1ac: {  	v1 =	vld [tilespmem:s30+$0xEA30]  }
0x1ad: {  	v9 =	vld [tilespmem:s30+$0xEA00]  }
0x1ae: {  	v0 =	vadd.bf16 v2, v0;
	v2 =	vadd.bf16 v3, v8;
	v8 =	vld [tilespmem:s30+$0xEA10]  }
0x1af: {  	s31 =	simm.s32 $0x100;
	v3 =	vadd.bf16 v4, v6;
	v4 =	vadd.bf16 v5, v7;
	v5 =	vld [tilespmem:s30+$0xEA20]  }
.LBB2_49:
0x1b0: {  	p0 =	sne.s32 s31, $0x6300  }
.Ltmp23:
0x1b1: {  	s0 =	sshra.s32 s31, $0x2;
	s31 =	sadd.s32 $0x100, s31;
	v0 =	vadd.bf16 v1, v0;
	(pc) =	sbr.rel @p0 .LBB2_49-.Ltmp23, $4  }
0x1b2: {  	v1 =	vld [tilespmem:s0+$0xEA30];
	v2 =	vadd.bf16 v9, v2  }
0x1b3: {  	v9 =	vld [tilespmem:s0+$0xEA00];
	v3 =	vadd.bf16 v8, v3  }
0x1b4: {  	v8 =	vld [tilespmem:s0+$0xEA10];
	v4 =	vadd.bf16 v5, v4  }
0x1b5: {  	v5 =	vld [tilespmem:s0+$0xEA20]  }
0x1b6: {  	s28 =	sadd.s32 $0x1, s28  }
0x1b7: {  	v0 =	vadd.bf16 v1, v0;
	p0 =	sne.s32 s28, $0x20  }
.Ltmp24:
0x1b8: {  	v2 =	vadd.bf16 v9, v2;
	(pc) =	sbr.rel @p0 .LBB2_42-.Ltmp24, $4  }
0x1b9: {  	v3 =	vadd.bf16 v8, v3;
	[tilespmem:s29+$0x14470] =	vst v0  }
0x1ba: {  	v4 =	vadd.bf16 v5, v4;
	[tilespmem:s29+$0x14440] =	vst v2  }
0x1bb: {  	[tilespmem:s29+$0x14450] =	vst v3  }
0x1bc: {  	[tilespmem:s29+$0x14460] =	vst v4  }
0x1bd: {  	_ =	swait.ge [sflag:s24], $0x3400  }
0x1be: {  	[sflag:s24] =	ssyncset.done $0x0  }
0x1bf: {  	s28 =	simm.s32 $0x0;
	[sflag:s24] =	ssyncadd.s32 $0xFFFFCC00  }
0x1c0: {  	[tilespmem:s15], [sflag:$0x3] =	stream.linear.gather [hbm4b:s11+s28], $0x3400, $0x38;
	[tilespmem:$0x18400] =	vst v63  }
.LBB2_52:
0x1c1: {  	s0 =	smul.u32 $0x680, s28;
	_ =	sdelay $0x1  }
0x1c2: {  	s30 =	sshra.s32 s0, $0x2  }
0x1c3: {  	s0 =	sadd.s32 $0x68D0, s30  }
0x1c4: {  	[tilespmem:s20], [sflag:$0x2] =	stream.indirect.gather [hbm4b:s3+s16], $0x40, s0, s16, $0xb8;
	[tilespmem:$0x18400] =	vst v63  }
0x1c5: {  	s1 =	sadd.s32 $0x6938, s30  }
0x1c6: {  	[tilespmem:s21], [sflag:$0x2] =	stream.indirect.gather [hbm4b:s3+s16], $0x40, s1, s16, $0xb8;
	[tilespmem:$0x18400] =	vst v63  }
0x1c7: {  	_ =	swait.ge [sflag:s22], $0x1A00  }
0x1c8: {  	[sflag:s22] =	ssyncset.done $0x0  }
0x1c9: {  	[sflag:s22] =	ssyncadd.s32 $0xFFFFE600  }
0x1ca: {  	_ =	swait.ge [sflag:s22], $0x1A00  }
0x1cb: {  	[sflag:s22] =	ssyncset.done $0x0  }
0x1cc: {  	s31 =	simm.s32 $0x0;
	[sflag:s22] =	ssyncadd.s32 $0xFFFFE600  }
0x1cd: {  	v2 =	vld [tilespmem:s31+$0x9C30]  }
0x1ce: {  	v3 =	vld [tilespmem:s31+$0x9C00]  }
0x1cf: {  	v0 =	vimm.bf16 $0.0e+00;
	v4 =	vld [tilespmem:s31+$0x9C10]  }
0x1d0: {  	s29 =	simm.s32 $0x100;
	v8 =	vimm.bf16 $0.0e+00;
	v6 =	vimm.bf16 $0.0e+00;
	v7 =	vimm.bf16 $0.0e+00;
	v5 =	vld [tilespmem:s31+$0x9C20]  }
.LBB2_53:
0x1d1: {  	p0 =	sne.s32 s29, $0x6300  }
.Ltmp25:
0x1d2: {  	s0 =	sshra.s32 s29, $0x2;
	s29 =	sadd.s32 $0x100, s29;
	v0 =	vadd.bf16 v2, v0;
	(pc) =	sbr.rel @p0 .LBB2_53-.Ltmp25, $4  }
0x1d3: {  	v2 =	vld [tilespmem:s0+$0x9C30];
	v8 =	vadd.bf16 v3, v8  }
0x1d4: {  	v3 =	vld [tilespmem:s0+$0x9C00];
	v6 =	vadd.bf16 v4, v6  }
0x1d5: {  	v4 =	vld [tilespmem:s0+$0x9C10];
	v7 =	vadd.bf16 v5, v7  }
0x1d6: {  	v5 =	vld [tilespmem:s0+$0x9C20]  }
0x1d7: {  	s0 =	simm.s32 $0x0  }
0x1d8: {  	v1 =	vld [tilespmem:s0+$0xB630]  }
0x1d9: {  	v9 =	vld [tilespmem:s0+$0xB600]  }
0x1da: {  	v0 =	vadd.bf16 v2, v0;
	v3 =	vadd.bf16 v3, v8;
	v8 =	vld [tilespmem:s0+$0xB610]  }
0x1db: {  	s29 =	simm.s32 $0x100;
	v4 =	vadd.bf16 v4, v6;
	v2 =	vadd.bf16 v5, v7;
	v5 =	vld [tilespmem:s0+$0xB620]  }
.LBB2_55:
0x1dc: {  	p0 =	sne.s32 s29, $0x6300  }
.Ltmp26:
0x1dd: {  	s0 =	sshra.s32 s29, $0x2;
	s29 =	sadd.s32 $0x100, s29;
	v0 =	vadd.bf16 v1, v0;
	(pc) =	sbr.rel @p0 .LBB2_55-.Ltmp26, $4  }
0x1de: {  	v1 =	vld [tilespmem:s0+$0xB630];
	v3 =	vadd.bf16 v9, v3  }
0x1df: {  	v9 =	vld [tilespmem:s0+$0xB600];
	v4 =	vadd.bf16 v8, v4  }
0x1e0: {  	v8 =	vld [tilespmem:s0+$0xB610];
	v2 =	vadd.bf16 v5, v2  }
0x1e1: {  	v5 =	vld [tilespmem:s0+$0xB620]  }
0x1e2: {  	_ = 	snop  }
0x1e3: {  	s0 =	sshll.u32 s28, $0x7;
	v0 =	vadd.bf16 v1, v0  }
0x1e4: {  	s29 =	sand.u32 $0x3FFFFF80, s0;
	v3 =	vadd.bf16 v9, v3  }
0x1e5: {  	v4 =	vadd.bf16 v8, v4;
	[tilespmem:s29+$0x15430] =	vst v0  }
0x1e6: {  	v2 =	vadd.bf16 v5, v2;
	[tilespmem:s29+$0x15400] =	vst v3  }
0x1e7: {  	p0 =	seq.s32 s28, $0x1F;
	[tilespmem:s29+$0x15410] =	vst v4  }
0x1e8: {  	s0 =	simm.s32 @p0 $0x68;
	s1 =	simm.s32 @p0 $0x0;
	s31 =	simm.s32 @p0 $0x9C00;
	[tilespmem:s29+$0x15420] =	vst v2  }
0x1e9: {  	[tilespmem:s31], [sflag:$0x1] =	stream.indirect.gather @p0 [hbm4b:s3+s0], $0x40, s1, s0, $0xb8;
	[tilespmem:$0x18400] =	vst v63  }
0x1ea: {  	s0 =	sadd.s32 @!p0 $0x69A0, s30;
	s1 =	simm.s32 @!p0 $0x68;
	s31 =	simm.s32 @!p0 $0x9C00  }
0x1eb: {  	[tilespmem:s31], [sflag:$0x1] =	stream.indirect.gather @!p0 [hbm4b:s3+s1], $0x40, s0, s1, $0xb8;
	[tilespmem:$0x18400] =	vst v63  }
0x1ec: {  	s0 =	sadd.s32 @!p0 $0x6A08, s30  }
0x1ed: {  	s0 =	simm.s32 @p0 $0x68  }
0x1ee: {  	[tilespmem:s18], [sflag:$0x1] =	stream.indirect.gather [hbm4b:s3+s16], $0x40, s0, s16, $0xb8;
	[tilespmem:$0x18400] =	vst v63  }
0x1ef: {  	_ =	swait.ge [sflag:s23], $0x1A00  }
0x1f0: {  	[sflag:s23] =	ssyncset.done $0x0  }
0x1f1: {  	[sflag:s23] =	ssyncadd.s32 $0xFFFFE600  }
0x1f2: {  	_ =	swait.ge [sflag:s23], $0x1A00  }
0x1f3: {  	[sflag:s23] =	ssyncset.done $0x0  }
0x1f4: {  	s30 =	simm.s32 $0x0;
	[sflag:s23] =	ssyncadd.s32 $0xFFFFE600  }
0x1f5: {  	v2 =	vld [tilespmem:s30+$0xD030]  }
0x1f6: {  	v3 =	vld [tilespmem:s30+$0xD000]  }
0x1f7: {  	v6 =	vimm.bf16 $0.0e+00;
	v4 =	vld [tilespmem:s30+$0xD010]  }
0x1f8: {  	v7 =	vimm.bf16 $0.0e+00;
	v0 =	vimm.bf16 $0.0e+00;
	v8 =	vimm.bf16 $0.0e+00;
	s31 =	simm.s32 $0x100;
	v5 =	vld [tilespmem:s30+$0xD020]  }
.LBB2_57:
0x1f9: {  	p0 =	sne.s32 s31, $0x6300  }
.Ltmp27:
0x1fa: {  	s0 =	sshra.s32 s31, $0x2;
	s31 =	sadd.s32 $0x100, s31;
	v0 =	vadd.bf16 v2, v0;
	(pc) =	sbr.rel @p0 .LBB2_57-.Ltmp27, $4  }
0x1fb: {  	v2 =	vld [tilespmem:s0+$0xD030];
	v8 =	vadd.bf16 v3, v8  }
0x1fc: {  	v3 =	vld [tilespmem:s0+$0xD000];
	v6 =	vadd.bf16 v4, v6  }
0x1fd: {  	v4 =	vld [tilespmem:s0+$0xD010];
	v7 =	vadd.bf16 v5, v7  }
0x1fe: {  	v5 =	vld [tilespmem:s0+$0xD020]  }
0x1ff: {  	_ = 	snop  }
0x200: {  	v1 =	vld [tilespmem:s30+$0xEA30]  }
0x201: {  	v9 =	vld [tilespmem:s30+$0xEA00]  }
0x202: {  	v0 =	vadd.bf16 v2, v0;
	v2 =	vadd.bf16 v3, v8;
	v8 =	vld [tilespmem:s30+$0xEA10]  }
0x203: {  	s31 =	simm.s32 $0x100;
	v3 =	vadd.bf16 v4, v6;
	v4 =	vadd.bf16 v5, v7;
	v5 =	vld [tilespmem:s30+$0xEA20]  }
.LBB2_59:
0x204: {  	p0 =	sne.s32 s31, $0x6300  }
.Ltmp28:
0x205: {  	s0 =	sshra.s32 s31, $0x2;
	s31 =	sadd.s32 $0x100, s31;
	v0 =	vadd.bf16 v1, v0;
	(pc) =	sbr.rel @p0 .LBB2_59-.Ltmp28, $4  }
0x206: {  	v1 =	vld [tilespmem:s0+$0xEA30];
	v2 =	vadd.bf16 v9, v2  }
0x207: {  	v9 =	vld [tilespmem:s0+$0xEA00];
	v3 =	vadd.bf16 v8, v3  }
0x208: {  	v8 =	vld [tilespmem:s0+$0xEA10];
	v4 =	vadd.bf16 v5, v4  }
0x209: {  	v5 =	vld [tilespmem:s0+$0xEA20]  }
0x20a: {  	s28 =	sadd.s32 $0x1, s28  }
0x20b: {  	v0 =	vadd.bf16 v1, v0;
	p0 =	sne.s32 s28, $0x20  }
.Ltmp29:
0x20c: {  	v2 =	vadd.bf16 v9, v2;
	(pc) =	sbr.rel @p0 .LBB2_52-.Ltmp29, $4  }
0x20d: {  	v3 =	vadd.bf16 v8, v3;
	[tilespmem:s29+$0x15470] =	vst v0  }
0x20e: {  	v4 =	vadd.bf16 v5, v4;
	[tilespmem:s29+$0x15440] =	vst v2  }
0x20f: {  	[tilespmem:s29+$0x15450] =	vst v3  }
0x210: {  	[tilespmem:s29+$0x15460] =	vst v4  }
0x211: {  	_ =	swait.ge [sflag:s24], $0x3400  }
0x212: {  	[sflag:s24] =	ssyncset.done $0x0  }
0x213: {  	s28 =	simm.s32 $0x0;
	[sflag:s24] =	ssyncadd.s32 $0xFFFFCC00  }
.LBB2_62:
0x214: {  	s0 =	smul.u32 $0x680, s28;
	_ =	sdelay $0x1  }
0x215: {  	s30 =	sshra.s32 s0, $0x2  }
0x216: {  	s0 =	sadd.s32 $0xD0, s30  }
0x217: {  	[tilespmem:s20], [sflag:$0x2] =	stream.indirect.gather [hbm4b:s3+s16], $0x40, s0, s16, $0xb8;
	[tilespmem:$0x18400] =	vst v63  }
0x218: {  	s1 =	sadd.s32 $0x138, s30  }
0x219: {  	[tilespmem:s21], [sflag:$0x2] =	stream.indirect.gather [hbm4b:s3+s16], $0x40, s1, s16, $0xb8;
	[tilespmem:$0x18400] =	vst v63  }
0x21a: {  	_ =	swait.ge [sflag:s22], $0x1A00  }
0x21b: {  	[sflag:s22] =	ssyncset.done $0x0  }
0x21c: {  	[sflag:s22] =	ssyncadd.s32 $0xFFFFE600  }
0x21d: {  	_ =	swait.ge [sflag:s22], $0x1A00  }
0x21e: {  	[sflag:s22] =	ssyncset.done $0x0  }
0x21f: {  	s31 =	simm.s32 $0x0;
	[sflag:s22] =	ssyncadd.s32 $0xFFFFE600  }
0x220: {  	v2 =	vld [tilespmem:s31+$0x9C30]  }
0x221: {  	v3 =	vld [tilespmem:s31+$0x9C00]  }
0x222: {  	v0 =	vimm.bf16 $0.0e+00;
	v4 =	vld [tilespmem:s31+$0x9C10]  }
0x223: {  	s29 =	simm.s32 $0x100;
	v8 =	vimm.bf16 $0.0e+00;
	v6 =	vimm.bf16 $0.0e+00;
	v7 =	vimm.bf16 $0.0e+00;
	v5 =	vld [tilespmem:s31+$0x9C20]  }
.LBB2_63:
0x224: {  	p0 =	sne.s32 s29, $0x6300  }
.Ltmp30:
0x225: {  	s0 =	sshra.s32 s29, $0x2;
	s29 =	sadd.s32 $0x100, s29;
	v0 =	vadd.bf16 v2, v0;
	(pc) =	sbr.rel @p0 .LBB2_63-.Ltmp30, $4  }
0x226: {  	v2 =	vld [tilespmem:s0+$0x9C30];
	v8 =	vadd.bf16 v3, v8  }
0x227: {  	v3 =	vld [tilespmem:s0+$0x9C00];
	v6 =	vadd.bf16 v4, v6  }
0x228: {  	v4 =	vld [tilespmem:s0+$0x9C10];
	v7 =	vadd.bf16 v5, v7  }
0x229: {  	v5 =	vld [tilespmem:s0+$0x9C20]  }
0x22a: {  	s0 =	simm.s32 $0x0  }
0x22b: {  	v1 =	vld [tilespmem:s0+$0xB630]  }
0x22c: {  	v9 =	vld [tilespmem:s0+$0xB600]  }
0x22d: {  	v0 =	vadd.bf16 v2, v0;
	v3 =	vadd.bf16 v3, v8;
	v8 =	vld [tilespmem:s0+$0xB610]  }
0x22e: {  	s29 =	simm.s32 $0x100;
	v4 =	vadd.bf16 v4, v6;
	v2 =	vadd.bf16 v5, v7;
	v5 =	vld [tilespmem:s0+$0xB620]  }
.LBB2_65:
0x22f: {  	p0 =	sne.s32 s29, $0x6300  }
.Ltmp31:
0x230: {  	s0 =	sshra.s32 s29, $0x2;
	s29 =	sadd.s32 $0x100, s29;
	v0 =	vadd.bf16 v1, v0;
	(pc) =	sbr.rel @p0 .LBB2_65-.Ltmp31, $4  }
0x231: {  	v1 =	vld [tilespmem:s0+$0xB630];
	v3 =	vadd.bf16 v9, v3  }
0x232: {  	v9 =	vld [tilespmem:s0+$0xB600];
	v4 =	vadd.bf16 v8, v4  }
0x233: {  	v8 =	vld [tilespmem:s0+$0xB610];
	v2 =	vadd.bf16 v5, v2  }
0x234: {  	v5 =	vld [tilespmem:s0+$0xB620]  }
0x235: {  	_ = 	snop  }
0x236: {  	s0 =	sshll.u32 s28, $0x7;
	v0 =	vadd.bf16 v1, v0  }
0x237: {  	s29 =	sand.u32 $0x3FFFFF80, s0;
	v3 =	vadd.bf16 v9, v3  }
0x238: {  	v4 =	vadd.bf16 v8, v4;
	[tilespmem:s29+$0x16430] =	vst v0  }
0x239: {  	v2 =	vadd.bf16 v5, v2;
	[tilespmem:s29+$0x16400] =	vst v3  }
0x23a: {  	p0 =	seq.s32 s28, $0x1F;
	[tilespmem:s29+$0x16410] =	vst v4  }
0x23b: {  	s0 =	simm.s32 @p0 $0x68;
	s1 =	simm.s32 @p0 $0x3400;
	s31 =	simm.s32 @p0 $0x9C00;
	[tilespmem:s29+$0x16420] =	vst v2  }
0x23c: {  	[tilespmem:s31], [sflag:$0x1] =	stream.indirect.gather @p0 [hbm4b:s3+s0], $0x40, s1, s0, $0xb8;
	[tilespmem:$0x18400] =	vst v63  }
0x23d: {  	s0 =	sadd.s32 @!p0 $0x1A0, s30;
	s1 =	simm.s32 @!p0 $0x68;
	s31 =	simm.s32 @!p0 $0x9C00  }
0x23e: {  	[tilespmem:s31], [sflag:$0x1] =	stream.indirect.gather @!p0 [hbm4b:s3+s1], $0x40, s0, s1, $0xb8;
	[tilespmem:$0x18400] =	vst v63  }
0x23f: {  	s0 =	sadd.s32 @!p0 $0x208, s30  }
0x240: {  	s0 =	simm.s32 @p0 $0x3468  }
0x241: {  	[tilespmem:s18], [sflag:$0x1] =	stream.indirect.gather [hbm4b:s3+s16], $0x40, s0, s16, $0xb8;
	[tilespmem:$0x18400] =	vst v63  }
0x242: {  	_ =	swait.ge [sflag:s23], $0x1A00  }
0x243: {  	[sflag:s23] =	ssyncset.done $0x0  }
0x244: {  	[sflag:s23] =	ssyncadd.s32 $0xFFFFE600  }
0x245: {  	_ =	swait.ge [sflag:s23], $0x1A00  }
0x246: {  	[sflag:s23] =	ssyncset.done $0x0  }
0x247: {  	s30 =	simm.s32 $0x0;
	[sflag:s23] =	ssyncadd.s32 $0xFFFFE600  }
0x248: {  	v2 =	vld [tilespmem:s30+$0xD030]  }
0x249: {  	v3 =	vld [tilespmem:s30+$0xD000]  }
0x24a: {  	v6 =	vimm.bf16 $0.0e+00;
	v4 =	vld [tilespmem:s30+$0xD010]  }
0x24b: {  	v7 =	vimm.bf16 $0.0e+00;
	v0 =	vimm.bf16 $0.0e+00;
	v8 =	vimm.bf16 $0.0e+00;
	s31 =	simm.s32 $0x100;
	v5 =	vld [tilespmem:s30+$0xD020]  }
.LBB2_67:
0x24c: {  	p0 =	sne.s32 s31, $0x6300  }
.Ltmp32:
0x24d: {  	s0 =	sshra.s32 s31, $0x2;
	s31 =	sadd.s32 $0x100, s31;
	v0 =	vadd.bf16 v2, v0;
	(pc) =	sbr.rel @p0 .LBB2_67-.Ltmp32, $4  }
0x24e: {  	v2 =	vld [tilespmem:s0+$0xD030];
	v8 =	vadd.bf16 v3, v8  }
0x24f: {  	v3 =	vld [tilespmem:s0+$0xD000];
	v6 =	vadd.bf16 v4, v6  }
0x250: {  	v4 =	vld [tilespmem:s0+$0xD010];
	v7 =	vadd.bf16 v5, v7  }
0x251: {  	v5 =	vld [tilespmem:s0+$0xD020]  }
0x252: {  	_ = 	snop  }
0x253: {  	v1 =	vld [tilespmem:s30+$0xEA30]  }
0x254: {  	v9 =	vld [tilespmem:s30+$0xEA00]  }
0x255: {  	v0 =	vadd.bf16 v2, v0;
	v2 =	vadd.bf16 v3, v8;
	v8 =	vld [tilespmem:s30+$0xEA10]  }
0x256: {  	s31 =	simm.s32 $0x100;
	v3 =	vadd.bf16 v4, v6;
	v4 =	vadd.bf16 v5, v7;
	v5 =	vld [tilespmem:s30+$0xEA20]  }
.LBB2_69:
0x257: {  	p0 =	sne.s32 s31, $0x6300  }
.Ltmp33:
0x258: {  	s0 =	sshra.s32 s31, $0x2;
	s31 =	sadd.s32 $0x100, s31;
	v0 =	vadd.bf16 v1, v0;
	(pc) =	sbr.rel @p0 .LBB2_69-.Ltmp33, $4  }
0x259: {  	v1 =	vld [tilespmem:s0+$0xEA30];
	v2 =	vadd.bf16 v9, v2  }
0x25a: {  	v9 =	vld [tilespmem:s0+$0xEA00];
	v3 =	vadd.bf16 v8, v3  }
0x25b: {  	v8 =	vld [tilespmem:s0+$0xEA10];
	v4 =	vadd.bf16 v5, v4  }
0x25c: {  	v5 =	vld [tilespmem:s0+$0xEA20]  }
0x25d: {  	s28 =	sadd.s32 $0x1, s28  }
0x25e: {  	v0 =	vadd.bf16 v1, v0;
	p0 =	sne.s32 s28, $0x20  }
.Ltmp34:
0x25f: {  	v2 =	vadd.bf16 v9, v2;
	(pc) =	sbr.rel @p0 .LBB2_62-.Ltmp34, $4  }
0x260: {  	v3 =	vadd.bf16 v8, v3;
	[tilespmem:s29+$0x16470] =	vst v0  }
0x261: {  	v4 =	vadd.bf16 v5, v4;
	[tilespmem:s29+$0x16440] =	vst v2  }
0x262: {  	[tilespmem:s29+$0x16450] =	vst v3  }
0x263: {  	[tilespmem:s29+$0x16460] =	vst v4;
	s29 =	simm.s32 $0x0  }
.LBB2_71:
0x264: {  	s0 =	smul.u32 $0x680, s29;
	_ =	sdelay $0x1  }
0x265: {  	s30 =	sshra.s32 s0, $0x2  }
0x266: {  	s0 =	sadd.s32 $0x34D0, s30  }
0x267: {  	[tilespmem:s20], [sflag:$0x2] =	stream.indirect.gather [hbm4b:s3+s16], $0x40, s0, s16, $0xb8;
	[tilespmem:$0x18400] =	vst v63  }
0x268: {  	s1 =	sadd.s32 $0x3538, s30  }
0x269: {  	[tilespmem:s21], [sflag:$0x2] =	stream.indirect.gather [hbm4b:s3+s16], $0x40, s1, s16, $0xb8;
	[tilespmem:$0x18400] =	vst v63  }
0x26a: {  	_ =	swait.ge [sflag:s22], $0x1A00  }
0x26b: {  	[sflag:s22] =	ssyncset.done $0x0  }
0x26c: {  	[sflag:s22] =	ssyncadd.s32 $0xFFFFE600  }
0x26d: {  	_ =	swait.ge [sflag:s22], $0x1A00  }
0x26e: {  	[sflag:s22] =	ssyncset.done $0x0  }
0x26f: {  	s31 =	simm.s32 $0x0;
	[sflag:s22] =	ssyncadd.s32 $0xFFFFE600  }
0x270: {  	v2 =	vld [tilespmem:s31+$0x9C30]  }
0x271: {  	v3 =	vld [tilespmem:s31+$0x9C00]  }
0x272: {  	v0 =	vimm.bf16 $0.0e+00;
	v4 =	vld [tilespmem:s31+$0x9C10]  }
0x273: {  	s28 =	simm.s32 $0x100;
	v8 =	vimm.bf16 $0.0e+00;
	v6 =	vimm.bf16 $0.0e+00;
	v7 =	vimm.bf16 $0.0e+00;
	v5 =	vld [tilespmem:s31+$0x9C20]  }
.LBB2_72:
0x274: {  	p0 =	sne.s32 s28, $0x6300  }
.Ltmp35:
0x275: {  	s0 =	sshra.s32 s28, $0x2;
	s28 =	sadd.s32 $0x100, s28;
	v0 =	vadd.bf16 v2, v0;
	(pc) =	sbr.rel @p0 .LBB2_72-.Ltmp35, $4  }
0x276: {  	v2 =	vld [tilespmem:s0+$0x9C30];
	v8 =	vadd.bf16 v3, v8  }
0x277: {  	v3 =	vld [tilespmem:s0+$0x9C00];
	v6 =	vadd.bf16 v4, v6  }
0x278: {  	v4 =	vld [tilespmem:s0+$0x9C10];
	v7 =	vadd.bf16 v5, v7  }
0x279: {  	v5 =	vld [tilespmem:s0+$0x9C20]  }
0x27a: {  	s0 =	simm.s32 $0x0  }
0x27b: {  	v1 =	vld [tilespmem:s0+$0xB630]  }
0x27c: {  	v9 =	vld [tilespmem:s0+$0xB600]  }
0x27d: {  	v0 =	vadd.bf16 v2, v0;
	v3 =	vadd.bf16 v3, v8;
	v8 =	vld [tilespmem:s0+$0xB610]  }
0x27e: {  	s28 =	simm.s32 $0x100;
	v4 =	vadd.bf16 v4, v6;
	v2 =	vadd.bf16 v5, v7;
	v5 =	vld [tilespmem:s0+$0xB620]  }
.LBB2_74:
0x27f: {  	p0 =	sne.s32 s28, $0x6300  }
.Ltmp36:
0x280: {  	s0 =	sshra.s32 s28, $0x2;
	s28 =	sadd.s32 $0x100, s28;
	v0 =	vadd.bf16 v1, v0;
	(pc) =	sbr.rel @p0 .LBB2_74-.Ltmp36, $4  }
0x281: {  	v1 =	vld [tilespmem:s0+$0xB630];
	v3 =	vadd.bf16 v9, v3  }
0x282: {  	v9 =	vld [tilespmem:s0+$0xB600];
	v4 =	vadd.bf16 v8, v4  }
0x283: {  	v8 =	vld [tilespmem:s0+$0xB610];
	v2 =	vadd.bf16 v5, v2  }
0x284: {  	v5 =	vld [tilespmem:s0+$0xB620]  }
0x285: {  	_ = 	snop  }
0x286: {  	s0 =	sshll.u32 s29, $0x7;
	v0 =	vadd.bf16 v1, v0  }
0x287: {  	s28 =	sand.u32 $0x3FFFFF80, s0;
	v3 =	vadd.bf16 v9, v3  }
0x288: {  	v4 =	vadd.bf16 v8, v4;
	[tilespmem:s28+$0x17430] =	vst v0  }
0x289: {  	v2 =	vadd.bf16 v5, v2;
	[tilespmem:s28+$0x17400] =	vst v3  }
0x28a: {  	p0 =	seq.s32 s29, $0x1F;
	[tilespmem:s28+$0x17410] =	vst v4  }
0x28b: {  	s0 =	sadd.s32 @!p0 $0x35A0, s30;
	s1 =	simm.s32 @!p0 $0x68;
	s31 =	simm.s32 @!p0 $0x9C00;
	[tilespmem:s28+$0x17420] =	vst v2  }
0x28c: {  	[tilespmem:s31], [sflag:$0x1] =	stream.indirect.gather @!p0 [hbm4b:s3+s1], $0x40, s0, s1, $0xb8;
	[tilespmem:$0x18400] =	vst v63  }
0x28d: {  	s0 =	sadd.s32 @!p0 $0x3608, s30;
	s30 =	simm.s32 @!p0 $0xB600  }
0x28e: {  	[tilespmem:s30], [sflag:$0x1] =	stream.indirect.gather @!p0 [hbm4b:s3+s1], $0x40, s0, s1, $0xb8;
	[tilespmem:$0x18400] =	vst v63  }
0x28f: {  	_ =	swait.ge [sflag:s23], $0x1A00  }
0x290: {  	[sflag:s23] =	ssyncset.done $0x0  }
0x291: {  	[sflag:s23] =	ssyncadd.s32 $0xFFFFE600  }
0x292: {  	_ =	swait.ge [sflag:s23], $0x1A00  }
0x293: {  	[sflag:s23] =	ssyncset.done $0x0  }
0x294: {  	s30 =	simm.s32 $0x0;
	[sflag:s23] =	ssyncadd.s32 $0xFFFFE600  }
0x295: {  	v2 =	vld [tilespmem:s30+$0xD030]  }
0x296: {  	v3 =	vld [tilespmem:s30+$0xD000]  }
0x297: {  	v6 =	vimm.bf16 $0.0e+00;
	v4 =	vld [tilespmem:s30+$0xD010]  }
0x298: {  	v7 =	vimm.bf16 $0.0e+00;
	v0 =	vimm.bf16 $0.0e+00;
	v8 =	vimm.bf16 $0.0e+00;
	s31 =	simm.s32 $0x100;
	v5 =	vld [tilespmem:s30+$0xD020]  }
.LBB2_76:
0x299: {  	p0 =	sne.s32 s31, $0x6300  }
.Ltmp37:
0x29a: {  	s0 =	sshra.s32 s31, $0x2;
	s31 =	sadd.s32 $0x100, s31;
	v0 =	vadd.bf16 v2, v0;
	(pc) =	sbr.rel @p0 .LBB2_76-.Ltmp37, $4  }
0x29b: {  	v2 =	vld [tilespmem:s0+$0xD030];
	v8 =	vadd.bf16 v3, v8  }
0x29c: {  	v3 =	vld [tilespmem:s0+$0xD000];
	v6 =	vadd.bf16 v4, v6  }
0x29d: {  	v4 =	vld [tilespmem:s0+$0xD010];
	v7 =	vadd.bf16 v5, v7  }
0x29e: {  	v5 =	vld [tilespmem:s0+$0xD020]  }
0x29f: {  	_ = 	snop  }
0x2a0: {  	v1 =	vld [tilespmem:s30+$0xEA30]  }
0x2a1: {  	v9 =	vld [tilespmem:s30+$0xEA00]  }
0x2a2: {  	v0 =	vadd.bf16 v2, v0;
	v2 =	vadd.bf16 v3, v8;
	v8 =	vld [tilespmem:s30+$0xEA10]  }
0x2a3: {  	s31 =	simm.s32 $0x100;
	v3 =	vadd.bf16 v4, v6;
	v4 =	vadd.bf16 v5, v7;
	v5 =	vld [tilespmem:s30+$0xEA20]  }
.LBB2_78:
0x2a4: {  	p0 =	sne.s32 s31, $0x6300  }
.Ltmp38:
0x2a5: {  	s0 =	sshra.s32 s31, $0x2;
	s31 =	sadd.s32 $0x100, s31;
	v0 =	vadd.bf16 v1, v0;
	(pc) =	sbr.rel @p0 .LBB2_78-.Ltmp38, $4  }
0x2a6: {  	v1 =	vld [tilespmem:s0+$0xEA30];
	v2 =	vadd.bf16 v9, v2  }
0x2a7: {  	v9 =	vld [tilespmem:s0+$0xEA00];
	v3 =	vadd.bf16 v8, v3  }
0x2a8: {  	v8 =	vld [tilespmem:s0+$0xEA10];
	v4 =	vadd.bf16 v5, v4  }
0x2a9: {  	v5 =	vld [tilespmem:s0+$0xEA20]  }
0x2aa: {  	s29 =	sadd.s32 $0x1, s29  }
0x2ab: {  	v0 =	vadd.bf16 v1, v0;
	p0 =	sne.s32 s29, $0x20  }
.Ltmp39:
0x2ac: {  	v2 =	vadd.bf16 v9, v2;
	(pc) =	sbr.rel @p0 .LBB2_71-.Ltmp39, $4  }
0x2ad: {  	v3 =	vadd.bf16 v8, v3;
	[tilespmem:s28+$0x17470] =	vst v0  }
0x2ae: {  	v4 =	vadd.bf16 v5, v4;
	[tilespmem:s28+$0x17440] =	vst v2  }
0x2af: {  	[tilespmem:s28+$0x17450] =	vst v3  }
0x2b0: {  	[tilespmem:s28+$0x17460] =	vst v4  }
0x2b1: {  	s26 =	sadd.s32 $0x1, s26  }
0x2b2: {  	p0 =	sne.s32 s26, s13  }
.Ltmp40:
0x2b3: {  	_ = 	snop;
	(pc) =	sbr.rel @p0 .LBB2_1-.Ltmp40, $4  }
0x2b4: {  	[hbm4b:s12+s2] =	stream.linear.scatter [tilespmem:s25], [sflag:$0x4], $0x8000, $0x38;
	[tilespmem:$0x18400] =	vst v63  }
0x2b5: {  	_ =	swait.ge [sflag:s14], $0x8000  }
0x2b6: {  	[sflag:s14] =	ssyncset.done $0x0  }
0x2b7: {  	[sflag:s14] =	ssyncadd.s32 $0xFFFF8000  }
0x2b8: {  	_ =	sfence.sel $0x180000  }
0x2b9: {  	[bflag:$0x0] =	sbarrier.arrive $0xFFFF  }
0x2ba: {  	_ =	strace $0x90000047  }
0x2bb: {  	s0 =	stileid.u32;
	[bflag:$0x2] =	sbarrier.arrive $0xFFFF  }
0x2bc: {  	p0 =	sne.s32 s0, $0x0;
	s0 =	rddreg [dreg:$0x1]  }
0x2bd: {  	s0 =	sadd.s32 @!p0 $0x100000, s0  }
0x2be: {  	[sflag:s0] =	ssyncadd.tile.s32 @!p0 $0x1;
	_ =	shalt  }
.Lfunc_end2:
_tile_overlayer_lowered:
.L_overlay_start_2:
0x2bf: {  	(tag) =	ssettag $0x2  }
0x2c0: {  	s0 =	rddreg [dreg:$0x0];
	s2 =	stileid.u32  }
0x2c1: {  	s1 =	rddreg [dreg:$0x1];
	p0 =	sne.s32 s2, $0x0  }
0x2c2: {  	s3 =	rddreg [dreg:$0x2];
	[bflag:$0x3] =	sbarrier.arrive $0xFFFF;
	s2 =	simm.s32 @!p0 $0x1C04  }
0x2c3: {  	[timem:s3], [sflag:s2] =	dma.local @!p0 [hbm:s0], s1  }
0x2c4: {  	s0 =	simm.s32 @!p0 $0x4  }
0x2c5: {  	_ =	swait.ge @!p0 [sflag:s0], s1  }
0x2c6: {  	s1 =	ssub.s32 @!p0 $0x0, s1;
	[sflag:s0] =	ssyncset.done @!p0 $0x0  }
0x2c7: {  	[sflag:s0] =	ssyncadd.s32 @!p0 s1  }
0x2c8: {  	[bflag:$0x3] =	sbarrier.arrive $0xFFFF  }
0x2c9: {  	_ =	shalt  }

</sc_bundles>
